<compile_context>
chip_gen: v7x
topology: tpu7x:2x2x1
jax: 0.10.2.dev20260603
libtpu: 0.0.44.dev20260713+nightly
codegen_flags: <defaults>
</compile_context>

<pallas_src>
import jax
import jax.numpy as jnp
from jax import lax
from jax.experimental import pallas as pl
from jax.experimental.pallas import tpu as pltpu, tpu_sc as plsc

_ROWS = (150000, 120000, 100000, 80000)
_PC = (-51.2, -51.2, -5.0)
_TOTAL = sum(_ROWS)
_NW = 32

_OFF = (0, 150000, 270000, 370000)
_PHI = tuple((-o) % 128 for o in _OFF)
_GOFF = tuple((o + p) // 128 for o, p in zip(_OFF, _PHI))
_INT0 = (0, 1172, 2110, 2891)
_INTN = (1171, 937, 780, 624)
_SPLIT = tuple(divmod(n, _NW) for n in _INTN)
_EMIT = tuple(b + 1 for b, _ in _SPLIT)
_WIN = tuple(b + (2 if p else 1) for (b, _), p in zip(_SPLIT, _PHI))
_ORDER = (3, 2, 1, 0)

_SPECIALS = (
    (28, 1171, ((0, 149888, 128, 0, True), (1, 0, 128, 128, False)),
     ((0, 0, 7), (128, 112, 1))),
    (29, 2109, ((1, 119936, 128, 0, True), (2, 0, 128, 128, False)),
     ((16, 0, 3), (128, 48, 5))),
    (30, 2890, ((2, 99840, 256, 0, True), (3, 0, 128, 256, False)),
     ((80, 0, 5), (256, 80, 3))),
    (31, 3515, ((3, 79872, 128, 0, False),),
     ((48, 0, 5),)),
)


def _body(in0, in1, in2, in3, out_xyz, out_feat,
          in_b0, in_b1, xyz_b0, xyz_b1, feat_b0, feat_b1, stg,
          sem_i0, sem_i1, sem_i2, sem_i3, sem_x0, sem_x1, sem_f0, sem_f1):
    ins = (in0, in1, in2, in3)
    in_bufs = (in_b0, in_b1)
    xyz_bufs = (xyz_b0, xyz_b1)
    feat_bufs = (feat_b0, feat_b1)
    sem_in = (sem_i0, sem_i1, sem_i2, sem_i3)
    sem_xyz = (sem_x0, sem_x1)
    sem_feat = (sem_f0, sem_f1)
    wid = lax.axis_index("s") * 2 + lax.axis_index("c")

    def emit_tile(src, src_lane0, xyz_dst, feat_dst, out_lane0, n_vregs=8):
        for c in range(3):
            vals = [src[c, pl.ds(src_lane0 + 16 * v, 16)]
                    for v in range(n_vregs)]
            for v in range(n_vregs):
                xyz_dst[c, pl.ds(out_lane0 + 16 * v, 16)] = (
                    vals[v] - jnp.float32(_PC[c]))
        for c in range(2):
            vals = [src[3 + c, pl.ds(src_lane0 + 16 * v, 16)]
                    for v in range(n_vregs)]
            for v in range(n_vregs):
                feat_dst[c, pl.ds(out_lane0 + 16 * v, 16)] = vals[v]

    t_starts = []
    for i in range(4):
        base, rem = _SPLIT[i]
        t_starts.append(
            _INT0[i] + wid * base + jnp.maximum(wid - (_NW - rem), 0))

    def fire_in(k):
        i = _ORDER[k]
        g0 = t_starts[i] - _GOFF[i]
        return pltpu.async_copy(
            ins[i].at[:, pl.ds(pl.multiple_of(g0 * 128, 128), _WIN[i] * 128)],
            in_bufs[k % 2].at[:, pl.ds(0, _WIN[i] * 128)],
            sem_in[k])

    in_descs = [fire_in(0), fire_in(1), None, None]
    out_descs = []
    for k in range(4):
        i = _ORDER[k]
        phi = _PHI[i]
        emit = _EMIT[i]
        par = k % 2
        in_descs[k].wait()
        if k >= 2:
            for d in out_descs[k - 2]:
                d.wait()

        def tile_j(t, _, _phi=phi, _iv=in_bufs[par], _xb=xyz_bufs[par],
                   _fb=feat_bufs[par]):
            t128 = t * 128
            emit_tile(_iv, _phi + t128, _xb, _fb, t128)
            return 0

        out0 = pl.multiple_of(t_starts[i] * 128, 128)
        descs = []

        def fire_out(lo, n, _par=par, _out0=out0):
            descs.append(pltpu.async_copy(
                xyz_bufs[_par].at[:, pl.ds(lo * 128, n * 128)],
                out_xyz.at[:, pl.ds(_out0 + lo * 128, n * 128)],
                sem_xyz[_par]))
            descs.append(pltpu.async_copy(
                feat_bufs[_par].at[:, pl.ds(lo * 128, n * 128)],
                out_feat.at[:, pl.ds(_out0 + lo * 128, n * 128)],
                sem_feat[_par]))

        if k == 3:
            half = emit // 2
            lax.fori_loop(0, half, tile_j, 0)
            fire_out(0, half)
            lax.fori_loop(half, emit, tile_j, 0)
            fire_out(half, emit - half)
        else:
            lax.fori_loop(0, emit, tile_j, 0)
            if k + 2 < 4:
                in_descs[k + 2] = fire_in(k + 2)
            fire_out(0, emit)
        out_descs.append(descs)

    for descs in out_descs[2:]:
        for d in descs:
            d.wait()

    for worker, tile, dmas, segs in _SPECIALS:
        @pl.when(wid == worker)
        def _special(tile=tile, dmas=dmas, segs=segs):
            for src_i, src0, n_lanes, stg0, tail in dmas:
                if tail:
                    off = pl.multiple_of(jnp.int32(src0) + 0 * wid, 128)
                else:
                    off = src0
                pltpu.sync_copy(ins[src_i].at[:, pl.ds(off, n_lanes)],
                                stg.at[:, pl.ds(stg0, n_lanes)])
            for stg0, out0, n_vregs in segs:
                emit_tile(stg, stg0, xyz_b0, feat_b0, out0, n_vregs)
            if (tile + 1) * 128 > _TOTAL:
                t_off = pl.multiple_of(jnp.int32(tile * 128) + 0 * wid, 128)
            else:
                t_off = tile * 128
            pltpu.sync_copy(xyz_b0.at[:, pl.ds(0, 128)],
                            out_xyz.at[:, pl.ds(t_off, 128)])
            pltpu.sync_copy(feat_b0.at[:, pl.ds(0, 128)],
                            out_feat.at[:, pl.ds(t_off, 128)])


@jax.jit
def _downsample(t0, t1, t2, t3):
    return pl.kernel(
        _body,
        out_type=(
            jax.ShapeDtypeStruct((3, _TOTAL), jnp.float32),
            jax.ShapeDtypeStruct((2, _TOTAL), jnp.float32),
        ),
        mesh=plsc.VectorSubcoreMesh(core_axis_name="c", subcore_axis_name="s"),
        scratch_types=[
            pltpu.VMEM((5, max(_WIN[_ORDER[0]], _WIN[_ORDER[2]]) * 128),
                       jnp.float32),
            pltpu.VMEM((5, max(_WIN[_ORDER[1]], _WIN[_ORDER[3]]) * 128),
                       jnp.float32),
            pltpu.VMEM((3, max(_EMIT[_ORDER[0]], _EMIT[_ORDER[2]]) * 128),
                       jnp.float32),
            pltpu.VMEM((3, max(_EMIT[_ORDER[1]], _EMIT[_ORDER[3]]) * 128),
                       jnp.float32),
            pltpu.VMEM((2, max(_EMIT[_ORDER[0]], _EMIT[_ORDER[2]]) * 128),
                       jnp.float32),
            pltpu.VMEM((2, max(_EMIT[_ORDER[1]], _EMIT[_ORDER[3]]) * 128),
                       jnp.float32),
            pltpu.VMEM((5, 384), jnp.float32),
            pltpu.SemaphoreType.DMA,
            pltpu.SemaphoreType.DMA,
            pltpu.SemaphoreType.DMA,
            pltpu.SemaphoreType.DMA,
            pltpu.SemaphoreType.DMA,
            pltpu.SemaphoreType.DMA,
            pltpu.SemaphoreType.DMA,
            pltpu.SemaphoreType.DMA,
        ],
        compiler_params=pltpu.CompilerParams(needs_layout_passes=False),
    )(t0, t1, t2, t3)


def kernel(points_0, points_1, points_2, points_3):
    xyz_t, feat_t = _downsample(points_0.T, points_1.T, points_2.T, points_3.T)
    out_xyz = xyz_t.T
    out_feat = feat_t.T
    out_cnt = jnp.array(_ROWS, dtype=jnp.int32)
    return (out_xyz, out_feat, out_cnt)

# --- scband reference (transcript-rebuilt; emitter-appended) ---
"""Pipeline reference for scband-voxel-downsample-36026185679083 (READ-ONLY COPY).

The authoritative reference and input builder live on the scoring server;
editing this copy changes nothing except your own understanding.
"""

import jax, jax.numpy as jnp
import numpy as np

PC_RANGE = jnp.array([-51.2, -51.2, -5.0], dtype=jnp.float32)
LENGTHS = [150000, 120000, 100000, 80000]
POINT_DIM = 5


def setup_inputs(seed: int = 0) -> dict:
    key = jax.random.key(seed)
    inp = {}
    for i, n in enumerate(LENGTHS):
        k = jax.random.fold_in(key, i)
        inp[f"points_{i}"] = jax.random.normal(k, (n, POINT_DIM), dtype=jnp.float32) * 20.0
    return inp


def reference(points_0, points_1, points_2, points_3):
    points_list = [points_0, points_1, points_2, points_3]
    xyz = []
    pt_features = []
    xyz_batch_cnt = []
    for points in points_list:
        # absl_to_relative: detach/clone then subtract pc_range offsets on xyz
        points = jax.lax.stop_gradient(points)
        rel_xyz = points[:, :3] - PC_RANGE
        xyz_batch_cnt.append(points.shape[0])
        xyz.append(rel_xyz)
        pt_features.append(points[:, 3:])
    out_xyz = jnp.concatenate(xyz, axis=0)
    out_feat = jnp.concatenate(pt_features, axis=0)
    out_cnt = jnp.array(xyz_batch_cnt, dtype=jnp.int32)
    return (out_xyz, out_feat, out_cnt)

if __name__ == "__main__":
    import jax
    _d = setup_inputs()
    print(jax.jit(kernel)(*tuple(_d.values())))

</pallas_src>

<mosaic_0001>
#map = affine_map<(d0, d1) -> (0, 0)>
module attributes {stable_mosaic.version = 14 : i64} {
  func.func @_body(%arg0: i32, %arg1: i32, %arg2: memref<5x150000xf32, #tpu.memory_space<hbm>>, %arg3: memref<5x120000xf32, #tpu.memory_space<hbm>>, %arg4: memref<5x100000xf32, #tpu.memory_space<hbm>>, %arg5: memref<5x80000xf32, #tpu.memory_space<hbm>>, %arg6: memref<3x450000xf32, #tpu.memory_space<hbm>>, %arg7: memref<2x450000xf32, #tpu.memory_space<hbm>>, %arg8: memref<5x3968xf32, #tpu.memory_space<vmem>>, %arg9: memref<5x4736xf32, #tpu.memory_space<vmem>>, %arg10: memref<3x3840xf32, #tpu.memory_space<vmem>>, %arg11: memref<3x4736xf32, #tpu.memory_space<vmem>>, %arg12: memref<2x3840xf32, #tpu.memory_space<vmem>>, %arg13: memref<2x4736xf32, #tpu.memory_space<vmem>>, %arg14: memref<5x384xf32, #tpu.memory_space<vmem>>, %arg15: memref<!tpu.dma_semaphore, #tpu.memory_space<semaphore_mem>>, %arg16: memref<!tpu.dma_semaphore, #tpu.memory_space<semaphore_mem>>, %arg17: memref<!tpu.dma_semaphore, #tpu.memory_space<semaphore_mem>>, %arg18: memref<!tpu.dma_semaphore, #tpu.memory_space<semaphore_mem>>, %arg19: memref<!tpu.dma_semaphore, #tpu.memory_space<semaphore_mem>>, %arg20: memref<!tpu.dma_semaphore, #tpu.memory_space<semaphore_mem>>, %arg21: memref<!tpu.dma_semaphore, #tpu.memory_space<semaphore_mem>>, %arg22: memref<!tpu.dma_semaphore, #tpu.memory_space<semaphore_mem>>) attributes {dimension_semantics = [#tpu.dimension_semantics<core_parallel>, #tpu.dimension_semantics<subcore_parallel>], iteration_bounds = array<i64: 2, 16>, scalar_prefetch = 0 : i64, scratch_operands = 15 : i64, tpu.core_type = #tpu.core_type<sc_vector_subcore>, window_params = [{transform_indices = #map}, {transform_indices = #map}, {transform_indices = #map}, {transform_indices = #map}, {transform_indices = #map}, {transform_indices = #map}]} {
    %mul3A = arith.constant 2 : i32
    %mul3A_0 = arith.muli %arg1, %mul3A : i32
    %add3A = arith.addi %mul3A_0, %arg0 : i32
    %mul3A_1 = arith.constant 36 : i32
    %mul3A_2 = arith.muli %add3A, %mul3A_1 : i32
    %add3A_3 = arith.constant 0 : i32
    %add3A_4 = arith.addi %add3A_3, %mul3A_2 : i32
    %sub3A = arith.constant 13 : i32
    %sub3A_5 = arith.subi %add3A, %sub3A : i32
    %max3A = arith.constant 0 : i32
    %max3A_6 = arith.maxsi %sub3A_5, %max3A : i32
    %add3A_7 = arith.addi %add3A_4, %max3A_6 : i32
    %mul3A_8 = arith.constant 29 : i32
    %mul3A_9 = arith.muli %add3A, %mul3A_8 : i32
    %add3A_10 = arith.constant 1172 : i32
    %add3A_11 = arith.addi %add3A_10, %mul3A_9 : i32
    %sub3A_12 = arith.constant 23 : i32
    %sub3A_13 = arith.subi %add3A, %sub3A_12 : i32
    %max3A_14 = arith.constant 0 : i32
    %max3A_15 = arith.maxsi %sub3A_13, %max3A_14 : i32
    %add3A_16 = arith.addi %add3A_11, %max3A_15 : i32
    %mul3A_17 = arith.constant 24 : i32
    %mul3A_18 = arith.muli %add3A, %mul3A_17 : i32
    %add3A_19 = arith.constant 2110 : i32
    %add3A_20 = arith.addi %add3A_19, %mul3A_18 : i32
    %sub3A_21 = arith.constant 20 : i32
    %sub3A_22 = arith.subi %add3A, %sub3A_21 : i32
    %max3A_23 = arith.constant 0 : i32
    %max3A_24 = arith.maxsi %sub3A_22, %max3A_23 : i32
    %add3A_25 = arith.addi %add3A_20, %max3A_24 : i32
    %mul3A_26 = arith.constant 19 : i32
    %mul3A_27 = arith.muli %add3A, %mul3A_26 : i32
    %add3A_28 = arith.constant 2891 : i32
    %add3A_29 = arith.addi %add3A_28, %mul3A_27 : i32
    %sub3A_30 = arith.constant 16 : i32
    %sub3A_31 = arith.subi %add3A, %sub3A_30 : i32
    %max3A_32 = arith.constant 0 : i32
    %max3A_33 = arith.maxsi %sub3A_31, %max3A_32 : i32
    %add3A_34 = arith.addi %add3A_29, %max3A_33 : i32
    %sub3A_35 = arith.constant 2891 : i32
    %sub3A_36 = arith.subi %add3A_34, %sub3A_35 : i32
    %mul3A_37 = arith.constant 128 : i32
    %mul3A_38 = arith.muli %sub3A_36, %mul3A_37 : i32
    %multiple_of3A = tpu.assume_multiple %mul3A_38, 128 : i32
    %dma_start3A = arith.constant 0 : i32
    %dma_start3A_39 = arith.constant 0 : i32
    %dma_start3A_40 = tpu.memref_slice %arg8[%dma_start3A, %dma_start3A_39] : memref<5x3968xf32, #tpu.memory_space<vmem>> -> memref<5x2688xf32, #tpu.memory_space<vmem>>
    %dma_start3A_41 = arith.constant 0 : i32
    %dma_start3A_42 = tpu.memref_slice %arg5[%dma_start3A_41, %multiple_of3A] : memref<5x80000xf32, #tpu.memory_space<hbm>> -> memref<5x2688xf32, #tpu.memory_space<hbm>>
    %dma_start3A_43 = arith.constant 0 : i32
    %dma_start3A_44 = arith.constant 0 : i32
    %dma_start3A_45 = tpu.memref_slice %arg8[%dma_start3A_43, %dma_start3A_44] : memref<5x3968xf32, #tpu.memory_space<vmem>> -> memref<5x2688xf32, #tpu.memory_space<vmem>>
    %dma_start3A_46 = arith.constant 0 : i32
    %dma_start3A_47 = tpu.memref_slice %arg5[%dma_start3A_46, %multiple_of3A] : memref<5x80000xf32, #tpu.memory_space<hbm>> -> memref<5x2688xf32, #tpu.memory_space<hbm>>
    tpu.enqueue_dma source(%dma_start3A_47 : memref<5x2688xf32, #tpu.memory_space<hbm>>) target(%dma_start3A_45 : memref<5x2688xf32, #tpu.memory_space<vmem>>) target_semaphore(%arg15 : memref<!tpu.dma_semaphore, #tpu.memory_space<semaphore_mem>>)
    %sub3A_48 = arith.constant 2110 : i32
    %sub3A_49 = arith.subi %add3A_25, %sub3A_48 : i32
    %mul3A_50 = arith.constant 128 : i32
    %mul3A_51 = arith.muli %sub3A_49, %mul3A_50 : i32
    %multiple_of3A_52 = tpu.assume_multiple %mul3A_51, 128 : i32
    %dma_start3A_53 = arith.constant 0 : i32
    %dma_start3A_54 = arith.constant 0 : i32
    %dma_start3A_55 = tpu.memref_slice %arg9[%dma_start3A_53, %dma_start3A_54] : memref<5x4736xf32, #tpu.memory_space<vmem>> -> memref<5x3328xf32, #tpu.memory_space<vmem>>
    %dma_start3A_56 = arith.constant 0 : i32
    %dma_start3A_57 = tpu.memref_slice %arg4[%dma_start3A_56, %multiple_of3A_52] : memref<5x100000xf32, #tpu.memory_space<hbm>> -> memref<5x3328xf32, #tpu.memory_space<hbm>>
    %dma_start3A_58 = arith.constant 0 : i32
    %dma_start3A_59 = arith.constant 0 : i32
    %dma_start3A_60 = tpu.memref_slice %arg9[%dma_start3A_58, %dma_start3A_59] : memref<5x4736xf32, #tpu.memory_space<vmem>> -> memref<5x3328xf32, #tpu.memory_space<vmem>>
    %dma_start3A_61 = arith.constant 0 : i32
    %dma_start3A_62 = tpu.memref_slice %arg4[%dma_start3A_61, %multiple_of3A_52] : memref<5x100000xf32, #tpu.memory_space<hbm>> -> memref<5x3328xf32, #tpu.memory_space<hbm>>
    tpu.enqueue_dma source(%dma_start3A_62 : memref<5x3328xf32, #tpu.memory_space<hbm>>) target(%dma_start3A_60 : memref<5x3328xf32, #tpu.memory_space<vmem>>) target_semaphore(%arg16 : memref<!tpu.dma_semaphore, #tpu.memory_space<semaphore_mem>>)
    %dma_wait3A = arith.constant 0 : i32
    %dma_wait3A_63 = arith.constant 0 : i32
    %dma_wait3A_64 = tpu.memref_slice %arg8[%dma_wait3A, %dma_wait3A_63] : memref<5x3968xf32, #tpu.memory_space<vmem>> -> memref<5x2688xf32, #tpu.memory_space<vmem>>
    %dma_wait3A_65 = arith.constant 0 : i32
    %dma_wait3A_66 = tpu.memref_slice %arg5[%dma_wait3A_65, %multiple_of3A] : memref<5x80000xf32, #tpu.memory_space<hbm>> -> memref<5x2688xf32, #tpu.memory_space<hbm>>
    %dma_wait3A_67 = arith.constant 0 : i32
    %dma_wait3A_68 = arith.constant 0 : i32
    %dma_wait3A_69 = tpu.memref_slice %arg8[%dma_wait3A_67, %dma_wait3A_68] : memref<5x3968xf32, #tpu.memory_space<vmem>> -> memref<5x2688xf32, #tpu.memory_space<vmem>>
    %dma_wait3A_70 = arith.constant 0 : i32
    %dma_wait3A_71 = tpu.memref_slice %arg5[%dma_wait3A_70, %multiple_of3A] : memref<5x80000xf32, #tpu.memory_space<hbm>> -> memref<5x2688xf32, #tpu.memory_space<hbm>>
    tpu.wait_dma2 semaphore(%arg15 : memref<!tpu.dma_semaphore, #tpu.memory_space<semaphore_mem>>) src(%dma_wait3A_71 : memref<5x2688xf32, #tpu.memory_space<hbm>>) dst(%dma_wait3A_69 : memref<5x2688xf32, #tpu.memory_space<vmem>>)
    %mul3A_72 = arith.constant 128 : i32
    %mul3A_73 = arith.muli %add3A_34, %mul3A_72 : i32
    %multiple_of3A_74 = tpu.assume_multiple %mul3A_73, 128 : i32
    %scan3A = arith.constant 0 : i32
    %scan3A_75 = arith.constant 0 : i32
    %scan3A_76 = arith.constant 20 : i32
    %scan3A_77 = arith.addi %scan3A_75, %scan3A_76 : i32
    %scan3A_78 = arith.constant 1 : i32
    %scan3A_79 = scf.for %scan3A_415 = %scan3A_75 to %scan3A_77 step %scan3A_78 iter_args(%scan3A_416 = %scan3A) -> (i32)  : i32 {
      %mul3A_417 = arith.constant 128 : i32
      %mul3A_418 = arith.muli %scan3A_415, %mul3A_417 : i32
      %add3A_419 = arith.constant 48 : i32
      %add3A_420 = arith.addi %add3A_419, %mul3A_418 : i32
      %add3A_421 = arith.constant 0 : i32
      %add3A_422 = arith.addi %add3A_420, %add3A_421 : i32
      %get3A = arith.constant 0 : i32
      %get3A_423 = arith.index_cast %get3A : i32 to index
      %get3A_424 = arith.index_cast %add3A_422 : i32 to index
      %get3A_425 = tpu.vector_load %arg8[%get3A_423, %get3A_424] {strides = array<i32>} : memref<5x3968xf32, #tpu.memory_space<vmem>>, vector<16xf32>,
      %add3A_426 = arith.constant 16 : i32
      %add3A_427 = arith.addi %add3A_420, %add3A_426 : i32
      %get3A_428 = arith.constant 0 : i32
      %get3A_429 = arith.index_cast %get3A_428 : i32 to index
      %get3A_430 = arith.index_cast %add3A_427 : i32 to index
      %get3A_431 = tpu.vector_load %arg8[%get3A_429, %get3A_430] {strides = array<i32>} : memref<5x3968xf32, #tpu.memory_space<vmem>>, vector<16xf32>,
      %add3A_432 = arith.constant 32 : i32
      %add3A_433 = arith.addi %add3A_420, %add3A_432 : i32
      %get3A_434 = arith.constant 0 : i32
      %get3A_435 = arith.index_cast %get3A_434 : i32 to index
      %get3A_436 = arith.index_cast %add3A_433 : i32 to index
      %get3A_437 = tpu.vector_load %arg8[%get3A_435, %get3A_436] {strides = array<i32>} : memref<5x3968xf32, #tpu.memory_space<vmem>>, vector<16xf32>,
      %add3A_438 = arith.constant 48 : i32
      %add3A_439 = arith.addi %add3A_420, %add3A_438 : i32
      %get3A_440 = arith.constant 0 : i32
      %get3A_441 = arith.index_cast %get3A_440 : i32 to index
      %get3A_442 = arith.index_cast %add3A_439 : i32 to index
      %get3A_443 = tpu.vector_load %arg8[%get3A_441, %get3A_442] {strides = array<i32>} : memref<5x3968xf32, #tpu.memory_space<vmem>>, vector<16xf32>,
      %add3A_444 = arith.constant 64 : i32
      %add3A_445 = arith.addi %add3A_420, %add3A_444 : i32
      %get3A_446 = arith.constant 0 : i32
      %get3A_447 = arith.index_cast %get3A_446 : i32 to index
      %get3A_448 = arith.index_cast %add3A_445 : i32 to index
      %get3A_449 = tpu.vector_load %arg8[%get3A_447, %get3A_448] {strides = array<i32>} : memref<5x3968xf32, #tpu.memory_space<vmem>>, vector<16xf32>,
      %add3A_450 = arith.constant 80 : i32
      %add3A_451 = arith.addi %add3A_420, %add3A_450 : i32
      %get3A_452 = arith.constant 0 : i32
      %get3A_453 = arith.index_cast %get3A_452 : i32 to index
      %get3A_454 = arith.index_cast %add3A_451 : i32 to index
      %get3A_455 = tpu.vector_load %arg8[%get3A_453, %get3A_454] {strides = array<i32>} : memref<5x3968xf32, #tpu.memory_space<vmem>>, vector<16xf32>,
      %add3A_456 = arith.constant 96 : i32
      %add3A_457 = arith.addi %add3A_420, %add3A_456 : i32
      %get3A_458 = arith.constant 0 : i32
      %get3A_459 = arith.index_cast %get3A_458 : i32 to index
      %get3A_460 = arith.index_cast %add3A_457 : i32 to index
      %get3A_461 = tpu.vector_load %arg8[%get3A_459, %get3A_460] {strides = array<i32>} : memref<5x3968xf32, #tpu.memory_space<vmem>>, vector<16xf32>,
      %add3A_462 = arith.constant 112 : i32
      %add3A_463 = arith.addi %add3A_420, %add3A_462 : i32
      %get3A_464 = arith.constant 0 : i32
      %get3A_465 = arith.index_cast %get3A_464 : i32 to index
      %get3A_466 = arith.index_cast %add3A_463 : i32 to index
      %get3A_467 = tpu.vector_load %arg8[%get3A_465, %get3A_466] {strides = array<i32>} : memref<5x3968xf32, #tpu.memory_space<vmem>>, vector<16xf32>,
      %sub3A_468 = arith.constant -5.120000e+01 : f32
      %sub3A_469 = vector.broadcast %sub3A_468 : f32 to vector<16xf32>
      %sub3A_470 = arith.subf %get3A_425, %sub3A_469 : vector<16xf32>
      %add3A_471 = arith.constant 0 : i32
      %add3A_472 = arith.addi %mul3A_418, %add3A_471 : i32
      %swap3A = arith.constant 0 : i32
      %swap3A_473 = arith.index_cast %swap3A : i32 to index
      %swap3A_474 = arith.index_cast %add3A_472 : i32 to index
      %swap3A_475 = tpu.vector_load %arg10[%swap3A_473, %swap3A_474] {strides = array<i32>} : memref<3x3840xf32, #tpu.memory_space<vmem>>, vector<16xf32>,
      tpu.vector_store %arg10[%swap3A_473, %swap3A_474], %sub3A_470 {strides = array<i32>} : memref<3x3840xf32, #tpu.memory_space<vmem>>, vector<16xf32>,
      %sub3A_476 = arith.constant -5.120000e+01 : f32
      %sub3A_477 = vector.broadcast %sub3A_476 : f32 to vector<16xf32>
      %sub3A_478 = arith.subf %get3A_431, %sub3A_477 : vector<16xf32>
      %add3A_479 = arith.constant 16 : i32
      %add3A_480 = arith.addi %mul3A_418, %add3A_479 : i32
      %swap3A_481 = arith.constant 0 : i32
      %swap3A_482 = arith.index_cast %swap3A_481 : i32 to index
      %swap3A_483 = arith.index_cast %add3A_480 : i32 to index
      %swap3A_484 = tpu.vector_load %arg10[%swap3A_482, %swap3A_483] {strides = array<i32>} : memref<3x3840xf32, #tpu.memory_space<vmem>>, vector<16xf32>,
      tpu.vector_store %arg10[%swap3A_482, %swap3A_483], %sub3A_478 {strides = array<i32>} : memref<3x3840xf32, #tpu.memory_space<vmem>>, vector<16xf32>,
      %sub3A_485 = arith.constant -5.120000e+01 : f32
      %sub3A_486 = vector.broadcast %sub3A_485 : f32 to vector<16xf32>
      %sub3A_487 = arith.subf %get3A_437, %sub3A_486 : vector<16xf32>
      %add3A_488 = arith.constant 32 : i32
      %add3A_489 = arith.addi %mul3A_418, %add3A_488 : i32
      %swap3A_490 = arith.constant 0 : i32
      %swap3A_491 = arith.index_cast %swap3A_490 : i32 to index
      %swap3A_492 = arith.index_cast %add3A_489 : i32 to index
      %swap3A_493 = tpu.vector_load %arg10[%swap3A_491, %swap3A_492] {strides = array<i32>} : memref<3x3840xf32, #tpu.memory_space<vmem>>, vector<16xf32>,
      tpu.vector_store %arg10[%swap3A_491, %swap3A_492], %sub3A_487 {strides = array<i32>} : memref<3x3840xf32, #tpu.memory_space<vmem>>, vector<16xf32>,
      %sub3A_494 = arith.constant -5.120000e+01 : f32
      %sub3A_495 = vector.broadcast %sub3A_494 : f32 to vector<16xf32>
      %sub3A_496 = arith.subf %get3A_443, %sub3A_495 : vector<16xf32>
      %add3A_497 = arith.constant 48 : i32
      %add3A_498 = arith.addi %mul3A_418, %add3A_497 : i32
      %swap3A_499 = arith.constant 0 : i32
      %swap3A_500 = arith.index_cast %swap3A_499 : i32 to index
      %swap3A_501 = arith.index_cast %add3A_498 : i32 to index
      %swap3A_502 = tpu.vector_load %arg10[%swap3A_500, %swap3A_501] {strides = array<i32>} : memref<3x3840xf32, #tpu.memory_space<vmem>>, vector<16xf32>,
      tpu.vector_store %arg10[%swap3A_500, %swap3A_501], %sub3A_496 {strides = array<i32>} : memref<3x3840xf32, #tpu.memory_space<vmem>>, vector<16xf32>,
      %sub3A_503 = arith.constant -5.120000e+01 : f32
      %sub3A_504 = vector.broadcast %sub3A_503 : f32 to vector<16xf32>
      %sub3A_505 = arith.subf %get3A_449, %sub3A_504 : vector<16xf32>
      %add3A_506 = arith.constant 64 : i32
      %add3A_507 = arith.addi %mul3A_418, %add3A_506 : i32
      %swap3A_508 = arith.constant 0 : i32
      %swap3A_509 = arith.index_cast %swap3A_508 : i32 to index
      %swap3A_510 = arith.index_cast %add3A_507 : i32 to index
      %swap3A_511 = tpu.vector_load %arg10[%swap3A_509, %swap3A_510] {strides = array<i32>} : memref<3x3840xf32, #tpu.memory_space<vmem>>, vector<16xf32>,
      tpu.vector_store %arg10[%swap3A_509, %swap3A_510], %sub3A_505 {strides = array<i32>} : memref<3x3840xf32, #tpu.memory_space<vmem>>, vector<16xf32>,
      %sub3A_512 = arith.constant -5.120000e+01 : f32
      %sub3A_513 = vector.broadcast %sub3A_512 : f32 to vector<16xf32>
      %sub3A_514 = arith.subf %get3A_455, %sub3A_513 : vector<16xf32>
      %add3A_515 = arith.constant 80 : i32
      %add3A_516 = arith.addi %mul3A_418, %add3A_515 : i32
      %swap3A_517 = arith.constant 0 : i32
      %swap3A_518 = arith.index_cast %swap3A_517 : i32 to index
      %swap3A_519 = arith.index_cast %add3A_516 : i32 to index
      %swap3A_520 = tpu.vector_load %arg10[%swap3A_518, %swap3A_519] {strides = array<i32>} : memref<3x3840xf32, #tpu.memory_space<vmem>>, vector<16xf32>,
      tpu.vector_store %arg10[%swap3A_518, %swap3A_519], %sub3A_514 {strides = array<i32>} : memref<3x3840xf32, #tpu.memory_space<vmem>>, vector<16xf32>,
      %sub3A_521 = arith.constant -5.120000e+01 : f32
      %sub3A_522 = vector.broadcast %sub3A_521 : f32 to vector<16xf32>
      %sub3A_523 = arith.subf %get3A_461, %sub3A_522 : vector<16xf32>
      %add3A_524 = arith.constant 96 : i32
      %add3A_525 = arith.addi %mul3A_418, %add3A_524 : i32
      %swap3A_526 = arith.constant 0 : i32
      %swap3A_527 = arith.index_cast %swap3A_526 : i32 to index
      %swap3A_528 = arith.index_cast %add3A_525 : i32 to index
      %swap3A_529 = tpu.vector_load %arg10[%swap3A_527, %swap3A_528] {strides = array<i32>} : memref<3x3840xf32, #tpu.memory_space<vmem>>, vector<16xf32>,
      tpu.vector_store %arg10[%swap3A_527, %swap3A_528], %sub3A_523 {strides = array<i32>} : memref<3x3840xf32, #tpu.memory_space<vmem>>, vector<16xf32>,
      %sub3A_530 = arith.constant -5.120000e+01 : f32
      %sub3A_531 = vector.broadcast %sub3A_530 : f32 to vector<16xf32>
      %sub3A_532 = arith.subf %get3A_467, %sub3A_531 : vector<16xf32>
      %add3A_533 = arith.constant 112 : i32
      %add3A_534 = arith.addi %mul3A_418, %add3A_533 : i32
      %swap3A_535 = arith.constant 0 : i32
      %swap3A_536 = arith.index_cast %swap3A_535 : i32 to index
      %swap3A_537 = arith.index_cast %add3A_534 : i32 to index
      %swap3A_538 = tpu.vector_load %arg10[%swap3A_536, %swap3A_537] {strides = array<i32>} : memref<3x3840xf32, #tpu.memory_space<vmem>>, vector<16xf32>,
      tpu.vector_store %arg10[%swap3A_536, %swap3A_537], %sub3A_532 {strides = array<i32>} : memref<3x3840xf32, #tpu.memory_space<vmem>>, vector<16xf32>,
      %add3A_539 = arith.constant 0 : i32
      %add3A_540 = arith.addi %add3A_420, %add3A_539 : i32
      %get3A_541 = arith.constant 1 : i32
      %get3A_542 = arith.index_cast %get3A_541 : i32 to index
      %get3A_543 = arith.index_cast %add3A_540 : i32 to index
      %get3A_544 = tpu.vector_load %arg8[%get3A_542, %get3A_543] {strides = array<i32>} : memref<5x3968xf32, #tpu.memory_space<vmem>>, vector<16xf32>,
      %add3A_545 = arith.constant 16 : i32
      %add3A_546 = arith.addi %add3A_420, %add3A_545 : i32
      %get3A_547 = arith.constant 1 : i32
      %get3A_548 = arith.index_cast %get3A_547 : i32 to index
      %get3A_549 = arith.index_cast %add3A_546 : i32 to index
      %get3A_550 = tpu.vector_load %arg8[%get3A_548, %get3A_549] {strides = array<i32>} : memref<5x3968xf32, #tpu.memory_space<vmem>>, vector<16xf32>,
      %add3A_551 = arith.constant 32 : i32
      %add3A_552 = arith.addi %add3A_420, %add3A_551 : i32
      %get3A_553 = arith.constant 1 : i32
      %get3A_554 = arith.index_cast %get3A_553 : i32 to index
      %get3A_555 = arith.index_cast %add3A_552 : i32 to index
      %get3A_556 = tpu.vector_load %arg8[%get3A_554, %get3A_555] {strides = array<i32>} : memref<5x3968xf32, #tpu.memory_space<vmem>>, vector<16xf32>,
      %add3A_557 = arith.constant 48 : i32
      %add3A_558 = arith.addi %add3A_420, %add3A_557 : i32
      %get3A_559 = arith.constant 1 : i32
      %get3A_560 = arith.index_cast %get3A_559 : i32 to index
      %get3A_561 = arith.index_cast %add3A_558 : i32 to index
      %get3A_562 = tpu.vector_load %arg8[%get3A_560, %get3A_561] {strides = array<i32>} : memref<5x3968xf32, #tpu.memory_space<vmem>>, vector<16xf32>,
      %add3A_563 = arith.constant 64 : i32
      %add3A_564 = arith.addi %add3A_420, %add3A_563 : i32
      %get3A_565 = arith.constant 1 : i32
      %get3A_566 = arith.index_cast %get3A_565 : i32 to index
      %get3A_567 = arith.index_cast %add3A_564 : i32 to index
      %get3A_568 = tpu.vector_load %arg8[%get3A_566, %get3A_567] {strides = array<i32>} : memref<5x3968xf32, #tpu.memory_space<vmem>>, vector<16xf32>,
      %add3A_569 = arith.constant 80 : i32
      %add3A_570 = arith.addi %add3A_420, %add3A_569 : i32
      %get3A_571 = arith.constant 1 : i32
      %get3A_572 = arith.index_cast %get3A_571 : i32 to index
      %get3A_573 = arith.index_cast %add3A_570 : i32 to index
      %get3A_574 = tpu.vector_load %arg8[%get3A_572, %get3A_573] {strides = array<i32>} : memref<5x3968xf32, #tpu.memory_space<vmem>>, vector<16xf32>,
      %add3A_575 = arith.constant 96 : i32
      %add3A_576 = arith.addi %add3A_420, %add3A_575 : i32
      %get3A_577 = arith.constant 1 : i32
      %get3A_578 = arith.index_cast %get3A_577 : i32 to index
      %get3A_579 = arith.index_cast %add3A_576 : i32 to index
      %get3A_580 = tpu.vector_load %arg8[%get3A_578, %get3A_579] {strides = array<i32>} : memref<5x3968xf32, #tpu.memory_space<vmem>>, vector<16xf32>,
      %add3A_581 = arith.constant 112 : i32
      %add3A_582 = arith.addi %add3A_420, %add3A_581 : i32
      %get3A_583 = arith.constant 1 : i32
      %get3A_584 = arith.index_cast %get3A_583 : i32 to index
      %get3A_585 = arith.index_cast %add3A_582 : i32 to index
      %get3A_586 = tpu.vector_load %arg8[%get3A_584, %get3A_585] {strides = array<i32>} : memref<5x3968xf32, #tpu.memory_space<vmem>>, vector<16xf32>,
      %sub3A_587 = arith.constant -5.120000e+01 : f32
      %sub3A_588 = vector.broadcast %sub3A_587 : f32 to vector<16xf32>
      %sub3A_589 = arith.subf %get3A_544, %sub3A_588 : vector<16xf32>
      %add3A_590 = arith.constant 0 : i32
      %add3A_591 = arith.addi %mul3A_418, %add3A_590 : i32
      %swap3A_592 = arith.constant 1 : i32
      %swap3A_593 = arith.index_cast %swap3A_592 : i32 to index
      %swap3A_594 = arith.index_cast %add3A_591 : i32 to index
      %swap3A_595 = tpu.vector_load %arg10[%swap3A_593, %swap3A_594] {strides = array<i32>} : memref<3x3840xf32, #tpu.memory_space<vmem>>, vector<16xf32>,
      tpu.vector_store %arg10[%swap3A_593, %swap3A_594], %sub3A_589 {strides = array<i32>} : memref<3x3840xf32, #tpu.memory_space<vmem>>, vector<16xf32>,
      %sub3A_596 = arith.constant -5.120000e+01 : f32
      %sub3A_597 = vector.broadcast %sub3A_596 : f32 to vector<16xf32>
      %sub3A_598 = arith.subf %get3A_550, %sub3A_597 : vector<16xf32>
      %add3A_599 = arith.constant 16 : i32
      %add3A_600 = arith.addi %mul3A_418, %add3A_599 : i32
      %swap3A_601 = arith.constant 1 : i32
      %swap3A_602 = arith.index_cast %swap3A_601 : i32 to index
      %swap3A_603 = arith.index_cast %add3A_600 : i32 to index
      %swap3A_604 = tpu.vector_load %arg10[%swap3A_602, %swap3A_603] {strides = array<i32>} : memref<3x3840xf32, #tpu.memory_space<vmem>>, vector<16xf32>,
      tpu.vector_store %arg10[%swap3A_602, %swap3A_603], %sub3A_598 {strides = array<i32>} : memref<3x3840xf32, #tpu.memory_space<vmem>>, vector<16xf32>,
      %sub3A_605 = arith.constant -5.120000e+01 : f32
      %sub3A_606 = vector.broadcast %sub3A_605 : f32 to vector<16xf32>
      %sub3A_607 = arith.subf %get3A_556, %sub3A_606 : vector<16xf32>
      %add3A_608 = arith.constant 32 : i32
      %add3A_609 = arith.addi %mul3A_418, %add3A_608 : i32
      %swap3A_610 = arith.constant 1 : i32
      %swap3A_611 = arith.index_cast %swap3A_610 : i32 to index
      %swap3A_612 = arith.index_cast %add3A_609 : i32 to index
      %swap3A_613 = tpu.vector_load %arg10[%swap3A_611, %swap3A_612] {strides = array<i32>} : memref<3x3840xf32, #tpu.memory_space<vmem>>, vector<16xf32>,
      tpu.vector_store %arg10[%swap3A_611, %swap3A_612], %sub3A_607 {strides = array<i32>} : memref<3x3840xf32, #tpu.memory_space<vmem>>, vector<16xf32>,
      %sub3A_614 = arith.constant -5.120000e+01 : f32
      %sub3A_615 = vector.broadcast %sub3A_614 : f32 to vector<16xf32>
      %sub3A_616 = arith.subf %get3A_562, %sub3A_615 : vector<16xf32>
      %add3A_617 = arith.constant 48 : i32
      %add3A_618 = arith.addi %mul3A_418, %add3A_617 : i32
      %swap3A_619 = arith.constant 1 : i32
      %swap3A_620 = arith.index_cast %swap3A_619 : i32 to index
      %swap3A_621 = arith.index_cast %add3A_618 : i32 to index
      %swap3A_622 = tpu.vector_load %arg10[%swap3A_620, %swap3A_621] {strides = array<i32>} : memref<3x3840xf32, #tpu.memory_space<vmem>>, vector<16xf32>,
      tpu.vector_store %arg10[%swap3A_620, %swap3A_621], %sub3A_616 {strides = array<i32>} : memref<3x3840xf32, #tpu.memory_space<vmem>>, vector<16xf32>,
      %sub3A_623 = arith.constant -5.120000e+01 : f32
      %sub3A_624 = vector.broadcast %sub3A_623 : f32 to vector<16xf32>
      %sub3A_625 = arith.subf %get3A_568, %sub3A_624 : vector<16xf32>
      %add3A_626 = arith.constant 64 : i32
      %add3A_627 = arith.addi %mul3A_418, %add3A_626 : i32
      %swap3A_628 = arith.constant 1 : i32
      %swap3A_629 = arith.index_cast %swap3A_628 : i32 to index
      %swap3A_630 = arith.index_cast %add3A_627 : i32 to index
      %swap3A_631 = tpu.vector_load %arg10[%swap3A_629, %swap3A_630] {strides = array<i32>} : memref<3x3840xf32, #tpu.memory_space<vmem>>, vector<16xf32>,
      tpu.vector_store %arg10[%swap3A_629, %swap3A_630], %sub3A_625 {strides = array<i32>} : memref<3x3840xf32, #tpu.memory_space<vmem>>, vector<16xf32>,
      %sub3A_632 = arith.constant -5.120000e+01 : f32
      %sub3A_633 = vector.broadcast %sub3A_632 : f32 to vector<16xf32>
      %sub3A_634 = arith.subf %get3A_574, %sub3A_633 : vector<16xf32>
      %add3A_635 = arith.constant 80 : i32
      %add3A_636 = arith.addi %mul3A_418, %add3A_635 : i32
      %swap3A_637 = arith.constant 1 : i32
      %swap3A_638 = arith.index_cast %swap3A_637 : i32 to index
      %swap3A_639 = arith.index_cast %add3A_636 : i32 to index
      %swap3A_640 = tpu.vector_load %arg10[%swap3A_638, %swap3A_639] {strides = array<i32>} : memref<3x3840xf32, #tpu.memory_space<vmem>>, vector<16xf32>,
      tpu.vector_store %arg10[%swap3A_638, %swap3A_639], %sub3A_634 {strides = array<i32>} : memref<3x3840xf32, #tpu.memory_space<vmem>>, vector<16xf32>,
      %sub3A_641 = arith.constant -5.120000e+01 : f32
      %sub3A_642 = vector.broadcast %sub3A_641 : f32 to vector<16xf32>
      %sub3A_643 = arith.subf %get3A_580, %sub3A_642 : vector<16xf32>
      %add3A_644 = arith.constant 96 : i32
      %add3A_645 = arith.addi %mul3A_418, %add3A_644 : i32
      %swap3A_646 = arith.constant 1 : i32
      %swap3A_647 = arith.index_cast %swap3A_646 : i32 to index
      %swap3A_648 = arith.index_cast %add3A_645 : i32 to index
      %swap3A_649 = tpu.vector_load %arg10[%swap3A_647, %swap3A_648] {strides = array<i32>} : memref<3x3840xf32, #tpu.memory_space<vmem>>, vector<16xf32>,
      tpu.vector_store %arg10[%swap3A_647, %swap3A_648], %sub3A_643 {strides = array<i32>} : memref<3x3840xf32, #tpu.memory_space<vmem>>, vector<16xf32>,
      %sub3A_650 = arith.constant -5.120000e+01 : f32
      %sub3A_651 = vector.broadcast %sub3A_650 : f32 to vector<16xf32>
      %sub3A_652 = arith.subf %get3A_586, %sub3A_651 : vector<16xf32>
      %add3A_653 = arith.constant 112 : i32
      %add3A_654 = arith.addi %mul3A_418, %add3A_653 : i32
      %swap3A_655 = arith.constant 1 : i32
      %swap3A_656 = arith.index_cast %swap3A_655 : i32 to index
      %swap3A_657 = arith.index_cast %add3A_654 : i32 to index
      %swap3A_658 = tpu.vector_load %arg10[%swap3A_656, %swap3A_657] {strides = array<i32>} : memref<3x3840xf32, #tpu.memory_space<vmem>>, vector<16xf32>,
      tpu.vector_store %arg10[%swap3A_656, %swap3A_657], %sub3A_652 {strides = array<i32>} : memref<3x3840xf32, #tpu.memory_space<vmem>>, vector<16xf32>,
      %add3A_659 = arith.constant 0 : i32
      %add3A_660 = arith.addi %add3A_420, %add3A_659 : i32
      %get3A_661 = arith.constant 2 : i32
      %get3A_662 = arith.index_cast %get3A_661 : i32 to index
      %get3A_663 = arith.index_cast %add3A_660 : i32 to index
      %get3A_664 = tpu.vector_load %arg8[%get3A_662, %get3A_663] {strides = array<i32>} : memref<5x3968xf32, #tpu.memory_space<vmem>>, vector<16xf32>,
      %add3A_665 = arith.constant 16 : i32
      %add3A_666 = arith.addi %add3A_420, %add3A_665 : i32
      %get3A_667 = arith.constant 2 : i32
      %get3A_668 = arith.index_cast %get3A_667 : i32 to index
      %get3A_669 = arith.index_cast %add3A_666 : i32 to index
      %get3A_670 = tpu.vector_load %arg8[%get3A_668, %get3A_669] {strides = array<i32>} : memref<5x3968xf32, #tpu.memory_space<vmem>>, vector<16xf32>,
      %add3A_671 = arith.constant 32 : i32
      %add3A_672 = arith.addi %add3A_420, %add3A_671 : i32
      %get3A_673 = arith.constant 2 : i32
      %get3A_674 = arith.index_cast %get3A_673 : i32 to index
      %get3A_675 = arith.index_cast %add3A_672 : i32 to index
      %get3A_676 = tpu.vector_load %arg8[%get3A_674, %get3A_675] {strides = array<i32>} : memref<5x3968xf32, #tpu.memory_space<vmem>>, vector<16xf32>,
      %add3A_677 = arith.constant 48 : i32
      %add3A_678 = arith.addi %add3A_420, %add3A_677 : i32
      %get3A_679 = arith.constant 2 : i32
      %get3A_680 = arith.index_cast %get3A_679 : i32 to index
      %get3A_681 = arith.index_cast %add3A_678 : i32 to index
      %get3A_682 = tpu.vector_load %arg8[%get3A_680, %get3A_681] {strides = array<i32>} : memref<5x3968xf32, #tpu.memory_space<vmem>>, vector<16xf32>,
      %add3A_683 = arith.constant 64 : i32
      %add3A_684 = arith.addi %add3A_420, %add3A_683 : i32
      %get3A_685 = arith.constant 2 : i32
      %get3A_686 = arith.index_cast %get3A_685 : i32 to index
      %get3A_687 = arith.index_cast %add3A_684 : i32 to index
      %get3A_688 = tpu.vector_load %arg8[%get3A_686, %get3A_687] {strides = array<i32>} : memref<5x3968xf32, #tpu.memory_space<vmem>>, vector<16xf32>,
      %add3A_689 = arith.constant 80 : i32
      %add3A_690 = arith.addi %add3A_420, %add3A_689 : i32
      %get3A_691 = arith.constant 2 : i32
      %get3A_692 = arith.index_cast %get3A_691 : i32 to index
      %get3A_693 = arith.index_cast %add3A_690 : i32 to index
      %get3A_694 = tpu.vector_load %arg8[%get3A_692, %get3A_693] {strides = array<i32>} : memref<5x3968xf32, #tpu.memory_space<vmem>>, vector<16xf32>,
      %add3A_695 = arith.constant 96 : i32
      %add3A_696 = arith.addi %add3A_420, %add3A_695 : i32
      %get3A_697 = arith.constant 2 : i32
      %get3A_698 = arith.index_cast %get3A_697 : i32 to index
      %get3A_699 = arith.index_cast %add3A_696 : i32 to index
      %get3A_700 = tpu.vector_load %arg8[%get3A_698, %get3A_699] {strides = array<i32>} : memref<5x3968xf32, #tpu.memory_space<vmem>>, vector<16xf32>,
      %add3A_701 = arith.constant 112 : i32
      %add3A_702 = arith.addi %add3A_420, %add3A_701 : i32
      %get3A_703 = arith.constant 2 : i32
      %get3A_704 = arith.index_cast %get3A_703 : i32 to index
      %get3A_705 = arith.index_cast %add3A_702 : i32 to index
      %get3A_706 = tpu.vector_load %arg8[%get3A_704, %get3A_705] {strides = array<i32>} : memref<5x3968xf32, #tpu.memory_space<vmem>>, vector<16xf32>,
      %sub3A_707 = arith.constant -5.000000e+00 : f32
      %sub3A_708 = vector.broadcast %sub3A_707 : f32 to vector<16xf32>
      %sub3A_709 = arith.subf %get3A_664, %sub3A_708 : vector<16xf32>
      %add3A_710 = arith.constant 0 : i32
      %add3A_711 = arith.addi %mul3A_418, %add3A_710 : i32
      %swap3A_712 = arith.constant 2 : i32
      %swap3A_713 = arith.index_cast %swap3A_712 : i32 to index
      %swap3A_714 = arith.index_cast %add3A_711 : i32 to index
      %swap3A_715 = tpu.vector_load %arg10[%swap3A_713, %swap3A_714] {strides = array<i32>} : memref<3x3840xf32, #tpu.memory_space<vmem>>, vector<16xf32>,
      tpu.vector_store %arg10[%swap3A_713, %swap3A_714], %sub3A_709 {strides = array<i32>} : memref<3x3840xf32, #tpu.memory_space<vmem>>, vector<16xf32>,
      %sub3A_716 = arith.constant -5.000000e+00 : f32
      %sub3A_717 = vector.broadcast %sub3A_716 : f32 to vector<16xf32>
      %sub3A_718 = arith.subf %get3A_670, %sub3A_717 : vector<16xf32>
      %add3A_719 = arith.constant 16 : i32
      %add3A_720 = arith.addi %mul3A_418, %add3A_719 : i32
      %swap3A_721 = arith.constant 2 : i32
      %swap3A_722 = arith.index_cast %swap3A_721 : i32 to index
      %swap3A_723 = arith.index_cast %add3A_720 : i32 to index
      %swap3A_724 = tpu.vector_load %arg10[%swap3A_722, %swap3A_723] {strides = array<i32>} : memref<3x3840xf32, #tpu.memory_space<vmem>>, vector<16xf32>,
      tpu.vector_store %arg10[%swap3A_722, %swap3A_723], %sub3A_718 {strides = array<i32>} : memref<3x3840xf32, #tpu.memory_space<vmem>>, vector<16xf32>,
      %sub3A_725 = arith.constant -5.000000e+00 : f32
      %sub3A_726 = vector.broadcast %sub3A_725 : f32 to vector<16xf32>
      %sub3A_727 = arith.subf %get3A_676, %sub3A_726 : vector<16xf32>
      %add3A_728 = arith.constant 32 : i32
      %add3A_729 = arith.addi %mul3A_418, %add3A_728 : i32
      %swap3A_730 = arith.constant 2 : i32
      %swap3A_731 = arith.index_cast %swap3A_730 : i32 to index
      %swap3A_732 = arith.index_cast %add3A_729 : i32 to index
      %swap3A_733 = tpu.vector_load %arg10[%swap3A_731, %swap3A_732] {strides = array<i32>} : memref<3x3840xf32, #tpu.memory_space<vmem>>, vector<16xf32>,
      tpu.vector_store %arg10[%swap3A_731, %swap3A_732], %sub3A_727 {strides = array<i32>} : memref<3x3840xf32, #tpu.memory_space<vmem>>, vector<16xf32>,
      %sub3A_734 = arith.constant -5.000000e+00 : f32
      %sub3A_735 = vector.broadcast %sub3A_734 : f32 to vector<16xf32>
      %sub3A_736 = arith.subf %get3A_682, %sub3A_735 : vector<16xf32>
      %add3A_737 = arith.constant 48 : i32
      %add3A_738 = arith.addi %mul3A_418, %add3A_737 : i32
      %swap3A_739 = arith.constant 2 : i32
      %swap3A_740 = arith.index_cast %swap3A_739 : i32 to index
      %swap3A_741 = arith.index_cast %add3A_738 : i32 to index
      %swap3A_742 = tpu.vector_load %arg10[%swap3A_740, %swap3A_741] {strides = array<i32>} : memref<3x3840xf32, #tpu.memory_space<vmem>>, vector<16xf32>,
      tpu.vector_store %arg10[%swap3A_740, %swap3A_741], %sub3A_736 {strides = array<i32>} : memref<3x3840xf32, #tpu.memory_space<vmem>>, vector<16xf32>,
      %sub3A_743 = arith.constant -5.000000e+00 : f32
      %sub3A_744 = vector.broadcast %sub3A_743 : f32 to vector<16xf32>
      %sub3A_745 = arith.subf %get3A_688, %sub3A_744 : vector<16xf32>
      %add3A_746 = arith.constant 64 : i32
      %add3A_747 = arith.addi %mul3A_418, %add3A_746 : i32
      %swap3A_748 = arith.constant 2 : i32
      %swap3A_749 = arith.index_cast %swap3A_748 : i32 to index
      %swap3A_750 = arith.index_cast %add3A_747 : i32 to index
      %swap3A_751 = tpu.vector_load %arg10[%swap3A_749, %swap3A_750] {strides = array<i32>} : memref<3x3840xf32, #tpu.memory_space<vmem>>, vector<16xf32>,
      tpu.vector_store %arg10[%swap3A_749, %swap3A_750], %sub3A_745 {strides = array<i32>} : memref<3x3840xf32, #tpu.memory_space<vmem>>, vector<16xf32>,
      %sub3A_752 = arith.constant -5.000000e+00 : f32
      %sub3A_753 = vector.broadcast %sub3A_752 : f32 to vector<16xf32>
      %sub3A_754 = arith.subf %get3A_694, %sub3A_753 : vector<16xf32>
      %add3A_755 = arith.constant 80 : i32
      %add3A_756 = arith.addi %mul3A_418, %add3A_755 : i32
      %swap3A_757 = arith.constant 2 : i32
      %swap3A_758 = arith.index_cast %swap3A_757 : i32 to index
      %swap3A_759 = arith.index_cast %add3A_756 : i32 to index
      %swap3A_760 = tpu.vector_load %arg10[%swap3A_758, %swap3A_759] {strides = array<i32>} : memref<3x3840xf32, #tpu.memory_space<vmem>>, vector<16xf32>,
      tpu.vector_store %arg10[%swap3A_758, %swap3A_759], %sub3A_754 {strides = array<i32>} : memref<3x3840xf32, #tpu.memory_space<vmem>>, vector<16xf32>,
      %sub3A_761 = arith.constant -5.000000e+00 : f32
      %sub3A_762 = vector.broadcast %sub3A_761 : f32 to vector<16xf32>
      %sub3A_763 = arith.subf %get3A_700, %sub3A_762 : vector<16xf32>
      %add3A_764 = arith.constant 96 : i32
      %add3A_765 = arith.addi %mul3A_418, %add3A_764 : i32
      %swap3A_766 = arith.constant 2 : i32
      %swap3A_767 = arith.index_cast %swap3A_766 : i32 to index
      %swap3A_768 = arith.index_cast %add3A_765 : i32 to index
      %swap3A_769 = tpu.vector_load %arg10[%swap3A_767, %swap3A_768] {strides = array<i32>} : memref<3x3840xf32, #tpu.memory_space<vmem>>, vector<16xf32>,
      tpu.vector_store %arg10[%swap3A_767, %swap3A_768], %sub3A_763 {strides = array<i32>} : memref<3x3840xf32, #tpu.memory_space<vmem>>, vector<16xf32>,
      %sub3A_770 = arith.constant -5.000000e+00 : f32
      %sub3A_771 = vector.broadcast %sub3A_770 : f32 to vector<16xf32>
      %sub3A_772 = arith.subf %get3A_706, %sub3A_771 : vector<16xf32>
      %add3A_773 = arith.constant 112 : i32
      %add3A_774 = arith.addi %mul3A_418, %add3A_773 : i32
      %swap3A_775 = arith.constant 2 : i32
      %swap3A_776 = arith.index_cast %swap3A_775 : i32 to index
      %swap3A_777 = arith.index_cast %add3A_774 : i32 to index
      %swap3A_778 = tpu.vector_load %arg10[%swap3A_776, %swap3A_777] {strides = array<i32>} : memref<3x3840xf32, #tpu.memory_space<vmem>>, vector<16xf32>,
      tpu.vector_store %arg10[%swap3A_776, %swap3A_777], %sub3A_772 {strides = array<i32>} : memref<3x3840xf32, #tpu.memory_space<vmem>>, vector<16xf32>,
      %add3A_779 = arith.constant 0 : i32
      %add3A_780 = arith.addi %add3A_420, %add3A_779 : i32
      %get3A_781 = arith.constant 3 : i32
      %get3A_782 = arith.index_cast %get3A_781 : i32 to index
      %get3A_783 = arith.index_cast %add3A_780 : i32 to index
      %get3A_784 = tpu.vector_load %arg8[%get3A_782, %get3A_783] {strides = array<i32>} : memref<5x3968xf32, #tpu.memory_space<vmem>>, vector<16xf32>,
      %add3A_785 = arith.constant 16 : i32
      %add3A_786 = arith.addi %add3A_420, %add3A_785 : i32
      %get3A_787 = arith.constant 3 : i32
      %get3A_788 = arith.index_cast %get3A_787 : i32 to index
      %get3A_789 = arith.index_cast %add3A_786 : i32 to index
      %get3A_790 = tpu.vector_load %arg8[%get3A_788, %get3A_789] {strides = array<i32>} : memref<5x3968xf32, #tpu.memory_space<vmem>>, vector<16xf32>,
      %add3A_791 = arith.constant 32 : i32
      %add3A_792 = arith.addi %add3A_420, %add3A_791 : i32
      %get3A_793 = arith.constant 3 : i32
      %get3A_794 = arith.index_cast %get3A_793 : i32 to index
      %get3A_795 = arith.index_cast %add3A_792 : i32 to index
      %get3A_796 = tpu.vector_load %arg8[%get3A_794, %get3A_795] {strides = array<i32>} : memref<5x3968xf32, #tpu.memory_space<vmem>>, vector<16xf32>,
      %add3A_797 = arith.constant 48 : i32
      %add3A_798 = arith.addi %add3A_420, %add3A_797 : i32
      %get3A_799 = arith.constant 3 : i32
      %get3A_800 = arith.index_cast %get3A_799 : i32 to index
      %get3A_801 = arith.index_cast %add3A_798 : i32 to index
      %get3A_802 = tpu.vector_load %arg8[%get3A_800, %get3A_801] {strides = array<i32>} : memref<5x3968xf32, #tpu.memory_space<vmem>>, vector<16xf32>,
      %add3A_803 = arith.constant 64 : i32
      %add3A_804 = arith.addi %add3A_420, %add3A_803 : i32
      %get3A_805 = arith.constant 3 : i32
      %get3A_806 = arith.index_cast %get3A_805 : i32 to index
      %get3A_807 = arith.index_cast %add3A_804 : i32 to index
      %get3A_808 = tpu.vector_load %arg8[%get3A_806, %get3A_807] {strides = array<i32>} : memref<5x3968xf32, #tpu.memory_space<vmem>>, vector<16xf32>,
      %add3A_809 = arith.constant 80 : i32
      %add3A_810 = arith.addi %add3A_420, %add3A_809 : i32
      %get3A_811 = arith.constant 3 : i32
      %get3A_812 = arith.index_cast %get3A_811 : i32 to index
      %get3A_813 = arith.index_cast %add3A_810 : i32 to index
      %get3A_814 = tpu.vector_load %arg8[%get3A_812, %get3A_813] {strides = array<i32>} : memref<5x3968xf32, #tpu.memory_space<vmem>>, vector<16xf32>,
      %add3A_815 = arith.constant 96 : i32
      %add3A_816 = arith.addi %add3A_420, %add3A_815 : i32
      %get3A_817 = arith.constant 3 : i32
      %get3A_818 = arith.index_cast %get3A_817 : i32 to index
      %get3A_819 = arith.index_cast %add3A_816 : i32 to index
      %get3A_820 = tpu.vector_load %arg8[%get3A_818, %get3A_819] {strides = array<i32>} : memref<5x3968xf32, #tpu.memory_space<vmem>>, vector<16xf32>,
      %add3A_821 = arith.constant 112 : i32
      %add3A_822 = arith.addi %add3A_420, %add3A_821 : i32
      %get3A_823 = arith.constant 3 : i32
      %get3A_824 = arith.index_cast %get3A_823 : i32 to index
      %get3A_825 = arith.index_cast %add3A_822 : i32 to index
      %get3A_826 = tpu.vector_load %arg8[%get3A_824, %get3A_825] {strides = array<i32>} : memref<5x3968xf32, #tpu.memory_space<vmem>>, vector<16xf32>,
      %add3A_827 = arith.constant 0 : i32
      %add3A_828 = arith.addi %mul3A_418, %add3A_827 : i32
      %swap3A_829 = arith.constant 0 : i32
      %swap3A_830 = arith.index_cast %swap3A_829 : i32 to index
      %swap3A_831 = arith.index_cast %add3A_828 : i32 to index
      %swap3A_832 = tpu.vector_load %arg12[%swap3A_830, %swap3A_831] {strides = array<i32>} : memref<2x3840xf32, #tpu.memory_space<vmem>>, vector<16xf32>,
      tpu.vector_store %arg12[%swap3A_830, %swap3A_831], %get3A_784 {strides = array<i32>} : memref<2x3840xf32, #tpu.memory_space<vmem>>, vector<16xf32>,
      %add3A_833 = arith.constant 16 : i32
      %add3A_834 = arith.addi %mul3A_418, %add3A_833 : i32
      %swap3A_835 = arith.constant 0 : i32
      %swap3A_836 = arith.index_cast %swap3A_835 : i32 to index
      %swap3A_837 = arith.index_cast %add3A_834 : i32 to index
      %swap3A_838 = tpu.vector_load %arg12[%swap3A_836, %swap3A_837] {strides = array<i32>} : memref<2x3840xf32, #tpu.memory_space<vmem>>, vector<16xf32>,
      tpu.vector_store %arg12[%swap3A_836, %swap3A_837], %get3A_790 {strides = array<i32>} : memref<2x3840xf32, #tpu.memory_space<vmem>>, vector<16xf32>,
      %add3A_839 = arith.constant 32 : i32
      %add3A_840 = arith.addi %mul3A_418, %add3A_839 : i32
      %swap3A_841 = arith.constant 0 : i32
      %swap3A_842 = arith.index_cast %swap3A_841 : i32 to index
      %swap3A_843 = arith.index_cast %add3A_840 : i32 to index
      %swap3A_844 = tpu.vector_load %arg12[%swap3A_842, %swap3A_843] {strides = array<i32>} : memref<2x3840xf32, #tpu.memory_space<vmem>>, vector<16xf32>,
      tpu.vector_store %arg12[%swap3A_842, %swap3A_843], %get3A_796 {strides = array<i32>} : memref<2x3840xf32, #tpu.memory_space<vmem>>, vector<16xf32>,
      %add3A_845 = arith.constant 48 : i32
      %add3A_846 = arith.addi %mul3A_418, %add3A_845 : i32
      %swap3A_847 = arith.constant 0 : i32
      %swap3A_848 = arith.index_cast %swap3A_847 : i32 to index
      %swap3A_849 = arith.index_cast %add3A_846 : i32 to index
      %swap3A_850 = tpu.vector_load %arg12[%swap3A_848, %swap3A_849] {strides = array<i32>} : memref<2x3840xf32, #tpu.memory_space<vmem>>, vector<16xf32>,
      tpu.vector_store %arg12[%swap3A_848, %swap3A_849], %get3A_802 {strides = array<i32>} : memref<2x3840xf32, #tpu.memory_space<vmem>>, vector<16xf32>,
      %add3A_851 = arith.constant 64 : i32
      %add3A_852 = arith.addi %mul3A_418, %add3A_851 : i32
      %swap3A_853 = arith.constant 0 : i32
      %swap3A_854 = arith.index_cast %swap3A_853 : i32 to index
      %swap3A_855 = arith.index_cast %add3A_852 : i32 to index
      %swap3A_856 = tpu.vector_load %arg12[%swap3A_854, %swap3A_855] {strides = array<i32>} : memref<2x3840xf32, #tpu.memory_space<vmem>>, vector<16xf32>,
      tpu.vector_store %arg12[%swap3A_854, %swap3A_855], %get3A_808 {strides = array<i32>} : memref<2x3840xf32, #tpu.memory_space<vmem>>, vector<16xf32>,
      %add3A_857 = arith.constant 80 : i32
      %add3A_858 = arith.addi %mul3A_418, %add3A_857 : i32
      %swap3A_859 = arith.constant 0 : i32
      %swap3A_860 = arith.index_cast %swap3A_859 : i32 to index
      %swap3A_861 = arith.index_cast %add3A_858 : i32 to index
      %swap3A_862 = tpu.vector_load %arg12[%swap3A_860, %swap3A_861] {strides = array<i32>} : memref<2x3840xf32, #tpu.memory_space<vmem>>, vector<16xf32>,
      tpu.vector_store %arg12[%swap3A_860, %swap3A_861], %get3A_814 {strides = array<i32>} : memref<2x3840xf32, #tpu.memory_space<vmem>>, vector<16xf32>,
      %add3A_863 = arith.constant 96 : i32
      %add3A_864 = arith.addi %mul3A_418, %add3A_863 : i32
      %swap3A_865 = arith.constant 0 : i32
      %swap3A_866 = arith.index_cast %swap3A_865 : i32 to index
      %swap3A_867 = arith.index_cast %add3A_864 : i32 to index
      %swap3A_868 = tpu.vector_load %arg12[%swap3A_866, %swap3A_867] {strides = array<i32>} : memref<2x3840xf32, #tpu.memory_space<vmem>>, vector<16xf32>,
      tpu.vector_store %arg12[%swap3A_866, %swap3A_867], %get3A_820 {strides = array<i32>} : memref<2x3840xf32, #tpu.memory_space<vmem>>, vector<16xf32>,
      %add3A_869 = arith.constant 112 : i32
      %add3A_870 = arith.addi %mul3A_418, %add3A_869 : i32
      %swap3A_871 = arith.constant 0 : i32
      %swap3A_872 = arith.index_cast %swap3A_871 : i32 to index
      %swap3A_873 = arith.index_cast %add3A_870 : i32 to index
      %swap3A_874 = tpu.vector_load %arg12[%swap3A_872, %swap3A_873] {strides = array<i32>} : memref<2x3840xf32, #tpu.memory_space<vmem>>, vector<16xf32>,
      tpu.vector_store %arg12[%swap3A_872, %swap3A_873], %get3A_826 {strides = array<i32>} : memref<2x3840xf32, #tpu.memory_space<vmem>>, vector<16xf32>,
      %add3A_875 = arith.constant 0 : i32
      %add3A_876 = arith.addi %add3A_420, %add3A_875 : i32
      %get3A_877 = arith.constant 4 : i32
      %get3A_878 = arith.index_cast %get3A_877 : i32 to index
      %get3A_879 = arith.index_cast %add3A_876 : i32 to index
      %get3A_880 = tpu.vector_load %arg8[%get3A_878, %get3A_879] {strides = array<i32>} : memref<5x3968xf32, #tpu.memory_space<vmem>>, vector<16xf32>,
      %add3A_881 = arith.constant 16 : i32
      %add3A_882 = arith.addi %add3A_420, %add3A_881 : i32
      %get3A_883 = arith.constant 4 : i32
      %get3A_884 = arith.index_cast %get3A_883 : i32 to index
      %get3A_885 = arith.index_cast %add3A_882 : i32 to index
      %get3A_886 = tpu.vector_load %arg8[%get3A_884, %get3A_885] {strides = array<i32>} : memref<5x3968xf32, #tpu.memory_space<vmem>>, vector<16xf32>,
      %add3A_887 = arith.constant 32 : i32
      %add3A_888 = arith.addi %add3A_420, %add3A_887 : i32
      %get3A_889 = arith.constant 4 : i32
      %get3A_890 = arith.index_cast %get3A_889 : i32 to index
      %get3A_891 = arith.index_cast %add3A_888 : i32 to index
      %get3A_892 = tpu.vector_load %arg8[%get3A_890, %get3A_891] {strides = array<i32>} : memref<5x3968xf32, #tpu.memory_space<vmem>>, vector<16xf32>,
      %add3A_893 = arith.constant 48 : i32
      %add3A_894 = arith.addi %add3A_420, %add3A_893 : i32
      %get3A_895 = arith.constant 4 : i32
      %get3A_896 = arith.index_cast %get3A_895 : i32 to index
      %get3A_897 = arith.index_cast %add3A_894 : i32 to index
      %get3A_898 = tpu.vector_load %arg8[%get3A_896, %get3A_897] {strides = array<i32>} : memref<5x3968xf32, #tpu.memory_space<vmem>>, vector<16xf32>,
      %add3A_899 = arith.constant 64 : i32
      %add3A_900 = arith.addi %add3A_420, %add3A_899 : i32
      %get3A_901 = arith.constant 4 : i32
      %get3A_902 = arith.index_cast %get3A_901 : i32 to index
      %get3A_903 = arith.index_cast %add3A_900 : i32 to index
      %get3A_904 = tpu.vector_load %arg8[%get3A_902, %get3A_903] {strides = array<i32>} : memref<5x3968xf32, #tpu.memory_space<vmem>>, vector<16xf32>,
      %add3A_905 = arith.constant 80 : i32
      %add3A_906 = arith.addi %add3A_420, %add3A_905 : i32
      %get3A_907 = arith.constant 4 : i32
      %get3A_908 = arith.index_cast %get3A_907 : i32 to index
      %get3A_909 = arith.index_cast %add3A_906 : i32 to index
      %get3A_910 = tpu.vector_load %arg8[%get3A_908, %get3A_909] {strides = array<i32>} : memref<5x3968xf32, #tpu.memory_space<vmem>>, vector<16xf32>,
      %add3A_911 = arith.constant 96 : i32
      %add3A_912 = arith.addi %add3A_420, %add3A_911 : i32
      %get3A_913 = arith.constant 4 : i32
      %get3A_914 = arith.index_cast %get3A_913 : i32 to index
      %get3A_915 = arith.index_cast %add3A_912 : i32 to index
      %get3A_916 = tpu.vector_load %arg8[%get3A_914, %get3A_915] {strides = array<i32>} : memref<5x3968xf32, #tpu.memory_space<vmem>>, vector<16xf32>,
      %add3A_917 = arith.constant 112 : i32
      %add3A_918 = arith.addi %add3A_420, %add3A_917 : i32
      %get3A_919 = arith.constant 4 : i32
      %get3A_920 = arith.index_cast %get3A_919 : i32 to index
      %get3A_921 = arith.index_cast %add3A_918 : i32 to index
      %get3A_922 = tpu.vector_load %arg8[%get3A_920, %get3A_921] {strides = array<i32>} : memref<5x3968xf32, #tpu.memory_space<vmem>>, vector<16xf32>,
      %add3A_923 = arith.constant 0 : i32
      %add3A_924 = arith.addi %mul3A_418, %add3A_923 : i32
      %swap3A_925 = arith.constant 1 : i32
      %swap3A_926 = arith.index_cast %swap3A_925 : i32 to index
      %swap3A_927 = arith.index_cast %add3A_924 : i32 to index
      %swap3A_928 = tpu.vector_load %arg12[%swap3A_926, %swap3A_927] {strides = array<i32>} : memref<2x3840xf32, #tpu.memory_space<vmem>>, vector<16xf32>,
      tpu.vector_store %arg12[%swap3A_926, %swap3A_927], %get3A_880 {strides = array<i32>} : memref<2x3840xf32, #tpu.memory_space<vmem>>, vector<16xf32>,
      %add3A_929 = arith.constant 16 : i32
      %add3A_930 = arith.addi %mul3A_418, %add3A_929 : i32
      %swap3A_931 = arith.constant 1 : i32
      %swap3A_932 = arith.index_cast %swap3A_931 : i32 to index
      %swap3A_933 = arith.index_cast %add3A_930 : i32 to index
      %swap3A_934 = tpu.vector_load %arg12[%swap3A_932, %swap3A_933] {strides = array<i32>} : memref<2x3840xf32, #tpu.memory_space<vmem>>, vector<16xf32>,
      tpu.vector_store %arg12[%swap3A_932, %swap3A_933], %get3A_886 {strides = array<i32>} : memref<2x3840xf32, #tpu.memory_space<vmem>>, vector<16xf32>,
      %add3A_935 = arith.constant 32 : i32
      %add3A_936 = arith.addi %mul3A_418, %add3A_935 : i32
      %swap3A_937 = arith.constant 1 : i32
      %swap3A_938 = arith.index_cast %swap3A_937 : i32 to index
      %swap3A_939 = arith.index_cast %add3A_936 : i32 to index
      %swap3A_940 = tpu.vector_load %arg12[%swap3A_938, %swap3A_939] {strides = array<i32>} : memref<2x3840xf32, #tpu.memory_space<vmem>>, vector<16xf32>,
      tpu.vector_store %arg12[%swap3A_938, %swap3A_939], %get3A_892 {strides = array<i32>} : memref<2x3840xf32, #tpu.memory_space<vmem>>, vector<16xf32>,
      %add3A_941 = arith.constant 48 : i32
      %add3A_942 = arith.addi %mul3A_418, %add3A_941 : i32
      %swap3A_943 = arith.constant 1 : i32
      %swap3A_944 = arith.index_cast %swap3A_943 : i32 to index
      %swap3A_945 = arith.index_cast %add3A_942 : i32 to index
      %swap3A_946 = tpu.vector_load %arg12[%swap3A_944, %swap3A_945] {strides = array<i32>} : memref<2x3840xf32, #tpu.memory_space<vmem>>, vector<16xf32>,
      tpu.vector_store %arg12[%swap3A_944, %swap3A_945], %get3A_898 {strides = array<i32>} : memref<2x3840xf32, #tpu.memory_space<vmem>>, vector<16xf32>,
      %add3A_947 = arith.constant 64 : i32
      %add3A_948 = arith.addi %mul3A_418, %add3A_947 : i32
      %swap3A_949 = arith.constant 1 : i32
      %swap3A_950 = arith.index_cast %swap3A_949 : i32 to index
      %swap3A_951 = arith.index_cast %add3A_948 : i32 to index
      %swap3A_952 = tpu.vector_load %arg12[%swap3A_950, %swap3A_951] {strides = array<i32>} : memref<2x3840xf32, #tpu.memory_space<vmem>>, vector<16xf32>,
      tpu.vector_store %arg12[%swap3A_950, %swap3A_951], %get3A_904 {strides = array<i32>} : memref<2x3840xf32, #tpu.memory_space<vmem>>, vector<16xf32>,
      %add3A_953 = arith.constant 80 : i32
      %add3A_954 = arith.addi %mul3A_418, %add3A_953 : i32
      %swap3A_955 = arith.constant 1 : i32
      %swap3A_956 = arith.index_cast %swap3A_955 : i32 to index
      %swap3A_957 = arith.index_cast %add3A_954 : i32 to index
      %swap3A_958 = tpu.vector_load %arg12[%swap3A_956, %swap3A_957] {strides = array<i32>} : memref<2x3840xf32, #tpu.memory_space<vmem>>, vector<16xf32>,
      tpu.vector_store %arg12[%swap3A_956, %swap3A_957], %get3A_910 {strides = array<i32>} : memref<2x3840xf32, #tpu.memory_space<vmem>>, vector<16xf32>,
      %add3A_959 = arith.constant 96 : i32
      %add3A_960 = arith.addi %mul3A_418, %add3A_959 : i32
      %swap3A_961 = arith.constant 1 : i32
      %swap3A_962 = arith.index_cast %swap3A_961 : i32 to index
      %swap3A_963 = arith.index_cast %add3A_960 : i32 to index
      %swap3A_964 = tpu.vector_load %arg12[%swap3A_962, %swap3A_963] {strides = array<i32>} : memref<2x3840xf32, #tpu.memory_space<vmem>>, vector<16xf32>,
      tpu.vector_store %arg12[%swap3A_962, %swap3A_963], %get3A_916 {strides = array<i32>} : memref<2x3840xf32, #tpu.memory_space<vmem>>, vector<16xf32>,
      %add3A_965 = arith.constant 112 : i32
      %add3A_966 = arith.addi %mul3A_418, %add3A_965 : i32
      %swap3A_967 = arith.constant 1 : i32
      %swap3A_968 = arith.index_cast %swap3A_967 : i32 to index
      %swap3A_969 = arith.index_cast %add3A_966 : i32 to index
      %swap3A_970 = tpu.vector_load %arg12[%swap3A_968, %swap3A_969] {strides = array<i32>} : memref<2x3840xf32, #tpu.memory_space<vmem>>, vector<16xf32>,
      tpu.vector_store %arg12[%swap3A_968, %swap3A_969], %get3A_922 {strides = array<i32>} : memref<2x3840xf32, #tpu.memory_space<vmem>>, vector<16xf32>,
      %scan3A_971 = arith.constant 0 : i32
      scf.yield %scan3A_971 : i32
    }
    %scan3A_80 = arith.constant 20 : i32
    %sub3A_81 = arith.constant 1172 : i32
    %sub3A_82 = arith.subi %add3A_16, %sub3A_81 : i32
    %mul3A_83 = arith.constant 128 : i32
    %mul3A_84 = arith.muli %sub3A_82, %mul3A_83 : i32
    %multiple_of3A_85 = tpu.assume_multiple %mul3A_84, 128 : i32
    %dma_start3A_86 = arith.constant 0 : i32
    %dma_start3A_87 = arith.constant 0 : i32
    %dma_start3A_88 = tpu.memref_slice %arg8[%dma_start3A_86, %dma_start3A_87] : memref<5x3968xf32, #tpu.memory_space<vmem>> -> memref<5x3968xf32, #tpu.memory_space<vmem>>
    %dma_start3A_89 = arith.constant 0 : i32
    %dma_start3A_90 = tpu.memref_slice %arg3[%dma_start3A_89, %multiple_of3A_85] : memref<5x120000xf32, #tpu.memory_space<hbm>> -> memref<5x3968xf32, #tpu.memory_space<hbm>>
    %dma_start3A_91 = arith.constant 0 : i32
    %dma_start3A_92 = arith.constant 0 : i32
    %dma_start3A_93 = tpu.memref_slice %arg8[%dma_start3A_91, %dma_start3A_92] : memref<5x3968xf32, #tpu.memory_space<vmem>> -> memref<5x3968xf32, #tpu.memory_space<vmem>>
    %dma_start3A_94 = arith.constant 0 : i32
    %dma_start3A_95 = tpu.memref_slice %arg3[%dma_start3A_94, %multiple_of3A_85] : memref<5x120000xf32, #tpu.memory_space<hbm>> -> memref<5x3968xf32, #tpu.memory_space<hbm>>
    tpu.enqueue_dma source(%dma_start3A_95 : memref<5x3968xf32, #tpu.memory_space<hbm>>) target(%dma_start3A_93 : memref<5x3968xf32, #tpu.memory_space<vmem>>) target_semaphore(%arg17 : memref<!tpu.dma_semaphore, #tpu.memory_space<semaphore_mem>>)
    %add3A_96 = arith.constant 0 : i32
    %add3A_97 = arith.addi %multiple_of3A_74, %add3A_96 : i32
    %dma_start3A_98 = arith.constant 0 : i32
    %dma_start3A_99 = arith.constant 0 : i32
    %dma_start3A_100 = tpu.memref_slice %arg10[%dma_start3A_98, %dma_start3A_99] : memref<3x3840xf32, #tpu.memory_space<vmem>> -> memref<3x2560xf32, #tpu.memory_space<vmem>>
    %dma_start3A_101 = arith.constant 0 : i32
    %dma_start3A_102 = tpu.memref_slice %arg6[%dma_start3A_101, %add3A_97] : memref<3x450000xf32, #tpu.memory_space<hbm>> -> memref<3x2560xf32, #tpu.memory_space<hbm>>
    %dma_start3A_103 = arith.constant 0 : i32
    %dma_start3A_104 = tpu.memref_slice %arg6[%dma_start3A_103, %add3A_97] : memref<3x450000xf32, #tpu.memory_space<hbm>> -> memref<3x2560xf32, #tpu.memory_space<hbm>>
    %dma_start3A_105 = arith.constant 0 : i32
    %dma_start3A_106 = arith.constant 0 : i32
    %dma_start3A_107 = tpu.memref_slice %arg10[%dma_start3A_105, %dma_start3A_106] : memref<3x3840xf32, #tpu.memory_space<vmem>> -> memref<3x2560xf32, #tpu.memory_space<vmem>>
    tpu.enqueue_dma source(%dma_start3A_107 : memref<3x2560xf32, #tpu.memory_space<vmem>>) target(%dma_start3A_104 : memref<3x2560xf32, #tpu.memory_space<hbm>>) target_semaphore(%arg19 : memref<!tpu.dma_semaphore, #tpu.memory_space<semaphore_mem>>)
    %add3A_108 = arith.constant 0 : i32
    %add3A_109 = arith.addi %multiple_of3A_74, %add3A_108 : i32
    %dma_start3A_110 = arith.constant 0 : i32
    %dma_start3A_111 = arith.constant 0 : i32
    %dma_start3A_112 = tpu.memref_slice %arg12[%dma_start3A_110, %dma_start3A_111] : memref<2x3840xf32, #tpu.memory_space<vmem>> -> memref<2x2560xf32, #tpu.memory_space<vmem>>
    %dma_start3A_113 = arith.constant 0 : i32
    %dma_start3A_114 = tpu.memref_slice %arg7[%dma_start3A_113, %add3A_109] : memref<2x450000xf32, #tpu.memory_space<hbm>> -> memref<2x2560xf32, #tpu.memory_space<hbm>>
    %dma_start3A_115 = arith.constant 0 : i32
    %dma_start3A_116 = tpu.memref_slice %arg7[%dma_start3A_115, %add3A_109] : memref<2x450000xf32, #tpu.memory_space<hbm>> -> memref<2x2560xf32, #tpu.memory_space<hbm>>
    %dma_start3A_117 = arith.constant 0 : i32
    %dma_start3A_118 = arith.constant 0 : i32
    %dma_start3A_119 = tpu.memref_slice %arg12[%dma_start3A_117, %dma_start3A_118] : memref<2x3840xf32, #tpu.memory_space<vmem>> -> memref<2x2560xf32, #tpu.memory_space<vmem>>
    tpu.enqueue_dma source(%dma_start3A_119 : memref<2x2560xf32, #tpu.memory_space<vmem>>) target(%dma_start3A_116 : memref<2x2560xf32, #tpu.memory_space<hbm>>) target_semaphore(%arg21 : memref<!tpu.dma_semaphore, #tpu.memory_space<semaphore_mem>>)
    %dma_wait3A_120 = arith.constant 0 : i32
    %dma_wait3A_121 = arith.constant 0 : i32
    %dma_wait3A_122 = tpu.memref_slice %arg9[%dma_wait3A_120, %dma_wait3A_121] : memref<5x4736xf32, #tpu.memory_space<vmem>> -> memref<5x3328xf32, #tpu.memory_space<vmem>>
    %dma_wait3A_123 = arith.constant 0 : i32
    %dma_wait3A_124 = tpu.memref_slice %arg4[%dma_wait3A_123, %multiple_of3A_52] : memref<5x100000xf32, #tpu.memory_space<hbm>> -> memref<5x3328xf32, #tpu.memory_space<hbm>>
    %dma_wait3A_125 = arith.constant 0 : i32
    %dma_wait3A_126 = arith.constant 0 : i32
    %dma_wait3A_127 = tpu.memref_slice %arg9[%dma_wait3A_125, %dma_wait3A_126] : memref<5x4736xf32, #tpu.memory_space<vmem>> -> memref<5x3328xf32, #tpu.memory_space<vmem>>
    %dma_wait3A_128 = arith.constant 0 : i32
    %dma_wait3A_129 = tpu.memref_slice %arg4[%dma_wait3A_128, %multiple_of3A_52] : memref<5x100000xf32, #tpu.memory_space<hbm>> -> memref<5x3328xf32, #tpu.memory_space<hbm>>
    tpu.wait_dma2 semaphore(%arg16 : memref<!tpu.dma_semaphore, #tpu.memory_space<semaphore_mem>>) src(%dma_wait3A_129 : memref<5x3328xf32, #tpu.memory_space<hbm>>) dst(%dma_wait3A_127 : memref<5x3328xf32, #tpu.memory_space<vmem>>)
    %mul3A_130 = arith.constant 128 : i32
    %mul3A_131 = arith.muli %add3A_25, %mul3A_130 : i32
    %multiple_of3A_132 = tpu.assume_multiple %mul3A_131, 128 : i32
    %scan3A_133 = arith.constant 0 : i32
    %scan3A_134 = arith.constant 0 : i32
    %scan3A_135 = arith.constant 25 : i32
    %scan3A_136 = arith.addi %scan3A_134, %scan3A_135 : i32
    %scan3A_137 = arith.constant 1 : i32
    %scan3A_138 = scf.for %scan3A_415 = %scan3A_134 to %scan3A_136 step %scan3A_137 iter_args(%scan3A_416 = %scan3A_133) -> (i32)  : i32 {
      %mul3A_417 = arith.constant 128 : i32
      %mul3A_418 = arith.muli %scan3A_415, %mul3A_417 : i32
      %add3A_419 = arith.constant 80 : i32
      %add3A_420 = arith.addi %add3A_419, %mul3A_418 : i32
      %add3A_421 = arith.constant 0 : i32
      %add3A_422 = arith.addi %add3A_420, %add3A_421 : i32
      %get3A = arith.constant 0 : i32
      %get3A_423 = arith.index_cast %get3A : i32 to index
      %get3A_424 = arith.index_cast %add3A_422 : i32 to index
      %get3A_425 = tpu.vector_load %arg9[%get3A_423, %get3A_424] {strides = array<i32>} : memref<5x4736xf32, #tpu.memory_space<vmem>>, vector<16xf32>,
      %add3A_426 = arith.constant 16 : i32
      %add3A_427 = arith.addi %add3A_420, %add3A_426 : i32
      %get3A_428 = arith.constant 0 : i32
      %get3A_429 = arith.index_cast %get3A_428 : i32 to index
      %get3A_430 = arith.index_cast %add3A_427 : i32 to index
      %get3A_431 = tpu.vector_load %arg9[%get3A_429, %get3A_430] {strides = array<i32>} : memref<5x4736xf32, #tpu.memory_space<vmem>>, vector<16xf32>,
      %add3A_432 = arith.constant 32 : i32
      %add3A_433 = arith.addi %add3A_420, %add3A_432 : i32
      %get3A_434 = arith.constant 0 : i32
      %get3A_435 = arith.index_cast %get3A_434 : i32 to index
      %get3A_436 = arith.index_cast %add3A_433 : i32 to index
      %get3A_437 = tpu.vector_load %arg9[%get3A_435, %get3A_436] {strides = array<i32>} : memref<5x4736xf32, #tpu.memory_space<vmem>>, vector<16xf32>,
      %add3A_438 = arith.constant 48 : i32
      %add3A_439 = arith.addi %add3A_420, %add3A_438 : i32
      %get3A_440 = arith.constant 0 : i32
      %get3A_441 = arith.index_cast %get3A_440 : i32 to index
      %get3A_442 = arith.index_cast %add3A_439 : i32 to index
      %get3A_443 = tpu.vector_load %arg9[%get3A_441, %get3A_442] {strides = array<i32>} : memref<5x4736xf32, #tpu.memory_space<vmem>>, vector<16xf32>,
      %add3A_444 = arith.constant 64 : i32
      %add3A_445 = arith.addi %add3A_420, %add3A_444 : i32
      %get3A_446 = arith.constant 0 : i32
      %get3A_447 = arith.index_cast %get3A_446 : i32 to index
      %get3A_448 = arith.index_cast %add3A_445 : i32 to index
      %get3A_449 = tpu.vector_load %arg9[%get3A_447, %get3A_448] {strides = array<i32>} : memref<5x4736xf32, #tpu.memory_space<vmem>>, vector<16xf32>,
      %add3A_450 = arith.constant 80 : i32
      %add3A_451 = arith.addi %add3A_420, %add3A_450 : i32
      %get3A_452 = arith.constant 0 : i32
      %get3A_453 = arith.index_cast %get3A_452 : i32 to index
      %get3A_454 = arith.index_cast %add3A_451 : i32 to index
      %get3A_455 = tpu.vector_load %arg9[%get3A_453, %get3A_454] {strides = array<i32>} : memref<5x4736xf32, #tpu.memory_space<vmem>>, vector<16xf32>,
      %add3A_456 = arith.constant 96 : i32
      %add3A_457 = arith.addi %add3A_420, %add3A_456 : i32
      %get3A_458 = arith.constant 0 : i32
      %get3A_459 = arith.index_cast %get3A_458 : i32 to index
      %get3A_460 = arith.index_cast %add3A_457 : i32 to index
      %get3A_461 = tpu.vector_load %arg9[%get3A_459, %get3A_460] {strides = array<i32>} : memref<5x4736xf32, #tpu.memory_space<vmem>>, vector<16xf32>,
      %add3A_462 = arith.constant 112 : i32
      %add3A_463 = arith.addi %add3A_420, %add3A_462 : i32
      %get3A_464 = arith.constant 0 : i32
      %get3A_465 = arith.index_cast %get3A_464 : i32 to index
      %get3A_466 = arith.index_cast %add3A_463 : i32 to index
      %get3A_467 = tpu.vector_load %arg9[%get3A_465, %get3A_466] {strides = array<i32>} : memref<5x4736xf32, #tpu.memory_space<vmem>>, vector<16xf32>,
      %sub3A_468 = arith.constant -5.120000e+01 : f32
      %sub3A_469 = vector.broadcast %sub3A_468 : f32 to vector<16xf32>
      %sub3A_470 = arith.subf %get3A_425, %sub3A_469 : vector<16xf32>
      %add3A_471 = arith.constant 0 : i32
      %add3A_472 = arith.addi %mul3A_418, %add3A_471 : i32
      %swap3A = arith.constant 0 : i32
      %swap3A_473 = arith.index_cast %swap3A : i32 to index
      %swap3A_474 = arith.index_cast %add3A_472 : i32 to index
      %swap3A_475 = tpu.vector_load %arg11[%swap3A_473, %swap3A_474] {strides = array<i32>} : memref<3x4736xf32, #tpu.memory_space<vmem>>, vector<16xf32>,
      tpu.vector_store %arg11[%swap3A_473, %swap3A_474], %sub3A_470 {strides = array<i32>} : memref<3x4736xf32, #tpu.memory_space<vmem>>, vector<16xf32>,
      %sub3A_476 = arith.constant -5.120000e+01 : f32
      %sub3A_477 = vector.broadcast %sub3A_476 : f32 to vector<16xf32>
      %sub3A_478 = arith.subf %get3A_431, %sub3A_477 : vector<16xf32>
      %add3A_479 = arith.constant 16 : i32
      %add3A_480 = arith.addi %mul3A_418, %add3A_479 : i32
      %swap3A_481 = arith.constant 0 : i32
      %swap3A_482 = arith.index_cast %swap3A_481 : i32 to index
      %swap3A_483 = arith.index_cast %add3A_480 : i32 to index
      %swap3A_484 = tpu.vector_load %arg11[%swap3A_482, %swap3A_483] {strides = array<i32>} : memref<3x4736xf32, #tpu.memory_space<vmem>>, vector<16xf32>,
      tpu.vector_store %arg11[%swap3A_482, %swap3A_483], %sub3A_478 {strides = array<i32>} : memref<3x4736xf32, #tpu.memory_space<vmem>>, vector<16xf32>,
      %sub3A_485 = arith.constant -5.120000e+01 : f32
      %sub3A_486 = vector.broadcast %sub3A_485 : f32 to vector<16xf32>
      %sub3A_487 = arith.subf %get3A_437, %sub3A_486 : vector<16xf32>
      %add3A_488 = arith.constant 32 : i32
      %add3A_489 = arith.addi %mul3A_418, %add3A_488 : i32
      %swap3A_490 = arith.constant 0 : i32
      %swap3A_491 = arith.index_cast %swap3A_490 : i32 to index
      %swap3A_492 = arith.index_cast %add3A_489 : i32 to index
      %swap3A_493 = tpu.vector_load %arg11[%swap3A_491, %swap3A_492] {strides = array<i32>} : memref<3x4736xf32, #tpu.memory_space<vmem>>, vector<16xf32>,
      tpu.vector_store %arg11[%swap3A_491, %swap3A_492], %sub3A_487 {strides = array<i32>} : memref<3x4736xf32, #tpu.memory_space<vmem>>, vector<16xf32>,
      %sub3A_494 = arith.constant -5.120000e+01 : f32
      %sub3A_495 = vector.broadcast %sub3A_494 : f32 to vector<16xf32>
      %sub3A_496 = arith.subf %get3A_443, %sub3A_495 : vector<16xf32>
      %add3A_497 = arith.constant 48 : i32
      %add3A_498 = arith.addi %mul3A_418, %add3A_497 : i32
      %swap3A_499 = arith.constant 0 : i32
      %swap3A_500 = arith.index_cast %swap3A_499 : i32 to index
      %swap3A_501 = arith.index_cast %add3A_498 : i32 to index
      %swap3A_502 = tpu.vector_load %arg11[%swap3A_500, %swap3A_501] {strides = array<i32>} : memref<3x4736xf32, #tpu.memory_space<vmem>>, vector<16xf32>,
      tpu.vector_store %arg11[%swap3A_500, %swap3A_501], %sub3A_496 {strides = array<i32>} : memref<3x4736xf32, #tpu.memory_space<vmem>>, vector<16xf32>,
      %sub3A_503 = arith.constant -5.120000e+01 : f32
      %sub3A_504 = vector.broadcast %sub3A_503 : f32 to vector<16xf32>
      %sub3A_505 = arith.subf %get3A_449, %sub3A_504 : vector<16xf32>
      %add3A_506 = arith.constant 64 : i32
      %add3A_507 = arith.addi %mul3A_418, %add3A_506 : i32
      %swap3A_508 = arith.constant 0 : i32
      %swap3A_509 = arith.index_cast %swap3A_508 : i32 to index
      %swap3A_510 = arith.index_cast %add3A_507 : i32 to index
      %swap3A_511 = tpu.vector_load %arg11[%swap3A_509, %swap3A_510] {strides = array<i32>} : memref<3x4736xf32, #tpu.memory_space<vmem>>, vector<16xf32>,
      tpu.vector_store %arg11[%swap3A_509, %swap3A_510], %sub3A_505 {strides = array<i32>} : memref<3x4736xf32, #tpu.memory_space<vmem>>, vector<16xf32>,
      %sub3A_512 = arith.constant -5.120000e+01 : f32
      %sub3A_513 = vector.broadcast %sub3A_512 : f32 to vector<16xf32>
      %sub3A_514 = arith.subf %get3A_455, %sub3A_513 : vector<16xf32>
      %add3A_515 = arith.constant 80 : i32
      %add3A_516 = arith.addi %mul3A_418, %add3A_515 : i32
      %swap3A_517 = arith.constant 0 : i32
      %swap3A_518 = arith.index_cast %swap3A_517 : i32 to index
      %swap3A_519 = arith.index_cast %add3A_516 : i32 to index
      %swap3A_520 = tpu.vector_load %arg11[%swap3A_518, %swap3A_519] {strides = array<i32>} : memref<3x4736xf32, #tpu.memory_space<vmem>>, vector<16xf32>,
      tpu.vector_store %arg11[%swap3A_518, %swap3A_519], %sub3A_514 {strides = array<i32>} : memref<3x4736xf32, #tpu.memory_space<vmem>>, vector<16xf32>,
      %sub3A_521 = arith.constant -5.120000e+01 : f32
      %sub3A_522 = vector.broadcast %sub3A_521 : f32 to vector<16xf32>
      %sub3A_523 = arith.subf %get3A_461, %sub3A_522 : vector<16xf32>
      %add3A_524 = arith.constant 96 : i32
      %add3A_525 = arith.addi %mul3A_418, %add3A_524 : i32
      %swap3A_526 = arith.constant 0 : i32
      %swap3A_527 = arith.index_cast %swap3A_526 : i32 to index
      %swap3A_528 = arith.index_cast %add3A_525 : i32 to index
      %swap3A_529 = tpu.vector_load %arg11[%swap3A_527, %swap3A_528] {strides = array<i32>} : memref<3x4736xf32, #tpu.memory_space<vmem>>, vector<16xf32>,
      tpu.vector_store %arg11[%swap3A_527, %swap3A_528], %sub3A_523 {strides = array<i32>} : memref<3x4736xf32, #tpu.memory_space<vmem>>, vector<16xf32>,
      %sub3A_530 = arith.constant -5.120000e+01 : f32
      %sub3A_531 = vector.broadcast %sub3A_530 : f32 to vector<16xf32>
      %sub3A_532 = arith.subf %get3A_467, %sub3A_531 : vector<16xf32>
      %add3A_533 = arith.constant 112 : i32
      %add3A_534 = arith.addi %mul3A_418, %add3A_533 : i32
      %swap3A_535 = arith.constant 0 : i32
      %swap3A_536 = arith.index_cast %swap3A_535 : i32 to index
      %swap3A_537 = arith.index_cast %add3A_534 : i32 to index
      %swap3A_538 = tpu.vector_load %arg11[%swap3A_536, %swap3A_537] {strides = array<i32>} : memref<3x4736xf32, #tpu.memory_space<vmem>>, vector<16xf32>,
      tpu.vector_store %arg11[%swap3A_536, %swap3A_537], %sub3A_532 {strides = array<i32>} : memref<3x4736xf32, #tpu.memory_space<vmem>>, vector<16xf32>,
      %add3A_539 = arith.constant 0 : i32
      %add3A_540 = arith.addi %add3A_420, %add3A_539 : i32
      %get3A_541 = arith.constant 1 : i32
      %get3A_542 = arith.index_cast %get3A_541 : i32 to index
      %get3A_543 = arith.index_cast %add3A_540 : i32 to index
      %get3A_544 = tpu.vector_load %arg9[%get3A_542, %get3A_543] {strides = array<i32>} : memref<5x4736xf32, #tpu.memory_space<vmem>>, vector<16xf32>,
      %add3A_545 = arith.constant 16 : i32
      %add3A_546 = arith.addi %add3A_420, %add3A_545 : i32
      %get3A_547 = arith.constant 1 : i32
      %get3A_548 = arith.index_cast %get3A_547 : i32 to index
      %get3A_549 = arith.index_cast %add3A_546 : i32 to index
      %get3A_550 = tpu.vector_load %arg9[%get3A_548, %get3A_549] {strides = array<i32>} : memref<5x4736xf32, #tpu.memory_space<vmem>>, vector<16xf32>,
      %add3A_551 = arith.constant 32 : i32
      %add3A_552 = arith.addi %add3A_420, %add3A_551 : i32
      %get3A_553 = arith.constant 1 : i32
      %get3A_554 = arith.index_cast %get3A_553 : i32 to index
      %get3A_555 = arith.index_cast %add3A_552 : i32 to index
      %get3A_556 = tpu.vector_load %arg9[%get3A_554, %get3A_555] {strides = array<i32>} : memref<5x4736xf32, #tpu.memory_space<vmem>>, vector<16xf32>,
      %add3A_557 = arith.constant 48 : i32
      %add3A_558 = arith.addi %add3A_420, %add3A_557 : i32
      %get3A_559 = arith.constant 1 : i32
      %get3A_560 = arith.index_cast %get3A_559 : i32 to index
      %get3A_561 = arith.index_cast %add3A_558 : i32 to index
      %get3A_562 = tpu.vector_load %arg9[%get3A_560, %get3A_561] {strides = array<i32>} : memref<5x4736xf32, #tpu.memory_space<vmem>>, vector<16xf32>,
      %add3A_563 = arith.constant 64 : i32
      %add3A_564 = arith.addi %add3A_420, %add3A_563 : i32
      %get3A_565 = arith.constant 1 : i32
      %get3A_566 = arith.index_cast %get3A_565 : i32 to index
      %get3A_567 = arith.index_cast %add3A_564 : i32 to index
      %get3A_568 = tpu.vector_load %arg9[%get3A_566, %get3A_567] {strides = array<i32>} : memref<5x4736xf32, #tpu.memory_space<vmem>>, vector<16xf32>,
      %add3A_569 = arith.constant 80 : i32
      %add3A_570 = arith.addi %add3A_420, %add3A_569 : i32
      %get3A_571 = arith.constant 1 : i32
      %get3A_572 = arith.index_cast %get3A_571 : i32 to index
      %get3A_573 = arith.index_cast %add3A_570 : i32 to index
      %get3A_574 = tpu.vector_load %arg9[%get3A_572, %get3A_573] {strides = array<i32>} : memref<5x4736xf32, #tpu.memory_space<vmem>>, vector<16xf32>,
      %add3A_575 = arith.constant 96 : i32
      %add3A_576 = arith.addi %add3A_420, %add3A_575 : i32
      %get3A_577 = arith.constant 1 : i32
      %get3A_578 = arith.index_cast %get3A_577 : i32 to index
      %get3A_579 = arith.index_cast %add3A_576 : i32 to index
      %get3A_580 = tpu.vector_load %arg9[%get3A_578, %get3A_579] {strides = array<i32>} : memref<5x4736xf32, #tpu.memory_space<vmem>>, vector<16xf32>,
      %add3A_581 = arith.constant 112 : i32
      %add3A_582 = arith.addi %add3A_420, %add3A_581 : i32
      %get3A_583 = arith.constant 1 : i32
      %get3A_584 = arith.index_cast %get3A_583 : i32 to index
      %get3A_585 = arith.index_cast %add3A_582 : i32 to index
      %get3A_586 = tpu.vector_load %arg9[%get3A_584, %get3A_585] {strides = array<i32>} : memref<5x4736xf32, #tpu.memory_space<vmem>>, vector<16xf32>,
      %sub3A_587 = arith.constant -5.120000e+01 : f32
      %sub3A_588 = vector.broadcast %sub3A_587 : f32 to vector<16xf32>
      %sub3A_589 = arith.subf %get3A_544, %sub3A_588 : vector<16xf32>
      %add3A_590 = arith.constant 0 : i32
      %add3A_591 = arith.addi %mul3A_418, %add3A_590 : i32
      %swap3A_592 = arith.constant 1 : i32
      %swap3A_593 = arith.index_cast %swap3A_592 : i32 to index
      %swap3A_594 = arith.index_cast %add3A_591 : i32 to index
      %swap3A_595 = tpu.vector_load %arg11[%swap3A_593, %swap3A_594] {strides = array<i32>} : memref<3x4736xf32, #tpu.memory_space<vmem>>, vector<16xf32>,
      tpu.vector_store %arg11[%swap3A_593, %swap3A_594], %sub3A_589 {strides = array<i32>} : memref<3x4736xf32, #tpu.memory_space<vmem>>, vector<16xf32>,
      %sub3A_596 = arith.constant -5.120000e+01 : f32
      %sub3A_597 = vector.broadcast %sub3A_596 : f32 to vector<16xf32>
      %sub3A_598 = arith.subf %get3A_550, %sub3A_597 : vector<16xf32>
      %add3A_599 = arith.constant 16 : i32
      %add3A_600 = arith.addi %mul3A_418, %add3A_599 : i32
      %swap3A_601 = arith.constant 1 : i32
      %swap3A_602 = arith.index_cast %swap3A_601 : i32 to index
      %swap3A_603 = arith.index_cast %add3A_600 : i32 to index
      %swap3A_604 = tpu.vector_load %arg11[%swap3A_602, %swap3A_603] {strides = array<i32>} : memref<3x4736xf32, #tpu.memory_space<vmem>>, vector<16xf32>,
      tpu.vector_store %arg11[%swap3A_602, %swap3A_603], %sub3A_598 {strides = array<i32>} : memref<3x4736xf32, #tpu.memory_space<vmem>>, vector<16xf32>,
      %sub3A_605 = arith.constant -5.120000e+01 : f32
      %sub3A_606 = vector.broadcast %sub3A_605 : f32 to vector<16xf32>
      %sub3A_607 = arith.subf %get3A_556, %sub3A_606 : vector<16xf32>
      %add3A_608 = arith.constant 32 : i32
      %add3A_609 = arith.addi %mul3A_418, %add3A_608 : i32
      %swap3A_610 = arith.constant 1 : i32
      %swap3A_611 = arith.index_cast %swap3A_610 : i32 to index
      %swap3A_612 = arith.index_cast %add3A_609 : i32 to index
      %swap3A_613 = tpu.vector_load %arg11[%swap3A_611, %swap3A_612] {strides = array<i32>} : memref<3x4736xf32, #tpu.memory_space<vmem>>, vector<16xf32>,
      tpu.vector_store %arg11[%swap3A_611, %swap3A_612], %sub3A_607 {strides = array<i32>} : memref<3x4736xf32, #tpu.memory_space<vmem>>, vector<16xf32>,
      %sub3A_614 = arith.constant -5.120000e+01 : f32
      %sub3A_615 = vector.broadcast %sub3A_614 : f32 to vector<16xf32>
      %sub3A_616 = arith.subf %get3A_562, %sub3A_615 : vector<16xf32>
      %add3A_617 = arith.constant 48 : i32
      %add3A_618 = arith.addi %mul3A_418, %add3A_617 : i32
      %swap3A_619 = arith.constant 1 : i32
      %swap3A_620 = arith.index_cast %swap3A_619 : i32 to index
      %swap3A_621 = arith.index_cast %add3A_618 : i32 to index
      %swap3A_622 = tpu.vector_load %arg11[%swap3A_620, %swap3A_621] {strides = array<i32>} : memref<3x4736xf32, #tpu.memory_space<vmem>>, vector<16xf32>,
      tpu.vector_store %arg11[%swap3A_620, %swap3A_621], %sub3A_616 {strides = array<i32>} : memref<3x4736xf32, #tpu.memory_space<vmem>>, vector<16xf32>,
      %sub3A_623 = arith.constant -5.120000e+01 : f32
      %sub3A_624 = vector.broadcast %sub3A_623 : f32 to vector<16xf32>
      %sub3A_625 = arith.subf %get3A_568, %sub3A_624 : vector<16xf32>
      %add3A_626 = arith.constant 64 : i32
      %add3A_627 = arith.addi %mul3A_418, %add3A_626 : i32
      %swap3A_628 = arith.constant 1 : i32
      %swap3A_629 = arith.index_cast %swap3A_628 : i32 to index
      %swap3A_630 = arith.index_cast %add3A_627 : i32 to index
      %swap3A_631 = tpu.vector_load %arg11[%swap3A_629, %swap3A_630] {strides = array<i32>} : memref<3x4736xf32, #tpu.memory_space<vmem>>, vector<16xf32>,
      tpu.vector_store %arg11[%swap3A_629, %swap3A_630], %sub3A_625 {strides = array<i32>} : memref<3x4736xf32, #tpu.memory_space<vmem>>, vector<16xf32>,
      %sub3A_632 = arith.constant -5.120000e+01 : f32
      %sub3A_633 = vector.broadcast %sub3A_632 : f32 to vector<16xf32>
      %sub3A_634 = arith.subf %get3A_574, %sub3A_633 : vector<16xf32>
      %add3A_635 = arith.constant 80 : i32
      %add3A_636 = arith.addi %mul3A_418, %add3A_635 : i32
      %swap3A_637 = arith.constant 1 : i32
      %swap3A_638 = arith.index_cast %swap3A_637 : i32 to index
      %swap3A_639 = arith.index_cast %add3A_636 : i32 to index
      %swap3A_640 = tpu.vector_load %arg11[%swap3A_638, %swap3A_639] {strides = array<i32>} : memref<3x4736xf32, #tpu.memory_space<vmem>>, vector<16xf32>,
      tpu.vector_store %arg11[%swap3A_638, %swap3A_639], %sub3A_634 {strides = array<i32>} : memref<3x4736xf32, #tpu.memory_space<vmem>>, vector<16xf32>,
      %sub3A_641 = arith.constant -5.120000e+01 : f32
      %sub3A_642 = vector.broadcast %sub3A_641 : f32 to vector<16xf32>
      %sub3A_643 = arith.subf %get3A_580, %sub3A_642 : vector<16xf32>
      %add3A_644 = arith.constant 96 : i32
      %add3A_645 = arith.addi %mul3A_418, %add3A_644 : i32
      %swap3A_646 = arith.constant 1 : i32
      %swap3A_647 = arith.index_cast %swap3A_646 : i32 to index
      %swap3A_648 = arith.index_cast %add3A_645 : i32 to index
      %swap3A_649 = tpu.vector_load %arg11[%swap3A_647, %swap3A_648] {strides = array<i32>} : memref<3x4736xf32, #tpu.memory_space<vmem>>, vector<16xf32>,
      tpu.vector_store %arg11[%swap3A_647, %swap3A_648], %sub3A_643 {strides = array<i32>} : memref<3x4736xf32, #tpu.memory_space<vmem>>, vector<16xf32>,
      %sub3A_650 = arith.constant -5.120000e+01 : f32
      %sub3A_651 = vector.broadcast %sub3A_650 : f32 to vector<16xf32>
      %sub3A_652 = arith.subf %get3A_586, %sub3A_651 : vector<16xf32>
      %add3A_653 = arith.constant 112 : i32
      %add3A_654 = arith.addi %mul3A_418, %add3A_653 : i32
      %swap3A_655 = arith.constant 1 : i32
      %swap3A_656 = arith.index_cast %swap3A_655 : i32 to index
      %swap3A_657 = arith.index_cast %add3A_654 : i32 to index
      %swap3A_658 = tpu.vector_load %arg11[%swap3A_656, %swap3A_657] {strides = array<i32>} : memref<3x4736xf32, #tpu.memory_space<vmem>>, vector<16xf32>,
      tpu.vector_store %arg11[%swap3A_656, %swap3A_657], %sub3A_652 {strides = array<i32>} : memref<3x4736xf32, #tpu.memory_space<vmem>>, vector<16xf32>,
      %add3A_659 = arith.constant 0 : i32
      %add3A_660 = arith.addi %add3A_420, %add3A_659 : i32
      %get3A_661 = arith.constant 2 : i32
      %get3A_662 = arith.index_cast %get3A_661 : i32 to index
      %get3A_663 = arith.index_cast %add3A_660 : i32 to index
      %get3A_664 = tpu.vector_load %arg9[%get3A_662, %get3A_663] {strides = array<i32>} : memref<5x4736xf32, #tpu.memory_space<vmem>>, vector<16xf32>,
      %add3A_665 = arith.constant 16 : i32
      %add3A_666 = arith.addi %add3A_420, %add3A_665 : i32
      %get3A_667 = arith.constant 2 : i32
      %get3A_668 = arith.index_cast %get3A_667 : i32 to index
      %get3A_669 = arith.index_cast %add3A_666 : i32 to index
      %get3A_670 = tpu.vector_load %arg9[%get3A_668, %get3A_669] {strides = array<i32>} : memref<5x4736xf32, #tpu.memory_space<vmem>>, vector<16xf32>,
      %add3A_671 = arith.constant 32 : i32
      %add3A_672 = arith.addi %add3A_420, %add3A_671 : i32
      %get3A_673 = arith.constant 2 : i32
      %get3A_674 = arith.index_cast %get3A_673 : i32 to index
      %get3A_675 = arith.index_cast %add3A_672 : i32 to index
      %get3A_676 = tpu.vector_load %arg9[%get3A_674, %get3A_675] {strides = array<i32>} : memref<5x4736xf32, #tpu.memory_space<vmem>>, vector<16xf32>,
      %add3A_677 = arith.constant 48 : i32
      %add3A_678 = arith.addi %add3A_420, %add3A_677 : i32
      %get3A_679 = arith.constant 2 : i32
      %get3A_680 = arith.index_cast %get3A_679 : i32 to index
      %get3A_681 = arith.index_cast %add3A_678 : i32 to index
      %get3A_682 = tpu.vector_load %arg9[%get3A_680, %get3A_681] {strides = array<i32>} : memref<5x4736xf32, #tpu.memory_space<vmem>>, vector<16xf32>,
      %add3A_683 = arith.constant 64 : i32
      %add3A_684 = arith.addi %add3A_420, %add3A_683 : i32
      %get3A_685 = arith.constant 2 : i32
      %get3A_686 = arith.index_cast %get3A_685 : i32 to index
      %get3A_687 = arith.index_cast %add3A_684 : i32 to index
      %get3A_688 = tpu.vector_load %arg9[%get3A_686, %get3A_687] {strides = array<i32>} : memref<5x4736xf32, #tpu.memory_space<vmem>>, vector<16xf32>,
      %add3A_689 = arith.constant 80 : i32
      %add3A_690 = arith.addi %add3A_420, %add3A_689 : i32
      %get3A_691 = arith.constant 2 : i32
      %get3A_692 = arith.index_cast %get3A_691 : i32 to index
      %get3A_693 = arith.index_cast %add3A_690 : i32 to index
      %get3A_694 = tpu.vector_load %arg9[%get3A_692, %get3A_693] {strides = array<i32>} : memref<5x4736xf32, #tpu.memory_space<vmem>>, vector<16xf32>,
      %add3A_695 = arith.constant 96 : i32
      %add3A_696 = arith.addi %add3A_420, %add3A_695 : i32
      %get3A_697 = arith.constant 2 : i32
      %get3A_698 = arith.index_cast %get3A_697 : i32 to index
      %get3A_699 = arith.index_cast %add3A_696 : i32 to index
      %get3A_700 = tpu.vector_load %arg9[%get3A_698, %get3A_699] {strides = array<i32>} : memref<5x4736xf32, #tpu.memory_space<vmem>>, vector<16xf32>,
      %add3A_701 = arith.constant 112 : i32
      %add3A_702 = arith.addi %add3A_420, %add3A_701 : i32
      %get3A_703 = arith.constant 2 : i32
      %get3A_704 = arith.index_cast %get3A_703 : i32 to index
      %get3A_705 = arith.index_cast %add3A_702 : i32 to index
      %get3A_706 = tpu.vector_load %arg9[%get3A_704, %get3A_705] {strides = array<i32>} : memref<5x4736xf32, #tpu.memory_space<vmem>>, vector<16xf32>,
      %sub3A_707 = arith.constant -5.000000e+00 : f32
      %sub3A_708 = vector.broadcast %sub3A_707 : f32 to vector<16xf32>
      %sub3A_709 = arith.subf %get3A_664, %sub3A_708 : vector<16xf32>
      %add3A_710 = arith.constant 0 : i32
      %add3A_711 = arith.addi %mul3A_418, %add3A_710 : i32
      %swap3A_712 = arith.constant 2 : i32
      %swap3A_713 = arith.index_cast %swap3A_712 : i32 to index
      %swap3A_714 = arith.index_cast %add3A_711 : i32 to index
      %swap3A_715 = tpu.vector_load %arg11[%swap3A_713, %swap3A_714] {strides = array<i32>} : memref<3x4736xf32, #tpu.memory_space<vmem>>, vector<16xf32>,
      tpu.vector_store %arg11[%swap3A_713, %swap3A_714], %sub3A_709 {strides = array<i32>} : memref<3x4736xf32, #tpu.memory_space<vmem>>, vector<16xf32>,
      %sub3A_716 = arith.constant -5.000000e+00 : f32
      %sub3A_717 = vector.broadcast %sub3A_716 : f32 to vector<16xf32>
      %sub3A_718 = arith.subf %get3A_670, %sub3A_717 : vector<16xf32>
      %add3A_719 = arith.constant 16 : i32
      %add3A_720 = arith.addi %mul3A_418, %add3A_719 : i32
      %swap3A_721 = arith.constant 2 : i32
      %swap3A_722 = arith.index_cast %swap3A_721 : i32 to index
      %swap3A_723 = arith.index_cast %add3A_720 : i32 to index
      %swap3A_724 = tpu.vector_load %arg11[%swap3A_722, %swap3A_723] {strides = array<i32>} : memref<3x4736xf32, #tpu.memory_space<vmem>>, vector<16xf32>,
      tpu.vector_store %arg11[%swap3A_722, %swap3A_723], %sub3A_718 {strides = array<i32>} : memref<3x4736xf32, #tpu.memory_space<vmem>>, vector<16xf32>,
      %sub3A_725 = arith.constant -5.000000e+00 : f32
      %sub3A_726 = vector.broadcast %sub3A_725 : f32 to vector<16xf32>
      %sub3A_727 = arith.subf %get3A_676, %sub3A_726 : vector<16xf32>
      %add3A_728 = arith.constant 32 : i32
      %add3A_729 = arith.addi %mul3A_418, %add3A_728 : i32
      %swap3A_730 = arith.constant 2 : i32
      %swap3A_731 = arith.index_cast %swap3A_730 : i32 to index
      %swap3A_732 = arith.index_cast %add3A_729 : i32 to index
      %swap3A_733 = tpu.vector_load %arg11[%swap3A_731, %swap3A_732] {strides = array<i32>} : memref<3x4736xf32, #tpu.memory_space<vmem>>, vector<16xf32>,
      tpu.vector_store %arg11[%swap3A_731, %swap3A_732], %sub3A_727 {strides = array<i32>} : memref<3x4736xf32, #tpu.memory_space<vmem>>, vector<16xf32>,
      %sub3A_734 = arith.constant -5.000000e+00 : f32
      %sub3A_735 = vector.broadcast %sub3A_734 : f32 to vector<16xf32>
      %sub3A_736 = arith.subf %get3A_682, %sub3A_735 : vector<16xf32>
      %add3A_737 = arith.constant 48 : i32
      %add3A_738 = arith.addi %mul3A_418, %add3A_737 : i32
      %swap3A_739 = arith.constant 2 : i32
      %swap3A_740 = arith.index_cast %swap3A_739 : i32 to index
      %swap3A_741 = arith.index_cast %add3A_738 : i32 to index
      %swap3A_742 = tpu.vector_load %arg11[%swap3A_740, %swap3A_741] {strides = array<i32>} : memref<3x4736xf32, #tpu.memory_space<vmem>>, vector<16xf32>,
      tpu.vector_store %arg11[%swap3A_740, %swap3A_741], %sub3A_736 {strides = array<i32>} : memref<3x4736xf32, #tpu.memory_space<vmem>>, vector<16xf32>,
      %sub3A_743 = arith.constant -5.000000e+00 : f32
      %sub3A_744 = vector.broadcast %sub3A_743 : f32 to vector<16xf32>
      %sub3A_745 = arith.subf %get3A_688, %sub3A_744 : vector<16xf32>
      %add3A_746 = arith.constant 64 : i32
      %add3A_747 = arith.addi %mul3A_418, %add3A_746 : i32
      %swap3A_748 = arith.constant 2 : i32
      %swap3A_749 = arith.index_cast %swap3A_748 : i32 to index
      %swap3A_750 = arith.index_cast %add3A_747 : i32 to index
      %swap3A_751 = tpu.vector_load %arg11[%swap3A_749, %swap3A_750] {strides = array<i32>} : memref<3x4736xf32, #tpu.memory_space<vmem>>, vector<16xf32>,
      tpu.vector_store %arg11[%swap3A_749, %swap3A_750], %sub3A_745 {strides = array<i32>} : memref<3x4736xf32, #tpu.memory_space<vmem>>, vector<16xf32>,
      %sub3A_752 = arith.constant -5.000000e+00 : f32
      %sub3A_753 = vector.broadcast %sub3A_752 : f32 to vector<16xf32>
      %sub3A_754 = arith.subf %get3A_694, %sub3A_753 : vector<16xf32>
      %add3A_755 = arith.constant 80 : i32
      %add3A_756 = arith.addi %mul3A_418, %add3A_755 : i32
      %swap3A_757 = arith.constant 2 : i32
      %swap3A_758 = arith.index_cast %swap3A_757 : i32 to index
      %swap3A_759 = arith.index_cast %add3A_756 : i32 to index
      %swap3A_760 = tpu.vector_load %arg11[%swap3A_758, %swap3A_759] {strides = array<i32>} : memref<3x4736xf32, #tpu.memory_space<vmem>>, vector<16xf32>,
      tpu.vector_store %arg11[%swap3A_758, %swap3A_759], %sub3A_754 {strides = array<i32>} : memref<3x4736xf32, #tpu.memory_space<vmem>>, vector<16xf32>,
      %sub3A_761 = arith.constant -5.000000e+00 : f32
      %sub3A_762 = vector.broadcast %sub3A_761 : f32 to vector<16xf32>
      %sub3A_763 = arith.subf %get3A_700, %sub3A_762 : vector<16xf32>
      %add3A_764 = arith.constant 96 : i32
      %add3A_765 = arith.addi %mul3A_418, %add3A_764 : i32
      %swap3A_766 = arith.constant 2 : i32
      %swap3A_767 = arith.index_cast %swap3A_766 : i32 to index
      %swap3A_768 = arith.index_cast %add3A_765 : i32 to index
      %swap3A_769 = tpu.vector_load %arg11[%swap3A_767, %swap3A_768] {strides = array<i32>} : memref<3x4736xf32, #tpu.memory_space<vmem>>, vector<16xf32>,
      tpu.vector_store %arg11[%swap3A_767, %swap3A_768], %sub3A_763 {strides = array<i32>} : memref<3x4736xf32, #tpu.memory_space<vmem>>, vector<16xf32>,
      %sub3A_770 = arith.constant -5.000000e+00 : f32
      %sub3A_771 = vector.broadcast %sub3A_770 : f32 to vector<16xf32>
      %sub3A_772 = arith.subf %get3A_706, %sub3A_771 : vector<16xf32>
      %add3A_773 = arith.constant 112 : i32
      %add3A_774 = arith.addi %mul3A_418, %add3A_773 : i32
      %swap3A_775 = arith.constant 2 : i32
      %swap3A_776 = arith.index_cast %swap3A_775 : i32 to index
      %swap3A_777 = arith.index_cast %add3A_774 : i32 to index
      %swap3A_778 = tpu.vector_load %arg11[%swap3A_776, %swap3A_777] {strides = array<i32>} : memref<3x4736xf32, #tpu.memory_space<vmem>>, vector<16xf32>,
      tpu.vector_store %arg11[%swap3A_776, %swap3A_777], %sub3A_772 {strides = array<i32>} : memref<3x4736xf32, #tpu.memory_space<vmem>>, vector<16xf32>,
      %add3A_779 = arith.constant 0 : i32
      %add3A_780 = arith.addi %add3A_420, %add3A_779 : i32
      %get3A_781 = arith.constant 3 : i32
      %get3A_782 = arith.index_cast %get3A_781 : i32 to index
      %get3A_783 = arith.index_cast %add3A_780 : i32 to index
      %get3A_784 = tpu.vector_load %arg9[%get3A_782, %get3A_783] {strides = array<i32>} : memref<5x4736xf32, #tpu.memory_space<vmem>>, vector<16xf32>,
      %add3A_785 = arith.constant 16 : i32
      %add3A_786 = arith.addi %add3A_420, %add3A_785 : i32
      %get3A_787 = arith.constant 3 : i32
      %get3A_788 = arith.index_cast %get3A_787 : i32 to index
      %get3A_789 = arith.index_cast %add3A_786 : i32 to index
      %get3A_790 = tpu.vector_load %arg9[%get3A_788, %get3A_789] {strides = array<i32>} : memref<5x4736xf32, #tpu.memory_space<vmem>>, vector<16xf32>,
      %add3A_791 = arith.constant 32 : i32
      %add3A_792 = arith.addi %add3A_420, %add3A_791 : i32
      %get3A_793 = arith.constant 3 : i32
      %get3A_794 = arith.index_cast %get3A_793 : i32 to index
      %get3A_795 = arith.index_cast %add3A_792 : i32 to index
      %get3A_796 = tpu.vector_load %arg9[%get3A_794, %get3A_795] {strides = array<i32>} : memref<5x4736xf32, #tpu.memory_space<vmem>>, vector<16xf32>,
      %add3A_797 = arith.constant 48 : i32
      %add3A_798 = arith.addi %add3A_420, %add3A_797 : i32
      %get3A_799 = arith.constant 3 : i32
      %get3A_800 = arith.index_cast %get3A_799 : i32 to index
      %get3A_801 = arith.index_cast %add3A_798 : i32 to index
      %get3A_802 = tpu.vector_load %arg9[%get3A_800, %get3A_801] {strides = array<i32>} : memref<5x4736xf32, #tpu.memory_space<vmem>>, vector<16xf32>,
      %add3A_803 = arith.constant 64 : i32
      %add3A_804 = arith.addi %add3A_420, %add3A_803 : i32
      %get3A_805 = arith.constant 3 : i32
      %get3A_806 = arith.index_cast %get3A_805 : i32 to index
      %get3A_807 = arith.index_cast %add3A_804 : i32 to index
      %get3A_808 = tpu.vector_load %arg9[%get3A_806, %get3A_807] {strides = array<i32>} : memref<5x4736xf32, #tpu.memory_space<vmem>>, vector<16xf32>,
      %add3A_809 = arith.constant 80 : i32
      %add3A_810 = arith.addi %add3A_420, %add3A_809 : i32
      %get3A_811 = arith.constant 3 : i32
      %get3A_812 = arith.index_cast %get3A_811 : i32 to index
      %get3A_813 = arith.index_cast %add3A_810 : i32 to index
      %get3A_814 = tpu.vector_load %arg9[%get3A_812, %get3A_813] {strides = array<i32>} : memref<5x4736xf32, #tpu.memory_space<vmem>>, vector<16xf32>,
      %add3A_815 = arith.constant 96 : i32
      %add3A_816 = arith.addi %add3A_420, %add3A_815 : i32
      %get3A_817 = arith.constant 3 : i32
      %get3A_818 = arith.index_cast %get3A_817 : i32 to index
      %get3A_819 = arith.index_cast %add3A_816 : i32 to index
      %get3A_820 = tpu.vector_load %arg9[%get3A_818, %get3A_819] {strides = array<i32>} : memref<5x4736xf32, #tpu.memory_space<vmem>>, vector<16xf32>,
      %add3A_821 = arith.constant 112 : i32
      %add3A_822 = arith.addi %add3A_420, %add3A_821 : i32
      %get3A_823 = arith.constant 3 : i32
      %get3A_824 = arith.index_cast %get3A_823 : i32 to index
      %get3A_825 = arith.index_cast %add3A_822 : i32 to index
      %get3A_826 = tpu.vector_load %arg9[%get3A_824, %get3A_825] {strides = array<i32>} : memref<5x4736xf32, #tpu.memory_space<vmem>>, vector<16xf32>,
      %add3A_827 = arith.constant 0 : i32
      %add3A_828 = arith.addi %mul3A_418, %add3A_827 : i32
      %swap3A_829 = arith.constant 0 : i32
      %swap3A_830 = arith.index_cast %swap3A_829 : i32 to index
      %swap3A_831 = arith.index_cast %add3A_828 : i32 to index
      %swap3A_832 = tpu.vector_load %arg13[%swap3A_830, %swap3A_831] {strides = array<i32>} : memref<2x4736xf32, #tpu.memory_space<vmem>>, vector<16xf32>,
      tpu.vector_store %arg13[%swap3A_830, %swap3A_831], %get3A_784 {strides = array<i32>} : memref<2x4736xf32, #tpu.memory_space<vmem>>, vector<16xf32>,
      %add3A_833 = arith.constant 16 : i32
      %add3A_834 = arith.addi %mul3A_418, %add3A_833 : i32
      %swap3A_835 = arith.constant 0 : i32
      %swap3A_836 = arith.index_cast %swap3A_835 : i32 to index
      %swap3A_837 = arith.index_cast %add3A_834 : i32 to index
      %swap3A_838 = tpu.vector_load %arg13[%swap3A_836, %swap3A_837] {strides = array<i32>} : memref<2x4736xf32, #tpu.memory_space<vmem>>, vector<16xf32>,
      tpu.vector_store %arg13[%swap3A_836, %swap3A_837], %get3A_790 {strides = array<i32>} : memref<2x4736xf32, #tpu.memory_space<vmem>>, vector<16xf32>,
      %add3A_839 = arith.constant 32 : i32
      %add3A_840 = arith.addi %mul3A_418, %add3A_839 : i32
      %swap3A_841 = arith.constant 0 : i32
      %swap3A_842 = arith.index_cast %swap3A_841 : i32 to index
      %swap3A_843 = arith.index_cast %add3A_840 : i32 to index
      %swap3A_844 = tpu.vector_load %arg13[%swap3A_842, %swap3A_843] {strides = array<i32>} : memref<2x4736xf32, #tpu.memory_space<vmem>>, vector<16xf32>,
      tpu.vector_store %arg13[%swap3A_842, %swap3A_843], %get3A_796 {strides = array<i32>} : memref<2x4736xf32, #tpu.memory_space<vmem>>, vector<16xf32>,
      %add3A_845 = arith.constant 48 : i32
      %add3A_846 = arith.addi %mul3A_418, %add3A_845 : i32
      %swap3A_847 = arith.constant 0 : i32
      %swap3A_848 = arith.index_cast %swap3A_847 : i32 to index
      %swap3A_849 = arith.index_cast %add3A_846 : i32 to index
      %swap3A_850 = tpu.vector_load %arg13[%swap3A_848, %swap3A_849] {strides = array<i32>} : memref<2x4736xf32, #tpu.memory_space<vmem>>, vector<16xf32>,
      tpu.vector_store %arg13[%swap3A_848, %swap3A_849], %get3A_802 {strides = array<i32>} : memref<2x4736xf32, #tpu.memory_space<vmem>>, vector<16xf32>,
      %add3A_851 = arith.constant 64 : i32
      %add3A_852 = arith.addi %mul3A_418, %add3A_851 : i32
      %swap3A_853 = arith.constant 0 : i32
      %swap3A_854 = arith.index_cast %swap3A_853 : i32 to index
      %swap3A_855 = arith.index_cast %add3A_852 : i32 to index
      %swap3A_856 = tpu.vector_load %arg13[%swap3A_854, %swap3A_855] {strides = array<i32>} : memref<2x4736xf32, #tpu.memory_space<vmem>>, vector<16xf32>,
      tpu.vector_store %arg13[%swap3A_854, %swap3A_855], %get3A_808 {strides = array<i32>} : memref<2x4736xf32, #tpu.memory_space<vmem>>, vector<16xf32>,
      %add3A_857 = arith.constant 80 : i32
      %add3A_858 = arith.addi %mul3A_418, %add3A_857 : i32
      %swap3A_859 = arith.constant 0 : i32
      %swap3A_860 = arith.index_cast %swap3A_859 : i32 to index
      %swap3A_861 = arith.index_cast %add3A_858 : i32 to index
      %swap3A_862 = tpu.vector_load %arg13[%swap3A_860, %swap3A_861] {strides = array<i32>} : memref<2x4736xf32, #tpu.memory_space<vmem>>, vector<16xf32>,
      tpu.vector_store %arg13[%swap3A_860, %swap3A_861], %get3A_814 {strides = array<i32>} : memref<2x4736xf32, #tpu.memory_space<vmem>>, vector<16xf32>,
      %add3A_863 = arith.constant 96 : i32
      %add3A_864 = arith.addi %mul3A_418, %add3A_863 : i32
      %swap3A_865 = arith.constant 0 : i32
      %swap3A_866 = arith.index_cast %swap3A_865 : i32 to index
      %swap3A_867 = arith.index_cast %add3A_864 : i32 to index
      %swap3A_868 = tpu.vector_load %arg13[%swap3A_866, %swap3A_867] {strides = array<i32>} : memref<2x4736xf32, #tpu.memory_space<vmem>>, vector<16xf32>,
      tpu.vector_store %arg13[%swap3A_866, %swap3A_867], %get3A_820 {strides = array<i32>} : memref<2x4736xf32, #tpu.memory_space<vmem>>, vector<16xf32>,
      %add3A_869 = arith.constant 112 : i32
      %add3A_870 = arith.addi %mul3A_418, %add3A_869 : i32
      %swap3A_871 = arith.constant 0 : i32
      %swap3A_872 = arith.index_cast %swap3A_871 : i32 to index
      %swap3A_873 = arith.index_cast %add3A_870 : i32 to index
      %swap3A_874 = tpu.vector_load %arg13[%swap3A_872, %swap3A_873] {strides = array<i32>} : memref<2x4736xf32, #tpu.memory_space<vmem>>, vector<16xf32>,
      tpu.vector_store %arg13[%swap3A_872, %swap3A_873], %get3A_826 {strides = array<i32>} : memref<2x4736xf32, #tpu.memory_space<vmem>>, vector<16xf32>,
      %add3A_875 = arith.constant 0 : i32
      %add3A_876 = arith.addi %add3A_420, %add3A_875 : i32
      %get3A_877 = arith.constant 4 : i32
      %get3A_878 = arith.index_cast %get3A_877 : i32 to index
      %get3A_879 = arith.index_cast %add3A_876 : i32 to index
      %get3A_880 = tpu.vector_load %arg9[%get3A_878, %get3A_879] {strides = array<i32>} : memref<5x4736xf32, #tpu.memory_space<vmem>>, vector<16xf32>,
      %add3A_881 = arith.constant 16 : i32
      %add3A_882 = arith.addi %add3A_420, %add3A_881 : i32
      %get3A_883 = arith.constant 4 : i32
      %get3A_884 = arith.index_cast %get3A_883 : i32 to index
      %get3A_885 = arith.index_cast %add3A_882 : i32 to index
      %get3A_886 = tpu.vector_load %arg9[%get3A_884, %get3A_885] {strides = array<i32>} : memref<5x4736xf32, #tpu.memory_space<vmem>>, vector<16xf32>,
      %add3A_887 = arith.constant 32 : i32
      %add3A_888 = arith.addi %add3A_420, %add3A_887 : i32
      %get3A_889 = arith.constant 4 : i32
      %get3A_890 = arith.index_cast %get3A_889 : i32 to index
      %get3A_891 = arith.index_cast %add3A_888 : i32 to index
      %get3A_892 = tpu.vector_load %arg9[%get3A_890, %get3A_891] {strides = array<i32>} : memref<5x4736xf32, #tpu.memory_space<vmem>>, vector<16xf32>,
      %add3A_893 = arith.constant 48 : i32
      %add3A_894 = arith.addi %add3A_420, %add3A_893 : i32
      %get3A_895 = arith.constant 4 : i32
      %get3A_896 = arith.index_cast %get3A_895 : i32 to index
      %get3A_897 = arith.index_cast %add3A_894 : i32 to index
      %get3A_898 = tpu.vector_load %arg9[%get3A_896, %get3A_897] {strides = array<i32>} : memref<5x4736xf32, #tpu.memory_space<vmem>>, vector<16xf32>,
      %add3A_899 = arith.constant 64 : i32
      %add3A_900 = arith.addi %add3A_420, %add3A_899 : i32
      %get3A_901 = arith.constant 4 : i32
      %get3A_902 = arith.index_cast %get3A_901 : i32 to index
      %get3A_903 = arith.index_cast %add3A_900 : i32 to index
      %get3A_904 = tpu.vector_load %arg9[%get3A_902, %get3A_903] {strides = array<i32>} : memref<5x4736xf32, #tpu.memory_space<vmem>>, vector<16xf32>,
      %add3A_905 = arith.constant 80 : i32
      %add3A_906 = arith.addi %add3A_420, %add3A_905 : i32
      %get3A_907 = arith.constant 4 : i32
      %get3A_908 = arith.index_cast %get3A_907 : i32 to index
      %get3A_909 = arith.index_cast %add3A_906 : i32 to index
      %get3A_910 = tpu.vector_load %arg9[%get3A_908, %get3A_909] {strides = array<i32>} : memref<5x4736xf32, #tpu.memory_space<vmem>>, vector<16xf32>,
      %add3A_911 = arith.constant 96 : i32
      %add3A_912 = arith.addi %add3A_420, %add3A_911 : i32
      %get3A_913 = arith.constant 4 : i32
      %get3A_914 = arith.index_cast %get3A_913 : i32 to index
      %get3A_915 = arith.index_cast %add3A_912 : i32 to index
      %get3A_916 = tpu.vector_load %arg9[%get3A_914, %get3A_915] {strides = array<i32>} : memref<5x4736xf32, #tpu.memory_space<vmem>>, vector<16xf32>,
      %add3A_917 = arith.constant 112 : i32
      %add3A_918 = arith.addi %add3A_420, %add3A_917 : i32
      %get3A_919 = arith.constant 4 : i32
      %get3A_920 = arith.index_cast %get3A_919 : i32 to index
      %get3A_921 = arith.index_cast %add3A_918 : i32 to index
      %get3A_922 = tpu.vector_load %arg9[%get3A_920, %get3A_921] {strides = array<i32>} : memref<5x4736xf32, #tpu.memory_space<vmem>>, vector<16xf32>,
      %add3A_923 = arith.constant 0 : i32
      %add3A_924 = arith.addi %mul3A_418, %add3A_923 : i32
      %swap3A_925 = arith.constant 1 : i32
      %swap3A_926 = arith.index_cast %swap3A_925 : i32 to index
      %swap3A_927 = arith.index_cast %add3A_924 : i32 to index
      %swap3A_928 = tpu.vector_load %arg13[%swap3A_926, %swap3A_927] {strides = array<i32>} : memref<2x4736xf32, #tpu.memory_space<vmem>>, vector<16xf32>,
      tpu.vector_store %arg13[%swap3A_926, %swap3A_927], %get3A_880 {strides = array<i32>} : memref<2x4736xf32, #tpu.memory_space<vmem>>, vector<16xf32>,
      %add3A_929 = arith.constant 16 : i32
      %add3A_930 = arith.addi %mul3A_418, %add3A_929 : i32
      %swap3A_931 = arith.constant 1 : i32
      %swap3A_932 = arith.index_cast %swap3A_931 : i32 to index
      %swap3A_933 = arith.index_cast %add3A_930 : i32 to index
      %swap3A_934 = tpu.vector_load %arg13[%swap3A_932, %swap3A_933] {strides = array<i32>} : memref<2x4736xf32, #tpu.memory_space<vmem>>, vector<16xf32>,
      tpu.vector_store %arg13[%swap3A_932, %swap3A_933], %get3A_886 {strides = array<i32>} : memref<2x4736xf32, #tpu.memory_space<vmem>>, vector<16xf32>,
      %add3A_935 = arith.constant 32 : i32
      %add3A_936 = arith.addi %mul3A_418, %add3A_935 : i32
      %swap3A_937 = arith.constant 1 : i32
      %swap3A_938 = arith.index_cast %swap3A_937 : i32 to index
      %swap3A_939 = arith.index_cast %add3A_936 : i32 to index
      %swap3A_940 = tpu.vector_load %arg13[%swap3A_938, %swap3A_939] {strides = array<i32>} : memref<2x4736xf32, #tpu.memory_space<vmem>>, vector<16xf32>,
      tpu.vector_store %arg13[%swap3A_938, %swap3A_939], %get3A_892 {strides = array<i32>} : memref<2x4736xf32, #tpu.memory_space<vmem>>, vector<16xf32>,
      %add3A_941 = arith.constant 48 : i32
      %add3A_942 = arith.addi %mul3A_418, %add3A_941 : i32
      %swap3A_943 = arith.constant 1 : i32
      %swap3A_944 = arith.index_cast %swap3A_943 : i32 to index
      %swap3A_945 = arith.index_cast %add3A_942 : i32 to index
      %swap3A_946 = tpu.vector_load %arg13[%swap3A_944, %swap3A_945] {strides = array<i32>} : memref<2x4736xf32, #tpu.memory_space<vmem>>, vector<16xf32>,
      tpu.vector_store %arg13[%swap3A_944, %swap3A_945], %get3A_898 {strides = array<i32>} : memref<2x4736xf32, #tpu.memory_space<vmem>>, vector<16xf32>,
      %add3A_947 = arith.constant 64 : i32
      %add3A_948 = arith.addi %mul3A_418, %add3A_947 : i32
      %swap3A_949 = arith.constant 1 : i32
      %swap3A_950 = arith.index_cast %swap3A_949 : i32 to index
      %swap3A_951 = arith.index_cast %add3A_948 : i32 to index
      %swap3A_952 = tpu.vector_load %arg13[%swap3A_950, %swap3A_951] {strides = array<i32>} : memref<2x4736xf32, #tpu.memory_space<vmem>>, vector<16xf32>,
      tpu.vector_store %arg13[%swap3A_950, %swap3A_951], %get3A_904 {strides = array<i32>} : memref<2x4736xf32, #tpu.memory_space<vmem>>, vector<16xf32>,
      %add3A_953 = arith.constant 80 : i32
      %add3A_954 = arith.addi %mul3A_418, %add3A_953 : i32
      %swap3A_955 = arith.constant 1 : i32
      %swap3A_956 = arith.index_cast %swap3A_955 : i32 to index
      %swap3A_957 = arith.index_cast %add3A_954 : i32 to index
      %swap3A_958 = tpu.vector_load %arg13[%swap3A_956, %swap3A_957] {strides = array<i32>} : memref<2x4736xf32, #tpu.memory_space<vmem>>, vector<16xf32>,
      tpu.vector_store %arg13[%swap3A_956, %swap3A_957], %get3A_910 {strides = array<i32>} : memref<2x4736xf32, #tpu.memory_space<vmem>>, vector<16xf32>,
      %add3A_959 = arith.constant 96 : i32
      %add3A_960 = arith.addi %mul3A_418, %add3A_959 : i32
      %swap3A_961 = arith.constant 1 : i32
      %swap3A_962 = arith.index_cast %swap3A_961 : i32 to index
      %swap3A_963 = arith.index_cast %add3A_960 : i32 to index
      %swap3A_964 = tpu.vector_load %arg13[%swap3A_962, %swap3A_963] {strides = array<i32>} : memref<2x4736xf32, #tpu.memory_space<vmem>>, vector<16xf32>,
      tpu.vector_store %arg13[%swap3A_962, %swap3A_963], %get3A_916 {strides = array<i32>} : memref<2x4736xf32, #tpu.memory_space<vmem>>, vector<16xf32>,
      %add3A_965 = arith.constant 112 : i32
      %add3A_966 = arith.addi %mul3A_418, %add3A_965 : i32
      %swap3A_967 = arith.constant 1 : i32
      %swap3A_968 = arith.index_cast %swap3A_967 : i32 to index
      %swap3A_969 = arith.index_cast %add3A_966 : i32 to index
      %swap3A_970 = tpu.vector_load %arg13[%swap3A_968, %swap3A_969] {strides = array<i32>} : memref<2x4736xf32, #tpu.memory_space<vmem>>, vector<16xf32>,
      tpu.vector_store %arg13[%swap3A_968, %swap3A_969], %get3A_922 {strides = array<i32>} : memref<2x4736xf32, #tpu.memory_space<vmem>>, vector<16xf32>,
      %scan3A_971 = arith.constant 0 : i32
      scf.yield %scan3A_971 : i32
    }
    %scan3A_139 = arith.constant 25 : i32
    %sub3A_140 = arith.constant 0 : i32
    %sub3A_141 = arith.subi %add3A_7, %sub3A_140 : i32
    %mul3A_142 = arith.constant 128 : i32
    %mul3A_143 = arith.muli %sub3A_141, %mul3A_142 : i32
    %multiple_of3A_144 = tpu.assume_multiple %mul3A_143, 128 : i32
    %dma_start3A_145 = arith.constant 0 : i32
    %dma_start3A_146 = arith.constant 0 : i32
    %dma_start3A_147 = tpu.memref_slice %arg9[%dma_start3A_145, %dma_start3A_146] : memref<5x4736xf32, #tpu.memory_space<vmem>> -> memref<5x4736xf32, #tpu.memory_space<vmem>>
    %dma_start3A_148 = arith.constant 0 : i32
    %dma_start3A_149 = tpu.memref_slice %arg2[%dma_start3A_148, %multiple_of3A_144] : memref<5x150000xf32, #tpu.memory_space<hbm>> -> memref<5x4736xf32, #tpu.memory_space<hbm>>
    %dma_start3A_150 = arith.constant 0 : i32
    %dma_start3A_151 = arith.constant 0 : i32
    %dma_start3A_152 = tpu.memref_slice %arg9[%dma_start3A_150, %dma_start3A_151] : memref<5x4736xf32, #tpu.memory_space<vmem>> -> memref<5x4736xf32, #tpu.memory_space<vmem>>
    %dma_start3A_153 = arith.constant 0 : i32
    %dma_start3A_154 = tpu.memref_slice %arg2[%dma_start3A_153, %multiple_of3A_144] : memref<5x150000xf32, #tpu.memory_space<hbm>> -> memref<5x4736xf32, #tpu.memory_space<hbm>>
    tpu.enqueue_dma source(%dma_start3A_154 : memref<5x4736xf32, #tpu.memory_space<hbm>>) target(%dma_start3A_152 : memref<5x4736xf32, #tpu.memory_space<vmem>>) target_semaphore(%arg18 : memref<!tpu.dma_semaphore, #tpu.memory_space<semaphore_mem>>)
    %add3A_155 = arith.constant 0 : i32
    %add3A_156 = arith.addi %multiple_of3A_132, %add3A_155 : i32
    %dma_start3A_157 = arith.constant 0 : i32
    %dma_start3A_158 = arith.constant 0 : i32
    %dma_start3A_159 = tpu.memref_slice %arg11[%dma_start3A_157, %dma_start3A_158] : memref<3x4736xf32, #tpu.memory_space<vmem>> -> memref<3x3200xf32, #tpu.memory_space<vmem>>
    %dma_start3A_160 = arith.constant 0 : i32
    %dma_start3A_161 = tpu.memref_slice %arg6[%dma_start3A_160, %add3A_156] : memref<3x450000xf32, #tpu.memory_space<hbm>> -> memref<3x3200xf32, #tpu.memory_space<hbm>>
    %dma_start3A_162 = arith.constant 0 : i32
    %dma_start3A_163 = tpu.memref_slice %arg6[%dma_start3A_162, %add3A_156] : memref<3x450000xf32, #tpu.memory_space<hbm>> -> memref<3x3200xf32, #tpu.memory_space<hbm>>
    %dma_start3A_164 = arith.constant 0 : i32
    %dma_start3A_165 = arith.constant 0 : i32
    %dma_start3A_166 = tpu.memref_slice %arg11[%dma_start3A_164, %dma_start3A_165] : memref<3x4736xf32, #tpu.memory_space<vmem>> -> memref<3x3200xf32, #tpu.memory_space<vmem>>
    tpu.enqueue_dma source(%dma_start3A_166 : memref<3x3200xf32, #tpu.memory_space<vmem>>) target(%dma_start3A_163 : memref<3x3200xf32, #tpu.memory_space<hbm>>) target_semaphore(%arg20 : memref<!tpu.dma_semaphore, #tpu.memory_space<semaphore_mem>>)
    %add3A_167 = arith.constant 0 : i32
    %add3A_168 = arith.addi %multiple_of3A_132, %add3A_167 : i32
    %dma_start3A_169 = arith.constant 0 : i32
    %dma_start3A_170 = arith.constant 0 : i32
    %dma_start3A_171 = tpu.memref_slice %arg13[%dma_start3A_169, %dma_start3A_170] : memref<2x4736xf32, #tpu.memory_space<vmem>> -> memref<2x3200xf32, #tpu.memory_space<vmem>>
    %dma_start3A_172 = arith.constant 0 : i32
    %dma_start3A_173 = tpu.memref_slice %arg7[%dma_start3A_172, %add3A_168] : memref<2x450000xf32, #tpu.memory_space<hbm>> -> memref<2x3200xf32, #tpu.memory_space<hbm>>
    %dma_start3A_174 = arith.constant 0 : i32
    %dma_start3A_175 = tpu.memref_slice %arg7[%dma_start3A_174, %add3A_168] : memref<2x450000xf32, #tpu.memory_space<hbm>> -> memref<2x3200xf32, #tpu.memory_space<hbm>>
    %dma_start3A_176 = arith.constant 0 : i32
    %dma_start3A_177 = arith.constant 0 : i32
    %dma_start3A_178 = tpu.memref_slice %arg13[%dma_start3A_176, %dma_start3A_177] : memref<2x4736xf32, #tpu.memory_space<vmem>> -> memref<2x3200xf32, #tpu.memory_space<vmem>>
    tpu.enqueue_dma source(%dma_start3A_178 : memref<2x3200xf32, #tpu.memory_space<vmem>>) target(%dma_start3A_175 : memref<2x3200xf32, #tpu.memory_space<hbm>>) target_semaphore(%arg22 : memref<!tpu.dma_semaphore, #tpu.memory_space<semaphore_mem>>)
    %dma_wait3A_179 = arith.constant 0 : i32
    %dma_wait3A_180 = arith.constant 0 : i32
    %dma_wait3A_181 = tpu.memref_slice %arg8[%dma_wait3A_179, %dma_wait3A_180] : memref<5x3968xf32, #tpu.memory_space<vmem>> -> memref<5x3968xf32, #tpu.memory_space<vmem>>
    %dma_wait3A_182 = arith.constant 0 : i32
    %dma_wait3A_183 = tpu.memref_slice %arg3[%dma_wait3A_182, %multiple_of3A_85] : memref<5x120000xf32, #tpu.memory_space<hbm>> -> memref<5x3968xf32, #tpu.memory_space<hbm>>
    %dma_wait3A_184 = arith.constant 0 : i32
    %dma_wait3A_185 = arith.constant 0 : i32
    %dma_wait3A_186 = tpu.memref_slice %arg8[%dma_wait3A_184, %dma_wait3A_185] : memref<5x3968xf32, #tpu.memory_space<vmem>> -> memref<5x3968xf32, #tpu.memory_space<vmem>>
    %dma_wait3A_187 = arith.constant 0 : i32
    %dma_wait3A_188 = tpu.memref_slice %arg3[%dma_wait3A_187, %multiple_of3A_85] : memref<5x120000xf32, #tpu.memory_space<hbm>> -> memref<5x3968xf32, #tpu.memory_space<hbm>>
    tpu.wait_dma2 semaphore(%arg17 : memref<!tpu.dma_semaphore, #tpu.memory_space<semaphore_mem>>) src(%dma_wait3A_188 : memref<5x3968xf32, #tpu.memory_space<hbm>>) dst(%dma_wait3A_186 : memref<5x3968xf32, #tpu.memory_space<vmem>>)
    %dma_wait3A_189 = arith.constant 0 : i32
    %dma_wait3A_190 = arith.constant 0 : i32
    %dma_wait3A_191 = tpu.memref_slice %arg10[%dma_wait3A_189, %dma_wait3A_190] : memref<3x3840xf32, #tpu.memory_space<vmem>> -> memref<3x2560xf32, #tpu.memory_space<vmem>>
    %dma_wait3A_192 = arith.constant 0 : i32
    %dma_wait3A_193 = tpu.memref_slice %arg6[%dma_wait3A_192, %add3A_97] : memref<3x450000xf32, #tpu.memory_space<hbm>> -> memref<3x2560xf32, #tpu.memory_space<hbm>>
    %dma_wait3A_194 = arith.constant 0 : i32
    %dma_wait3A_195 = tpu.memref_slice %arg6[%dma_wait3A_194, %add3A_97] : memref<3x450000xf32, #tpu.memory_space<hbm>> -> memref<3x2560xf32, #tpu.memory_space<hbm>>
    %dma_wait3A_196 = arith.constant 0 : i32
    %dma_wait3A_197 = arith.constant 0 : i32
    %dma_wait3A_198 = tpu.memref_slice %arg10[%dma_wait3A_196, %dma_wait3A_197] : memref<3x3840xf32, #tpu.memory_space<vmem>> -> memref<3x2560xf32, #tpu.memory_space<vmem>>
    tpu.wait_dma2 semaphore(%arg19 : memref<!tpu.dma_semaphore, #tpu.memory_space<semaphore_mem>>) src(%dma_wait3A_198 : memref<3x2560xf32, #tpu.memory_space<vmem>>) dst(%dma_wait3A_195 : memref<3x2560xf32, #tpu.memory_space<hbm>>)
    %dma_wait3A_199 = arith.constant 0 : i32
    %dma_wait3A_200 = arith.constant 0 : i32
    %dma_wait3A_201 = tpu.memref_slice %arg12[%dma_wait3A_199, %dma_wait3A_200] : memref<2x3840xf32, #tpu.memory_space<vmem>> -> memref<2x2560xf32, #tpu.memory_space<vmem>>
    %dma_wait3A_202 = arith.constant 0 : i32
    %dma_wait3A_203 = tpu.memref_slice %arg7[%dma_wait3A_202, %add3A_109] : memref<2x450000xf32, #tpu.memory_space<hbm>> -> memref<2x2560xf32, #tpu.memory_space<hbm>>
    %dma_wait3A_204 = arith.constant 0 : i32
    %dma_wait3A_205 = tpu.memref_slice %arg7[%dma_wait3A_204, %add3A_109] : memref<2x450000xf32, #tpu.memory_space<hbm>> -> memref<2x2560xf32, #tpu.memory_space<hbm>>
    %dma_wait3A_206 = arith.constant 0 : i32
    %dma_wait3A_207 = arith.constant 0 : i32
    %dma_wait3A_208 = tpu.memref_slice %arg12[%dma_wait3A_206, %dma_wait3A_207] : memref<2x3840xf32, #tpu.memory_space<vmem>> -> memref<2x2560xf32, #tpu.memory_space<vmem>>
    tpu.wait_dma2 semaphore(%arg21 : memref<!tpu.dma_semaphore, #tpu.memory_space<semaphore_mem>>) src(%dma_wait3A_208 : memref<2x2560xf32, #tpu.memory_space<vmem>>) dst(%dma_wait3A_205 : memref<2x2560xf32, #tpu.memory_space<hbm>>)
    %mul3A_209 = arith.constant 128 : i32
    %mul3A_210 = arith.muli %add3A_16, %mul3A_209 : i32
    %multiple_of3A_211 = tpu.assume_multiple %mul3A_210, 128 : i32
    %scan3A_212 = arith.constant 0 : i32
    %scan3A_213 = arith.constant 0 : i32
    %scan3A_214 = arith.constant 30 : i32
    %scan3A_215 = arith.addi %scan3A_213, %scan3A_214 : i32
    %scan3A_216 = arith.constant 1 : i32
    %scan3A_217 = scf.for %scan3A_415 = %scan3A_213 to %scan3A_215 step %scan3A_216 iter_args(%scan3A_416 = %scan3A_212) -> (i32)  : i32 {
      %mul3A_417 = arith.constant 128 : i32
      %mul3A_418 = arith.muli %scan3A_415, %mul3A_417 : i32
      %add3A_419 = arith.constant 16 : i32
      %add3A_420 = arith.addi %add3A_419, %mul3A_418 : i32
      %add3A_421 = arith.constant 0 : i32
      %add3A_422 = arith.addi %add3A_420, %add3A_421 : i32
      %get3A = arith.constant 0 : i32
      %get3A_423 = arith.index_cast %get3A : i32 to index
      %get3A_424 = arith.index_cast %add3A_422 : i32 to index
      %get3A_425 = tpu.vector_load %arg8[%get3A_423, %get3A_424] {strides = array<i32>} : memref<5x3968xf32, #tpu.memory_space<vmem>>, vector<16xf32>,
      %add3A_426 = arith.constant 16 : i32
      %add3A_427 = arith.addi %add3A_420, %add3A_426 : i32
      %get3A_428 = arith.constant 0 : i32
      %get3A_429 = arith.index_cast %get3A_428 : i32 to index
      %get3A_430 = arith.index_cast %add3A_427 : i32 to index
      %get3A_431 = tpu.vector_load %arg8[%get3A_429, %get3A_430] {strides = array<i32>} : memref<5x3968xf32, #tpu.memory_space<vmem>>, vector<16xf32>,
      %add3A_432 = arith.constant 32 : i32
      %add3A_433 = arith.addi %add3A_420, %add3A_432 : i32
      %get3A_434 = arith.constant 0 : i32
      %get3A_435 = arith.index_cast %get3A_434 : i32 to index
      %get3A_436 = arith.index_cast %add3A_433 : i32 to index
      %get3A_437 = tpu.vector_load %arg8[%get3A_435, %get3A_436] {strides = array<i32>} : memref<5x3968xf32, #tpu.memory_space<vmem>>, vector<16xf32>,
      %add3A_438 = arith.constant 48 : i32
      %add3A_439 = arith.addi %add3A_420, %add3A_438 : i32
      %get3A_440 = arith.constant 0 : i32
      %get3A_441 = arith.index_cast %get3A_440 : i32 to index
      %get3A_442 = arith.index_cast %add3A_439 : i32 to index
      %get3A_443 = tpu.vector_load %arg8[%get3A_441, %get3A_442] {strides = array<i32>} : memref<5x3968xf32, #tpu.memory_space<vmem>>, vector<16xf32>,
      %add3A_444 = arith.constant 64 : i32
      %add3A_445 = arith.addi %add3A_420, %add3A_444 : i32
      %get3A_446 = arith.constant 0 : i32
      %get3A_447 = arith.index_cast %get3A_446 : i32 to index
      %get3A_448 = arith.index_cast %add3A_445 : i32 to index
      %get3A_449 = tpu.vector_load %arg8[%get3A_447, %get3A_448] {strides = array<i32>} : memref<5x3968xf32, #tpu.memory_space<vmem>>, vector<16xf32>,
      %add3A_450 = arith.constant 80 : i32
      %add3A_451 = arith.addi %add3A_420, %add3A_450 : i32
      %get3A_452 = arith.constant 0 : i32
      %get3A_453 = arith.index_cast %get3A_452 : i32 to index
      %get3A_454 = arith.index_cast %add3A_451 : i32 to index
      %get3A_455 = tpu.vector_load %arg8[%get3A_453, %get3A_454] {strides = array<i32>} : memref<5x3968xf32, #tpu.memory_space<vmem>>, vector<16xf32>,
      %add3A_456 = arith.constant 96 : i32
      %add3A_457 = arith.addi %add3A_420, %add3A_456 : i32
      %get3A_458 = arith.constant 0 : i32
      %get3A_459 = arith.index_cast %get3A_458 : i32 to index
      %get3A_460 = arith.index_cast %add3A_457 : i32 to index
      %get3A_461 = tpu.vector_load %arg8[%get3A_459, %get3A_460] {strides = array<i32>} : memref<5x3968xf32, #tpu.memory_space<vmem>>, vector<16xf32>,
      %add3A_462 = arith.constant 112 : i32
      %add3A_463 = arith.addi %add3A_420, %add3A_462 : i32
      %get3A_464 = arith.constant 0 : i32
      %get3A_465 = arith.index_cast %get3A_464 : i32 to index
      %get3A_466 = arith.index_cast %add3A_463 : i32 to index
      %get3A_467 = tpu.vector_load %arg8[%get3A_465, %get3A_466] {strides = array<i32>} : memref<5x3968xf32, #tpu.memory_space<vmem>>, vector<16xf32>,
      %sub3A_468 = arith.constant -5.120000e+01 : f32
      %sub3A_469 = vector.broadcast %sub3A_468 : f32 to vector<16xf32>
      %sub3A_470 = arith.subf %get3A_425, %sub3A_469 : vector<16xf32>
      %add3A_471 = arith.constant 0 : i32
      %add3A_472 = arith.addi %mul3A_418, %add3A_471 : i32
      %swap3A = arith.constant 0 : i32
      %swap3A_473 = arith.index_cast %swap3A : i32 to index
      %swap3A_474 = arith.index_cast %add3A_472 : i32 to index
      %swap3A_475 = tpu.vector_load %arg10[%swap3A_473, %swap3A_474] {strides = array<i32>} : memref<3x3840xf32, #tpu.memory_space<vmem>>, vector<16xf32>,
      tpu.vector_store %arg10[%swap3A_473, %swap3A_474], %sub3A_470 {strides = array<i32>} : memref<3x3840xf32, #tpu.memory_space<vmem>>, vector<16xf32>,
      %sub3A_476 = arith.constant -5.120000e+01 : f32
      %sub3A_477 = vector.broadcast %sub3A_476 : f32 to vector<16xf32>
      %sub3A_478 = arith.subf %get3A_431, %sub3A_477 : vector<16xf32>
      %add3A_479 = arith.constant 16 : i32
      %add3A_480 = arith.addi %mul3A_418, %add3A_479 : i32
      %swap3A_481 = arith.constant 0 : i32
      %swap3A_482 = arith.index_cast %swap3A_481 : i32 to index
      %swap3A_483 = arith.index_cast %add3A_480 : i32 to index
      %swap3A_484 = tpu.vector_load %arg10[%swap3A_482, %swap3A_483] {strides = array<i32>} : memref<3x3840xf32, #tpu.memory_space<vmem>>, vector<16xf32>,
      tpu.vector_store %arg10[%swap3A_482, %swap3A_483], %sub3A_478 {strides = array<i32>} : memref<3x3840xf32, #tpu.memory_space<vmem>>, vector<16xf32>,
      %sub3A_485 = arith.constant -5.120000e+01 : f32
      %sub3A_486 = vector.broadcast %sub3A_485 : f32 to vector<16xf32>
      %sub3A_487 = arith.subf %get3A_437, %sub3A_486 : vector<16xf32>
      %add3A_488 = arith.constant 32 : i32
      %add3A_489 = arith.addi %mul3A_418, %add3A_488 : i32
      %swap3A_490 = arith.constant 0 : i32
      %swap3A_491 = arith.index_cast %swap3A_490 : i32 to index
      %swap3A_492 = arith.index_cast %add3A_489 : i32 to index
      %swap3A_493 = tpu.vector_load %arg10[%swap3A_491, %swap3A_492] {strides = array<i32>} : memref<3x3840xf32, #tpu.memory_space<vmem>>, vector<16xf32>,
      tpu.vector_store %arg10[%swap3A_491, %swap3A_492], %sub3A_487 {strides = array<i32>} : memref<3x3840xf32, #tpu.memory_space<vmem>>, vector<16xf32>,
      %sub3A_494 = arith.constant -5.120000e+01 : f32
      %sub3A_495 = vector.broadcast %sub3A_494 : f32 to vector<16xf32>
      %sub3A_496 = arith.subf %get3A_443, %sub3A_495 : vector<16xf32>
      %add3A_497 = arith.constant 48 : i32
      %add3A_498 = arith.addi %mul3A_418, %add3A_497 : i32
      %swap3A_499 = arith.constant 0 : i32
      %swap3A_500 = arith.index_cast %swap3A_499 : i32 to index
      %swap3A_501 = arith.index_cast %add3A_498 : i32 to index
      %swap3A_502 = tpu.vector_load %arg10[%swap3A_500, %swap3A_501] {strides = array<i32>} : memref<3x3840xf32, #tpu.memory_space<vmem>>, vector<16xf32>,
      tpu.vector_store %arg10[%swap3A_500, %swap3A_501], %sub3A_496 {strides = array<i32>} : memref<3x3840xf32, #tpu.memory_space<vmem>>, vector<16xf32>,
      %sub3A_503 = arith.constant -5.120000e+01 : f32
      %sub3A_504 = vector.broadcast %sub3A_503 : f32 to vector<16xf32>
      %sub3A_505 = arith.subf %get3A_449, %sub3A_504 : vector<16xf32>
      %add3A_506 = arith.constant 64 : i32
      %add3A_507 = arith.addi %mul3A_418, %add3A_506 : i32
      %swap3A_508 = arith.constant 0 : i32
      %swap3A_509 = arith.index_cast %swap3A_508 : i32 to index
      %swap3A_510 = arith.index_cast %add3A_507 : i32 to index
      %swap3A_511 = tpu.vector_load %arg10[%swap3A_509, %swap3A_510] {strides = array<i32>} : memref<3x3840xf32, #tpu.memory_space<vmem>>, vector<16xf32>,
      tpu.vector_store %arg10[%swap3A_509, %swap3A_510], %sub3A_505 {strides = array<i32>} : memref<3x3840xf32, #tpu.memory_space<vmem>>, vector<16xf32>,
      %sub3A_512 = arith.constant -5.120000e+01 : f32
      %sub3A_513 = vector.broadcast %sub3A_512 : f32 to vector<16xf32>
      %sub3A_514 = arith.subf %get3A_455, %sub3A_513 : vector<16xf32>
      %add3A_515 = arith.constant 80 : i32
      %add3A_516 = arith.addi %mul3A_418, %add3A_515 : i32
      %swap3A_517 = arith.constant 0 : i32
      %swap3A_518 = arith.index_cast %swap3A_517 : i32 to index
      %swap3A_519 = arith.index_cast %add3A_516 : i32 to index
      %swap3A_520 = tpu.vector_load %arg10[%swap3A_518, %swap3A_519] {strides = array<i32>} : memref<3x3840xf32, #tpu.memory_space<vmem>>, vector<16xf32>,
      tpu.vector_store %arg10[%swap3A_518, %swap3A_519], %sub3A_514 {strides = array<i32>} : memref<3x3840xf32, #tpu.memory_space<vmem>>, vector<16xf32>,
      %sub3A_521 = arith.constant -5.120000e+01 : f32
      %sub3A_522 = vector.broadcast %sub3A_521 : f32 to vector<16xf32>
      %sub3A_523 = arith.subf %get3A_461, %sub3A_522 : vector<16xf32>
      %add3A_524 = arith.constant 96 : i32
      %add3A_525 = arith.addi %mul3A_418, %add3A_524 : i32
      %swap3A_526 = arith.constant 0 : i32
      %swap3A_527 = arith.index_cast %swap3A_526 : i32 to index
      %swap3A_528 = arith.index_cast %add3A_525 : i32 to index
      %swap3A_529 = tpu.vector_load %arg10[%swap3A_527, %swap3A_528] {strides = array<i32>} : memref<3x3840xf32, #tpu.memory_space<vmem>>, vector<16xf32>,
      tpu.vector_store %arg10[%swap3A_527, %swap3A_528], %sub3A_523 {strides = array<i32>} : memref<3x3840xf32, #tpu.memory_space<vmem>>, vector<16xf32>,
      %sub3A_530 = arith.constant -5.120000e+01 : f32
      %sub3A_531 = vector.broadcast %sub3A_530 : f32 to vector<16xf32>
      %sub3A_532 = arith.subf %get3A_467, %sub3A_531 : vector<16xf32>
      %add3A_533 = arith.constant 112 : i32
      %add3A_534 = arith.addi %mul3A_418, %add3A_533 : i32
      %swap3A_535 = arith.constant 0 : i32
      %swap3A_536 = arith.index_cast %swap3A_535 : i32 to index
      %swap3A_537 = arith.index_cast %add3A_534 : i32 to index
      %swap3A_538 = tpu.vector_load %arg10[%swap3A_536, %swap3A_537] {strides = array<i32>} : memref<3x3840xf32, #tpu.memory_space<vmem>>, vector<16xf32>,
      tpu.vector_store %arg10[%swap3A_536, %swap3A_537], %sub3A_532 {strides = array<i32>} : memref<3x3840xf32, #tpu.memory_space<vmem>>, vector<16xf32>,
      %add3A_539 = arith.constant 0 : i32
      %add3A_540 = arith.addi %add3A_420, %add3A_539 : i32
      %get3A_541 = arith.constant 1 : i32
      %get3A_542 = arith.index_cast %get3A_541 : i32 to index
      %get3A_543 = arith.index_cast %add3A_540 : i32 to index
      %get3A_544 = tpu.vector_load %arg8[%get3A_542, %get3A_543] {strides = array<i32>} : memref<5x3968xf32, #tpu.memory_space<vmem>>, vector<16xf32>,
      %add3A_545 = arith.constant 16 : i32
      %add3A_546 = arith.addi %add3A_420, %add3A_545 : i32
      %get3A_547 = arith.constant 1 : i32
      %get3A_548 = arith.index_cast %get3A_547 : i32 to index
      %get3A_549 = arith.index_cast %add3A_546 : i32 to index
      %get3A_550 = tpu.vector_load %arg8[%get3A_548, %get3A_549] {strides = array<i32>} : memref<5x3968xf32, #tpu.memory_space<vmem>>, vector<16xf32>,
      %add3A_551 = arith.constant 32 : i32
      %add3A_552 = arith.addi %add3A_420, %add3A_551 : i32
      %get3A_553 = arith.constant 1 : i32
      %get3A_554 = arith.index_cast %get3A_553 : i32 to index
      %get3A_555 = arith.index_cast %add3A_552 : i32 to index
      %get3A_556 = tpu.vector_load %arg8[%get3A_554, %get3A_555] {strides = array<i32>} : memref<5x3968xf32, #tpu.memory_space<vmem>>, vector<16xf32>,
      %add3A_557 = arith.constant 48 : i32
      %add3A_558 = arith.addi %add3A_420, %add3A_557 : i32
      %get3A_559 = arith.constant 1 : i32
      %get3A_560 = arith.index_cast %get3A_559 : i32 to index
      %get3A_561 = arith.index_cast %add3A_558 : i32 to index
      %get3A_562 = tpu.vector_load %arg8[%get3A_560, %get3A_561] {strides = array<i32>} : memref<5x3968xf32, #tpu.memory_space<vmem>>, vector<16xf32>,
      %add3A_563 = arith.constant 64 : i32
      %add3A_564 = arith.addi %add3A_420, %add3A_563 : i32
      %get3A_565 = arith.constant 1 : i32
      %get3A_566 = arith.index_cast %get3A_565 : i32 to index
      %get3A_567 = arith.index_cast %add3A_564 : i32 to index
      %get3A_568 = tpu.vector_load %arg8[%get3A_566, %get3A_567] {strides = array<i32>} : memref<5x3968xf32, #tpu.memory_space<vmem>>, vector<16xf32>,
      %add3A_569 = arith.constant 80 : i32
      %add3A_570 = arith.addi %add3A_420, %add3A_569 : i32
      %get3A_571 = arith.constant 1 : i32
      %get3A_572 = arith.index_cast %get3A_571 : i32 to index
      %get3A_573 = arith.index_cast %add3A_570 : i32 to index
      %get3A_574 = tpu.vector_load %arg8[%get3A_572, %get3A_573] {strides = array<i32>} : memref<5x3968xf32, #tpu.memory_space<vmem>>, vector<16xf32>,
      %add3A_575 = arith.constant 96 : i32
      %add3A_576 = arith.addi %add3A_420, %add3A_575 : i32
      %get3A_577 = arith.constant 1 : i32
      %get3A_578 = arith.index_cast %get3A_577 : i32 to index
      %get3A_579 = arith.index_cast %add3A_576 : i32 to index
      %get3A_580 = tpu.vector_load %arg8[%get3A_578, %get3A_579] {strides = array<i32>} : memref<5x3968xf32, #tpu.memory_space<vmem>>, vector<16xf32>,
      %add3A_581 = arith.constant 112 : i32
      %add3A_582 = arith.addi %add3A_420, %add3A_581 : i32
      %get3A_583 = arith.constant 1 : i32
      %get3A_584 = arith.index_cast %get3A_583 : i32 to index
      %get3A_585 = arith.index_cast %add3A_582 : i32 to index
      %get3A_586 = tpu.vector_load %arg8[%get3A_584, %get3A_585] {strides = array<i32>} : memref<5x3968xf32, #tpu.memory_space<vmem>>, vector<16xf32>,
      %sub3A_587 = arith.constant -5.120000e+01 : f32
      %sub3A_588 = vector.broadcast %sub3A_587 : f32 to vector<16xf32>
      %sub3A_589 = arith.subf %get3A_544, %sub3A_588 : vector<16xf32>
      %add3A_590 = arith.constant 0 : i32
      %add3A_591 = arith.addi %mul3A_418, %add3A_590 : i32
      %swap3A_592 = arith.constant 1 : i32
      %swap3A_593 = arith.index_cast %swap3A_592 : i32 to index
      %swap3A_594 = arith.index_cast %add3A_591 : i32 to index
      %swap3A_595 = tpu.vector_load %arg10[%swap3A_593, %swap3A_594] {strides = array<i32>} : memref<3x3840xf32, #tpu.memory_space<vmem>>, vector<16xf32>,
      tpu.vector_store %arg10[%swap3A_593, %swap3A_594], %sub3A_589 {strides = array<i32>} : memref<3x3840xf32, #tpu.memory_space<vmem>>, vector<16xf32>,
      %sub3A_596 = arith.constant -5.120000e+01 : f32
      %sub3A_597 = vector.broadcast %sub3A_596 : f32 to vector<16xf32>
      %sub3A_598 = arith.subf %get3A_550, %sub3A_597 : vector<16xf32>
      %add3A_599 = arith.constant 16 : i32
      %add3A_600 = arith.addi %mul3A_418, %add3A_599 : i32
      %swap3A_601 = arith.constant 1 : i32
      %swap3A_602 = arith.index_cast %swap3A_601 : i32 to index
      %swap3A_603 = arith.index_cast %add3A_600 : i32 to index
      %swap3A_604 = tpu.vector_load %arg10[%swap3A_602, %swap3A_603] {strides = array<i32>} : memref<3x3840xf32, #tpu.memory_space<vmem>>, vector<16xf32>,
      tpu.vector_store %arg10[%swap3A_602, %swap3A_603], %sub3A_598 {strides = array<i32>} : memref<3x3840xf32, #tpu.memory_space<vmem>>, vector<16xf32>,
      %sub3A_605 = arith.constant -5.120000e+01 : f32
      %sub3A_606 = vector.broadcast %sub3A_605 : f32 to vector<16xf32>
      %sub3A_607 = arith.subf %get3A_556, %sub3A_606 : vector<16xf32>
      %add3A_608 = arith.constant 32 : i32
      %add3A_609 = arith.addi %mul3A_418, %add3A_608 : i32
      %swap3A_610 = arith.constant 1 : i32
      %swap3A_611 = arith.index_cast %swap3A_610 : i32 to index
      %swap3A_612 = arith.index_cast %add3A_609 : i32 to index
      %swap3A_613 = tpu.vector_load %arg10[%swap3A_611, %swap3A_612] {strides = array<i32>} : memref<3x3840xf32, #tpu.memory_space<vmem>>, vector<16xf32>,
      tpu.vector_store %arg10[%swap3A_611, %swap3A_612], %sub3A_607 {strides = array<i32>} : memref<3x3840xf32, #tpu.memory_space<vmem>>, vector<16xf32>,
      %sub3A_614 = arith.constant -5.120000e+01 : f32
      %sub3A_615 = vector.broadcast %sub3A_614 : f32 to vector<16xf32>
      %sub3A_616 = arith.subf %get3A_562, %sub3A_615 : vector<16xf32>
      %add3A_617 = arith.constant 48 : i32
      %add3A_618 = arith.addi %mul3A_418, %add3A_617 : i32
      %swap3A_619 = arith.constant 1 : i32
      %swap3A_620 = arith.index_cast %swap3A_619 : i32 to index
      %swap3A_621 = arith.index_cast %add3A_618 : i32 to index
      %swap3A_622 = tpu.vector_load %arg10[%swap3A_620, %swap3A_621] {strides = array<i32>} : memref<3x3840xf32, #tpu.memory_space<vmem>>, vector<16xf32>,
      tpu.vector_store %arg10[%swap3A_620, %swap3A_621], %sub3A_616 {strides = array<i32>} : memref<3x3840xf32, #tpu.memory_space<vmem>>, vector<16xf32>,
      %sub3A_623 = arith.constant -5.120000e+01 : f32
      %sub3A_624 = vector.broadcast %sub3A_623 : f32 to vector<16xf32>
      %sub3A_625 = arith.subf %get3A_568, %sub3A_624 : vector<16xf32>
      %add3A_626 = arith.constant 64 : i32
      %add3A_627 = arith.addi %mul3A_418, %add3A_626 : i32
      %swap3A_628 = arith.constant 1 : i32
      %swap3A_629 = arith.index_cast %swap3A_628 : i32 to index
      %swap3A_630 = arith.index_cast %add3A_627 : i32 to index
      %swap3A_631 = tpu.vector_load %arg10[%swap3A_629, %swap3A_630] {strides = array<i32>} : memref<3x3840xf32, #tpu.memory_space<vmem>>, vector<16xf32>,
      tpu.vector_store %arg10[%swap3A_629, %swap3A_630], %sub3A_625 {strides = array<i32>} : memref<3x3840xf32, #tpu.memory_space<vmem>>, vector<16xf32>,
      %sub3A_632 = arith.constant -5.120000e+01 : f32
      %sub3A_633 = vector.broadcast %sub3A_632 : f32 to vector<16xf32>
      %sub3A_634 = arith.subf %get3A_574, %sub3A_633 : vector<16xf32>
      %add3A_635 = arith.constant 80 : i32
      %add3A_636 = arith.addi %mul3A_418, %add3A_635 : i32
      %swap3A_637 = arith.constant 1 : i32
      %swap3A_638 = arith.index_cast %swap3A_637 : i32 to index
      %swap3A_639 = arith.index_cast %add3A_636 : i32 to index
      %swap3A_640 = tpu.vector_load %arg10[%swap3A_638, %swap3A_639] {strides = array<i32>} : memref<3x3840xf32, #tpu.memory_space<vmem>>, vector<16xf32>,
      tpu.vector_store %arg10[%swap3A_638, %swap3A_639], %sub3A_634 {strides = array<i32>} : memref<3x3840xf32, #tpu.memory_space<vmem>>, vector<16xf32>,
      %sub3A_641 = arith.constant -5.120000e+01 : f32
      %sub3A_642 = vector.broadcast %sub3A_641 : f32 to vector<16xf32>
      %sub3A_643 = arith.subf %get3A_580, %sub3A_642 : vector<16xf32>
      %add3A_644 = arith.constant 96 : i32
      %add3A_645 = arith.addi %mul3A_418, %add3A_644 : i32
      %swap3A_646 = arith.constant 1 : i32
      %swap3A_647 = arith.index_cast %swap3A_646 : i32 to index
      %swap3A_648 = arith.index_cast %add3A_645 : i32 to index
      %swap3A_649 = tpu.vector_load %arg10[%swap3A_647, %swap3A_648] {strides = array<i32>} : memref<3x3840xf32, #tpu.memory_space<vmem>>, vector<16xf32>,
      tpu.vector_store %arg10[%swap3A_647, %swap3A_648], %sub3A_643 {strides = array<i32>} : memref<3x3840xf32, #tpu.memory_space<vmem>>, vector<16xf32>,
      %sub3A_650 = arith.constant -5.120000e+01 : f32
      %sub3A_651 = vector.broadcast %sub3A_650 : f32 to vector<16xf32>
      %sub3A_652 = arith.subf %get3A_586, %sub3A_651 : vector<16xf32>
      %add3A_653 = arith.constant 112 : i32
      %add3A_654 = arith.addi %mul3A_418, %add3A_653 : i32
      %swap3A_655 = arith.constant 1 : i32
      %swap3A_656 = arith.index_cast %swap3A_655 : i32 to index
      %swap3A_657 = arith.index_cast %add3A_654 : i32 to index
      %swap3A_658 = tpu.vector_load %arg10[%swap3A_656, %swap3A_657] {strides = array<i32>} : memref<3x3840xf32, #tpu.memory_space<vmem>>, vector<16xf32>,
      tpu.vector_store %arg10[%swap3A_656, %swap3A_657], %sub3A_652 {strides = array<i32>} : memref<3x3840xf32, #tpu.memory_space<vmem>>, vector<16xf32>,
      %add3A_659 = arith.constant 0 : i32
      %add3A_660 = arith.addi %add3A_420, %add3A_659 : i32
      %get3A_661 = arith.constant 2 : i32
      %get3A_662 = arith.index_cast %get3A_661 : i32 to index
      %get3A_663 = arith.index_cast %add3A_660 : i32 to index
      %get3A_664 = tpu.vector_load %arg8[%get3A_662, %get3A_663] {strides = array<i32>} : memref<5x3968xf32, #tpu.memory_space<vmem>>, vector<16xf32>,
      %add3A_665 = arith.constant 16 : i32
      %add3A_666 = arith.addi %add3A_420, %add3A_665 : i32
      %get3A_667 = arith.constant 2 : i32
      %get3A_668 = arith.index_cast %get3A_667 : i32 to index
      %get3A_669 = arith.index_cast %add3A_666 : i32 to index
      %get3A_670 = tpu.vector_load %arg8[%get3A_668, %get3A_669] {strides = array<i32>} : memref<5x3968xf32, #tpu.memory_space<vmem>>, vector<16xf32>,
      %add3A_671 = arith.constant 32 : i32
      %add3A_672 = arith.addi %add3A_420, %add3A_671 : i32
      %get3A_673 = arith.constant 2 : i32
      %get3A_674 = arith.index_cast %get3A_673 : i32 to index
      %get3A_675 = arith.index_cast %add3A_672 : i32 to index
      %get3A_676 = tpu.vector_load %arg8[%get3A_674, %get3A_675] {strides = array<i32>} : memref<5x3968xf32, #tpu.memory_space<vmem>>, vector<16xf32>,
      %add3A_677 = arith.constant 48 : i32
      %add3A_678 = arith.addi %add3A_420, %add3A_677 : i32
      %get3A_679 = arith.constant 2 : i32
      %get3A_680 = arith.index_cast %get3A_679 : i32 to index
      %get3A_681 = arith.index_cast %add3A_678 : i32 to index
      %get3A_682 = tpu.vector_load %arg8[%get3A_680, %get3A_681] {strides = array<i32>} : memref<5x3968xf32, #tpu.memory_space<vmem>>, vector<16xf32>,
      %add3A_683 = arith.constant 64 : i32
      %add3A_684 = arith.addi %add3A_420, %add3A_683 : i32
      %get3A_685 = arith.constant 2 : i32
      %get3A_686 = arith.index_cast %get3A_685 : i32 to index
      %get3A_687 = arith.index_cast %add3A_684 : i32 to index
      %get3A_688 = tpu.vector_load %arg8[%get3A_686, %get3A_687] {strides = array<i32>} : memref<5x3968xf32, #tpu.memory_space<vmem>>, vector<16xf32>,
      %add3A_689 = arith.constant 80 : i32
      %add3A_690 = arith.addi %add3A_420, %add3A_689 : i32
      %get3A_691 = arith.constant 2 : i32
      %get3A_692 = arith.index_cast %get3A_691 : i32 to index
      %get3A_693 = arith.index_cast %add3A_690 : i32 to index
      %get3A_694 = tpu.vector_load %arg8[%get3A_692, %get3A_693] {strides = array<i32>} : memref<5x3968xf32, #tpu.memory_space<vmem>>, vector<16xf32>,
      %add3A_695 = arith.constant 96 : i32
      %add3A_696 = arith.addi %add3A_420, %add3A_695 : i32
      %get3A_697 = arith.constant 2 : i32
      %get3A_698 = arith.index_cast %get3A_697 : i32 to index
      %get3A_699 = arith.index_cast %add3A_696 : i32 to index
      %get3A_700 = tpu.vector_load %arg8[%get3A_698, %get3A_699] {strides = array<i32>} : memref<5x3968xf32, #tpu.memory_space<vmem>>, vector<16xf32>,
      %add3A_701 = arith.constant 112 : i32
      %add3A_702 = arith.addi %add3A_420, %add3A_701 : i32
      %get3A_703 = arith.constant 2 : i32
      %get3A_704 = arith.index_cast %get3A_703 : i32 to index
      %get3A_705 = arith.index_cast %add3A_702 : i32 to index
      %get3A_706 = tpu.vector_load %arg8[%get3A_704, %get3A_705] {strides = array<i32>} : memref<5x3968xf32, #tpu.memory_space<vmem>>, vector<16xf32>,
      %sub3A_707 = arith.constant -5.000000e+00 : f32
      %sub3A_708 = vector.broadcast %sub3A_707 : f32 to vector<16xf32>
      %sub3A_709 = arith.subf %get3A_664, %sub3A_708 : vector<16xf32>
      %add3A_710 = arith.constant 0 : i32
      %add3A_711 = arith.addi %mul3A_418, %add3A_710 : i32
      %swap3A_712 = arith.constant 2 : i32
      %swap3A_713 = arith.index_cast %swap3A_712 : i32 to index
      %swap3A_714 = arith.index_cast %add3A_711 : i32 to index
      %swap3A_715 = tpu.vector_load %arg10[%swap3A_713, %swap3A_714] {strides = array<i32>} : memref<3x3840xf32, #tpu.memory_space<vmem>>, vector<16xf32>,
      tpu.vector_store %arg10[%swap3A_713, %swap3A_714], %sub3A_709 {strides = array<i32>} : memref<3x3840xf32, #tpu.memory_space<vmem>>, vector<16xf32>,
      %sub3A_716 = arith.constant -5.000000e+00 : f32
      %sub3A_717 = vector.broadcast %sub3A_716 : f32 to vector<16xf32>
      %sub3A_718 = arith.subf %get3A_670, %sub3A_717 : vector<16xf32>
      %add3A_719 = arith.constant 16 : i32
      %add3A_720 = arith.addi %mul3A_418, %add3A_719 : i32
      %swap3A_721 = arith.constant 2 : i32
      %swap3A_722 = arith.index_cast %swap3A_721 : i32 to index
      %swap3A_723 = arith.index_cast %add3A_720 : i32 to index
      %swap3A_724 = tpu.vector_load %arg10[%swap3A_722, %swap3A_723] {strides = array<i32>} : memref<3x3840xf32, #tpu.memory_space<vmem>>, vector<16xf32>,
      tpu.vector_store %arg10[%swap3A_722, %swap3A_723], %sub3A_718 {strides = array<i32>} : memref<3x3840xf32, #tpu.memory_space<vmem>>, vector<16xf32>,
      %sub3A_725 = arith.constant -5.000000e+00 : f32
      %sub3A_726 = vector.broadcast %sub3A_725 : f32 to vector<16xf32>
      %sub3A_727 = arith.subf %get3A_676, %sub3A_726 : vector<16xf32>
      %add3A_728 = arith.constant 32 : i32
      %add3A_729 = arith.addi %mul3A_418, %add3A_728 : i32
      %swap3A_730 = arith.constant 2 : i32
      %swap3A_731 = arith.index_cast %swap3A_730 : i32 to index
      %swap3A_732 = arith.index_cast %add3A_729 : i32 to index
      %swap3A_733 = tpu.vector_load %arg10[%swap3A_731, %swap3A_732] {strides = array<i32>} : memref<3x3840xf32, #tpu.memory_space<vmem>>, vector<16xf32>,
      tpu.vector_store %arg10[%swap3A_731, %swap3A_732], %sub3A_727 {strides = array<i32>} : memref<3x3840xf32, #tpu.memory_space<vmem>>, vector<16xf32>,
      %sub3A_734 = arith.constant -5.000000e+00 : f32
      %sub3A_735 = vector.broadcast %sub3A_734 : f32 to vector<16xf32>
      %sub3A_736 = arith.subf %get3A_682, %sub3A_735 : vector<16xf32>
      %add3A_737 = arith.constant 48 : i32
      %add3A_738 = arith.addi %mul3A_418, %add3A_737 : i32
      %swap3A_739 = arith.constant 2 : i32
      %swap3A_740 = arith.index_cast %swap3A_739 : i32 to index
      %swap3A_741 = arith.index_cast %add3A_738 : i32 to index
      %swap3A_742 = tpu.vector_load %arg10[%swap3A_740, %swap3A_741] {strides = array<i32>} : memref<3x3840xf32, #tpu.memory_space<vmem>>, vector<16xf32>,
      tpu.vector_store %arg10[%swap3A_740, %swap3A_741], %sub3A_736 {strides = array<i32>} : memref<3x3840xf32, #tpu.memory_space<vmem>>, vector<16xf32>,
      %sub3A_743 = arith.constant -5.000000e+00 : f32
      %sub3A_744 = vector.broadcast %sub3A_743 : f32 to vector<16xf32>
      %sub3A_745 = arith.subf %get3A_688, %sub3A_744 : vector<16xf32>
      %add3A_746 = arith.constant 64 : i32
      %add3A_747 = arith.addi %mul3A_418, %add3A_746 : i32
      %swap3A_748 = arith.constant 2 : i32
      %swap3A_749 = arith.index_cast %swap3A_748 : i32 to index
      %swap3A_750 = arith.index_cast %add3A_747 : i32 to index
      %swap3A_751 = tpu.vector_load %arg10[%swap3A_749, %swap3A_750] {strides = array<i32>} : memref<3x3840xf32, #tpu.memory_space<vmem>>, vector<16xf32>,
      tpu.vector_store %arg10[%swap3A_749, %swap3A_750], %sub3A_745 {strides = array<i32>} : memref<3x3840xf32, #tpu.memory_space<vmem>>, vector<16xf32>,
      %sub3A_752 = arith.constant -5.000000e+00 : f32
      %sub3A_753 = vector.broadcast %sub3A_752 : f32 to vector<16xf32>
      %sub3A_754 = arith.subf %get3A_694, %sub3A_753 : vector<16xf32>
      %add3A_755 = arith.constant 80 : i32
      %add3A_756 = arith.addi %mul3A_418, %add3A_755 : i32
      %swap3A_757 = arith.constant 2 : i32
      %swap3A_758 = arith.index_cast %swap3A_757 : i32 to index
      %swap3A_759 = arith.index_cast %add3A_756 : i32 to index
      %swap3A_760 = tpu.vector_load %arg10[%swap3A_758, %swap3A_759] {strides = array<i32>} : memref<3x3840xf32, #tpu.memory_space<vmem>>, vector<16xf32>,
      tpu.vector_store %arg10[%swap3A_758, %swap3A_759], %sub3A_754 {strides = array<i32>} : memref<3x3840xf32, #tpu.memory_space<vmem>>, vector<16xf32>,
      %sub3A_761 = arith.constant -5.000000e+00 : f32
      %sub3A_762 = vector.broadcast %sub3A_761 : f32 to vector<16xf32>
      %sub3A_763 = arith.subf %get3A_700, %sub3A_762 : vector<16xf32>
      %add3A_764 = arith.constant 96 : i32
      %add3A_765 = arith.addi %mul3A_418, %add3A_764 : i32
      %swap3A_766 = arith.constant 2 : i32
      %swap3A_767 = arith.index_cast %swap3A_766 : i32 to index
      %swap3A_768 = arith.index_cast %add3A_765 : i32 to index
      %swap3A_769 = tpu.vector_load %arg10[%swap3A_767, %swap3A_768] {strides = array<i32>} : memref<3x3840xf32, #tpu.memory_space<vmem>>, vector<16xf32>,
      tpu.vector_store %arg10[%swap3A_767, %swap3A_768], %sub3A_763 {strides = array<i32>} : memref<3x3840xf32, #tpu.memory_space<vmem>>, vector<16xf32>,
      %sub3A_770 = arith.constant -5.000000e+00 : f32
      %sub3A_771 = vector.broadcast %sub3A_770 : f32 to vector<16xf32>
      %sub3A_772 = arith.subf %get3A_706, %sub3A_771 : vector<16xf32>
      %add3A_773 = arith.constant 112 : i32
      %add3A_774 = arith.addi %mul3A_418, %add3A_773 : i32
      %swap3A_775 = arith.constant 2 : i32
      %swap3A_776 = arith.index_cast %swap3A_775 : i32 to index
      %swap3A_777 = arith.index_cast %add3A_774 : i32 to index
      %swap3A_778 = tpu.vector_load %arg10[%swap3A_776, %swap3A_777] {strides = array<i32>} : memref<3x3840xf32, #tpu.memory_space<vmem>>, vector<16xf32>,
      tpu.vector_store %arg10[%swap3A_776, %swap3A_777], %sub3A_772 {strides = array<i32>} : memref<3x3840xf32, #tpu.memory_space<vmem>>, vector<16xf32>,
      %add3A_779 = arith.constant 0 : i32
      %add3A_780 = arith.addi %add3A_420, %add3A_779 : i32
      %get3A_781 = arith.constant 3 : i32
      %get3A_782 = arith.index_cast %get3A_781 : i32 to index
      %get3A_783 = arith.index_cast %add3A_780 : i32 to index
      %get3A_784 = tpu.vector_load %arg8[%get3A_782, %get3A_783] {strides = array<i32>} : memref<5x3968xf32, #tpu.memory_space<vmem>>, vector<16xf32>,
      %add3A_785 = arith.constant 16 : i32
      %add3A_786 = arith.addi %add3A_420, %add3A_785 : i32
      %get3A_787 = arith.constant 3 : i32
      %get3A_788 = arith.index_cast %get3A_787 : i32 to index
      %get3A_789 = arith.index_cast %add3A_786 : i32 to index
      %get3A_790 = tpu.vector_load %arg8[%get3A_788, %get3A_789] {strides = array<i32>} : memref<5x3968xf32, #tpu.memory_space<vmem>>, vector<16xf32>,
      %add3A_791 = arith.constant 32 : i32
      %add3A_792 = arith.addi %add3A_420, %add3A_791 : i32
      %get3A_793 = arith.constant 3 : i32
      %get3A_794 = arith.index_cast %get3A_793 : i32 to index
      %get3A_795 = arith.index_cast %add3A_792 : i32 to index
      %get3A_796 = tpu.vector_load %arg8[%get3A_794, %get3A_795] {strides = array<i32>} : memref<5x3968xf32, #tpu.memory_space<vmem>>, vector<16xf32>,
      %add3A_797 = arith.constant 48 : i32
      %add3A_798 = arith.addi %add3A_420, %add3A_797 : i32
      %get3A_799 = arith.constant 3 : i32
      %get3A_800 = arith.index_cast %get3A_799 : i32 to index
      %get3A_801 = arith.index_cast %add3A_798 : i32 to index
      %get3A_802 = tpu.vector_load %arg8[%get3A_800, %get3A_801] {strides = array<i32>} : memref<5x3968xf32, #tpu.memory_space<vmem>>, vector<16xf32>,
      %add3A_803 = arith.constant 64 : i32
      %add3A_804 = arith.addi %add3A_420, %add3A_803 : i32
      %get3A_805 = arith.constant 3 : i32
      %get3A_806 = arith.index_cast %get3A_805 : i32 to index
      %get3A_807 = arith.index_cast %add3A_804 : i32 to index
      %get3A_808 = tpu.vector_load %arg8[%get3A_806, %get3A_807] {strides = array<i32>} : memref<5x3968xf32, #tpu.memory_space<vmem>>, vector<16xf32>,
      %add3A_809 = arith.constant 80 : i32
      %add3A_810 = arith.addi %add3A_420, %add3A_809 : i32
      %get3A_811 = arith.constant 3 : i32
      %get3A_812 = arith.index_cast %get3A_811 : i32 to index
      %get3A_813 = arith.index_cast %add3A_810 : i32 to index
      %get3A_814 = tpu.vector_load %arg8[%get3A_812, %get3A_813] {strides = array<i32>} : memref<5x3968xf32, #tpu.memory_space<vmem>>, vector<16xf32>,
      %add3A_815 = arith.constant 96 : i32
      %add3A_816 = arith.addi %add3A_420, %add3A_815 : i32
      %get3A_817 = arith.constant 3 : i32
      %get3A_818 = arith.index_cast %get3A_817 : i32 to index
      %get3A_819 = arith.index_cast %add3A_816 : i32 to index
      %get3A_820 = tpu.vector_load %arg8[%get3A_818, %get3A_819] {strides = array<i32>} : memref<5x3968xf32, #tpu.memory_space<vmem>>, vector<16xf32>,
      %add3A_821 = arith.constant 112 : i32
      %add3A_822 = arith.addi %add3A_420, %add3A_821 : i32
      %get3A_823 = arith.constant 3 : i32
      %get3A_824 = arith.index_cast %get3A_823 : i32 to index
      %get3A_825 = arith.index_cast %add3A_822 : i32 to index
      %get3A_826 = tpu.vector_load %arg8[%get3A_824, %get3A_825] {strides = array<i32>} : memref<5x3968xf32, #tpu.memory_space<vmem>>, vector<16xf32>,
      %add3A_827 = arith.constant 0 : i32
      %add3A_828 = arith.addi %mul3A_418, %add3A_827 : i32
      %swap3A_829 = arith.constant 0 : i32
      %swap3A_830 = arith.index_cast %swap3A_829 : i32 to index
      %swap3A_831 = arith.index_cast %add3A_828 : i32 to index
      %swap3A_832 = tpu.vector_load %arg12[%swap3A_830, %swap3A_831] {strides = array<i32>} : memref<2x3840xf32, #tpu.memory_space<vmem>>, vector<16xf32>,
      tpu.vector_store %arg12[%swap3A_830, %swap3A_831], %get3A_784 {strides = array<i32>} : memref<2x3840xf32, #tpu.memory_space<vmem>>, vector<16xf32>,
      %add3A_833 = arith.constant 16 : i32
      %add3A_834 = arith.addi %mul3A_418, %add3A_833 : i32
      %swap3A_835 = arith.constant 0 : i32
      %swap3A_836 = arith.index_cast %swap3A_835 : i32 to index
      %swap3A_837 = arith.index_cast %add3A_834 : i32 to index
      %swap3A_838 = tpu.vector_load %arg12[%swap3A_836, %swap3A_837] {strides = array<i32>} : memref<2x3840xf32, #tpu.memory_space<vmem>>, vector<16xf32>,
      tpu.vector_store %arg12[%swap3A_836, %swap3A_837], %get3A_790 {strides = array<i32>} : memref<2x3840xf32, #tpu.memory_space<vmem>>, vector<16xf32>,
      %add3A_839 = arith.constant 32 : i32
      %add3A_840 = arith.addi %mul3A_418, %add3A_839 : i32
      %swap3A_841 = arith.constant 0 : i32
      %swap3A_842 = arith.index_cast %swap3A_841 : i32 to index
      %swap3A_843 = arith.index_cast %add3A_840 : i32 to index
      %swap3A_844 = tpu.vector_load %arg12[%swap3A_842, %swap3A_843] {strides = array<i32>} : memref<2x3840xf32, #tpu.memory_space<vmem>>, vector<16xf32>,
      tpu.vector_store %arg12[%swap3A_842, %swap3A_843], %get3A_796 {strides = array<i32>} : memref<2x3840xf32, #tpu.memory_space<vmem>>, vector<16xf32>,
      %add3A_845 = arith.constant 48 : i32
      %add3A_846 = arith.addi %mul3A_418, %add3A_845 : i32
      %swap3A_847 = arith.constant 0 : i32
      %swap3A_848 = arith.index_cast %swap3A_847 : i32 to index
      %swap3A_849 = arith.index_cast %add3A_846 : i32 to index
      %swap3A_850 = tpu.vector_load %arg12[%swap3A_848, %swap3A_849] {strides = array<i32>} : memref<2x3840xf32, #tpu.memory_space<vmem>>, vector<16xf32>,
      tpu.vector_store %arg12[%swap3A_848, %swap3A_849], %get3A_802 {strides = array<i32>} : memref<2x3840xf32, #tpu.memory_space<vmem>>, vector<16xf32>,
      %add3A_851 = arith.constant 64 : i32
      %add3A_852 = arith.addi %mul3A_418, %add3A_851 : i32
      %swap3A_853 = arith.constant 0 : i32
      %swap3A_854 = arith.index_cast %swap3A_853 : i32 to index
      %swap3A_855 = arith.index_cast %add3A_852 : i32 to index
      %swap3A_856 = tpu.vector_load %arg12[%swap3A_854, %swap3A_855] {strides = array<i32>} : memref<2x3840xf32, #tpu.memory_space<vmem>>, vector<16xf32>,
      tpu.vector_store %arg12[%swap3A_854, %swap3A_855], %get3A_808 {strides = array<i32>} : memref<2x3840xf32, #tpu.memory_space<vmem>>, vector<16xf32>,
      %add3A_857 = arith.constant 80 : i32
      %add3A_858 = arith.addi %mul3A_418, %add3A_857 : i32
      %swap3A_859 = arith.constant 0 : i32
      %swap3A_860 = arith.index_cast %swap3A_859 : i32 to index
      %swap3A_861 = arith.index_cast %add3A_858 : i32 to index
      %swap3A_862 = tpu.vector_load %arg12[%swap3A_860, %swap3A_861] {strides = array<i32>} : memref<2x3840xf32, #tpu.memory_space<vmem>>, vector<16xf32>,
      tpu.vector_store %arg12[%swap3A_860, %swap3A_861], %get3A_814 {strides = array<i32>} : memref<2x3840xf32, #tpu.memory_space<vmem>>, vector<16xf32>,
      %add3A_863 = arith.constant 96 : i32
      %add3A_864 = arith.addi %mul3A_418, %add3A_863 : i32
      %swap3A_865 = arith.constant 0 : i32
      %swap3A_866 = arith.index_cast %swap3A_865 : i32 to index
      %swap3A_867 = arith.index_cast %add3A_864 : i32 to index
      %swap3A_868 = tpu.vector_load %arg12[%swap3A_866, %swap3A_867] {strides = array<i32>} : memref<2x3840xf32, #tpu.memory_space<vmem>>, vector<16xf32>,
      tpu.vector_store %arg12[%swap3A_866, %swap3A_867], %get3A_820 {strides = array<i32>} : memref<2x3840xf32, #tpu.memory_space<vmem>>, vector<16xf32>,
      %add3A_869 = arith.constant 112 : i32
      %add3A_870 = arith.addi %mul3A_418, %add3A_869 : i32
      %swap3A_871 = arith.constant 0 : i32
      %swap3A_872 = arith.index_cast %swap3A_871 : i32 to index
      %swap3A_873 = arith.index_cast %add3A_870 : i32 to index
      %swap3A_874 = tpu.vector_load %arg12[%swap3A_872, %swap3A_873] {strides = array<i32>} : memref<2x3840xf32, #tpu.memory_space<vmem>>, vector<16xf32>,
      tpu.vector_store %arg12[%swap3A_872, %swap3A_873], %get3A_826 {strides = array<i32>} : memref<2x3840xf32, #tpu.memory_space<vmem>>, vector<16xf32>,
      %add3A_875 = arith.constant 0 : i32
      %add3A_876 = arith.addi %add3A_420, %add3A_875 : i32
      %get3A_877 = arith.constant 4 : i32
      %get3A_878 = arith.index_cast %get3A_877 : i32 to index
      %get3A_879 = arith.index_cast %add3A_876 : i32 to index
      %get3A_880 = tpu.vector_load %arg8[%get3A_878, %get3A_879] {strides = array<i32>} : memref<5x3968xf32, #tpu.memory_space<vmem>>, vector<16xf32>,
      %add3A_881 = arith.constant 16 : i32
      %add3A_882 = arith.addi %add3A_420, %add3A_881 : i32
      %get3A_883 = arith.constant 4 : i32
      %get3A_884 = arith.index_cast %get3A_883 : i32 to index
      %get3A_885 = arith.index_cast %add3A_882 : i32 to index
      %get3A_886 = tpu.vector_load %arg8[%get3A_884, %get3A_885] {strides = array<i32>} : memref<5x3968xf32, #tpu.memory_space<vmem>>, vector<16xf32>,
      %add3A_887 = arith.constant 32 : i32
      %add3A_888 = arith.addi %add3A_420, %add3A_887 : i32
      %get3A_889 = arith.constant 4 : i32
      %get3A_890 = arith.index_cast %get3A_889 : i32 to index
      %get3A_891 = arith.index_cast %add3A_888 : i32 to index
      %get3A_892 = tpu.vector_load %arg8[%get3A_890, %get3A_891] {strides = array<i32>} : memref<5x3968xf32, #tpu.memory_space<vmem>>, vector<16xf32>,
      %add3A_893 = arith.constant 48 : i32
      %add3A_894 = arith.addi %add3A_420, %add3A_893 : i32
      %get3A_895 = arith.constant 4 : i32
      %get3A_896 = arith.index_cast %get3A_895 : i32 to index
      %get3A_897 = arith.index_cast %add3A_894 : i32 to index
      %get3A_898 = tpu.vector_load %arg8[%get3A_896, %get3A_897] {strides = array<i32>} : memref<5x3968xf32, #tpu.memory_space<vmem>>, vector<16xf32>,
      %add3A_899 = arith.constant 64 : i32
      %add3A_900 = arith.addi %add3A_420, %add3A_899 : i32
      %get3A_901 = arith.constant 4 : i32
      %get3A_902 = arith.index_cast %get3A_901 : i32 to index
      %get3A_903 = arith.index_cast %add3A_900 : i32 to index
      %get3A_904 = tpu.vector_load %arg8[%get3A_902, %get3A_903] {strides = array<i32>} : memref<5x3968xf32, #tpu.memory_space<vmem>>, vector<16xf32>,
      %add3A_905 = arith.constant 80 : i32
      %add3A_906 = arith.addi %add3A_420, %add3A_905 : i32
      %get3A_907 = arith.constant 4 : i32
      %get3A_908 = arith.index_cast %get3A_907 : i32 to index
      %get3A_909 = arith.index_cast %add3A_906 : i32 to index
      %get3A_910 = tpu.vector_load %arg8[%get3A_908, %get3A_909] {strides = array<i32>} : memref<5x3968xf32, #tpu.memory_space<vmem>>, vector<16xf32>,
      %add3A_911 = arith.constant 96 : i32
      %add3A_912 = arith.addi %add3A_420, %add3A_911 : i32
      %get3A_913 = arith.constant 4 : i32
      %get3A_914 = arith.index_cast %get3A_913 : i32 to index
      %get3A_915 = arith.index_cast %add3A_912 : i32 to index
      %get3A_916 = tpu.vector_load %arg8[%get3A_914, %get3A_915] {strides = array<i32>} : memref<5x3968xf32, #tpu.memory_space<vmem>>, vector<16xf32>,
      %add3A_917 = arith.constant 112 : i32
      %add3A_918 = arith.addi %add3A_420, %add3A_917 : i32
      %get3A_919 = arith.constant 4 : i32
      %get3A_920 = arith.index_cast %get3A_919 : i32 to index
      %get3A_921 = arith.index_cast %add3A_918 : i32 to index
      %get3A_922 = tpu.vector_load %arg8[%get3A_920, %get3A_921] {strides = array<i32>} : memref<5x3968xf32, #tpu.memory_space<vmem>>, vector<16xf32>,
      %add3A_923 = arith.constant 0 : i32
      %add3A_924 = arith.addi %mul3A_418, %add3A_923 : i32
      %swap3A_925 = arith.constant 1 : i32
      %swap3A_926 = arith.index_cast %swap3A_925 : i32 to index
      %swap3A_927 = arith.index_cast %add3A_924 : i32 to index
      %swap3A_928 = tpu.vector_load %arg12[%swap3A_926, %swap3A_927] {strides = array<i32>} : memref<2x3840xf32, #tpu.memory_space<vmem>>, vector<16xf32>,
      tpu.vector_store %arg12[%swap3A_926, %swap3A_927], %get3A_880 {strides = array<i32>} : memref<2x3840xf32, #tpu.memory_space<vmem>>, vector<16xf32>,
      %add3A_929 = arith.constant 16 : i32
      %add3A_930 = arith.addi %mul3A_418, %add3A_929 : i32
      %swap3A_931 = arith.constant 1 : i32
      %swap3A_932 = arith.index_cast %swap3A_931 : i32 to index
      %swap3A_933 = arith.index_cast %add3A_930 : i32 to index
      %swap3A_934 = tpu.vector_load %arg12[%swap3A_932, %swap3A_933] {strides = array<i32>} : memref<2x3840xf32, #tpu.memory_space<vmem>>, vector<16xf32>,
      tpu.vector_store %arg12[%swap3A_932, %swap3A_933], %get3A_886 {strides = array<i32>} : memref<2x3840xf32, #tpu.memory_space<vmem>>, vector<16xf32>,
      %add3A_935 = arith.constant 32 : i32
      %add3A_936 = arith.addi %mul3A_418, %add3A_935 : i32
      %swap3A_937 = arith.constant 1 : i32
      %swap3A_938 = arith.index_cast %swap3A_937 : i32 to index
      %swap3A_939 = arith.index_cast %add3A_936 : i32 to index
      %swap3A_940 = tpu.vector_load %arg12[%swap3A_938, %swap3A_939] {strides = array<i32>} : memref<2x3840xf32, #tpu.memory_space<vmem>>, vector<16xf32>,
      tpu.vector_store %arg12[%swap3A_938, %swap3A_939], %get3A_892 {strides = array<i32>} : memref<2x3840xf32, #tpu.memory_space<vmem>>, vector<16xf32>,
      %add3A_941 = arith.constant 48 : i32
      %add3A_942 = arith.addi %mul3A_418, %add3A_941 : i32
      %swap3A_943 = arith.constant 1 : i32
      %swap3A_944 = arith.index_cast %swap3A_943 : i32 to index
      %swap3A_945 = arith.index_cast %add3A_942 : i32 to index
      %swap3A_946 = tpu.vector_load %arg12[%swap3A_944, %swap3A_945] {strides = array<i32>} : memref<2x3840xf32, #tpu.memory_space<vmem>>, vector<16xf32>,
      tpu.vector_store %arg12[%swap3A_944, %swap3A_945], %get3A_898 {strides = array<i32>} : memref<2x3840xf32, #tpu.memory_space<vmem>>, vector<16xf32>,
      %add3A_947 = arith.constant 64 : i32
      %add3A_948 = arith.addi %mul3A_418, %add3A_947 : i32
      %swap3A_949 = arith.constant 1 : i32
      %swap3A_950 = arith.index_cast %swap3A_949 : i32 to index
      %swap3A_951 = arith.index_cast %add3A_948 : i32 to index
      %swap3A_952 = tpu.vector_load %arg12[%swap3A_950, %swap3A_951] {strides = array<i32>} : memref<2x3840xf32, #tpu.memory_space<vmem>>, vector<16xf32>,
      tpu.vector_store %arg12[%swap3A_950, %swap3A_951], %get3A_904 {strides = array<i32>} : memref<2x3840xf32, #tpu.memory_space<vmem>>, vector<16xf32>,
      %add3A_953 = arith.constant 80 : i32
      %add3A_954 = arith.addi %mul3A_418, %add3A_953 : i32
      %swap3A_955 = arith.constant 1 : i32
      %swap3A_956 = arith.index_cast %swap3A_955 : i32 to index
      %swap3A_957 = arith.index_cast %add3A_954 : i32 to index
      %swap3A_958 = tpu.vector_load %arg12[%swap3A_956, %swap3A_957] {strides = array<i32>} : memref<2x3840xf32, #tpu.memory_space<vmem>>, vector<16xf32>,
      tpu.vector_store %arg12[%swap3A_956, %swap3A_957], %get3A_910 {strides = array<i32>} : memref<2x3840xf32, #tpu.memory_space<vmem>>, vector<16xf32>,
      %add3A_959 = arith.constant 96 : i32
      %add3A_960 = arith.addi %mul3A_418, %add3A_959 : i32
      %swap3A_961 = arith.constant 1 : i32
      %swap3A_962 = arith.index_cast %swap3A_961 : i32 to index
      %swap3A_963 = arith.index_cast %add3A_960 : i32 to index
      %swap3A_964 = tpu.vector_load %arg12[%swap3A_962, %swap3A_963] {strides = array<i32>} : memref<2x3840xf32, #tpu.memory_space<vmem>>, vector<16xf32>,
      tpu.vector_store %arg12[%swap3A_962, %swap3A_963], %get3A_916 {strides = array<i32>} : memref<2x3840xf32, #tpu.memory_space<vmem>>, vector<16xf32>,
      %add3A_965 = arith.constant 112 : i32
      %add3A_966 = arith.addi %mul3A_418, %add3A_965 : i32
      %swap3A_967 = arith.constant 1 : i32
      %swap3A_968 = arith.index_cast %swap3A_967 : i32 to index
      %swap3A_969 = arith.index_cast %add3A_966 : i32 to index
      %swap3A_970 = tpu.vector_load %arg12[%swap3A_968, %swap3A_969] {strides = array<i32>} : memref<2x3840xf32, #tpu.memory_space<vmem>>, vector<16xf32>,
      tpu.vector_store %arg12[%swap3A_968, %swap3A_969], %get3A_922 {strides = array<i32>} : memref<2x3840xf32, #tpu.memory_space<vmem>>, vector<16xf32>,
      %scan3A_971 = arith.constant 0 : i32
      scf.yield %scan3A_971 : i32
    }
    %scan3A_218 = arith.constant 30 : i32
    %add3A_219 = arith.constant 0 : i32
    %add3A_220 = arith.addi %multiple_of3A_211, %add3A_219 : i32
    %dma_start3A_221 = arith.constant 0 : i32
    %dma_start3A_222 = arith.constant 0 : i32
    %dma_start3A_223 = tpu.memref_slice %arg10[%dma_start3A_221, %dma_start3A_222] : memref<3x3840xf32, #tpu.memory_space<vmem>> -> memref<3x3840xf32, #tpu.memory_space<vmem>>
    %dma_start3A_224 = arith.constant 0 : i32
    %dma_start3A_225 = tpu.memref_slice %arg6[%dma_start3A_224, %add3A_220] : memref<3x450000xf32, #tpu.memory_space<hbm>> -> memref<3x3840xf32, #tpu.memory_space<hbm>>
    %dma_start3A_226 = arith.constant 0 : i32
    %dma_start3A_227 = tpu.memref_slice %arg6[%dma_start3A_226, %add3A_220] : memref<3x450000xf32, #tpu.memory_space<hbm>> -> memref<3x3840xf32, #tpu.memory_space<hbm>>
    %dma_start3A_228 = arith.constant 0 : i32
    %dma_start3A_229 = arith.constant 0 : i32
    %dma_start3A_230 = tpu.memref_slice %arg10[%dma_start3A_228, %dma_start3A_229] : memref<3x3840xf32, #tpu.memory_space<vmem>> -> memref<3x3840xf32, #tpu.memory_space<vmem>>
    tpu.enqueue_dma source(%dma_start3A_230 : memref<3x3840xf32, #tpu.memory_space<vmem>>) target(%dma_start3A_227 : memref<3x3840xf32, #tpu.memory_space<hbm>>) target_semaphore(%arg19 : memref<!tpu.dma_semaphore, #tpu.memory_space<semaphore_mem>>)
    %add3A_231 = arith.constant 0 : i32
    %add3A_232 = arith.addi %multiple_of3A_211, %add3A_231 : i32
    %dma_start3A_233 = arith.constant 0 : i32
    %dma_start3A_234 = arith.constant 0 : i32
    %dma_start3A_235 = tpu.memref_slice %arg12[%dma_start3A_233, %dma_start3A_234] : memref<2x3840xf32, #tpu.memory_space<vmem>> -> memref<2x3840xf32, #tpu.memory_space<vmem>>
    %dma_start3A_236 = arith.constant 0 : i32
    %dma_start3A_237 = tpu.memref_slice %arg7[%dma_start3A_236, %add3A_232] : memref<2x450000xf32, #tpu.memory_space<hbm>> -> memref<2x3840xf32, #tpu.memory_space<hbm>>
    %dma_start3A_238 = arith.constant 0 : i32
    %dma_start3A_239 = tpu.memref_slice %arg7[%dma_start3A_238, %add3A_232] : memref<2x450000xf32, #tpu.memory_space<hbm>> -> memref<2x3840xf32, #tpu.memory_space<hbm>>
    %dma_start3A_240 = arith.constant 0 : i32
    %dma_start3A_241 = arith.constant 0 : i32
    %dma_start3A_242 = tpu.memref_slice %arg12[%dma_start3A_240, %dma_start3A_241] : memref<2x3840xf32, #tpu.memory_space<vmem>> -> memref<2x3840xf32, #tpu.memory_space<vmem>>
    tpu.enqueue_dma source(%dma_start3A_242 : memref<2x3840xf32, #tpu.memory_space<vmem>>) target(%dma_start3A_239 : memref<2x3840xf32, #tpu.memory_space<hbm>>) target_semaphore(%arg21 : memref<!tpu.dma_semaphore, #tpu.memory_space<semaphore_mem>>)
    %dma_wait3A_243 = arith.constant 0 : i32
    %dma_wait3A_244 = arith.constant 0 : i32
    %dma_wait3A_245 = tpu.memref_slice %arg9[%dma_wait3A_243, %dma_wait3A_244] : memref<5x4736xf32, #tpu.memory_space<vmem>> -> memref<5x4736xf32, #tpu.memory_space<vmem>>
    %dma_wait3A_246 = arith.constant 0 : i32
    %dma_wait3A_247 = tpu.memref_slice %arg2[%dma_wait3A_246, %multiple_of3A_144] : memref<5x150000xf32, #tpu.memory_space<hbm>> -> memref<5x4736xf32, #tpu.memory_space<hbm>>
    %dma_wait3A_248 = arith.constant 0 : i32
    %dma_wait3A_249 = arith.constant 0 : i32
    %dma_wait3A_250 = tpu.memref_slice %arg9[%dma_wait3A_248, %dma_wait3A_249] : memref<5x4736xf32, #tpu.memory_space<vmem>> -> memref<5x4736xf32, #tpu.memory_space<vmem>>
    %dma_wait3A_251 = arith.constant 0 : i32
    %dma_wait3A_252 = tpu.memref_slice %arg2[%dma_wait3A_251, %multiple_of3A_144] : memref<5x150000xf32, #tpu.memory_space<hbm>> -> memref<5x4736xf32, #tpu.memory_space<hbm>>
    tpu.wait_dma2 semaphore(%arg18 : memref<!tpu.dma_semaphore, #tpu.memory_space<semaphore_mem>>) src(%dma_wait3A_252 : memref<5x4736xf32, #tpu.memory_space<hbm>>) dst(%dma_wait3A_250 : memref<5x4736xf32, #tpu.memory_space<vmem>>)
    %dma_wait3A_253 = arith.constant 0 : i32
    %dma_wait3A_254 = arith.constant 0 : i32
    %dma_wait3A_255 = tpu.memref_slice %arg11[%dma_wait3A_253, %dma_wait3A_254] : memref<3x4736xf32, #tpu.memory_space<vmem>> -> memref<3x3200xf32, #tpu.memory_space<vmem>>
    %dma_wait3A_256 = arith.constant 0 : i32
    %dma_wait3A_257 = tpu.memref_slice %arg6[%dma_wait3A_256, %add3A_156] : memref<3x450000xf32, #tpu.memory_space<hbm>> -> memref<3x3200xf32, #tpu.memory_space<hbm>>
    %dma_wait3A_258 = arith.constant 0 : i32
    %dma_wait3A_259 = tpu.memref_slice %arg6[%dma_wait3A_258, %add3A_156] : memref<3x450000xf32, #tpu.memory_space<hbm>> -> memref<3x3200xf32, #tpu.memory_space<hbm>>
    %dma_wait3A_260 = arith.constant 0 : i32
    %dma_wait3A_261 = arith.constant 0 : i32
    %dma_wait3A_262 = tpu.memref_slice %arg11[%dma_wait3A_260, %dma_wait3A_261] : memref<3x4736xf32, #tpu.memory_space<vmem>> -> memref<3x3200xf32, #tpu.memory_space<vmem>>
    tpu.wait_dma2 semaphore(%arg20 : memref<!tpu.dma_semaphore, #tpu.memory_space<semaphore_mem>>) src(%dma_wait3A_262 : memref<3x3200xf32, #tpu.memory_space<vmem>>) dst(%dma_wait3A_259 : memref<3x3200xf32, #tpu.memory_space<hbm>>)
    %dma_wait3A_263 = arith.constant 0 : i32
    %dma_wait3A_264 = arith.constant 0 : i32
    %dma_wait3A_265 = tpu.memref_slice %arg13[%dma_wait3A_263, %dma_wait3A_264] : memref<2x4736xf32, #tpu.memory_space<vmem>> -> memref<2x3200xf32, #tpu.memory_space<vmem>>
    %dma_wait3A_266 = arith.constant 0 : i32
    %dma_wait3A_267 = tpu.memref_slice %arg7[%dma_wait3A_266, %add3A_168] : memref<2x450000xf32, #tpu.memory_space<hbm>> -> memref<2x3200xf32, #tpu.memory_space<hbm>>
    %dma_wait3A_268 = arith.constant 0 : i32
    %dma_wait3A_269 = tpu.memref_slice %arg7[%dma_wait3A_268, %add3A_168] : memref<2x450000xf32, #tpu.memory_space<hbm>> -> memref<2x3200xf32, #tpu.memory_space<hbm>>
    %dma_wait3A_270 = arith.constant 0 : i32
    %dma_wait3A_271 = arith.constant 0 : i32
    %dma_wait3A_272 = tpu.memref_slice %arg13[%dma_wait3A_270, %dma_wait3A_271] : memref<2x4736xf32, #tpu.memory_space<vmem>> -> memref<2x3200xf32, #tpu.memory_space<vmem>>
    tpu.wait_dma2 semaphore(%arg22 : memref<!tpu.dma_semaphore, #tpu.memory_space<semaphore_mem>>) src(%dma_wait3A_272 : memref<2x3200xf32, #tpu.memory_space<vmem>>) dst(%dma_wait3A_269 : memref<2x3200xf32, #tpu.memory_space<hbm>>)
    %mul3A_273 = arith.constant 128 : i32
    %mul3A_274 = arith.muli %add3A_7, %mul3A_273 : i32
    %multiple_of3A_275 = tpu.assume_multiple %mul3A_274, 128 : i32
    %scan3A_276 = arith.constant 0 : i32
    %scan3A_277 = arith.constant 0 : i32
    %scan3A_278 = arith.constant 18 : i32
    %scan3A_279 = arith.addi %scan3A_277, %scan3A_278 : i32
    %scan3A_280 = arith.constant 1 : i32
    %scan3A_281 = scf.for %scan3A_415 = %scan3A_277 to %scan3A_279 step %scan3A_280 iter_args(%scan3A_416 = %scan3A_276) -> (i32)  : i32 {
      %mul3A_417 = arith.constant 128 : i32
      %mul3A_418 = arith.muli %scan3A_415, %mul3A_417 : i32
      %add3A_419 = arith.constant 0 : i32
      %add3A_420 = arith.addi %add3A_419, %mul3A_418 : i32
      %add3A_421 = arith.constant 0 : i32
      %add3A_422 = arith.addi %add3A_420, %add3A_421 : i32
      %get3A = arith.constant 0 : i32
      %get3A_423 = arith.index_cast %get3A : i32 to index
      %get3A_424 = arith.index_cast %add3A_422 : i32 to index
      %get3A_425 = tpu.vector_load %arg9[%get3A_423, %get3A_424] {strides = array<i32>} : memref<5x4736xf32, #tpu.memory_space<vmem>>, vector<16xf32>,
      %add3A_426 = arith.constant 16 : i32
      %add3A_427 = arith.addi %add3A_420, %add3A_426 : i32
      %get3A_428 = arith.constant 0 : i32
      %get3A_429 = arith.index_cast %get3A_428 : i32 to index
      %get3A_430 = arith.index_cast %add3A_427 : i32 to index
      %get3A_431 = tpu.vector_load %arg9[%get3A_429, %get3A_430] {strides = array<i32>} : memref<5x4736xf32, #tpu.memory_space<vmem>>, vector<16xf32>,
      %add3A_432 = arith.constant 32 : i32
      %add3A_433 = arith.addi %add3A_420, %add3A_432 : i32
      %get3A_434 = arith.constant 0 : i32
      %get3A_435 = arith.index_cast %get3A_434 : i32 to index
      %get3A_436 = arith.index_cast %add3A_433 : i32 to index
      %get3A_437 = tpu.vector_load %arg9[%get3A_435, %get3A_436] {strides = array<i32>} : memref<5x4736xf32, #tpu.memory_space<vmem>>, vector<16xf32>,
      %add3A_438 = arith.constant 48 : i32
      %add3A_439 = arith.addi %add3A_420, %add3A_438 : i32
      %get3A_440 = arith.constant 0 : i32
      %get3A_441 = arith.index_cast %get3A_440 : i32 to index
      %get3A_442 = arith.index_cast %add3A_439 : i32 to index
      %get3A_443 = tpu.vector_load %arg9[%get3A_441, %get3A_442] {strides = array<i32>} : memref<5x4736xf32, #tpu.memory_space<vmem>>, vector<16xf32>,
      %add3A_444 = arith.constant 64 : i32
      %add3A_445 = arith.addi %add3A_420, %add3A_444 : i32
      %get3A_446 = arith.constant 0 : i32
      %get3A_447 = arith.index_cast %get3A_446 : i32 to index
      %get3A_448 = arith.index_cast %add3A_445 : i32 to index
      %get3A_449 = tpu.vector_load %arg9[%get3A_447, %get3A_448] {strides = array<i32>} : memref<5x4736xf32, #tpu.memory_space<vmem>>, vector<16xf32>,
      %add3A_450 = arith.constant 80 : i32
      %add3A_451 = arith.addi %add3A_420, %add3A_450 : i32
      %get3A_452 = arith.constant 0 : i32
      %get3A_453 = arith.index_cast %get3A_452 : i32 to index
      %get3A_454 = arith.index_cast %add3A_451 : i32 to index
      %get3A_455 = tpu.vector_load %arg9[%get3A_453, %get3A_454] {strides = array<i32>} : memref<5x4736xf32, #tpu.memory_space<vmem>>, vector<16xf32>,
      %add3A_456 = arith.constant 96 : i32
      %add3A_457 = arith.addi %add3A_420, %add3A_456 : i32
      %get3A_458 = arith.constant 0 : i32
      %get3A_459 = arith.index_cast %get3A_458 : i32 to index
      %get3A_460 = arith.index_cast %add3A_457 : i32 to index
      %get3A_461 = tpu.vector_load %arg9[%get3A_459, %get3A_460] {strides = array<i32>} : memref<5x4736xf32, #tpu.memory_space<vmem>>, vector<16xf32>,
      %add3A_462 = arith.constant 112 : i32
      %add3A_463 = arith.addi %add3A_420, %add3A_462 : i32
      %get3A_464 = arith.constant 0 : i32
      %get3A_465 = arith.index_cast %get3A_464 : i32 to index
      %get3A_466 = arith.index_cast %add3A_463 : i32 to index
      %get3A_467 = tpu.vector_load %arg9[%get3A_465, %get3A_466] {strides = array<i32>} : memref<5x4736xf32, #tpu.memory_space<vmem>>, vector<16xf32>,
      %sub3A_468 = arith.constant -5.120000e+01 : f32
      %sub3A_469 = vector.broadcast %sub3A_468 : f32 to vector<16xf32>
      %sub3A_470 = arith.subf %get3A_425, %sub3A_469 : vector<16xf32>
      %add3A_471 = arith.constant 0 : i32
      %add3A_472 = arith.addi %mul3A_418, %add3A_471 : i32
      %swap3A = arith.constant 0 : i32
      %swap3A_473 = arith.index_cast %swap3A : i32 to index
      %swap3A_474 = arith.index_cast %add3A_472 : i32 to index
      %swap3A_475 = tpu.vector_load %arg11[%swap3A_473, %swap3A_474] {strides = array<i32>} : memref<3x4736xf32, #tpu.memory_space<vmem>>, vector<16xf32>,
      tpu.vector_store %arg11[%swap3A_473, %swap3A_474], %sub3A_470 {strides = array<i32>} : memref<3x4736xf32, #tpu.memory_space<vmem>>, vector<16xf32>,
      %sub3A_476 = arith.constant -5.120000e+01 : f32
      %sub3A_477 = vector.broadcast %sub3A_476 : f32 to vector<16xf32>
      %sub3A_478 = arith.subf %get3A_431, %sub3A_477 : vector<16xf32>
      %add3A_479 = arith.constant 16 : i32
      %add3A_480 = arith.addi %mul3A_418, %add3A_479 : i32
      %swap3A_481 = arith.constant 0 : i32
      %swap3A_482 = arith.index_cast %swap3A_481 : i32 to index
      %swap3A_483 = arith.index_cast %add3A_480 : i32 to index
      %swap3A_484 = tpu.vector_load %arg11[%swap3A_482, %swap3A_483] {strides = array<i32>} : memref<3x4736xf32, #tpu.memory_space<vmem>>, vector<16xf32>,
      tpu.vector_store %arg11[%swap3A_482, %swap3A_483], %sub3A_478 {strides = array<i32>} : memref<3x4736xf32, #tpu.memory_space<vmem>>, vector<16xf32>,
      %sub3A_485 = arith.constant -5.120000e+01 : f32
      %sub3A_486 = vector.broadcast %sub3A_485 : f32 to vector<16xf32>
      %sub3A_487 = arith.subf %get3A_437, %sub3A_486 : vector<16xf32>
      %add3A_488 = arith.constant 32 : i32
      %add3A_489 = arith.addi %mul3A_418, %add3A_488 : i32
      %swap3A_490 = arith.constant 0 : i32
      %swap3A_491 = arith.index_cast %swap3A_490 : i32 to index
      %swap3A_492 = arith.index_cast %add3A_489 : i32 to index
      %swap3A_493 = tpu.vector_load %arg11[%swap3A_491, %swap3A_492] {strides = array<i32>} : memref<3x4736xf32, #tpu.memory_space<vmem>>, vector<16xf32>,
      tpu.vector_store %arg11[%swap3A_491, %swap3A_492], %sub3A_487 {strides = array<i32>} : memref<3x4736xf32, #tpu.memory_space<vmem>>, vector<16xf32>,
      %sub3A_494 = arith.constant -5.120000e+01 : f32
      %sub3A_495 = vector.broadcast %sub3A_494 : f32 to vector<16xf32>
      %sub3A_496 = arith.subf %get3A_443, %sub3A_495 : vector<16xf32>
      %add3A_497 = arith.constant 48 : i32
      %add3A_498 = arith.addi %mul3A_418, %add3A_497 : i32
      %swap3A_499 = arith.constant 0 : i32
      %swap3A_500 = arith.index_cast %swap3A_499 : i32 to index
      %swap3A_501 = arith.index_cast %add3A_498 : i32 to index
      %swap3A_502 = tpu.vector_load %arg11[%swap3A_500, %swap3A_501] {strides = array<i32>} : memref<3x4736xf32, #tpu.memory_space<vmem>>, vector<16xf32>,
      tpu.vector_store %arg11[%swap3A_500, %swap3A_501], %sub3A_496 {strides = array<i32>} : memref<3x4736xf32, #tpu.memory_space<vmem>>, vector<16xf32>,
      %sub3A_503 = arith.constant -5.120000e+01 : f32
      %sub3A_504 = vector.broadcast %sub3A_503 : f32 to vector<16xf32>
      %sub3A_505 = arith.subf %get3A_449, %sub3A_504 : vector<16xf32>
      %add3A_506 = arith.constant 64 : i32
      %add3A_507 = arith.addi %mul3A_418, %add3A_506 : i32
      %swap3A_508 = arith.constant 0 : i32
      %swap3A_509 = arith.index_cast %swap3A_508 : i32 to index
      %swap3A_510 = arith.index_cast %add3A_507 : i32 to index
      %swap3A_511 = tpu.vector_load %arg11[%swap3A_509, %swap3A_510] {strides = array<i32>} : memref<3x4736xf32, #tpu.memory_space<vmem>>, vector<16xf32>,
      tpu.vector_store %arg11[%swap3A_509, %swap3A_510], %sub3A_505 {strides = array<i32>} : memref<3x4736xf32, #tpu.memory_space<vmem>>, vector<16xf32>,
      %sub3A_512 = arith.constant -5.120000e+01 : f32
      %sub3A_513 = vector.broadcast %sub3A_512 : f32 to vector<16xf32>
      %sub3A_514 = arith.subf %get3A_455, %sub3A_513 : vector<16xf32>
      %add3A_515 = arith.constant 80 : i32
      %add3A_516 = arith.addi %mul3A_418, %add3A_515 : i32
      %swap3A_517 = arith.constant 0 : i32
      %swap3A_518 = arith.index_cast %swap3A_517 : i32 to index
      %swap3A_519 = arith.index_cast %add3A_516 : i32 to index
      %swap3A_520 = tpu.vector_load %arg11[%swap3A_518, %swap3A_519] {strides = array<i32>} : memref<3x4736xf32, #tpu.memory_space<vmem>>, vector<16xf32>,
      tpu.vector_store %arg11[%swap3A_518, %swap3A_519], %sub3A_514 {strides = array<i32>} : memref<3x4736xf32, #tpu.memory_space<vmem>>, vector<16xf32>,
      %sub3A_521 = arith.constant -5.120000e+01 : f32
      %sub3A_522 = vector.broadcast %sub3A_521 : f32 to vector<16xf32>
      %sub3A_523 = arith.subf %get3A_461, %sub3A_522 : vector<16xf32>
      %add3A_524 = arith.constant 96 : i32
      %add3A_525 = arith.addi %mul3A_418, %add3A_524 : i32
      %swap3A_526 = arith.constant 0 : i32
      %swap3A_527 = arith.index_cast %swap3A_526 : i32 to index
      %swap3A_528 = arith.index_cast %add3A_525 : i32 to index
      %swap3A_529 = tpu.vector_load %arg11[%swap3A_527, %swap3A_528] {strides = array<i32>} : memref<3x4736xf32, #tpu.memory_space<vmem>>, vector<16xf32>,
      tpu.vector_store %arg11[%swap3A_527, %swap3A_528], %sub3A_523 {strides = array<i32>} : memref<3x4736xf32, #tpu.memory_space<vmem>>, vector<16xf32>,
      %sub3A_530 = arith.constant -5.120000e+01 : f32
      %sub3A_531 = vector.broadcast %sub3A_530 : f32 to vector<16xf32>
      %sub3A_532 = arith.subf %get3A_467, %sub3A_531 : vector<16xf32>
      %add3A_533 = arith.constant 112 : i32
      %add3A_534 = arith.addi %mul3A_418, %add3A_533 : i32
      %swap3A_535 = arith.constant 0 : i32
      %swap3A_536 = arith.index_cast %swap3A_535 : i32 to index
      %swap3A_537 = arith.index_cast %add3A_534 : i32 to index
      %swap3A_538 = tpu.vector_load %arg11[%swap3A_536, %swap3A_537] {strides = array<i32>} : memref<3x4736xf32, #tpu.memory_space<vmem>>, vector<16xf32>,
      tpu.vector_store %arg11[%swap3A_536, %swap3A_537], %sub3A_532 {strides = array<i32>} : memref<3x4736xf32, #tpu.memory_space<vmem>>, vector<16xf32>,
      %add3A_539 = arith.constant 0 : i32
      %add3A_540 = arith.addi %add3A_420, %add3A_539 : i32
      %get3A_541 = arith.constant 1 : i32
      %get3A_542 = arith.index_cast %get3A_541 : i32 to index
      %get3A_543 = arith.index_cast %add3A_540 : i32 to index
      %get3A_544 = tpu.vector_load %arg9[%get3A_542, %get3A_543] {strides = array<i32>} : memref<5x4736xf32, #tpu.memory_space<vmem>>, vector<16xf32>,
      %add3A_545 = arith.constant 16 : i32
      %add3A_546 = arith.addi %add3A_420, %add3A_545 : i32
      %get3A_547 = arith.constant 1 : i32
      %get3A_548 = arith.index_cast %get3A_547 : i32 to index
      %get3A_549 = arith.index_cast %add3A_546 : i32 to index
      %get3A_550 = tpu.vector_load %arg9[%get3A_548, %get3A_549] {strides = array<i32>} : memref<5x4736xf32, #tpu.memory_space<vmem>>, vector<16xf32>,
      %add3A_551 = arith.constant 32 : i32
      %add3A_552 = arith.addi %add3A_420, %add3A_551 : i32
      %get3A_553 = arith.constant 1 : i32
      %get3A_554 = arith.index_cast %get3A_553 : i32 to index
      %get3A_555 = arith.index_cast %add3A_552 : i32 to index
      %get3A_556 = tpu.vector_load %arg9[%get3A_554, %get3A_555] {strides = array<i32>} : memref<5x4736xf32, #tpu.memory_space<vmem>>, vector<16xf32>,
      %add3A_557 = arith.constant 48 : i32
      %add3A_558 = arith.addi %add3A_420, %add3A_557 : i32
      %get3A_559 = arith.constant 1 : i32
      %get3A_560 = arith.index_cast %get3A_559 : i32 to index
      %get3A_561 = arith.index_cast %add3A_558 : i32 to index
      %get3A_562 = tpu.vector_load %arg9[%get3A_560, %get3A_561] {strides = array<i32>} : memref<5x4736xf32, #tpu.memory_space<vmem>>, vector<16xf32>,
      %add3A_563 = arith.constant 64 : i32
      %add3A_564 = arith.addi %add3A_420, %add3A_563 : i32
      %get3A_565 = arith.constant 1 : i32
      %get3A_566 = arith.index_cast %get3A_565 : i32 to index
      %get3A_567 = arith.index_cast %add3A_564 : i32 to index
      %get3A_568 = tpu.vector_load %arg9[%get3A_566, %get3A_567] {strides = array<i32>} : memref<5x4736xf32, #tpu.memory_space<vmem>>, vector<16xf32>,
      %add3A_569 = arith.constant 80 : i32
      %add3A_570 = arith.addi %add3A_420, %add3A_569 : i32
      %get3A_571 = arith.constant 1 : i32
      %get3A_572 = arith.index_cast %get3A_571 : i32 to index
      %get3A_573 = arith.index_cast %add3A_570 : i32 to index
      %get3A_574 = tpu.vector_load %arg9[%get3A_572, %get3A_573] {strides = array<i32>} : memref<5x4736xf32, #tpu.memory_space<vmem>>, vector<16xf32>,
      %add3A_575 = arith.constant 96 : i32
      %add3A_576 = arith.addi %add3A_420, %add3A_575 : i32
      %get3A_577 = arith.constant 1 : i32
      %get3A_578 = arith.index_cast %get3A_577 : i32 to index
      %get3A_579 = arith.index_cast %add3A_576 : i32 to index
      %get3A_580 = tpu.vector_load %arg9[%get3A_578, %get3A_579] {strides = array<i32>} : memref<5x4736xf32, #tpu.memory_space<vmem>>, vector<16xf32>,
      %add3A_581 = arith.constant 112 : i32
      %add3A_582 = arith.addi %add3A_420, %add3A_581 : i32
      %get3A_583 = arith.constant 1 : i32
      %get3A_584 = arith.index_cast %get3A_583 : i32 to index
      %get3A_585 = arith.index_cast %add3A_582 : i32 to index
      %get3A_586 = tpu.vector_load %arg9[%get3A_584, %get3A_585] {strides = array<i32>} : memref<5x4736xf32, #tpu.memory_space<vmem>>, vector<16xf32>,
      %sub3A_587 = arith.constant -5.120000e+01 : f32
      %sub3A_588 = vector.broadcast %sub3A_587 : f32 to vector<16xf32>
      %sub3A_589 = arith.subf %get3A_544, %sub3A_588 : vector<16xf32>
      %add3A_590 = arith.constant 0 : i32
      %add3A_591 = arith.addi %mul3A_418, %add3A_590 : i32
      %swap3A_592 = arith.constant 1 : i32
      %swap3A_593 = arith.index_cast %swap3A_592 : i32 to index
      %swap3A_594 = arith.index_cast %add3A_591 : i32 to index
      %swap3A_595 = tpu.vector_load %arg11[%swap3A_593, %swap3A_594] {strides = array<i32>} : memref<3x4736xf32, #tpu.memory_space<vmem>>, vector<16xf32>,
      tpu.vector_store %arg11[%swap3A_593, %swap3A_594], %sub3A_589 {strides = array<i32>} : memref<3x4736xf32, #tpu.memory_space<vmem>>, vector<16xf32>,
      %sub3A_596 = arith.constant -5.120000e+01 : f32
      %sub3A_597 = vector.broadcast %sub3A_596 : f32 to vector<16xf32>
      %sub3A_598 = arith.subf %get3A_550, %sub3A_597 : vector<16xf32>
      %add3A_599 = arith.constant 16 : i32
      %add3A_600 = arith.addi %mul3A_418, %add3A_599 : i32
      %swap3A_601 = arith.constant 1 : i32
      %swap3A_602 = arith.index_cast %swap3A_601 : i32 to index
      %swap3A_603 = arith.index_cast %add3A_600 : i32 to index
      %swap3A_604 = tpu.vector_load %arg11[%swap3A_602, %swap3A_603] {strides = array<i32>} : memref<3x4736xf32, #tpu.memory_space<vmem>>, vector<16xf32>,
      tpu.vector_store %arg11[%swap3A_602, %swap3A_603], %sub3A_598 {strides = array<i32>} : memref<3x4736xf32, #tpu.memory_space<vmem>>, vector<16xf32>,
      %sub3A_605 = arith.constant -5.120000e+01 : f32
      %sub3A_606 = vector.broadcast %sub3A_605 : f32 to vector<16xf32>
      %sub3A_607 = arith.subf %get3A_556, %sub3A_606 : vector<16xf32>
      %add3A_608 = arith.constant 32 : i32
      %add3A_609 = arith.addi %mul3A_418, %add3A_608 : i32
      %swap3A_610 = arith.constant 1 : i32
      %swap3A_611 = arith.index_cast %swap3A_610 : i32 to index
      %swap3A_612 = arith.index_cast %add3A_609 : i32 to index
      %swap3A_613 = tpu.vector_load %arg11[%swap3A_611, %swap3A_612] {strides = array<i32>} : memref<3x4736xf32, #tpu.memory_space<vmem>>, vector<16xf32>,
      tpu.vector_store %arg11[%swap3A_611, %swap3A_612], %sub3A_607 {strides = array<i32>} : memref<3x4736xf32, #tpu.memory_space<vmem>>, vector<16xf32>,
      %sub3A_614 = arith.constant -5.120000e+01 : f32
      %sub3A_615 = vector.broadcast %sub3A_614 : f32 to vector<16xf32>
      %sub3A_616 = arith.subf %get3A_562, %sub3A_615 : vector<16xf32>
      %add3A_617 = arith.constant 48 : i32
      %add3A_618 = arith.addi %mul3A_418, %add3A_617 : i32
      %swap3A_619 = arith.constant 1 : i32
      %swap3A_620 = arith.index_cast %swap3A_619 : i32 to index
      %swap3A_621 = arith.index_cast %add3A_618 : i32 to index
      %swap3A_622 = tpu.vector_load %arg11[%swap3A_620, %swap3A_621] {strides = array<i32>} : memref<3x4736xf32, #tpu.memory_space<vmem>>, vector<16xf32>,
      tpu.vector_store %arg11[%swap3A_620, %swap3A_621], %sub3A_616 {strides = array<i32>} : memref<3x4736xf32, #tpu.memory_space<vmem>>, vector<16xf32>,
      %sub3A_623 = arith.constant -5.120000e+01 : f32
      %sub3A_624 = vector.broadcast %sub3A_623 : f32 to vector<16xf32>
      %sub3A_625 = arith.subf %get3A_568, %sub3A_624 : vector<16xf32>
      %add3A_626 = arith.constant 64 : i32
      %add3A_627 = arith.addi %mul3A_418, %add3A_626 : i32
      %swap3A_628 = arith.constant 1 : i32
      %swap3A_629 = arith.index_cast %swap3A_628 : i32 to index
      %swap3A_630 = arith.index_cast %add3A_627 : i32 to index
      %swap3A_631 = tpu.vector_load %arg11[%swap3A_629, %swap3A_630] {strides = array<i32>} : memref<3x4736xf32, #tpu.memory_space<vmem>>, vector<16xf32>,
      tpu.vector_store %arg11[%swap3A_629, %swap3A_630], %sub3A_625 {strides = array<i32>} : memref<3x4736xf32, #tpu.memory_space<vmem>>, vector<16xf32>,
      %sub3A_632 = arith.constant -5.120000e+01 : f32
      %sub3A_633 = vector.broadcast %sub3A_632 : f32 to vector<16xf32>
      %sub3A_634 = arith.subf %get3A_574, %sub3A_633 : vector<16xf32>
      %add3A_635 = arith.constant 80 : i32
      %add3A_636 = arith.addi %mul3A_418, %add3A_635 : i32
      %swap3A_637 = arith.constant 1 : i32
      %swap3A_638 = arith.index_cast %swap3A_637 : i32 to index
      %swap3A_639 = arith.index_cast %add3A_636 : i32 to index
      %swap3A_640 = tpu.vector_load %arg11[%swap3A_638, %swap3A_639] {strides = array<i32>} : memref<3x4736xf32, #tpu.memory_space<vmem>>, vector<16xf32>,
      tpu.vector_store %arg11[%swap3A_638, %swap3A_639], %sub3A_634 {strides = array<i32>} : memref<3x4736xf32, #tpu.memory_space<vmem>>, vector<16xf32>,
      %sub3A_641 = arith.constant -5.120000e+01 : f32
      %sub3A_642 = vector.broadcast %sub3A_641 : f32 to vector<16xf32>
      %sub3A_643 = arith.subf %get3A_580, %sub3A_642 : vector<16xf32>
      %add3A_644 = arith.constant 96 : i32
      %add3A_645 = arith.addi %mul3A_418, %add3A_644 : i32
      %swap3A_646 = arith.constant 1 : i32
      %swap3A_647 = arith.index_cast %swap3A_646 : i32 to index
      %swap3A_648 = arith.index_cast %add3A_645 : i32 to index
      %swap3A_649 = tpu.vector_load %arg11[%swap3A_647, %swap3A_648] {strides = array<i32>} : memref<3x4736xf32, #tpu.memory_space<vmem>>, vector<16xf32>,
      tpu.vector_store %arg11[%swap3A_647, %swap3A_648], %sub3A_643 {strides = array<i32>} : memref<3x4736xf32, #tpu.memory_space<vmem>>, vector<16xf32>,
      %sub3A_650 = arith.constant -5.120000e+01 : f32
      %sub3A_651 = vector.broadcast %sub3A_650 : f32 to vector<16xf32>
      %sub3A_652 = arith.subf %get3A_586, %sub3A_651 : vector<16xf32>
      %add3A_653 = arith.constant 112 : i32
      %add3A_654 = arith.addi %mul3A_418, %add3A_653 : i32
      %swap3A_655 = arith.constant 1 : i32
      %swap3A_656 = arith.index_cast %swap3A_655 : i32 to index
      %swap3A_657 = arith.index_cast %add3A_654 : i32 to index
      %swap3A_658 = tpu.vector_load %arg11[%swap3A_656, %swap3A_657] {strides = array<i32>} : memref<3x4736xf32, #tpu.memory_space<vmem>>, vector<16xf32>,
      tpu.vector_store %arg11[%swap3A_656, %swap3A_657], %sub3A_652 {strides = array<i32>} : memref<3x4736xf32, #tpu.memory_space<vmem>>, vector<16xf32>,
      %add3A_659 = arith.constant 0 : i32
      %add3A_660 = arith.addi %add3A_420, %add3A_659 : i32
      %get3A_661 = arith.constant 2 : i32
      %get3A_662 = arith.index_cast %get3A_661 : i32 to index
      %get3A_663 = arith.index_cast %add3A_660 : i32 to index
      %get3A_664 = tpu.vector_load %arg9[%get3A_662, %get3A_663] {strides = array<i32>} : memref<5x4736xf32, #tpu.memory_space<vmem>>, vector<16xf32>,
      %add3A_665 = arith.constant 16 : i32
      %add3A_666 = arith.addi %add3A_420, %add3A_665 : i32
      %get3A_667 = arith.constant 2 : i32
      %get3A_668 = arith.index_cast %get3A_667 : i32 to index
      %get3A_669 = arith.index_cast %add3A_666 : i32 to index
      %get3A_670 = tpu.vector_load %arg9[%get3A_668, %get3A_669] {strides = array<i32>} : memref<5x4736xf32, #tpu.memory_space<vmem>>, vector<16xf32>,
      %add3A_671 = arith.constant 32 : i32
      %add3A_672 = arith.addi %add3A_420, %add3A_671 : i32
      %get3A_673 = arith.constant 2 : i32
      %get3A_674 = arith.index_cast %get3A_673 : i32 to index
      %get3A_675 = arith.index_cast %add3A_672 : i32 to index
      %get3A_676 = tpu.vector_load %arg9[%get3A_674, %get3A_675] {strides = array<i32>} : memref<5x4736xf32, #tpu.memory_space<vmem>>, vector<16xf32>,
      %add3A_677 = arith.constant 48 : i32
      %add3A_678 = arith.addi %add3A_420, %add3A_677 : i32
      %get3A_679 = arith.constant 2 : i32
      %get3A_680 = arith.index_cast %get3A_679 : i32 to index
      %get3A_681 = arith.index_cast %add3A_678 : i32 to index
      %get3A_682 = tpu.vector_load %arg9[%get3A_680, %get3A_681] {strides = array<i32>} : memref<5x4736xf32, #tpu.memory_space<vmem>>, vector<16xf32>,
      %add3A_683 = arith.constant 64 : i32
      %add3A_684 = arith.addi %add3A_420, %add3A_683 : i32
      %get3A_685 = arith.constant 2 : i32
      %get3A_686 = arith.index_cast %get3A_685 : i32 to index
      %get3A_687 = arith.index_cast %add3A_684 : i32 to index
      %get3A_688 = tpu.vector_load %arg9[%get3A_686, %get3A_687] {strides = array<i32>} : memref<5x4736xf32, #tpu.memory_space<vmem>>, vector<16xf32>,
      %add3A_689 = arith.constant 80 : i32
      %add3A_690 = arith.addi %add3A_420, %add3A_689 : i32
      %get3A_691 = arith.constant 2 : i32
      %get3A_692 = arith.index_cast %get3A_691 : i32 to index
      %get3A_693 = arith.index_cast %add3A_690 : i32 to index
      %get3A_694 = tpu.vector_load %arg9[%get3A_692, %get3A_693] {strides = array<i32>} : memref<5x4736xf32, #tpu.memory_space<vmem>>, vector<16xf32>,
      %add3A_695 = arith.constant 96 : i32
      %add3A_696 = arith.addi %add3A_420, %add3A_695 : i32
      %get3A_697 = arith.constant 2 : i32
      %get3A_698 = arith.index_cast %get3A_697 : i32 to index
      %get3A_699 = arith.index_cast %add3A_696 : i32 to index
      %get3A_700 = tpu.vector_load %arg9[%get3A_698, %get3A_699] {strides = array<i32>} : memref<5x4736xf32, #tpu.memory_space<vmem>>, vector<16xf32>,
      %add3A_701 = arith.constant 112 : i32
      %add3A_702 = arith.addi %add3A_420, %add3A_701 : i32
      %get3A_703 = arith.constant 2 : i32
      %get3A_704 = arith.index_cast %get3A_703 : i32 to index
      %get3A_705 = arith.index_cast %add3A_702 : i32 to index
      %get3A_706 = tpu.vector_load %arg9[%get3A_704, %get3A_705] {strides = array<i32>} : memref<5x4736xf32, #tpu.memory_space<vmem>>, vector<16xf32>,
      %sub3A_707 = arith.constant -5.000000e+00 : f32
      %sub3A_708 = vector.broadcast %sub3A_707 : f32 to vector<16xf32>
      %sub3A_709 = arith.subf %get3A_664, %sub3A_708 : vector<16xf32>
      %add3A_710 = arith.constant 0 : i32
      %add3A_711 = arith.addi %mul3A_418, %add3A_710 : i32
      %swap3A_712 = arith.constant 2 : i32
      %swap3A_713 = arith.index_cast %swap3A_712 : i32 to index
      %swap3A_714 = arith.index_cast %add3A_711 : i32 to index
      %swap3A_715 = tpu.vector_load %arg11[%swap3A_713, %swap3A_714] {strides = array<i32>} : memref<3x4736xf32, #tpu.memory_space<vmem>>, vector<16xf32>,
      tpu.vector_store %arg11[%swap3A_713, %swap3A_714], %sub3A_709 {strides = array<i32>} : memref<3x4736xf32, #tpu.memory_space<vmem>>, vector<16xf32>,
      %sub3A_716 = arith.constant -5.000000e+00 : f32
      %sub3A_717 = vector.broadcast %sub3A_716 : f32 to vector<16xf32>
      %sub3A_718 = arith.subf %get3A_670, %sub3A_717 : vector<16xf32>
      %add3A_719 = arith.constant 16 : i32
      %add3A_720 = arith.addi %mul3A_418, %add3A_719 : i32
      %swap3A_721 = arith.constant 2 : i32
      %swap3A_722 = arith.index_cast %swap3A_721 : i32 to index
      %swap3A_723 = arith.index_cast %add3A_720 : i32 to index
      %swap3A_724 = tpu.vector_load %arg11[%swap3A_722, %swap3A_723] {strides = array<i32>} : memref<3x4736xf32, #tpu.memory_space<vmem>>, vector<16xf32>,
      tpu.vector_store %arg11[%swap3A_722, %swap3A_723], %sub3A_718 {strides = array<i32>} : memref<3x4736xf32, #tpu.memory_space<vmem>>, vector<16xf32>,
      %sub3A_725 = arith.constant -5.000000e+00 : f32
      %sub3A_726 = vector.broadcast %sub3A_725 : f32 to vector<16xf32>
      %sub3A_727 = arith.subf %get3A_676, %sub3A_726 : vector<16xf32>
      %add3A_728 = arith.constant 32 : i32
      %add3A_729 = arith.addi %mul3A_418, %add3A_728 : i32
      %swap3A_730 = arith.constant 2 : i32
      %swap3A_731 = arith.index_cast %swap3A_730 : i32 to index
      %swap3A_732 = arith.index_cast %add3A_729 : i32 to index
      %swap3A_733 = tpu.vector_load %arg11[%swap3A_731, %swap3A_732] {strides = array<i32>} : memref<3x4736xf32, #tpu.memory_space<vmem>>, vector<16xf32>,
      tpu.vector_store %arg11[%swap3A_731, %swap3A_732], %sub3A_727 {strides = array<i32>} : memref<3x4736xf32, #tpu.memory_space<vmem>>, vector<16xf32>,
      %sub3A_734 = arith.constant -5.000000e+00 : f32
      %sub3A_735 = vector.broadcast %sub3A_734 : f32 to vector<16xf32>
      %sub3A_736 = arith.subf %get3A_682, %sub3A_735 : vector<16xf32>
      %add3A_737 = arith.constant 48 : i32
      %add3A_738 = arith.addi %mul3A_418, %add3A_737 : i32
      %swap3A_739 = arith.constant 2 : i32
      %swap3A_740 = arith.index_cast %swap3A_739 : i32 to index
      %swap3A_741 = arith.index_cast %add3A_738 : i32 to index
      %swap3A_742 = tpu.vector_load %arg11[%swap3A_740, %swap3A_741] {strides = array<i32>} : memref<3x4736xf32, #tpu.memory_space<vmem>>, vector<16xf32>,
      tpu.vector_store %arg11[%swap3A_740, %swap3A_741], %sub3A_736 {strides = array<i32>} : memref<3x4736xf32, #tpu.memory_space<vmem>>, vector<16xf32>,
      %sub3A_743 = arith.constant -5.000000e+00 : f32
      %sub3A_744 = vector.broadcast %sub3A_743 : f32 to vector<16xf32>
      %sub3A_745 = arith.subf %get3A_688, %sub3A_744 : vector<16xf32>
      %add3A_746 = arith.constant 64 : i32
      %add3A_747 = arith.addi %mul3A_418, %add3A_746 : i32
      %swap3A_748 = arith.constant 2 : i32
      %swap3A_749 = arith.index_cast %swap3A_748 : i32 to index
      %swap3A_750 = arith.index_cast %add3A_747 : i32 to index
      %swap3A_751 = tpu.vector_load %arg11[%swap3A_749, %swap3A_750] {strides = array<i32>} : memref<3x4736xf32, #tpu.memory_space<vmem>>, vector<16xf32>,
      tpu.vector_store %arg11[%swap3A_749, %swap3A_750], %sub3A_745 {strides = array<i32>} : memref<3x4736xf32, #tpu.memory_space<vmem>>, vector<16xf32>,
      %sub3A_752 = arith.constant -5.000000e+00 : f32
      %sub3A_753 = vector.broadcast %sub3A_752 : f32 to vector<16xf32>
      %sub3A_754 = arith.subf %get3A_694, %sub3A_753 : vector<16xf32>
      %add3A_755 = arith.constant 80 : i32
      %add3A_756 = arith.addi %mul3A_418, %add3A_755 : i32
      %swap3A_757 = arith.constant 2 : i32
      %swap3A_758 = arith.index_cast %swap3A_757 : i32 to index
      %swap3A_759 = arith.index_cast %add3A_756 : i32 to index
      %swap3A_760 = tpu.vector_load %arg11[%swap3A_758, %swap3A_759] {strides = array<i32>} : memref<3x4736xf32, #tpu.memory_space<vmem>>, vector<16xf32>,
      tpu.vector_store %arg11[%swap3A_758, %swap3A_759], %sub3A_754 {strides = array<i32>} : memref<3x4736xf32, #tpu.memory_space<vmem>>, vector<16xf32>,
      %sub3A_761 = arith.constant -5.000000e+00 : f32
      %sub3A_762 = vector.broadcast %sub3A_761 : f32 to vector<16xf32>
      %sub3A_763 = arith.subf %get3A_700, %sub3A_762 : vector<16xf32>
      %add3A_764 = arith.constant 96 : i32
      %add3A_765 = arith.addi %mul3A_418, %add3A_764 : i32
      %swap3A_766 = arith.constant 2 : i32
      %swap3A_767 = arith.index_cast %swap3A_766 : i32 to index
      %swap3A_768 = arith.index_cast %add3A_765 : i32 to index
      %swap3A_769 = tpu.vector_load %arg11[%swap3A_767, %swap3A_768] {strides = array<i32>} : memref<3x4736xf32, #tpu.memory_space<vmem>>, vector<16xf32>,
      tpu.vector_store %arg11[%swap3A_767, %swap3A_768], %sub3A_763 {strides = array<i32>} : memref<3x4736xf32, #tpu.memory_space<vmem>>, vector<16xf32>,
      %sub3A_770 = arith.constant -5.000000e+00 : f32
      %sub3A_771 = vector.broadcast %sub3A_770 : f32 to vector<16xf32>
      %sub3A_772 = arith.subf %get3A_706, %sub3A_771 : vector<16xf32>
      %add3A_773 = arith.constant 112 : i32
      %add3A_774 = arith.addi %mul3A_418, %add3A_773 : i32
      %swap3A_775 = arith.constant 2 : i32
      %swap3A_776 = arith.index_cast %swap3A_775 : i32 to index
      %swap3A_777 = arith.index_cast %add3A_774 : i32 to index
      %swap3A_778 = tpu.vector_load %arg11[%swap3A_776, %swap3A_777] {strides = array<i32>} : memref<3x4736xf32, #tpu.memory_space<vmem>>, vector<16xf32>,
      tpu.vector_store %arg11[%swap3A_776, %swap3A_777], %sub3A_772 {strides = array<i32>} : memref<3x4736xf32, #tpu.memory_space<vmem>>, vector<16xf32>,
      %add3A_779 = arith.constant 0 : i32
      %add3A_780 = arith.addi %add3A_420, %add3A_779 : i32
      %get3A_781 = arith.constant 3 : i32
      %get3A_782 = arith.index_cast %get3A_781 : i32 to index
      %get3A_783 = arith.index_cast %add3A_780 : i32 to index
      %get3A_784 = tpu.vector_load %arg9[%get3A_782, %get3A_783] {strides = array<i32>} : memref<5x4736xf32, #tpu.memory_space<vmem>>, vector<16xf32>,
      %add3A_785 = arith.constant 16 : i32
      %add3A_786 = arith.addi %add3A_420, %add3A_785 : i32
      %get3A_787 = arith.constant 3 : i32
      %get3A_788 = arith.index_cast %get3A_787 : i32 to index
      %get3A_789 = arith.index_cast %add3A_786 : i32 to index
      %get3A_790 = tpu.vector_load %arg9[%get3A_788, %get3A_789] {strides = array<i32>} : memref<5x4736xf32, #tpu.memory_space<vmem>>, vector<16xf32>,
      %add3A_791 = arith.constant 32 : i32
      %add3A_792 = arith.addi %add3A_420, %add3A_791 : i32
      %get3A_793 = arith.constant 3 : i32
      %get3A_794 = arith.index_cast %get3A_793 : i32 to index
      %get3A_795 = arith.index_cast %add3A_792 : i32 to index
      %get3A_796 = tpu.vector_load %arg9[%get3A_794, %get3A_795] {strides = array<i32>} : memref<5x4736xf32, #tpu.memory_space<vmem>>, vector<16xf32>,
      %add3A_797 = arith.constant 48 : i32
      %add3A_798 = arith.addi %add3A_420, %add3A_797 : i32
      %get3A_799 = arith.constant 3 : i32
      %get3A_800 = arith.index_cast %get3A_799 : i32 to index
      %get3A_801 = arith.index_cast %add3A_798 : i32 to index
      %get3A_802 = tpu.vector_load %arg9[%get3A_800, %get3A_801] {strides = array<i32>} : memref<5x4736xf32, #tpu.memory_space<vmem>>, vector<16xf32>,
      %add3A_803 = arith.constant 64 : i32
      %add3A_804 = arith.addi %add3A_420, %add3A_803 : i32
      %get3A_805 = arith.constant 3 : i32
      %get3A_806 = arith.index_cast %get3A_805 : i32 to index
      %get3A_807 = arith.index_cast %add3A_804 : i32 to index
      %get3A_808 = tpu.vector_load %arg9[%get3A_806, %get3A_807] {strides = array<i32>} : memref<5x4736xf32, #tpu.memory_space<vmem>>, vector<16xf32>,
      %add3A_809 = arith.constant 80 : i32
      %add3A_810 = arith.addi %add3A_420, %add3A_809 : i32
      %get3A_811 = arith.constant 3 : i32
      %get3A_812 = arith.index_cast %get3A_811 : i32 to index
      %get3A_813 = arith.index_cast %add3A_810 : i32 to index
      %get3A_814 = tpu.vector_load %arg9[%get3A_812, %get3A_813] {strides = array<i32>} : memref<5x4736xf32, #tpu.memory_space<vmem>>, vector<16xf32>,
      %add3A_815 = arith.constant 96 : i32
      %add3A_816 = arith.addi %add3A_420, %add3A_815 : i32
      %get3A_817 = arith.constant 3 : i32
      %get3A_818 = arith.index_cast %get3A_817 : i32 to index
      %get3A_819 = arith.index_cast %add3A_816 : i32 to index
      %get3A_820 = tpu.vector_load %arg9[%get3A_818, %get3A_819] {strides = array<i32>} : memref<5x4736xf32, #tpu.memory_space<vmem>>, vector<16xf32>,
      %add3A_821 = arith.constant 112 : i32
      %add3A_822 = arith.addi %add3A_420, %add3A_821 : i32
      %get3A_823 = arith.constant 3 : i32
      %get3A_824 = arith.index_cast %get3A_823 : i32 to index
      %get3A_825 = arith.index_cast %add3A_822 : i32 to index
      %get3A_826 = tpu.vector_load %arg9[%get3A_824, %get3A_825] {strides = array<i32>} : memref<5x4736xf32, #tpu.memory_space<vmem>>, vector<16xf32>,
      %add3A_827 = arith.constant 0 : i32
      %add3A_828 = arith.addi %mul3A_418, %add3A_827 : i32
      %swap3A_829 = arith.constant 0 : i32
      %swap3A_830 = arith.index_cast %swap3A_829 : i32 to index
      %swap3A_831 = arith.index_cast %add3A_828 : i32 to index
      %swap3A_832 = tpu.vector_load %arg13[%swap3A_830, %swap3A_831] {strides = array<i32>} : memref<2x4736xf32, #tpu.memory_space<vmem>>, vector<16xf32>,
      tpu.vector_store %arg13[%swap3A_830, %swap3A_831], %get3A_784 {strides = array<i32>} : memref<2x4736xf32, #tpu.memory_space<vmem>>, vector<16xf32>,
      %add3A_833 = arith.constant 16 : i32
      %add3A_834 = arith.addi %mul3A_418, %add3A_833 : i32
      %swap3A_835 = arith.constant 0 : i32
      %swap3A_836 = arith.index_cast %swap3A_835 : i32 to index
      %swap3A_837 = arith.index_cast %add3A_834 : i32 to index
      %swap3A_838 = tpu.vector_load %arg13[%swap3A_836, %swap3A_837] {strides = array<i32>} : memref<2x4736xf32, #tpu.memory_space<vmem>>, vector<16xf32>,
      tpu.vector_store %arg13[%swap3A_836, %swap3A_837], %get3A_790 {strides = array<i32>} : memref<2x4736xf32, #tpu.memory_space<vmem>>, vector<16xf32>,
      %add3A_839 = arith.constant 32 : i32
      %add3A_840 = arith.addi %mul3A_418, %add3A_839 : i32
      %swap3A_841 = arith.constant 0 : i32
      %swap3A_842 = arith.index_cast %swap3A_841 : i32 to index
      %swap3A_843 = arith.index_cast %add3A_840 : i32 to index
      %swap3A_844 = tpu.vector_load %arg13[%swap3A_842, %swap3A_843] {strides = array<i32>} : memref<2x4736xf32, #tpu.memory_space<vmem>>, vector<16xf32>,
      tpu.vector_store %arg13[%swap3A_842, %swap3A_843], %get3A_796 {strides = array<i32>} : memref<2x4736xf32, #tpu.memory_space<vmem>>, vector<16xf32>,
      %add3A_845 = arith.constant 48 : i32
      %add3A_846 = arith.addi %mul3A_418, %add3A_845 : i32
      %swap3A_847 = arith.constant 0 : i32
      %swap3A_848 = arith.index_cast %swap3A_847 : i32 to index
      %swap3A_849 = arith.index_cast %add3A_846 : i32 to index
      %swap3A_850 = tpu.vector_load %arg13[%swap3A_848, %swap3A_849] {strides = array<i32>} : memref<2x4736xf32, #tpu.memory_space<vmem>>, vector<16xf32>,
      tpu.vector_store %arg13[%swap3A_848, %swap3A_849], %get3A_802 {strides = array<i32>} : memref<2x4736xf32, #tpu.memory_space<vmem>>, vector<16xf32>,
      %add3A_851 = arith.constant 64 : i32
      %add3A_852 = arith.addi %mul3A_418, %add3A_851 : i32
      %swap3A_853 = arith.constant 0 : i32
      %swap3A_854 = arith.index_cast %swap3A_853 : i32 to index
      %swap3A_855 = arith.index_cast %add3A_852 : i32 to index
      %swap3A_856 = tpu.vector_load %arg13[%swap3A_854, %swap3A_855] {strides = array<i32>} : memref<2x4736xf32, #tpu.memory_space<vmem>>, vector<16xf32>,
      tpu.vector_store %arg13[%swap3A_854, %swap3A_855], %get3A_808 {strides = array<i32>} : memref<2x4736xf32, #tpu.memory_space<vmem>>, vector<16xf32>,
      %add3A_857 = arith.constant 80 : i32
      %add3A_858 = arith.addi %mul3A_418, %add3A_857 : i32
      %swap3A_859 = arith.constant 0 : i32
      %swap3A_860 = arith.index_cast %swap3A_859 : i32 to index
      %swap3A_861 = arith.index_cast %add3A_858 : i32 to index
      %swap3A_862 = tpu.vector_load %arg13[%swap3A_860, %swap3A_861] {strides = array<i32>} : memref<2x4736xf32, #tpu.memory_space<vmem>>, vector<16xf32>,
      tpu.vector_store %arg13[%swap3A_860, %swap3A_861], %get3A_814 {strides = array<i32>} : memref<2x4736xf32, #tpu.memory_space<vmem>>, vector<16xf32>,
      %add3A_863 = arith.constant 96 : i32
      %add3A_864 = arith.addi %mul3A_418, %add3A_863 : i32
      %swap3A_865 = arith.constant 0 : i32
      %swap3A_866 = arith.index_cast %swap3A_865 : i32 to index
      %swap3A_867 = arith.index_cast %add3A_864 : i32 to index
      %swap3A_868 = tpu.vector_load %arg13[%swap3A_866, %swap3A_867] {strides = array<i32>} : memref<2x4736xf32, #tpu.memory_space<vmem>>, vector<16xf32>,
      tpu.vector_store %arg13[%swap3A_866, %swap3A_867], %get3A_820 {strides = array<i32>} : memref<2x4736xf32, #tpu.memory_space<vmem>>, vector<16xf32>,
      %add3A_869 = arith.constant 112 : i32
      %add3A_870 = arith.addi %mul3A_418, %add3A_869 : i32
      %swap3A_871 = arith.constant 0 : i32
      %swap3A_872 = arith.index_cast %swap3A_871 : i32 to index
      %swap3A_873 = arith.index_cast %add3A_870 : i32 to index
      %swap3A_874 = tpu.vector_load %arg13[%swap3A_872, %swap3A_873] {strides = array<i32>} : memref<2x4736xf32, #tpu.memory_space<vmem>>, vector<16xf32>,
      tpu.vector_store %arg13[%swap3A_872, %swap3A_873], %get3A_826 {strides = array<i32>} : memref<2x4736xf32, #tpu.memory_space<vmem>>, vector<16xf32>,
      %add3A_875 = arith.constant 0 : i32
      %add3A_876 = arith.addi %add3A_420, %add3A_875 : i32
      %get3A_877 = arith.constant 4 : i32
      %get3A_878 = arith.index_cast %get3A_877 : i32 to index
      %get3A_879 = arith.index_cast %add3A_876 : i32 to index
      %get3A_880 = tpu.vector_load %arg9[%get3A_878, %get3A_879] {strides = array<i32>} : memref<5x4736xf32, #tpu.memory_space<vmem>>, vector<16xf32>,
      %add3A_881 = arith.constant 16 : i32
      %add3A_882 = arith.addi %add3A_420, %add3A_881 : i32
      %get3A_883 = arith.constant 4 : i32
      %get3A_884 = arith.index_cast %get3A_883 : i32 to index
      %get3A_885 = arith.index_cast %add3A_882 : i32 to index
      %get3A_886 = tpu.vector_load %arg9[%get3A_884, %get3A_885] {strides = array<i32>} : memref<5x4736xf32, #tpu.memory_space<vmem>>, vector<16xf32>,
      %add3A_887 = arith.constant 32 : i32
      %add3A_888 = arith.addi %add3A_420, %add3A_887 : i32
      %get3A_889 = arith.constant 4 : i32
      %get3A_890 = arith.index_cast %get3A_889 : i32 to index
      %get3A_891 = arith.index_cast %add3A_888 : i32 to index
      %get3A_892 = tpu.vector_load %arg9[%get3A_890, %get3A_891] {strides = array<i32>} : memref<5x4736xf32, #tpu.memory_space<vmem>>, vector<16xf32>,
      %add3A_893 = arith.constant 48 : i32
      %add3A_894 = arith.addi %add3A_420, %add3A_893 : i32
      %get3A_895 = arith.constant 4 : i32
      %get3A_896 = arith.index_cast %get3A_895 : i32 to index
      %get3A_897 = arith.index_cast %add3A_894 : i32 to index
      %get3A_898 = tpu.vector_load %arg9[%get3A_896, %get3A_897] {strides = array<i32>} : memref<5x4736xf32, #tpu.memory_space<vmem>>, vector<16xf32>,
      %add3A_899 = arith.constant 64 : i32
      %add3A_900 = arith.addi %add3A_420, %add3A_899 : i32
      %get3A_901 = arith.constant 4 : i32
      %get3A_902 = arith.index_cast %get3A_901 : i32 to index
      %get3A_903 = arith.index_cast %add3A_900 : i32 to index
      %get3A_904 = tpu.vector_load %arg9[%get3A_902, %get3A_903] {strides = array<i32>} : memref<5x4736xf32, #tpu.memory_space<vmem>>, vector<16xf32>,
      %add3A_905 = arith.constant 80 : i32
      %add3A_906 = arith.addi %add3A_420, %add3A_905 : i32
      %get3A_907 = arith.constant 4 : i32
      %get3A_908 = arith.index_cast %get3A_907 : i32 to index
      %get3A_909 = arith.index_cast %add3A_906 : i32 to index
      %get3A_910 = tpu.vector_load %arg9[%get3A_908, %get3A_909] {strides = array<i32>} : memref<5x4736xf32, #tpu.memory_space<vmem>>, vector<16xf32>,
      %add3A_911 = arith.constant 96 : i32
      %add3A_912 = arith.addi %add3A_420, %add3A_911 : i32
      %get3A_913 = arith.constant 4 : i32
      %get3A_914 = arith.index_cast %get3A_913 : i32 to index
      %get3A_915 = arith.index_cast %add3A_912 : i32 to index
      %get3A_916 = tpu.vector_load %arg9[%get3A_914, %get3A_915] {strides = array<i32>} : memref<5x4736xf32, #tpu.memory_space<vmem>>, vector<16xf32>,
      %add3A_917 = arith.constant 112 : i32
      %add3A_918 = arith.addi %add3A_420, %add3A_917 : i32
      %get3A_919 = arith.constant 4 : i32
      %get3A_920 = arith.index_cast %get3A_919 : i32 to index
      %get3A_921 = arith.index_cast %add3A_918 : i32 to index
      %get3A_922 = tpu.vector_load %arg9[%get3A_920, %get3A_921] {strides = array<i32>} : memref<5x4736xf32, #tpu.memory_space<vmem>>, vector<16xf32>,
      %add3A_923 = arith.constant 0 : i32
      %add3A_924 = arith.addi %mul3A_418, %add3A_923 : i32
      %swap3A_925 = arith.constant 1 : i32
      %swap3A_926 = arith.index_cast %swap3A_925 : i32 to index
      %swap3A_927 = arith.index_cast %add3A_924 : i32 to index
      %swap3A_928 = tpu.vector_load %arg13[%swap3A_926, %swap3A_927] {strides = array<i32>} : memref<2x4736xf32, #tpu.memory_space<vmem>>, vector<16xf32>,
      tpu.vector_store %arg13[%swap3A_926, %swap3A_927], %get3A_880 {strides = array<i32>} : memref<2x4736xf32, #tpu.memory_space<vmem>>, vector<16xf32>,
      %add3A_929 = arith.constant 16 : i32
      %add3A_930 = arith.addi %mul3A_418, %add3A_929 : i32
      %swap3A_931 = arith.constant 1 : i32
      %swap3A_932 = arith.index_cast %swap3A_931 : i32 to index
      %swap3A_933 = arith.index_cast %add3A_930 : i32 to index
      %swap3A_934 = tpu.vector_load %arg13[%swap3A_932, %swap3A_933] {strides = array<i32>} : memref<2x4736xf32, #tpu.memory_space<vmem>>, vector<16xf32>,
      tpu.vector_store %arg13[%swap3A_932, %swap3A_933], %get3A_886 {strides = array<i32>} : memref<2x4736xf32, #tpu.memory_space<vmem>>, vector<16xf32>,
      %add3A_935 = arith.constant 32 : i32
      %add3A_936 = arith.addi %mul3A_418, %add3A_935 : i32
      %swap3A_937 = arith.constant 1 : i32
      %swap3A_938 = arith.index_cast %swap3A_937 : i32 to index
      %swap3A_939 = arith.index_cast %add3A_936 : i32 to index
      %swap3A_940 = tpu.vector_load %arg13[%swap3A_938, %swap3A_939] {strides = array<i32>} : memref<2x4736xf32, #tpu.memory_space<vmem>>, vector<16xf32>,
      tpu.vector_store %arg13[%swap3A_938, %swap3A_939], %get3A_892 {strides = array<i32>} : memref<2x4736xf32, #tpu.memory_space<vmem>>, vector<16xf32>,
      %add3A_941 = arith.constant 48 : i32
      %add3A_942 = arith.addi %mul3A_418, %add3A_941 : i32
      %swap3A_943 = arith.constant 1 : i32
      %swap3A_944 = arith.index_cast %swap3A_943 : i32 to index
      %swap3A_945 = arith.index_cast %add3A_942 : i32 to index
      %swap3A_946 = tpu.vector_load %arg13[%swap3A_944, %swap3A_945] {strides = array<i32>} : memref<2x4736xf32, #tpu.memory_space<vmem>>, vector<16xf32>,
      tpu.vector_store %arg13[%swap3A_944, %swap3A_945], %get3A_898 {strides = array<i32>} : memref<2x4736xf32, #tpu.memory_space<vmem>>, vector<16xf32>,
      %add3A_947 = arith.constant 64 : i32
      %add3A_948 = arith.addi %mul3A_418, %add3A_947 : i32
      %swap3A_949 = arith.constant 1 : i32
      %swap3A_950 = arith.index_cast %swap3A_949 : i32 to index
      %swap3A_951 = arith.index_cast %add3A_948 : i32 to index
      %swap3A_952 = tpu.vector_load %arg13[%swap3A_950, %swap3A_951] {strides = array<i32>} : memref<2x4736xf32, #tpu.memory_space<vmem>>, vector<16xf32>,
      tpu.vector_store %arg13[%swap3A_950, %swap3A_951], %get3A_904 {strides = array<i32>} : memref<2x4736xf32, #tpu.memory_space<vmem>>, vector<16xf32>,
      %add3A_953 = arith.constant 80 : i32
      %add3A_954 = arith.addi %mul3A_418, %add3A_953 : i32
      %swap3A_955 = arith.constant 1 : i32
      %swap3A_956 = arith.index_cast %swap3A_955 : i32 to index
      %swap3A_957 = arith.index_cast %add3A_954 : i32 to index
      %swap3A_958 = tpu.vector_load %arg13[%swap3A_956, %swap3A_957] {strides = array<i32>} : memref<2x4736xf32, #tpu.memory_space<vmem>>, vector<16xf32>,
      tpu.vector_store %arg13[%swap3A_956, %swap3A_957], %get3A_910 {strides = array<i32>} : memref<2x4736xf32, #tpu.memory_space<vmem>>, vector<16xf32>,
      %add3A_959 = arith.constant 96 : i32
      %add3A_960 = arith.addi %mul3A_418, %add3A_959 : i32
      %swap3A_961 = arith.constant 1 : i32
      %swap3A_962 = arith.index_cast %swap3A_961 : i32 to index
      %swap3A_963 = arith.index_cast %add3A_960 : i32 to index
      %swap3A_964 = tpu.vector_load %arg13[%swap3A_962, %swap3A_963] {strides = array<i32>} : memref<2x4736xf32, #tpu.memory_space<vmem>>, vector<16xf32>,
      tpu.vector_store %arg13[%swap3A_962, %swap3A_963], %get3A_916 {strides = array<i32>} : memref<2x4736xf32, #tpu.memory_space<vmem>>, vector<16xf32>,
      %add3A_965 = arith.constant 112 : i32
      %add3A_966 = arith.addi %mul3A_418, %add3A_965 : i32
      %swap3A_967 = arith.constant 1 : i32
      %swap3A_968 = arith.index_cast %swap3A_967 : i32 to index
      %swap3A_969 = arith.index_cast %add3A_966 : i32 to index
      %swap3A_970 = tpu.vector_load %arg13[%swap3A_968, %swap3A_969] {strides = array<i32>} : memref<2x4736xf32, #tpu.memory_space<vmem>>, vector<16xf32>,
      tpu.vector_store %arg13[%swap3A_968, %swap3A_969], %get3A_922 {strides = array<i32>} : memref<2x4736xf32, #tpu.memory_space<vmem>>, vector<16xf32>,
      %scan3A_971 = arith.constant 0 : i32
      scf.yield %scan3A_971 : i32
    }
    %scan3A_282 = arith.constant 18 : i32
    %add3A_283 = arith.constant 0 : i32
    %add3A_284 = arith.addi %multiple_of3A_275, %add3A_283 : i32
    %dma_start3A_285 = arith.constant 0 : i32
    %dma_start3A_286 = arith.constant 0 : i32
    %dma_start3A_287 = tpu.memref_slice %arg11[%dma_start3A_285, %dma_start3A_286] : memref<3x4736xf32, #tpu.memory_space<vmem>> -> memref<3x2304xf32, #tpu.memory_space<vmem>>
    %dma_start3A_288 = arith.constant 0 : i32
    %dma_start3A_289 = tpu.memref_slice %arg6[%dma_start3A_288, %add3A_284] : memref<3x450000xf32, #tpu.memory_space<hbm>> -> memref<3x2304xf32, #tpu.memory_space<hbm>>
    %dma_start3A_290 = arith.constant 0 : i32
    %dma_start3A_291 = tpu.memref_slice %arg6[%dma_start3A_290, %add3A_284] : memref<3x450000xf32, #tpu.memory_space<hbm>> -> memref<3x2304xf32, #tpu.memory_space<hbm>>
    %dma_start3A_292 = arith.constant 0 : i32
    %dma_start3A_293 = arith.constant 0 : i32
    %dma_start3A_294 = tpu.memref_slice %arg11[%dma_start3A_292, %dma_start3A_293] : memref<3x4736xf32, #tpu.memory_space<vmem>> -> memref<3x2304xf32, #tpu.memory_space<vmem>>
    tpu.enqueue_dma source(%dma_start3A_294 : memref<3x2304xf32, #tpu.memory_space<vmem>>) target(%dma_start3A_291 : memref<3x2304xf32, #tpu.memory_space<hbm>>) target_semaphore(%arg20 : memref<!tpu.dma_semaphore, #tpu.memory_space<semaphore_mem>>)
    %add3A_295 = arith.constant 0 : i32
    %add3A_296 = arith.addi %multiple_of3A_275, %add3A_295 : i32
    %dma_start3A_297 = arith.constant 0 : i32
    %dma_start3A_298 = arith.constant 0 : i32
    %dma_start3A_299 = tpu.memref_slice %arg13[%dma_start3A_297, %dma_start3A_298] : memref<2x4736xf32, #tpu.memory_space<vmem>> -> memref<2x2304xf32, #tpu.memory_space<vmem>>
    %dma_start3A_300 = arith.constant 0 : i32
    %dma_start3A_301 = tpu.memref_slice %arg7[%dma_start3A_300, %add3A_296] : memref<2x450000xf32, #tpu.memory_space<hbm>> -> memref<2x2304xf32, #tpu.memory_space<hbm>>
    %dma_start3A_302 = arith.constant 0 : i32
    %dma_start3A_303 = tpu.memref_slice %arg7[%dma_start3A_302, %add3A_296] : memref<2x450000xf32, #tpu.memory_space<hbm>> -> memref<2x2304xf32, #tpu.memory_space<hbm>>
    %dma_start3A_304 = arith.constant 0 : i32
    %dma_start3A_305 = arith.constant 0 : i32
    %dma_start3A_306 = tpu.memref_slice %arg13[%dma_start3A_304, %dma_start3A_305] : memref<2x4736xf32, #tpu.memory_space<vmem>> -> memref<2x2304xf32, #tpu.memory_space<vmem>>
    tpu.enqueue_dma source(%dma_start3A_306 : memref<2x2304xf32, #tpu.memory_space<vmem>>) target(%dma_start3A_303 : memref<2x2304xf32, #tpu.memory_space<hbm>>) target_semaphore(%arg22 : memref<!tpu.dma_semaphore, #tpu.memory_space<semaphore_mem>>)
    %scan3A_307 = arith.constant 0 : i32
    %scan3A_308 = arith.constant 18 : i32
    %scan3A_309 = arith.constant 19 : i32
    %scan3A_310 = arith.addi %scan3A_308, %scan3A_309 : i32
    %scan3A_311 = arith.constant 1 : i32
    %scan3A_312 = scf.for %scan3A_415 = %scan3A_308 to %scan3A_310 step %scan3A_311 iter_args(%scan3A_416 = %scan3A_307) -> (i32)  : i32 {
      %mul3A_417 = arith.constant 128 : i32
      %mul3A_418 = arith.muli %scan3A_415, %mul3A_417 : i32
      %add3A_419 = arith.constant 0 : i32
      %add3A_420 = arith.addi %add3A_419, %mul3A_418 : i32
      %add3A_421 = arith.constant 0 : i32
      %add3A_422 = arith.addi %add3A_420, %add3A_421 : i32
      %get3A = arith.constant 0 : i32
      %get3A_423 = arith.index_cast %get3A : i32 to index
      %get3A_424 = arith.index_cast %add3A_422 : i32 to index
      %get3A_425 = tpu.vector_load %arg9[%get3A_423, %get3A_424] {strides = array<i32>} : memref<5x4736xf32, #tpu.memory_space<vmem>>, vector<16xf32>,
      %add3A_426 = arith.constant 16 : i32
      %add3A_427 = arith.addi %add3A_420, %add3A_426 : i32
      %get3A_428 = arith.constant 0 : i32
      %get3A_429 = arith.index_cast %get3A_428 : i32 to index
      %get3A_430 = arith.index_cast %add3A_427 : i32 to index
      %get3A_431 = tpu.vector_load %arg9[%get3A_429, %get3A_430] {strides = array<i32>} : memref<5x4736xf32, #tpu.memory_space<vmem>>, vector<16xf32>,
      %add3A_432 = arith.constant 32 : i32
      %add3A_433 = arith.addi %add3A_420, %add3A_432 : i32
      %get3A_434 = arith.constant 0 : i32
      %get3A_435 = arith.index_cast %get3A_434 : i32 to index
      %get3A_436 = arith.index_cast %add3A_433 : i32 to index
      %get3A_437 = tpu.vector_load %arg9[%get3A_435, %get3A_436] {strides = array<i32>} : memref<5x4736xf32, #tpu.memory_space<vmem>>, vector<16xf32>,
      %add3A_438 = arith.constant 48 : i32
      %add3A_439 = arith.addi %add3A_420, %add3A_438 : i32
      %get3A_440 = arith.constant 0 : i32
      %get3A_441 = arith.index_cast %get3A_440 : i32 to index
      %get3A_442 = arith.index_cast %add3A_439 : i32 to index
      %get3A_443 = tpu.vector_load %arg9[%get3A_441, %get3A_442] {strides = array<i32>} : memref<5x4736xf32, #tpu.memory_space<vmem>>, vector<16xf32>,
      %add3A_444 = arith.constant 64 : i32
      %add3A_445 = arith.addi %add3A_420, %add3A_444 : i32
      %get3A_446 = arith.constant 0 : i32
      %get3A_447 = arith.index_cast %get3A_446 : i32 to index
      %get3A_448 = arith.index_cast %add3A_445 : i32 to index
      %get3A_449 = tpu.vector_load %arg9[%get3A_447, %get3A_448] {strides = array<i32>} : memref<5x4736xf32, #tpu.memory_space<vmem>>, vector<16xf32>,
      %add3A_450 = arith.constant 80 : i32
      %add3A_451 = arith.addi %add3A_420, %add3A_450 : i32
      %get3A_452 = arith.constant 0 : i32
      %get3A_453 = arith.index_cast %get3A_452 : i32 to index
      %get3A_454 = arith.index_cast %add3A_451 : i32 to index
      %get3A_455 = tpu.vector_load %arg9[%get3A_453, %get3A_454] {strides = array<i32>} : memref<5x4736xf32, #tpu.memory_space<vmem>>, vector<16xf32>,
      %add3A_456 = arith.constant 96 : i32
      %add3A_457 = arith.addi %add3A_420, %add3A_456 : i32
      %get3A_458 = arith.constant 0 : i32
      %get3A_459 = arith.index_cast %get3A_458 : i32 to index
      %get3A_460 = arith.index_cast %add3A_457 : i32 to index
      %get3A_461 = tpu.vector_load %arg9[%get3A_459, %get3A_460] {strides = array<i32>} : memref<5x4736xf32, #tpu.memory_space<vmem>>, vector<16xf32>,
      %add3A_462 = arith.constant 112 : i32
      %add3A_463 = arith.addi %add3A_420, %add3A_462 : i32
      %get3A_464 = arith.constant 0 : i32
      %get3A_465 = arith.index_cast %get3A_464 : i32 to index
      %get3A_466 = arith.index_cast %add3A_463 : i32 to index
      %get3A_467 = tpu.vector_load %arg9[%get3A_465, %get3A_466] {strides = array<i32>} : memref<5x4736xf32, #tpu.memory_space<vmem>>, vector<16xf32>,
      %sub3A_468 = arith.constant -5.120000e+01 : f32
      %sub3A_469 = vector.broadcast %sub3A_468 : f32 to vector<16xf32>
      %sub3A_470 = arith.subf %get3A_425, %sub3A_469 : vector<16xf32>
      %add3A_471 = arith.constant 0 : i32
      %add3A_472 = arith.addi %mul3A_418, %add3A_471 : i32
      %swap3A = arith.constant 0 : i32
      %swap3A_473 = arith.index_cast %swap3A : i32 to index
      %swap3A_474 = arith.index_cast %add3A_472 : i32 to index
      %swap3A_475 = tpu.vector_load %arg11[%swap3A_473, %swap3A_474] {strides = array<i32>} : memref<3x4736xf32, #tpu.memory_space<vmem>>, vector<16xf32>,
      tpu.vector_store %arg11[%swap3A_473, %swap3A_474], %sub3A_470 {strides = array<i32>} : memref<3x4736xf32, #tpu.memory_space<vmem>>, vector<16xf32>,
      %sub3A_476 = arith.constant -5.120000e+01 : f32
      %sub3A_477 = vector.broadcast %sub3A_476 : f32 to vector<16xf32>
      %sub3A_478 = arith.subf %get3A_431, %sub3A_477 : vector<16xf32>
      %add3A_479 = arith.constant 16 : i32
      %add3A_480 = arith.addi %mul3A_418, %add3A_479 : i32
      %swap3A_481 = arith.constant 0 : i32
      %swap3A_482 = arith.index_cast %swap3A_481 : i32 to index
      %swap3A_483 = arith.index_cast %add3A_480 : i32 to index
      %swap3A_484 = tpu.vector_load %arg11[%swap3A_482, %swap3A_483] {strides = array<i32>} : memref<3x4736xf32, #tpu.memory_space<vmem>>, vector<16xf32>,
      tpu.vector_store %arg11[%swap3A_482, %swap3A_483], %sub3A_478 {strides = array<i32>} : memref<3x4736xf32, #tpu.memory_space<vmem>>, vector<16xf32>,
      %sub3A_485 = arith.constant -5.120000e+01 : f32
      %sub3A_486 = vector.broadcast %sub3A_485 : f32 to vector<16xf32>
      %sub3A_487 = arith.subf %get3A_437, %sub3A_486 : vector<16xf32>
      %add3A_488 = arith.constant 32 : i32
      %add3A_489 = arith.addi %mul3A_418, %add3A_488 : i32
      %swap3A_490 = arith.constant 0 : i32
      %swap3A_491 = arith.index_cast %swap3A_490 : i32 to index
      %swap3A_492 = arith.index_cast %add3A_489 : i32 to index
      %swap3A_493 = tpu.vector_load %arg11[%swap3A_491, %swap3A_492] {strides = array<i32>} : memref<3x4736xf32, #tpu.memory_space<vmem>>, vector<16xf32>,
      tpu.vector_store %arg11[%swap3A_491, %swap3A_492], %sub3A_487 {strides = array<i32>} : memref<3x4736xf32, #tpu.memory_space<vmem>>, vector<16xf32>,
      %sub3A_494 = arith.constant -5.120000e+01 : f32
      %sub3A_495 = vector.broadcast %sub3A_494 : f32 to vector<16xf32>
      %sub3A_496 = arith.subf %get3A_443, %sub3A_495 : vector<16xf32>
      %add3A_497 = arith.constant 48 : i32
      %add3A_498 = arith.addi %mul3A_418, %add3A_497 : i32
      %swap3A_499 = arith.constant 0 : i32
      %swap3A_500 = arith.index_cast %swap3A_499 : i32 to index
      %swap3A_501 = arith.index_cast %add3A_498 : i32 to index
      %swap3A_502 = tpu.vector_load %arg11[%swap3A_500, %swap3A_501] {strides = array<i32>} : memref<3x4736xf32, #tpu.memory_space<vmem>>, vector<16xf32>,
      tpu.vector_store %arg11[%swap3A_500, %swap3A_501], %sub3A_496 {strides = array<i32>} : memref<3x4736xf32, #tpu.memory_space<vmem>>, vector<16xf32>,
      %sub3A_503 = arith.constant -5.120000e+01 : f32
      %sub3A_504 = vector.broadcast %sub3A_503 : f32 to vector<16xf32>
      %sub3A_505 = arith.subf %get3A_449, %sub3A_504 : vector<16xf32>
      %add3A_506 = arith.constant 64 : i32
      %add3A_507 = arith.addi %mul3A_418, %add3A_506 : i32
      %swap3A_508 = arith.constant 0 : i32
      %swap3A_509 = arith.index_cast %swap3A_508 : i32 to index
      %swap3A_510 = arith.index_cast %add3A_507 : i32 to index
      %swap3A_511 = tpu.vector_load %arg11[%swap3A_509, %swap3A_510] {strides = array<i32>} : memref<3x4736xf32, #tpu.memory_space<vmem>>, vector<16xf32>,
      tpu.vector_store %arg11[%swap3A_509, %swap3A_510], %sub3A_505 {strides = array<i32>} : memref<3x4736xf32, #tpu.memory_space<vmem>>, vector<16xf32>,
      %sub3A_512 = arith.constant -5.120000e+01 : f32
      %sub3A_513 = vector.broadcast %sub3A_512 : f32 to vector<16xf32>
      %sub3A_514 = arith.subf %get3A_455, %sub3A_513 : vector<16xf32>
      %add3A_515 = arith.constant 80 : i32
      %add3A_516 = arith.addi %mul3A_418, %add3A_515 : i32
      %swap3A_517 = arith.constant 0 : i32
      %swap3A_518 = arith.index_cast %swap3A_517 : i32 to index
      %swap3A_519 = arith.index_cast %add3A_516 : i32 to index
      %swap3A_520 = tpu.vector_load %arg11[%swap3A_518, %swap3A_519] {strides = array<i32>} : memref<3x4736xf32, #tpu.memory_space<vmem>>, vector<16xf32>,
      tpu.vector_store %arg11[%swap3A_518, %swap3A_519], %sub3A_514 {strides = array<i32>} : memref<3x4736xf32, #tpu.memory_space<vmem>>, vector<16xf32>,
      %sub3A_521 = arith.constant -5.120000e+01 : f32
      %sub3A_522 = vector.broadcast %sub3A_521 : f32 to vector<16xf32>
      %sub3A_523 = arith.subf %get3A_461, %sub3A_522 : vector<16xf32>
      %add3A_524 = arith.constant 96 : i32
      %add3A_525 = arith.addi %mul3A_418, %add3A_524 : i32
      %swap3A_526 = arith.constant 0 : i32
      %swap3A_527 = arith.index_cast %swap3A_526 : i32 to index
      %swap3A_528 = arith.index_cast %add3A_525 : i32 to index
      %swap3A_529 = tpu.vector_load %arg11[%swap3A_527, %swap3A_528] {strides = array<i32>} : memref<3x4736xf32, #tpu.memory_space<vmem>>, vector<16xf32>,
      tpu.vector_store %arg11[%swap3A_527, %swap3A_528], %sub3A_523 {strides = array<i32>} : memref<3x4736xf32, #tpu.memory_space<vmem>>, vector<16xf32>,
      %sub3A_530 = arith.constant -5.120000e+01 : f32
      %sub3A_531 = vector.broadcast %sub3A_530 : f32 to vector<16xf32>
      %sub3A_532 = arith.subf %get3A_467, %sub3A_531 : vector<16xf32>
      %add3A_533 = arith.constant 112 : i32
      %add3A_534 = arith.addi %mul3A_418, %add3A_533 : i32
      %swap3A_535 = arith.constant 0 : i32
      %swap3A_536 = arith.index_cast %swap3A_535 : i32 to index
      %swap3A_537 = arith.index_cast %add3A_534 : i32 to index
      %swap3A_538 = tpu.vector_load %arg11[%swap3A_536, %swap3A_537] {strides = array<i32>} : memref<3x4736xf32, #tpu.memory_space<vmem>>, vector<16xf32>,
      tpu.vector_store %arg11[%swap3A_536, %swap3A_537], %sub3A_532 {strides = array<i32>} : memref<3x4736xf32, #tpu.memory_space<vmem>>, vector<16xf32>,
      %add3A_539 = arith.constant 0 : i32
      %add3A_540 = arith.addi %add3A_420, %add3A_539 : i32
      %get3A_541 = arith.constant 1 : i32
      %get3A_542 = arith.index_cast %get3A_541 : i32 to index
      %get3A_543 = arith.index_cast %add3A_540 : i32 to index
      %get3A_544 = tpu.vector_load %arg9[%get3A_542, %get3A_543] {strides = array<i32>} : memref<5x4736xf32, #tpu.memory_space<vmem>>, vector<16xf32>,
      %add3A_545 = arith.constant 16 : i32
      %add3A_546 = arith.addi %add3A_420, %add3A_545 : i32
      %get3A_547 = arith.constant 1 : i32
      %get3A_548 = arith.index_cast %get3A_547 : i32 to index
      %get3A_549 = arith.index_cast %add3A_546 : i32 to index
      %get3A_550 = tpu.vector_load %arg9[%get3A_548, %get3A_549] {strides = array<i32>} : memref<5x4736xf32, #tpu.memory_space<vmem>>, vector<16xf32>,
      %add3A_551 = arith.constant 32 : i32
      %add3A_552 = arith.addi %add3A_420, %add3A_551 : i32
      %get3A_553 = arith.constant 1 : i32
      %get3A_554 = arith.index_cast %get3A_553 : i32 to index
      %get3A_555 = arith.index_cast %add3A_552 : i32 to index
      %get3A_556 = tpu.vector_load %arg9[%get3A_554, %get3A_555] {strides = array<i32>} : memref<5x4736xf32, #tpu.memory_space<vmem>>, vector<16xf32>,
      %add3A_557 = arith.constant 48 : i32
      %add3A_558 = arith.addi %add3A_420, %add3A_557 : i32
      %get3A_559 = arith.constant 1 : i32
      %get3A_560 = arith.index_cast %get3A_559 : i32 to index
      %get3A_561 = arith.index_cast %add3A_558 : i32 to index
      %get3A_562 = tpu.vector_load %arg9[%get3A_560, %get3A_561] {strides = array<i32>} : memref<5x4736xf32, #tpu.memory_space<vmem>>, vector<16xf32>,
      %add3A_563 = arith.constant 64 : i32
      %add3A_564 = arith.addi %add3A_420, %add3A_563 : i32
      %get3A_565 = arith.constant 1 : i32
      %get3A_566 = arith.index_cast %get3A_565 : i32 to index
      %get3A_567 = arith.index_cast %add3A_564 : i32 to index
      %get3A_568 = tpu.vector_load %arg9[%get3A_566, %get3A_567] {strides = array<i32>} : memref<5x4736xf32, #tpu.memory_space<vmem>>, vector<16xf32>,
      %add3A_569 = arith.constant 80 : i32
      %add3A_570 = arith.addi %add3A_420, %add3A_569 : i32
      %get3A_571 = arith.constant 1 : i32
      %get3A_572 = arith.index_cast %get3A_571 : i32 to index
      %get3A_573 = arith.index_cast %add3A_570 : i32 to index
      %get3A_574 = tpu.vector_load %arg9[%get3A_572, %get3A_573] {strides = array<i32>} : memref<5x4736xf32, #tpu.memory_space<vmem>>, vector<16xf32>,
      %add3A_575 = arith.constant 96 : i32
      %add3A_576 = arith.addi %add3A_420, %add3A_575 : i32
      %get3A_577 = arith.constant 1 : i32
      %get3A_578 = arith.index_cast %get3A_577 : i32 to index
      %get3A_579 = arith.index_cast %add3A_576 : i32 to index
      %get3A_580 = tpu.vector_load %arg9[%get3A_578, %get3A_579] {strides = array<i32>} : memref<5x4736xf32, #tpu.memory_space<vmem>>, vector<16xf32>,
      %add3A_581 = arith.constant 112 : i32
      %add3A_582 = arith.addi %add3A_420, %add3A_581 : i32
      %get3A_583 = arith.constant 1 : i32
      %get3A_584 = arith.index_cast %get3A_583 : i32 to index
      %get3A_585 = arith.index_cast %add3A_582 : i32 to index
      %get3A_586 = tpu.vector_load %arg9[%get3A_584, %get3A_585] {strides = array<i32>} : memref<5x4736xf32, #tpu.memory_space<vmem>>, vector<16xf32>,
      %sub3A_587 = arith.constant -5.120000e+01 : f32
      %sub3A_588 = vector.broadcast %sub3A_587 : f32 to vector<16xf32>
      %sub3A_589 = arith.subf %get3A_544, %sub3A_588 : vector<16xf32>
      %add3A_590 = arith.constant 0 : i32
      %add3A_591 = arith.addi %mul3A_418, %add3A_590 : i32
      %swap3A_592 = arith.constant 1 : i32
      %swap3A_593 = arith.index_cast %swap3A_592 : i32 to index
      %swap3A_594 = arith.index_cast %add3A_591 : i32 to index
      %swap3A_595 = tpu.vector_load %arg11[%swap3A_593, %swap3A_594] {strides = array<i32>} : memref<3x4736xf32, #tpu.memory_space<vmem>>, vector<16xf32>,
      tpu.vector_store %arg11[%swap3A_593, %swap3A_594], %sub3A_589 {strides = array<i32>} : memref<3x4736xf32, #tpu.memory_space<vmem>>, vector<16xf32>,
      %sub3A_596 = arith.constant -5.120000e+01 : f32
      %sub3A_597 = vector.broadcast %sub3A_596 : f32 to vector<16xf32>
      %sub3A_598 = arith.subf %get3A_550, %sub3A_597 : vector<16xf32>
      %add3A_599 = arith.constant 16 : i32
      %add3A_600 = arith.addi %mul3A_418, %add3A_599 : i32
      %swap3A_601 = arith.constant 1 : i32
      %swap3A_602 = arith.index_cast %swap3A_601 : i32 to index
      %swap3A_603 = arith.index_cast %add3A_600 : i32 to index
      %swap3A_604 = tpu.vector_load %arg11[%swap3A_602, %swap3A_603] {strides = array<i32>} : memref<3x4736xf32, #tpu.memory_space<vmem>>, vector<16xf32>,
      tpu.vector_store %arg11[%swap3A_602, %swap3A_603], %sub3A_598 {strides = array<i32>} : memref<3x4736xf32, #tpu.memory_space<vmem>>, vector<16xf32>,
      %sub3A_605 = arith.constant -5.120000e+01 : f32
      %sub3A_606 = vector.broadcast %sub3A_605 : f32 to vector<16xf32>
      %sub3A_607 = arith.subf %get3A_556, %sub3A_606 : vector<16xf32>
      %add3A_608 = arith.constant 32 : i32
      %add3A_609 = arith.addi %mul3A_418, %add3A_608 : i32
      %swap3A_610 = arith.constant 1 : i32
      %swap3A_611 = arith.index_cast %swap3A_610 : i32 to index
      %swap3A_612 = arith.index_cast %add3A_609 : i32 to index
      %swap3A_613 = tpu.vector_load %arg11[%swap3A_611, %swap3A_612] {strides = array<i32>} : memref<3x4736xf32, #tpu.memory_space<vmem>>, vector<16xf32>,
      tpu.vector_store %arg11[%swap3A_611, %swap3A_612], %sub3A_607 {strides = array<i32>} : memref<3x4736xf32, #tpu.memory_space<vmem>>, vector<16xf32>,
      %sub3A_614 = arith.constant -5.120000e+01 : f32
      %sub3A_615 = vector.broadcast %sub3A_614 : f32 to vector<16xf32>
      %sub3A_616 = arith.subf %get3A_562, %sub3A_615 : vector<16xf32>
      %add3A_617 = arith.constant 48 : i32
      %add3A_618 = arith.addi %mul3A_418, %add3A_617 : i32
      %swap3A_619 = arith.constant 1 : i32
      %swap3A_620 = arith.index_cast %swap3A_619 : i32 to index
      %swap3A_621 = arith.index_cast %add3A_618 : i32 to index
      %swap3A_622 = tpu.vector_load %arg11[%swap3A_620, %swap3A_621] {strides = array<i32>} : memref<3x4736xf32, #tpu.memory_space<vmem>>, vector<16xf32>,
      tpu.vector_store %arg11[%swap3A_620, %swap3A_621], %sub3A_616 {strides = array<i32>} : memref<3x4736xf32, #tpu.memory_space<vmem>>, vector<16xf32>,
      %sub3A_623 = arith.constant -5.120000e+01 : f32
      %sub3A_624 = vector.broadcast %sub3A_623 : f32 to vector<16xf32>
      %sub3A_625 = arith.subf %get3A_568, %sub3A_624 : vector<16xf32>
      %add3A_626 = arith.constant 64 : i32
      %add3A_627 = arith.addi %mul3A_418, %add3A_626 : i32
      %swap3A_628 = arith.constant 1 : i32
      %swap3A_629 = arith.index_cast %swap3A_628 : i32 to index
      %swap3A_630 = arith.index_cast %add3A_627 : i32 to index
      %swap3A_631 = tpu.vector_load %arg11[%swap3A_629, %swap3A_630] {strides = array<i32>} : memref<3x4736xf32, #tpu.memory_space<vmem>>, vector<16xf32>,
      tpu.vector_store %arg11[%swap3A_629, %swap3A_630], %sub3A_625 {strides = array<i32>} : memref<3x4736xf32, #tpu.memory_space<vmem>>, vector<16xf32>,
      %sub3A_632 = arith.constant -5.120000e+01 : f32
      %sub3A_633 = vector.broadcast %sub3A_632 : f32 to vector<16xf32>
      %sub3A_634 = arith.subf %get3A_574, %sub3A_633 : vector<16xf32>
      %add3A_635 = arith.constant 80 : i32
      %add3A_636 = arith.addi %mul3A_418, %add3A_635 : i32
      %swap3A_637 = arith.constant 1 : i32
      %swap3A_638 = arith.index_cast %swap3A_637 : i32 to index
      %swap3A_639 = arith.index_cast %add3A_636 : i32 to index
      %swap3A_640 = tpu.vector_load %arg11[%swap3A_638, %swap3A_639] {strides = array<i32>} : memref<3x4736xf32, #tpu.memory_space<vmem>>, vector<16xf32>,
      tpu.vector_store %arg11[%swap3A_638, %swap3A_639], %sub3A_634 {strides = array<i32>} : memref<3x4736xf32, #tpu.memory_space<vmem>>, vector<16xf32>,
      %sub3A_641 = arith.constant -5.120000e+01 : f32
      %sub3A_642 = vector.broadcast %sub3A_641 : f32 to vector<16xf32>
      %sub3A_643 = arith.subf %get3A_580, %sub3A_642 : vector<16xf32>
      %add3A_644 = arith.constant 96 : i32
      %add3A_645 = arith.addi %mul3A_418, %add3A_644 : i32
      %swap3A_646 = arith.constant 1 : i32
      %swap3A_647 = arith.index_cast %swap3A_646 : i32 to index
      %swap3A_648 = arith.index_cast %add3A_645 : i32 to index
      %swap3A_649 = tpu.vector_load %arg11[%swap3A_647, %swap3A_648] {strides = array<i32>} : memref<3x4736xf32, #tpu.memory_space<vmem>>, vector<16xf32>,
      tpu.vector_store %arg11[%swap3A_647, %swap3A_648], %sub3A_643 {strides = array<i32>} : memref<3x4736xf32, #tpu.memory_space<vmem>>, vector<16xf32>,
      %sub3A_650 = arith.constant -5.120000e+01 : f32
      %sub3A_651 = vector.broadcast %sub3A_650 : f32 to vector<16xf32>
      %sub3A_652 = arith.subf %get3A_586, %sub3A_651 : vector<16xf32>
      %add3A_653 = arith.constant 112 : i32
      %add3A_654 = arith.addi %mul3A_418, %add3A_653 : i32
      %swap3A_655 = arith.constant 1 : i32
      %swap3A_656 = arith.index_cast %swap3A_655 : i32 to index
      %swap3A_657 = arith.index_cast %add3A_654 : i32 to index
      %swap3A_658 = tpu.vector_load %arg11[%swap3A_656, %swap3A_657] {strides = array<i32>} : memref<3x4736xf32, #tpu.memory_space<vmem>>, vector<16xf32>,
      tpu.vector_store %arg11[%swap3A_656, %swap3A_657], %sub3A_652 {strides = array<i32>} : memref<3x4736xf32, #tpu.memory_space<vmem>>, vector<16xf32>,
      %add3A_659 = arith.constant 0 : i32
      %add3A_660 = arith.addi %add3A_420, %add3A_659 : i32
      %get3A_661 = arith.constant 2 : i32
      %get3A_662 = arith.index_cast %get3A_661 : i32 to index
      %get3A_663 = arith.index_cast %add3A_660 : i32 to index
      %get3A_664 = tpu.vector_load %arg9[%get3A_662, %get3A_663] {strides = array<i32>} : memref<5x4736xf32, #tpu.memory_space<vmem>>, vector<16xf32>,
      %add3A_665 = arith.constant 16 : i32
      %add3A_666 = arith.addi %add3A_420, %add3A_665 : i32
      %get3A_667 = arith.constant 2 : i32
      %get3A_668 = arith.index_cast %get3A_667 : i32 to index
      %get3A_669 = arith.index_cast %add3A_666 : i32 to index
      %get3A_670 = tpu.vector_load %arg9[%get3A_668, %get3A_669] {strides = array<i32>} : memref<5x4736xf32, #tpu.memory_space<vmem>>, vector<16xf32>,
      %add3A_671 = arith.constant 32 : i32
      %add3A_672 = arith.addi %add3A_420, %add3A_671 : i32
      %get3A_673 = arith.constant 2 : i32
      %get3A_674 = arith.index_cast %get3A_673 : i32 to index
      %get3A_675 = arith.index_cast %add3A_672 : i32 to index
      %get3A_676 = tpu.vector_load %arg9[%get3A_674, %get3A_675] {strides = array<i32>} : memref<5x4736xf32, #tpu.memory_space<vmem>>, vector<16xf32>,
      %add3A_677 = arith.constant 48 : i32
      %add3A_678 = arith.addi %add3A_420, %add3A_677 : i32
      %get3A_679 = arith.constant 2 : i32
      %get3A_680 = arith.index_cast %get3A_679 : i32 to index
      %get3A_681 = arith.index_cast %add3A_678 : i32 to index
      %get3A_682 = tpu.vector_load %arg9[%get3A_680, %get3A_681] {strides = array<i32>} : memref<5x4736xf32, #tpu.memory_space<vmem>>, vector<16xf32>,
      %add3A_683 = arith.constant 64 : i32
      %add3A_684 = arith.addi %add3A_420, %add3A_683 : i32
      %get3A_685 = arith.constant 2 : i32
      %get3A_686 = arith.index_cast %get3A_685 : i32 to index
      %get3A_687 = arith.index_cast %add3A_684 : i32 to index
      %get3A_688 = tpu.vector_load %arg9[%get3A_686, %get3A_687] {strides = array<i32>} : memref<5x4736xf32, #tpu.memory_space<vmem>>, vector<16xf32>,
      %add3A_689 = arith.constant 80 : i32
      %add3A_690 = arith.addi %add3A_420, %add3A_689 : i32
      %get3A_691 = arith.constant 2 : i32
      %get3A_692 = arith.index_cast %get3A_691 : i32 to index
      %get3A_693 = arith.index_cast %add3A_690 : i32 to index
      %get3A_694 = tpu.vector_load %arg9[%get3A_692, %get3A_693] {strides = array<i32>} : memref<5x4736xf32, #tpu.memory_space<vmem>>, vector<16xf32>,
      %add3A_695 = arith.constant 96 : i32
      %add3A_696 = arith.addi %add3A_420, %add3A_695 : i32
      %get3A_697 = arith.constant 2 : i32
      %get3A_698 = arith.index_cast %get3A_697 : i32 to index
      %get3A_699 = arith.index_cast %add3A_696 : i32 to index
      %get3A_700 = tpu.vector_load %arg9[%get3A_698, %get3A_699] {strides = array<i32>} : memref<5x4736xf32, #tpu.memory_space<vmem>>, vector<16xf32>,
      %add3A_701 = arith.constant 112 : i32
      %add3A_702 = arith.addi %add3A_420, %add3A_701 : i32
      %get3A_703 = arith.constant 2 : i32
      %get3A_704 = arith.index_cast %get3A_703 : i32 to index
      %get3A_705 = arith.index_cast %add3A_702 : i32 to index
      %get3A_706 = tpu.vector_load %arg9[%get3A_704, %get3A_705] {strides = array<i32>} : memref<5x4736xf32, #tpu.memory_space<vmem>>, vector<16xf32>,
      %sub3A_707 = arith.constant -5.000000e+00 : f32
      %sub3A_708 = vector.broadcast %sub3A_707 : f32 to vector<16xf32>
      %sub3A_709 = arith.subf %get3A_664, %sub3A_708 : vector<16xf32>
      %add3A_710 = arith.constant 0 : i32
      %add3A_711 = arith.addi %mul3A_418, %add3A_710 : i32
      %swap3A_712 = arith.constant 2 : i32
      %swap3A_713 = arith.index_cast %swap3A_712 : i32 to index
      %swap3A_714 = arith.index_cast %add3A_711 : i32 to index
      %swap3A_715 = tpu.vector_load %arg11[%swap3A_713, %swap3A_714] {strides = array<i32>} : memref<3x4736xf32, #tpu.memory_space<vmem>>, vector<16xf32>,
      tpu.vector_store %arg11[%swap3A_713, %swap3A_714], %sub3A_709 {strides = array<i32>} : memref<3x4736xf32, #tpu.memory_space<vmem>>, vector<16xf32>,
      %sub3A_716 = arith.constant -5.000000e+00 : f32
      %sub3A_717 = vector.broadcast %sub3A_716 : f32 to vector<16xf32>
      %sub3A_718 = arith.subf %get3A_670, %sub3A_717 : vector<16xf32>
      %add3A_719 = arith.constant 16 : i32
      %add3A_720 = arith.addi %mul3A_418, %add3A_719 : i32
      %swap3A_721 = arith.constant 2 : i32
      %swap3A_722 = arith.index_cast %swap3A_721 : i32 to index
      %swap3A_723 = arith.index_cast %add3A_720 : i32 to index
      %swap3A_724 = tpu.vector_load %arg11[%swap3A_722, %swap3A_723] {strides = array<i32>} : memref<3x4736xf32, #tpu.memory_space<vmem>>, vector<16xf32>,
      tpu.vector_store %arg11[%swap3A_722, %swap3A_723], %sub3A_718 {strides = array<i32>} : memref<3x4736xf32, #tpu.memory_space<vmem>>, vector<16xf32>,
      %sub3A_725 = arith.constant -5.000000e+00 : f32
      %sub3A_726 = vector.broadcast %sub3A_725 : f32 to vector<16xf32>
      %sub3A_727 = arith.subf %get3A_676, %sub3A_726 : vector<16xf32>
      %add3A_728 = arith.constant 32 : i32
      %add3A_729 = arith.addi %mul3A_418, %add3A_728 : i32
      %swap3A_730 = arith.constant 2 : i32
      %swap3A_731 = arith.index_cast %swap3A_730 : i32 to index
      %swap3A_732 = arith.index_cast %add3A_729 : i32 to index
      %swap3A_733 = tpu.vector_load %arg11[%swap3A_731, %swap3A_732] {strides = array<i32>} : memref<3x4736xf32, #tpu.memory_space<vmem>>, vector<16xf32>,
      tpu.vector_store %arg11[%swap3A_731, %swap3A_732], %sub3A_727 {strides = array<i32>} : memref<3x4736xf32, #tpu.memory_space<vmem>>, vector<16xf32>,
      %sub3A_734 = arith.constant -5.000000e+00 : f32
      %sub3A_735 = vector.broadcast %sub3A_734 : f32 to vector<16xf32>
      %sub3A_736 = arith.subf %get3A_682, %sub3A_735 : vector<16xf32>
      %add3A_737 = arith.constant 48 : i32
      %add3A_738 = arith.addi %mul3A_418, %add3A_737 : i32
      %swap3A_739 = arith.constant 2 : i32
      %swap3A_740 = arith.index_cast %swap3A_739 : i32 to index
      %swap3A_741 = arith.index_cast %add3A_738 : i32 to index
      %swap3A_742 = tpu.vector_load %arg11[%swap3A_740, %swap3A_741] {strides = array<i32>} : memref<3x4736xf32, #tpu.memory_space<vmem>>, vector<16xf32>,
      tpu.vector_store %arg11[%swap3A_740, %swap3A_741], %sub3A_736 {strides = array<i32>} : memref<3x4736xf32, #tpu.memory_space<vmem>>, vector<16xf32>,
      %sub3A_743 = arith.constant -5.000000e+00 : f32
      %sub3A_744 = vector.broadcast %sub3A_743 : f32 to vector<16xf32>
      %sub3A_745 = arith.subf %get3A_688, %sub3A_744 : vector<16xf32>
      %add3A_746 = arith.constant 64 : i32
      %add3A_747 = arith.addi %mul3A_418, %add3A_746 : i32
      %swap3A_748 = arith.constant 2 : i32
      %swap3A_749 = arith.index_cast %swap3A_748 : i32 to index
      %swap3A_750 = arith.index_cast %add3A_747 : i32 to index
      %swap3A_751 = tpu.vector_load %arg11[%swap3A_749, %swap3A_750] {strides = array<i32>} : memref<3x4736xf32, #tpu.memory_space<vmem>>, vector<16xf32>,
      tpu.vector_store %arg11[%swap3A_749, %swap3A_750], %sub3A_745 {strides = array<i32>} : memref<3x4736xf32, #tpu.memory_space<vmem>>, vector<16xf32>,
      %sub3A_752 = arith.constant -5.000000e+00 : f32
      %sub3A_753 = vector.broadcast %sub3A_752 : f32 to vector<16xf32>
      %sub3A_754 = arith.subf %get3A_694, %sub3A_753 : vector<16xf32>
      %add3A_755 = arith.constant 80 : i32
      %add3A_756 = arith.addi %mul3A_418, %add3A_755 : i32
      %swap3A_757 = arith.constant 2 : i32
      %swap3A_758 = arith.index_cast %swap3A_757 : i32 to index
      %swap3A_759 = arith.index_cast %add3A_756 : i32 to index
      %swap3A_760 = tpu.vector_load %arg11[%swap3A_758, %swap3A_759] {strides = array<i32>} : memref<3x4736xf32, #tpu.memory_space<vmem>>, vector<16xf32>,
      tpu.vector_store %arg11[%swap3A_758, %swap3A_759], %sub3A_754 {strides = array<i32>} : memref<3x4736xf32, #tpu.memory_space<vmem>>, vector<16xf32>,
      %sub3A_761 = arith.constant -5.000000e+00 : f32
      %sub3A_762 = vector.broadcast %sub3A_761 : f32 to vector<16xf32>
      %sub3A_763 = arith.subf %get3A_700, %sub3A_762 : vector<16xf32>
      %add3A_764 = arith.constant 96 : i32
      %add3A_765 = arith.addi %mul3A_418, %add3A_764 : i32
      %swap3A_766 = arith.constant 2 : i32
      %swap3A_767 = arith.index_cast %swap3A_766 : i32 to index
      %swap3A_768 = arith.index_cast %add3A_765 : i32 to index
      %swap3A_769 = tpu.vector_load %arg11[%swap3A_767, %swap3A_768] {strides = array<i32>} : memref<3x4736xf32, #tpu.memory_space<vmem>>, vector<16xf32>,
      tpu.vector_store %arg11[%swap3A_767, %swap3A_768], %sub3A_763 {strides = array<i32>} : memref<3x4736xf32, #tpu.memory_space<vmem>>, vector<16xf32>,
      %sub3A_770 = arith.constant -5.000000e+00 : f32
      %sub3A_771 = vector.broadcast %sub3A_770 : f32 to vector<16xf32>
      %sub3A_772 = arith.subf %get3A_706, %sub3A_771 : vector<16xf32>
      %add3A_773 = arith.constant 112 : i32
      %add3A_774 = arith.addi %mul3A_418, %add3A_773 : i32
      %swap3A_775 = arith.constant 2 : i32
      %swap3A_776 = arith.index_cast %swap3A_775 : i32 to index
      %swap3A_777 = arith.index_cast %add3A_774 : i32 to index
      %swap3A_778 = tpu.vector_load %arg11[%swap3A_776, %swap3A_777] {strides = array<i32>} : memref<3x4736xf32, #tpu.memory_space<vmem>>, vector<16xf32>,
      tpu.vector_store %arg11[%swap3A_776, %swap3A_777], %sub3A_772 {strides = array<i32>} : memref<3x4736xf32, #tpu.memory_space<vmem>>, vector<16xf32>,
      %add3A_779 = arith.constant 0 : i32
      %add3A_780 = arith.addi %add3A_420, %add3A_779 : i32
      %get3A_781 = arith.constant 3 : i32
      %get3A_782 = arith.index_cast %get3A_781 : i32 to index
      %get3A_783 = arith.index_cast %add3A_780 : i32 to index
      %get3A_784 = tpu.vector_load %arg9[%get3A_782, %get3A_783] {strides = array<i32>} : memref<5x4736xf32, #tpu.memory_space<vmem>>, vector<16xf32>,
      %add3A_785 = arith.constant 16 : i32
      %add3A_786 = arith.addi %add3A_420, %add3A_785 : i32
      %get3A_787 = arith.constant 3 : i32
      %get3A_788 = arith.index_cast %get3A_787 : i32 to index
      %get3A_789 = arith.index_cast %add3A_786 : i32 to index
      %get3A_790 = tpu.vector_load %arg9[%get3A_788, %get3A_789] {strides = array<i32>} : memref<5x4736xf32, #tpu.memory_space<vmem>>, vector<16xf32>,
      %add3A_791 = arith.constant 32 : i32
      %add3A_792 = arith.addi %add3A_420, %add3A_791 : i32
      %get3A_793 = arith.constant 3 : i32
      %get3A_794 = arith.index_cast %get3A_793 : i32 to index
      %get3A_795 = arith.index_cast %add3A_792 : i32 to index
      %get3A_796 = tpu.vector_load %arg9[%get3A_794, %get3A_795] {strides = array<i32>} : memref<5x4736xf32, #tpu.memory_space<vmem>>, vector<16xf32>,
      %add3A_797 = arith.constant 48 : i32
      %add3A_798 = arith.addi %add3A_420, %add3A_797 : i32
      %get3A_799 = arith.constant 3 : i32
      %get3A_800 = arith.index_cast %get3A_799 : i32 to index
      %get3A_801 = arith.index_cast %add3A_798 : i32 to index
      %get3A_802 = tpu.vector_load %arg9[%get3A_800, %get3A_801] {strides = array<i32>} : memref<5x4736xf32, #tpu.memory_space<vmem>>, vector<16xf32>,
      %add3A_803 = arith.constant 64 : i32
      %add3A_804 = arith.addi %add3A_420, %add3A_803 : i32
      %get3A_805 = arith.constant 3 : i32
      %get3A_806 = arith.index_cast %get3A_805 : i32 to index
      %get3A_807 = arith.index_cast %add3A_804 : i32 to index
      %get3A_808 = tpu.vector_load %arg9[%get3A_806, %get3A_807] {strides = array<i32>} : memref<5x4736xf32, #tpu.memory_space<vmem>>, vector<16xf32>,
      %add3A_809 = arith.constant 80 : i32
      %add3A_810 = arith.addi %add3A_420, %add3A_809 : i32
      %get3A_811 = arith.constant 3 : i32
      %get3A_812 = arith.index_cast %get3A_811 : i32 to index
      %get3A_813 = arith.index_cast %add3A_810 : i32 to index
      %get3A_814 = tpu.vector_load %arg9[%get3A_812, %get3A_813] {strides = array<i32>} : memref<5x4736xf32, #tpu.memory_space<vmem>>, vector<16xf32>,
      %add3A_815 = arith.constant 96 : i32
      %add3A_816 = arith.addi %add3A_420, %add3A_815 : i32
      %get3A_817 = arith.constant 3 : i32
      %get3A_818 = arith.index_cast %get3A_817 : i32 to index
      %get3A_819 = arith.index_cast %add3A_816 : i32 to index
      %get3A_820 = tpu.vector_load %arg9[%get3A_818, %get3A_819] {strides = array<i32>} : memref<5x4736xf32, #tpu.memory_space<vmem>>, vector<16xf32>,
      %add3A_821 = arith.constant 112 : i32
      %add3A_822 = arith.addi %add3A_420, %add3A_821 : i32
      %get3A_823 = arith.constant 3 : i32
      %get3A_824 = arith.index_cast %get3A_823 : i32 to index
      %get3A_825 = arith.index_cast %add3A_822 : i32 to index
      %get3A_826 = tpu.vector_load %arg9[%get3A_824, %get3A_825] {strides = array<i32>} : memref<5x4736xf32, #tpu.memory_space<vmem>>, vector<16xf32>,
      %add3A_827 = arith.constant 0 : i32
      %add3A_828 = arith.addi %mul3A_418, %add3A_827 : i32
      %swap3A_829 = arith.constant 0 : i32
      %swap3A_830 = arith.index_cast %swap3A_829 : i32 to index
      %swap3A_831 = arith.index_cast %add3A_828 : i32 to index
      %swap3A_832 = tpu.vector_load %arg13[%swap3A_830, %swap3A_831] {strides = array<i32>} : memref<2x4736xf32, #tpu.memory_space<vmem>>, vector<16xf32>,
      tpu.vector_store %arg13[%swap3A_830, %swap3A_831], %get3A_784 {strides = array<i32>} : memref<2x4736xf32, #tpu.memory_space<vmem>>, vector<16xf32>,
      %add3A_833 = arith.constant 16 : i32
      %add3A_834 = arith.addi %mul3A_418, %add3A_833 : i32
      %swap3A_835 = arith.constant 0 : i32
      %swap3A_836 = arith.index_cast %swap3A_835 : i32 to index
      %swap3A_837 = arith.index_cast %add3A_834 : i32 to index
      %swap3A_838 = tpu.vector_load %arg13[%swap3A_836, %swap3A_837] {strides = array<i32>} : memref<2x4736xf32, #tpu.memory_space<vmem>>, vector<16xf32>,
      tpu.vector_store %arg13[%swap3A_836, %swap3A_837], %get3A_790 {strides = array<i32>} : memref<2x4736xf32, #tpu.memory_space<vmem>>, vector<16xf32>,
      %add3A_839 = arith.constant 32 : i32
      %add3A_840 = arith.addi %mul3A_418, %add3A_839 : i32
      %swap3A_841 = arith.constant 0 : i32
      %swap3A_842 = arith.index_cast %swap3A_841 : i32 to index
      %swap3A_843 = arith.index_cast %add3A_840 : i32 to index
      %swap3A_844 = tpu.vector_load %arg13[%swap3A_842, %swap3A_843] {strides = array<i32>} : memref<2x4736xf32, #tpu.memory_space<vmem>>, vector<16xf32>,
      tpu.vector_store %arg13[%swap3A_842, %swap3A_843], %get3A_796 {strides = array<i32>} : memref<2x4736xf32, #tpu.memory_space<vmem>>, vector<16xf32>,
      %add3A_845 = arith.constant 48 : i32
      %add3A_846 = arith.addi %mul3A_418, %add3A_845 : i32
      %swap3A_847 = arith.constant 0 : i32
      %swap3A_848 = arith.index_cast %swap3A_847 : i32 to index
      %swap3A_849 = arith.index_cast %add3A_846 : i32 to index
      %swap3A_850 = tpu.vector_load %arg13[%swap3A_848, %swap3A_849] {strides = array<i32>} : memref<2x4736xf32, #tpu.memory_space<vmem>>, vector<16xf32>,
      tpu.vector_store %arg13[%swap3A_848, %swap3A_849], %get3A_802 {strides = array<i32>} : memref<2x4736xf32, #tpu.memory_space<vmem>>, vector<16xf32>,
      %add3A_851 = arith.constant 64 : i32
      %add3A_852 = arith.addi %mul3A_418, %add3A_851 : i32
      %swap3A_853 = arith.constant 0 : i32
      %swap3A_854 = arith.index_cast %swap3A_853 : i32 to index
      %swap3A_855 = arith.index_cast %add3A_852 : i32 to index
      %swap3A_856 = tpu.vector_load %arg13[%swap3A_854, %swap3A_855] {strides = array<i32>} : memref<2x4736xf32, #tpu.memory_space<vmem>>, vector<16xf32>,
      tpu.vector_store %arg13[%swap3A_854, %swap3A_855], %get3A_808 {strides = array<i32>} : memref<2x4736xf32, #tpu.memory_space<vmem>>, vector<16xf32>,
      %add3A_857 = arith.constant 80 : i32
      %add3A_858 = arith.addi %mul3A_418, %add3A_857 : i32
      %swap3A_859 = arith.constant 0 : i32
      %swap3A_860 = arith.index_cast %swap3A_859 : i32 to index
      %swap3A_861 = arith.index_cast %add3A_858 : i32 to index
      %swap3A_862 = tpu.vector_load %arg13[%swap3A_860, %swap3A_861] {strides = array<i32>} : memref<2x4736xf32, #tpu.memory_space<vmem>>, vector<16xf32>,
      tpu.vector_store %arg13[%swap3A_860, %swap3A_861], %get3A_814 {strides = array<i32>} : memref<2x4736xf32, #tpu.memory_space<vmem>>, vector<16xf32>,
      %add3A_863 = arith.constant 96 : i32
      %add3A_864 = arith.addi %mul3A_418, %add3A_863 : i32
      %swap3A_865 = arith.constant 0 : i32
      %swap3A_866 = arith.index_cast %swap3A_865 : i32 to index
      %swap3A_867 = arith.index_cast %add3A_864 : i32 to index
      %swap3A_868 = tpu.vector_load %arg13[%swap3A_866, %swap3A_867] {strides = array<i32>} : memref<2x4736xf32, #tpu.memory_space<vmem>>, vector<16xf32>,
      tpu.vector_store %arg13[%swap3A_866, %swap3A_867], %get3A_820 {strides = array<i32>} : memref<2x4736xf32, #tpu.memory_space<vmem>>, vector<16xf32>,
      %add3A_869 = arith.constant 112 : i32
      %add3A_870 = arith.addi %mul3A_418, %add3A_869 : i32
      %swap3A_871 = arith.constant 0 : i32
      %swap3A_872 = arith.index_cast %swap3A_871 : i32 to index
      %swap3A_873 = arith.index_cast %add3A_870 : i32 to index
      %swap3A_874 = tpu.vector_load %arg13[%swap3A_872, %swap3A_873] {strides = array<i32>} : memref<2x4736xf32, #tpu.memory_space<vmem>>, vector<16xf32>,
      tpu.vector_store %arg13[%swap3A_872, %swap3A_873], %get3A_826 {strides = array<i32>} : memref<2x4736xf32, #tpu.memory_space<vmem>>, vector<16xf32>,
      %add3A_875 = arith.constant 0 : i32
      %add3A_876 = arith.addi %add3A_420, %add3A_875 : i32
      %get3A_877 = arith.constant 4 : i32
      %get3A_878 = arith.index_cast %get3A_877 : i32 to index
      %get3A_879 = arith.index_cast %add3A_876 : i32 to index
      %get3A_880 = tpu.vector_load %arg9[%get3A_878, %get3A_879] {strides = array<i32>} : memref<5x4736xf32, #tpu.memory_space<vmem>>, vector<16xf32>,
      %add3A_881 = arith.constant 16 : i32
      %add3A_882 = arith.addi %add3A_420, %add3A_881 : i32
      %get3A_883 = arith.constant 4 : i32
      %get3A_884 = arith.index_cast %get3A_883 : i32 to index
      %get3A_885 = arith.index_cast %add3A_882 : i32 to index
      %get3A_886 = tpu.vector_load %arg9[%get3A_884, %get3A_885] {strides = array<i32>} : memref<5x4736xf32, #tpu.memory_space<vmem>>, vector<16xf32>,
      %add3A_887 = arith.constant 32 : i32
      %add3A_888 = arith.addi %add3A_420, %add3A_887 : i32
      %get3A_889 = arith.constant 4 : i32
      %get3A_890 = arith.index_cast %get3A_889 : i32 to index
      %get3A_891 = arith.index_cast %add3A_888 : i32 to index
      %get3A_892 = tpu.vector_load %arg9[%get3A_890, %get3A_891] {strides = array<i32>} : memref<5x4736xf32, #tpu.memory_space<vmem>>, vector<16xf32>,
      %add3A_893 = arith.constant 48 : i32
      %add3A_894 = arith.addi %add3A_420, %add3A_893 : i32
      %get3A_895 = arith.constant 4 : i32
      %get3A_896 = arith.index_cast %get3A_895 : i32 to index
      %get3A_897 = arith.index_cast %add3A_894 : i32 to index
      %get3A_898 = tpu.vector_load %arg9[%get3A_896, %get3A_897] {strides = array<i32>} : memref<5x4736xf32, #tpu.memory_space<vmem>>, vector<16xf32>,
      %add3A_899 = arith.constant 64 : i32
      %add3A_900 = arith.addi %add3A_420, %add3A_899 : i32
      %get3A_901 = arith.constant 4 : i32
      %get3A_902 = arith.index_cast %get3A_901 : i32 to index
      %get3A_903 = arith.index_cast %add3A_900 : i32 to index
      %get3A_904 = tpu.vector_load %arg9[%get3A_902, %get3A_903] {strides = array<i32>} : memref<5x4736xf32, #tpu.memory_space<vmem>>, vector<16xf32>,
      %add3A_905 = arith.constant 80 : i32
      %add3A_906 = arith.addi %add3A_420, %add3A_905 : i32
      %get3A_907 = arith.constant 4 : i32
      %get3A_908 = arith.index_cast %get3A_907 : i32 to index
      %get3A_909 = arith.index_cast %add3A_906 : i32 to index
      %get3A_910 = tpu.vector_load %arg9[%get3A_908, %get3A_909] {strides = array<i32>} : memref<5x4736xf32, #tpu.memory_space<vmem>>, vector<16xf32>,
      %add3A_911 = arith.constant 96 : i32
      %add3A_912 = arith.addi %add3A_420, %add3A_911 : i32
      %get3A_913 = arith.constant 4 : i32
      %get3A_914 = arith.index_cast %get3A_913 : i32 to index
      %get3A_915 = arith.index_cast %add3A_912 : i32 to index
      %get3A_916 = tpu.vector_load %arg9[%get3A_914, %get3A_915] {strides = array<i32>} : memref<5x4736xf32, #tpu.memory_space<vmem>>, vector<16xf32>,
      %add3A_917 = arith.constant 112 : i32
      %add3A_918 = arith.addi %add3A_420, %add3A_917 : i32
      %get3A_919 = arith.constant 4 : i32
      %get3A_920 = arith.index_cast %get3A_919 : i32 to index
      %get3A_921 = arith.index_cast %add3A_918 : i32 to index
      %get3A_922 = tpu.vector_load %arg9[%get3A_920, %get3A_921] {strides = array<i32>} : memref<5x4736xf32, #tpu.memory_space<vmem>>, vector<16xf32>,
      %add3A_923 = arith.constant 0 : i32
      %add3A_924 = arith.addi %mul3A_418, %add3A_923 : i32
      %swap3A_925 = arith.constant 1 : i32
      %swap3A_926 = arith.index_cast %swap3A_925 : i32 to index
      %swap3A_927 = arith.index_cast %add3A_924 : i32 to index
      %swap3A_928 = tpu.vector_load %arg13[%swap3A_926, %swap3A_927] {strides = array<i32>} : memref<2x4736xf32, #tpu.memory_space<vmem>>, vector<16xf32>,
      tpu.vector_store %arg13[%swap3A_926, %swap3A_927], %get3A_880 {strides = array<i32>} : memref<2x4736xf32, #tpu.memory_space<vmem>>, vector<16xf32>,
      %add3A_929 = arith.constant 16 : i32
      %add3A_930 = arith.addi %mul3A_418, %add3A_929 : i32
      %swap3A_931 = arith.constant 1 : i32
      %swap3A_932 = arith.index_cast %swap3A_931 : i32 to index
      %swap3A_933 = arith.index_cast %add3A_930 : i32 to index
      %swap3A_934 = tpu.vector_load %arg13[%swap3A_932, %swap3A_933] {strides = array<i32>} : memref<2x4736xf32, #tpu.memory_space<vmem>>, vector<16xf32>,
      tpu.vector_store %arg13[%swap3A_932, %swap3A_933], %get3A_886 {strides = array<i32>} : memref<2x4736xf32, #tpu.memory_space<vmem>>, vector<16xf32>,
      %add3A_935 = arith.constant 32 : i32
      %add3A_936 = arith.addi %mul3A_418, %add3A_935 : i32
      %swap3A_937 = arith.constant 1 : i32
      %swap3A_938 = arith.index_cast %swap3A_937 : i32 to index
      %swap3A_939 = arith.index_cast %add3A_936 : i32 to index
      %swap3A_940 = tpu.vector_load %arg13[%swap3A_938, %swap3A_939] {strides = array<i32>} : memref<2x4736xf32, #tpu.memory_space<vmem>>, vector<16xf32>,
      tpu.vector_store %arg13[%swap3A_938, %swap3A_939], %get3A_892 {strides = array<i32>} : memref<2x4736xf32, #tpu.memory_space<vmem>>, vector<16xf32>,
      %add3A_941 = arith.constant 48 : i32
      %add3A_942 = arith.addi %mul3A_418, %add3A_941 : i32
      %swap3A_943 = arith.constant 1 : i32
      %swap3A_944 = arith.index_cast %swap3A_943 : i32 to index
      %swap3A_945 = arith.index_cast %add3A_942 : i32 to index
      %swap3A_946 = tpu.vector_load %arg13[%swap3A_944, %swap3A_945] {strides = array<i32>} : memref<2x4736xf32, #tpu.memory_space<vmem>>, vector<16xf32>,
      tpu.vector_store %arg13[%swap3A_944, %swap3A_945], %get3A_898 {strides = array<i32>} : memref<2x4736xf32, #tpu.memory_space<vmem>>, vector<16xf32>,
      %add3A_947 = arith.constant 64 : i32
      %add3A_948 = arith.addi %mul3A_418, %add3A_947 : i32
      %swap3A_949 = arith.constant 1 : i32
      %swap3A_950 = arith.index_cast %swap3A_949 : i32 to index
      %swap3A_951 = arith.index_cast %add3A_948 : i32 to index
      %swap3A_952 = tpu.vector_load %arg13[%swap3A_950, %swap3A_951] {strides = array<i32>} : memref<2x4736xf32, #tpu.memory_space<vmem>>, vector<16xf32>,
      tpu.vector_store %arg13[%swap3A_950, %swap3A_951], %get3A_904 {strides = array<i32>} : memref<2x4736xf32, #tpu.memory_space<vmem>>, vector<16xf32>,
      %add3A_953 = arith.constant 80 : i32
      %add3A_954 = arith.addi %mul3A_418, %add3A_953 : i32
      %swap3A_955 = arith.constant 1 : i32
      %swap3A_956 = arith.index_cast %swap3A_955 : i32 to index
      %swap3A_957 = arith.index_cast %add3A_954 : i32 to index
      %swap3A_958 = tpu.vector_load %arg13[%swap3A_956, %swap3A_957] {strides = array<i32>} : memref<2x4736xf32, #tpu.memory_space<vmem>>, vector<16xf32>,
      tpu.vector_store %arg13[%swap3A_956, %swap3A_957], %get3A_910 {strides = array<i32>} : memref<2x4736xf32, #tpu.memory_space<vmem>>, vector<16xf32>,
      %add3A_959 = arith.constant 96 : i32
      %add3A_960 = arith.addi %mul3A_418, %add3A_959 : i32
      %swap3A_961 = arith.constant 1 : i32
      %swap3A_962 = arith.index_cast %swap3A_961 : i32 to index
      %swap3A_963 = arith.index_cast %add3A_960 : i32 to index
      %swap3A_964 = tpu.vector_load %arg13[%swap3A_962, %swap3A_963] {strides = array<i32>} : memref<2x4736xf32, #tpu.memory_space<vmem>>, vector<16xf32>,
      tpu.vector_store %arg13[%swap3A_962, %swap3A_963], %get3A_916 {strides = array<i32>} : memref<2x4736xf32, #tpu.memory_space<vmem>>, vector<16xf32>,
      %add3A_965 = arith.constant 112 : i32
      %add3A_966 = arith.addi %mul3A_418, %add3A_965 : i32
      %swap3A_967 = arith.constant 1 : i32
      %swap3A_968 = arith.index_cast %swap3A_967 : i32 to index
      %swap3A_969 = arith.index_cast %add3A_966 : i32 to index
      %swap3A_970 = tpu.vector_load %arg13[%swap3A_968, %swap3A_969] {strides = array<i32>} : memref<2x4736xf32, #tpu.memory_space<vmem>>, vector<16xf32>,
      tpu.vector_store %arg13[%swap3A_968, %swap3A_969], %get3A_922 {strides = array<i32>} : memref<2x4736xf32, #tpu.memory_space<vmem>>, vector<16xf32>,
      %scan3A_971 = arith.constant 0 : i32
      scf.yield %scan3A_971 : i32
    }
    %scan3A_313 = arith.constant 19 : i32
    %add3A_314 = arith.constant 2304 : i32
    %add3A_315 = arith.addi %multiple_of3A_275, %add3A_314 : i32
    %dma_start3A_316 = arith.constant 0 : i32
    %dma_start3A_317 = arith.constant 2304 : i32
    %dma_start3A_318 = tpu.memref_slice %arg11[%dma_start3A_316, %dma_start3A_317] : memref<3x4736xf32, #tpu.memory_space<vmem>> -> memref<3x2432xf32, #tpu.memory_space<vmem>>
    %dma_start3A_319 = arith.constant 0 : i32
    %dma_start3A_320 = tpu.memref_slice %arg6[%dma_start3A_319, %add3A_315] : memref<3x450000xf32, #tpu.memory_space<hbm>> -> memref<3x2432xf32, #tpu.memory_space<hbm>>
    %dma_start3A_321 = arith.constant 0 : i32
    %dma_start3A_322 = tpu.memref_slice %arg6[%dma_start3A_321, %add3A_315] : memref<3x450000xf32, #tpu.memory_space<hbm>> -> memref<3x2432xf32, #tpu.memory_space<hbm>>
    %dma_start3A_323 = arith.constant 0 : i32
    %dma_start3A_324 = arith.constant 2304 : i32
    %dma_start3A_325 = tpu.memref_slice %arg11[%dma_start3A_323, %dma_start3A_324] : memref<3x4736xf32, #tpu.memory_space<vmem>> -> memref<3x2432xf32, #tpu.memory_space<vmem>>
    tpu.enqueue_dma source(%dma_start3A_325 : memref<3x2432xf32, #tpu.memory_space<vmem>>) target(%dma_start3A_322 : memref<3x2432xf32, #tpu.memory_space<hbm>>) target_semaphore(%arg20 : memref<!tpu.dma_semaphore, #tpu.memory_space<semaphore_mem>>)
    %add3A_326 = arith.constant 2304 : i32
    %add3A_327 = arith.addi %multiple_of3A_275, %add3A_326 : i32
    %dma_start3A_328 = arith.constant 0 : i32
    %dma_start3A_329 = arith.constant 2304 : i32
    %dma_start3A_330 = tpu.memref_slice %arg13[%dma_start3A_328, %dma_start3A_329] : memref<2x4736xf32, #tpu.memory_space<vmem>> -> memref<2x2432xf32, #tpu.memory_space<vmem>>
    %dma_start3A_331 = arith.constant 0 : i32
    %dma_start3A_332 = tpu.memref_slice %arg7[%dma_start3A_331, %add3A_327] : memref<2x450000xf32, #tpu.memory_space<hbm>> -> memref<2x2432xf32, #tpu.memory_space<hbm>>
    %dma_start3A_333 = arith.constant 0 : i32
    %dma_start3A_334 = tpu.memref_slice %arg7[%dma_start3A_333, %add3A_327] : memref<2x450000xf32, #tpu.memory_space<hbm>> -> memref<2x2432xf32, #tpu.memory_space<hbm>>
    %dma_start3A_335 = arith.constant 0 : i32
    %dma_start3A_336 = arith.constant 2304 : i32
    %dma_start3A_337 = tpu.memref_slice %arg13[%dma_start3A_335, %dma_start3A_336] : memref<2x4736xf32, #tpu.memory_space<vmem>> -> memref<2x2432xf32, #tpu.memory_space<vmem>>
    tpu.enqueue_dma source(%dma_start3A_337 : memref<2x2432xf32, #tpu.memory_space<vmem>>) target(%dma_start3A_334 : memref<2x2432xf32, #tpu.memory_space<hbm>>) target_semaphore(%arg22 : memref<!tpu.dma_semaphore, #tpu.memory_space<semaphore_mem>>)
    %dma_wait3A_338 = arith.constant 0 : i32
    %dma_wait3A_339 = arith.constant 0 : i32
    %dma_wait3A_340 = tpu.memref_slice %arg10[%dma_wait3A_338, %dma_wait3A_339] : memref<3x3840xf32, #tpu.memory_space<vmem>> -> memref<3x3840xf32, #tpu.memory_space<vmem>>
    %dma_wait3A_341 = arith.constant 0 : i32
    %dma_wait3A_342 = tpu.memref_slice %arg6[%dma_wait3A_341, %add3A_220] : memref<3x450000xf32, #tpu.memory_space<hbm>> -> memref<3x3840xf32, #tpu.memory_space<hbm>>
    %dma_wait3A_343 = arith.constant 0 : i32
    %dma_wait3A_344 = tpu.memref_slice %arg6[%dma_wait3A_343, %add3A_220] : memref<3x450000xf32, #tpu.memory_space<hbm>> -> memref<3x3840xf32, #tpu.memory_space<hbm>>
    %dma_wait3A_345 = arith.constant 0 : i32
    %dma_wait3A_346 = arith.constant 0 : i32
    %dma_wait3A_347 = tpu.memref_slice %arg10[%dma_wait3A_345, %dma_wait3A_346] : memref<3x3840xf32, #tpu.memory_space<vmem>> -> memref<3x3840xf32, #tpu.memory_space<vmem>>
    tpu.wait_dma2 semaphore(%arg19 : memref<!tpu.dma_semaphore, #tpu.memory_space<semaphore_mem>>) src(%dma_wait3A_347 : memref<3x3840xf32, #tpu.memory_space<vmem>>) dst(%dma_wait3A_344 : memref<3x3840xf32, #tpu.memory_space<hbm>>)
    %dma_wait3A_348 = arith.constant 0 : i32
    %dma_wait3A_349 = arith.constant 0 : i32
    %dma_wait3A_350 = tpu.memref_slice %arg12[%dma_wait3A_348, %dma_wait3A_349] : memref<2x3840xf32, #tpu.memory_space<vmem>> -> memref<2x3840xf32, #tpu.memory_space<vmem>>
    %dma_wait3A_351 = arith.constant 0 : i32
    %dma_wait3A_352 = tpu.memref_slice %arg7[%dma_wait3A_351, %add3A_232] : memref<2x450000xf32, #tpu.memory_space<hbm>> -> memref<2x3840xf32, #tpu.memory_space<hbm>>
    %dma_wait3A_353 = arith.constant 0 : i32
    %dma_wait3A_354 = tpu.memref_slice %arg7[%dma_wait3A_353, %add3A_232] : memref<2x450000xf32, #tpu.memory_space<hbm>> -> memref<2x3840xf32, #tpu.memory_space<hbm>>
    %dma_wait3A_355 = arith.constant 0 : i32
    %dma_wait3A_356 = arith.constant 0 : i32
    %dma_wait3A_357 = tpu.memref_slice %arg12[%dma_wait3A_355, %dma_wait3A_356] : memref<2x3840xf32, #tpu.memory_space<vmem>> -> memref<2x3840xf32, #tpu.memory_space<vmem>>
    tpu.wait_dma2 semaphore(%arg21 : memref<!tpu.dma_semaphore, #tpu.memory_space<semaphore_mem>>) src(%dma_wait3A_357 : memref<2x3840xf32, #tpu.memory_space<vmem>>) dst(%dma_wait3A_354 : memref<2x3840xf32, #tpu.memory_space<hbm>>)
    %dma_wait3A_358 = arith.constant 0 : i32
    %dma_wait3A_359 = arith.constant 0 : i32
    %dma_wait3A_360 = tpu.memref_slice %arg11[%dma_wait3A_358, %dma_wait3A_359] : memref<3x4736xf32, #tpu.memory_space<vmem>> -> memref<3x2304xf32, #tpu.memory_space<vmem>>
    %dma_wait3A_361 = arith.constant 0 : i32
    %dma_wait3A_362 = tpu.memref_slice %arg6[%dma_wait3A_361, %add3A_284] : memref<3x450000xf32, #tpu.memory_space<hbm>> -> memref<3x2304xf32, #tpu.memory_space<hbm>>
    %dma_wait3A_363 = arith.constant 0 : i32
    %dma_wait3A_364 = tpu.memref_slice %arg6[%dma_wait3A_363, %add3A_284] : memref<3x450000xf32, #tpu.memory_space<hbm>> -> memref<3x2304xf32, #tpu.memory_space<hbm>>
    %dma_wait3A_365 = arith.constant 0 : i32
    %dma_wait3A_366 = arith.constant 0 : i32
    %dma_wait3A_367 = tpu.memref_slice %arg11[%dma_wait3A_365, %dma_wait3A_366] : memref<3x4736xf32, #tpu.memory_space<vmem>> -> memref<3x2304xf32, #tpu.memory_space<vmem>>
    tpu.wait_dma2 semaphore(%arg20 : memref<!tpu.dma_semaphore, #tpu.memory_space<semaphore_mem>>) src(%dma_wait3A_367 : memref<3x2304xf32, #tpu.memory_space<vmem>>) dst(%dma_wait3A_364 : memref<3x2304xf32, #tpu.memory_space<hbm>>)
    %dma_wait3A_368 = arith.constant 0 : i32
    %dma_wait3A_369 = arith.constant 0 : i32
    %dma_wait3A_370 = tpu.memref_slice %arg13[%dma_wait3A_368, %dma_wait3A_369] : memref<2x4736xf32, #tpu.memory_space<vmem>> -> memref<2x2304xf32, #tpu.memory_space<vmem>>
    %dma_wait3A_371 = arith.constant 0 : i32
    %dma_wait3A_372 = tpu.memref_slice %arg7[%dma_wait3A_371, %add3A_296] : memref<2x450000xf32, #tpu.memory_space<hbm>> -> memref<2x2304xf32, #tpu.memory_space<hbm>>
    %dma_wait3A_373 = arith.constant 0 : i32
    %dma_wait3A_374 = tpu.memref_slice %arg7[%dma_wait3A_373, %add3A_296] : memref<2x450000xf32, #tpu.memory_space<hbm>> -> memref<2x2304xf32, #tpu.memory_space<hbm>>
    %dma_wait3A_375 = arith.constant 0 : i32
    %dma_wait3A_376 = arith.constant 0 : i32
    %dma_wait3A_377 = tpu.memref_slice %arg13[%dma_wait3A_375, %dma_wait3A_376] : memref<2x4736xf32, #tpu.memory_space<vmem>> -> memref<2x2304xf32, #tpu.memory_space<vmem>>
    tpu.wait_dma2 semaphore(%arg22 : memref<!tpu.dma_semaphore, #tpu.memory_space<semaphore_mem>>) src(%dma_wait3A_377 : memref<2x2304xf32, #tpu.memory_space<vmem>>) dst(%dma_wait3A_374 : memref<2x2304xf32, #tpu.memory_space<hbm>>)
    %dma_wait3A_378 = arith.constant 0 : i32
    %dma_wait3A_379 = arith.constant 2304 : i32
    %dma_wait3A_380 = tpu.memref_slice %arg11[%dma_wait3A_378, %dma_wait3A_379] : memref<3x4736xf32, #tpu.memory_space<vmem>> -> memref<3x2432xf32, #tpu.memory_space<vmem>>
    %dma_wait3A_381 = arith.constant 0 : i32
    %dma_wait3A_382 = tpu.memref_slice %arg6[%dma_wait3A_381, %add3A_315] : memref<3x450000xf32, #tpu.memory_space<hbm>> -> memref<3x2432xf32, #tpu.memory_space<hbm>>
    %dma_wait3A_383 = arith.constant 0 : i32
    %dma_wait3A_384 = tpu.memref_slice %arg6[%dma_wait3A_383, %add3A_315] : memref<3x450000xf32, #tpu.memory_space<hbm>> -> memref<3x2432xf32, #tpu.memory_space<hbm>>
    %dma_wait3A_385 = arith.constant 0 : i32
    %dma_wait3A_386 = arith.constant 2304 : i32
    %dma_wait3A_387 = tpu.memref_slice %arg11[%dma_wait3A_385, %dma_wait3A_386] : memref<3x4736xf32, #tpu.memory_space<vmem>> -> memref<3x2432xf32, #tpu.memory_space<vmem>>
    tpu.wait_dma2 semaphore(%arg20 : memref<!tpu.dma_semaphore, #tpu.memory_space<semaphore_mem>>) src(%dma_wait3A_387 : memref<3x2432xf32, #tpu.memory_space<vmem>>) dst(%dma_wait3A_384 : memref<3x2432xf32, #tpu.memory_space<hbm>>)
    %dma_wait3A_388 = arith.constant 0 : i32
    %dma_wait3A_389 = arith.constant 2304 : i32
    %dma_wait3A_390 = tpu.memref_slice %arg13[%dma_wait3A_388, %dma_wait3A_389] : memref<2x4736xf32, #tpu.memory_space<vmem>> -> memref<2x2432xf32, #tpu.memory_space<vmem>>
    %dma_wait3A_391 = arith.constant 0 : i32
    %dma_wait3A_392 = tpu.memref_slice %arg7[%dma_wait3A_391, %add3A_327] : memref<2x450000xf32, #tpu.memory_space<hbm>> -> memref<2x2432xf32, #tpu.memory_space<hbm>>
    %dma_wait3A_393 = arith.constant 0 : i32
    %dma_wait3A_394 = tpu.memref_slice %arg7[%dma_wait3A_393, %add3A_327] : memref<2x450000xf32, #tpu.memory_space<hbm>> -> memref<2x2432xf32, #tpu.memory_space<hbm>>
    %dma_wait3A_395 = arith.constant 0 : i32
    %dma_wait3A_396 = arith.constant 2304 : i32
    %dma_wait3A_397 = tpu.memref_slice %arg13[%dma_wait3A_395, %dma_wait3A_396] : memref<2x4736xf32, #tpu.memory_space<vmem>> -> memref<2x2432xf32, #tpu.memory_space<vmem>>
    tpu.wait_dma2 semaphore(%arg22 : memref<!tpu.dma_semaphore, #tpu.memory_space<semaphore_mem>>) src(%dma_wait3A_397 : memref<2x2432xf32, #tpu.memory_space<vmem>>) dst(%dma_wait3A_394 : memref<2x2432xf32, #tpu.memory_space<hbm>>)
    %eq3A = arith.constant 28 : i32
    %eq3A_398 = arith.cmpi eq, %add3A, %eq3A : i32
    %convert_element_type3A = arith.extui %eq3A_398 : i1 to i32
    %cond3A = arith.constant 0 : i32
    %cond3A_399 = arith.cmpi ne, %convert_element_type3A, %cond3A : i32
    scf.if %cond3A_399 {
      %mul3A_415 = arith.constant 0 : i32
      %mul3A_416 = arith.muli %mul3A_415, %add3A : i32
      %add3A_417 = arith.constant 149888 : i32
      %add3A_418 = arith.addi %add3A_417, %mul3A_416 : i32
      %multiple_of3A_419 = tpu.assume_multiple %add3A_418, 128 : i32
      "tpu.region"() ({
        %run_scoped3A = tpu.sem_alloc : memref<!tpu.dma_semaphore, #tpu.memory_space<semaphore_mem>>
        %dma_start3A_810 = arith.constant 0 : i32
        %dma_start3A_811 = arith.constant 0 : i32
        %dma_start3A_812 = tpu.memref_slice %arg14[%dma_start3A_810, %dma_start3A_811] : memref<5x384xf32, #tpu.memory_space<vmem>> -> memref<5x128xf32, #tpu.memory_space<vmem>>
        %dma_start3A_813 = arith.constant 0 : i32
        %dma_start3A_814 = tpu.memref_slice %arg2[%dma_start3A_813, %multiple_of3A_419] : memref<5x150000xf32, #tpu.memory_space<hbm>> -> memref<5x128xf32, #tpu.memory_space<hbm>>
        %dma_start3A_815 = arith.constant 0 : i32
        %dma_start3A_816 = arith.constant 0 : i32
        %dma_start3A_817 = tpu.memref_slice %arg14[%dma_start3A_815, %dma_start3A_816] : memref<5x384xf32, #tpu.memory_space<vmem>> -> memref<5x128xf32, #tpu.memory_space<vmem>>
        %dma_start3A_818 = arith.constant 0 : i32
        %dma_start3A_819 = tpu.memref_slice %arg2[%dma_start3A_818, %multiple_of3A_419] : memref<5x150000xf32, #tpu.memory_space<hbm>> -> memref<5x128xf32, #tpu.memory_space<hbm>>
        tpu.enqueue_dma source(%dma_start3A_819 : memref<5x128xf32, #tpu.memory_space<hbm>>) target(%dma_start3A_817 : memref<5x128xf32, #tpu.memory_space<vmem>>) target_semaphore(%run_scoped3A : memref<!tpu.dma_semaphore, #tpu.memory_space<semaphore_mem>>)
        %dma_wait3A_820 = arith.constant 0 : i32
        %dma_wait3A_821 = arith.constant 0 : i32
        %dma_wait3A_822 = tpu.memref_slice %arg14[%dma_wait3A_820, %dma_wait3A_821] : memref<5x384xf32, #tpu.memory_space<vmem>> -> memref<5x128xf32, #tpu.memory_space<vmem>>
        %dma_wait3A_823 = arith.constant 0 : i32
        %dma_wait3A_824 = tpu.memref_slice %arg2[%dma_wait3A_823, %multiple_of3A_419] : memref<5x150000xf32, #tpu.memory_space<hbm>> -> memref<5x128xf32, #tpu.memory_space<hbm>>
        %dma_wait3A_825 = arith.constant 0 : i32
        %dma_wait3A_826 = arith.constant 0 : i32
        %dma_wait3A_827 = tpu.memref_slice %arg14[%dma_wait3A_825, %dma_wait3A_826] : memref<5x384xf32, #tpu.memory_space<vmem>> -> memref<5x128xf32, #tpu.memory_space<vmem>>
        %dma_wait3A_828 = arith.constant 0 : i32
        %dma_wait3A_829 = tpu.memref_slice %arg2[%dma_wait3A_828, %multiple_of3A_419] : memref<5x150000xf32, #tpu.memory_space<hbm>> -> memref<5x128xf32, #tpu.memory_space<hbm>>
        tpu.wait_dma2 semaphore(%run_scoped3A : memref<!tpu.dma_semaphore, #tpu.memory_space<semaphore_mem>>) src(%dma_wait3A_829 : memref<5x128xf32, #tpu.memory_space<hbm>>) dst(%dma_wait3A_827 : memref<5x128xf32, #tpu.memory_space<vmem>>)
        tpu.yield
      }) : () -> ()
      "tpu.region"() ({
        %run_scoped3A = tpu.sem_alloc : memref<!tpu.dma_semaphore, #tpu.memory_space<semaphore_mem>>
        %dma_start3A_810 = arith.constant 0 : i32
        %dma_start3A_811 = arith.constant 128 : i32
        %dma_start3A_812 = tpu.memref_slice %arg14[%dma_start3A_810, %dma_start3A_811] : memref<5x384xf32, #tpu.memory_space<vmem>> -> memref<5x128xf32, #tpu.memory_space<vmem>>
        %dma_start3A_813 = arith.constant 0 : i32
        %dma_start3A_814 = arith.constant 0 : i32
        %dma_start3A_815 = tpu.memref_slice %arg3[%dma_start3A_813, %dma_start3A_814] : memref<5x120000xf32, #tpu.memory_space<hbm>> -> memref<5x128xf32, #tpu.memory_space<hbm>>
        %dma_start3A_816 = arith.constant 0 : i32
        %dma_start3A_817 = arith.constant 128 : i32
        %dma_start3A_818 = tpu.memref_slice %arg14[%dma_start3A_816, %dma_start3A_817] : memref<5x384xf32, #tpu.memory_space<vmem>> -> memref<5x128xf32, #tpu.memory_space<vmem>>
        %dma_start3A_819 = arith.constant 0 : i32
        %dma_start3A_820 = arith.constant 0 : i32
        %dma_start3A_821 = tpu.memref_slice %arg3[%dma_start3A_819, %dma_start3A_820] : memref<5x120000xf32, #tpu.memory_space<hbm>> -> memref<5x128xf32, #tpu.memory_space<hbm>>
        tpu.enqueue_dma source(%dma_start3A_821 : memref<5x128xf32, #tpu.memory_space<hbm>>) target(%dma_start3A_818 : memref<5x128xf32, #tpu.memory_space<vmem>>) target_semaphore(%run_scoped3A : memref<!tpu.dma_semaphore, #tpu.memory_space<semaphore_mem>>)
        %dma_wait3A_822 = arith.constant 0 : i32
        %dma_wait3A_823 = arith.constant 128 : i32
        %dma_wait3A_824 = tpu.memref_slice %arg14[%dma_wait3A_822, %dma_wait3A_823] : memref<5x384xf32, #tpu.memory_space<vmem>> -> memref<5x128xf32, #tpu.memory_space<vmem>>
        %dma_wait3A_825 = arith.constant 0 : i32
        %dma_wait3A_826 = arith.constant 0 : i32
        %dma_wait3A_827 = tpu.memref_slice %arg3[%dma_wait3A_825, %dma_wait3A_826] : memref<5x120000xf32, #tpu.memory_space<hbm>> -> memref<5x128xf32, #tpu.memory_space<hbm>>
        %dma_wait3A_828 = arith.constant 0 : i32
        %dma_wait3A_829 = arith.constant 128 : i32
        %dma_wait3A_830 = tpu.memref_slice %arg14[%dma_wait3A_828, %dma_wait3A_829] : memref<5x384xf32, #tpu.memory_space<vmem>> -> memref<5x128xf32, #tpu.memory_space<vmem>>
        %dma_wait3A_831 = arith.constant 0 : i32
        %dma_wait3A_832 = arith.constant 0 : i32
        %dma_wait3A_833 = tpu.memref_slice %arg3[%dma_wait3A_831, %dma_wait3A_832] : memref<5x120000xf32, #tpu.memory_space<hbm>> -> memref<5x128xf32, #tpu.memory_space<hbm>>
        tpu.wait_dma2 semaphore(%run_scoped3A : memref<!tpu.dma_semaphore, #tpu.memory_space<semaphore_mem>>) src(%dma_wait3A_833 : memref<5x128xf32, #tpu.memory_space<hbm>>) dst(%dma_wait3A_830 : memref<5x128xf32, #tpu.memory_space<vmem>>)
        tpu.yield
      }) : () -> ()
      %get3A = arith.constant 0 : i32
      %get3A_420 = arith.index_cast %get3A : i32 to index
      %get3A_421 = arith.constant 0 : index
      %get3A_422 = tpu.vector_load %arg14[%get3A_420, %get3A_421] {strides = array<i32>} : memref<5x384xf32, #tpu.memory_space<vmem>>, vector<16xf32>,
      %get3A_423 = arith.constant 0 : i32
      %get3A_424 = arith.index_cast %get3A_423 : i32 to index
      %get3A_425 = arith.constant 16 : index
      %get3A_426 = tpu.vector_load %arg14[%get3A_424, %get3A_425] {strides = array<i32>} : memref<5x384xf32, #tpu.memory_space<vmem>>, vector<16xf32>,
      %get3A_427 = arith.constant 0 : i32
      %get3A_428 = arith.index_cast %get3A_427 : i32 to index
      %get3A_429 = arith.constant 32 : index
      %get3A_430 = tpu.vector_load %arg14[%get3A_428, %get3A_429] {strides = array<i32>} : memref<5x384xf32, #tpu.memory_space<vmem>>, vector<16xf32>,
      %get3A_431 = arith.constant 0 : i32
      %get3A_432 = arith.index_cast %get3A_431 : i32 to index
      %get3A_433 = arith.constant 48 : index
      %get3A_434 = tpu.vector_load %arg14[%get3A_432, %get3A_433] {strides = array<i32>} : memref<5x384xf32, #tpu.memory_space<vmem>>, vector<16xf32>,
      %get3A_435 = arith.constant 0 : i32
      %get3A_436 = arith.index_cast %get3A_435 : i32 to index
      %get3A_437 = arith.constant 64 : index
      %get3A_438 = tpu.vector_load %arg14[%get3A_436, %get3A_437] {strides = array<i32>} : memref<5x384xf32, #tpu.memory_space<vmem>>, vector<16xf32>,
      %get3A_439 = arith.constant 0 : i32
      %get3A_440 = arith.index_cast %get3A_439 : i32 to index
      %get3A_441 = arith.constant 80 : index
      %get3A_442 = tpu.vector_load %arg14[%get3A_440, %get3A_441] {strides = array<i32>} : memref<5x384xf32, #tpu.memory_space<vmem>>, vector<16xf32>,
      %get3A_443 = arith.constant 0 : i32
      %get3A_444 = arith.index_cast %get3A_443 : i32 to index
      %get3A_445 = arith.constant 96 : index
      %get3A_446 = tpu.vector_load %arg14[%get3A_444, %get3A_445] {strides = array<i32>} : memref<5x384xf32, #tpu.memory_space<vmem>>, vector<16xf32>,
      %sub3A_447 = arith.constant -5.120000e+01 : f32
      %sub3A_448 = vector.broadcast %sub3A_447 : f32 to vector<16xf32>
      %sub3A_449 = arith.subf %get3A_422, %sub3A_448 : vector<16xf32>
      %swap3A = arith.constant 0 : i32
      %swap3A_450 = arith.index_cast %swap3A : i32 to index
      %swap3A_451 = arith.constant 0 : index
      %swap3A_452 = tpu.vector_load %arg10[%swap3A_450, %swap3A_451] {strides = array<i32>} : memref<3x3840xf32, #tpu.memory_space<vmem>>, vector<16xf32>,
      tpu.vector_store %arg10[%swap3A_450, %swap3A_451], %sub3A_449 {strides = array<i32>} : memref<3x3840xf32, #tpu.memory_space<vmem>>, vector<16xf32>,
      %sub3A_453 = arith.constant -5.120000e+01 : f32
      %sub3A_454 = vector.broadcast %sub3A_453 : f32 to vector<16xf32>
      %sub3A_455 = arith.subf %get3A_426, %sub3A_454 : vector<16xf32>
      %swap3A_456 = arith.constant 0 : i32
      %swap3A_457 = arith.index_cast %swap3A_456 : i32 to index
      %swap3A_458 = arith.constant 16 : index
      %swap3A_459 = tpu.vector_load %arg10[%swap3A_457, %swap3A_458] {strides = array<i32>} : memref<3x3840xf32, #tpu.memory_space<vmem>>, vector<16xf32>,
      tpu.vector_store %arg10[%swap3A_457, %swap3A_458], %sub3A_455 {strides = array<i32>} : memref<3x3840xf32, #tpu.memory_space<vmem>>, vector<16xf32>,
      %sub3A_460 = arith.constant -5.120000e+01 : f32
      %sub3A_461 = vector.broadcast %sub3A_460 : f32 to vector<16xf32>
      %sub3A_462 = arith.subf %get3A_430, %sub3A_461 : vector<16xf32>
      %swap3A_463 = arith.constant 0 : i32
      %swap3A_464 = arith.index_cast %swap3A_463 : i32 to index
      %swap3A_465 = arith.constant 32 : index
      %swap3A_466 = tpu.vector_load %arg10[%swap3A_464, %swap3A_465] {strides = array<i32>} : memref<3x3840xf32, #tpu.memory_space<vmem>>, vector<16xf32>,
      tpu.vector_store %arg10[%swap3A_464, %swap3A_465], %sub3A_462 {strides = array<i32>} : memref<3x3840xf32, #tpu.memory_space<vmem>>, vector<16xf32>,
      %sub3A_467 = arith.constant -5.120000e+01 : f32
      %sub3A_468 = vector.broadcast %sub3A_467 : f32 to vector<16xf32>
      %sub3A_469 = arith.subf %get3A_434, %sub3A_468 : vector<16xf32>
      %swap3A_470 = arith.constant 0 : i32
      %swap3A_471 = arith.index_cast %swap3A_470 : i32 to index
      %swap3A_472 = arith.constant 48 : index
      %swap3A_473 = tpu.vector_load %arg10[%swap3A_471, %swap3A_472] {strides = array<i32>} : memref<3x3840xf32, #tpu.memory_space<vmem>>, vector<16xf32>,
      tpu.vector_store %arg10[%swap3A_471, %swap3A_472], %sub3A_469 {strides = array<i32>} : memref<3x3840xf32, #tpu.memory_space<vmem>>, vector<16xf32>,
      %sub3A_474 = arith.constant -5.120000e+01 : f32
      %sub3A_475 = vector.broadcast %sub3A_474 : f32 to vector<16xf32>
      %sub3A_476 = arith.subf %get3A_438, %sub3A_475 : vector<16xf32>
      %swap3A_477 = arith.constant 0 : i32
      %swap3A_478 = arith.index_cast %swap3A_477 : i32 to index
      %swap3A_479 = arith.constant 64 : index
      %swap3A_480 = tpu.vector_load %arg10[%swap3A_478, %swap3A_479] {strides = array<i32>} : memref<3x3840xf32, #tpu.memory_space<vmem>>, vector<16xf32>,
      tpu.vector_store %arg10[%swap3A_478, %swap3A_479], %sub3A_476 {strides = array<i32>} : memref<3x3840xf32, #tpu.memory_space<vmem>>, vector<16xf32>,
      %sub3A_481 = arith.constant -5.120000e+01 : f32
      %sub3A_482 = vector.broadcast %sub3A_481 : f32 to vector<16xf32>
      %sub3A_483 = arith.subf %get3A_442, %sub3A_482 : vector<16xf32>
      %swap3A_484 = arith.constant 0 : i32
      %swap3A_485 = arith.index_cast %swap3A_484 : i32 to index
      %swap3A_486 = arith.constant 80 : index
      %swap3A_487 = tpu.vector_load %arg10[%swap3A_485, %swap3A_486] {strides = array<i32>} : memref<3x3840xf32, #tpu.memory_space<vmem>>, vector<16xf32>,
      tpu.vector_store %arg10[%swap3A_485, %swap3A_486], %sub3A_483 {strides = array<i32>} : memref<3x3840xf32, #tpu.memory_space<vmem>>, vector<16xf32>,
      %sub3A_488 = arith.constant -5.120000e+01 : f32
      %sub3A_489 = vector.broadcast %sub3A_488 : f32 to vector<16xf32>
      %sub3A_490 = arith.subf %get3A_446, %sub3A_489 : vector<16xf32>
      %swap3A_491 = arith.constant 0 : i32
      %swap3A_492 = arith.index_cast %swap3A_491 : i32 to index
      %swap3A_493 = arith.constant 96 : index
      %swap3A_494 = tpu.vector_load %arg10[%swap3A_492, %swap3A_493] {strides = array<i32>} : memref<3x3840xf32, #tpu.memory_space<vmem>>, vector<16xf32>,
      tpu.vector_store %arg10[%swap3A_492, %swap3A_493], %sub3A_490 {strides = array<i32>} : memref<3x3840xf32, #tpu.memory_space<vmem>>, vector<16xf32>,
      %get3A_495 = arith.constant 1 : i32
      %get3A_496 = arith.index_cast %get3A_495 : i32 to index
      %get3A_497 = arith.constant 0 : index
      %get3A_498 = tpu.vector_load %arg14[%get3A_496, %get3A_497] {strides = array<i32>} : memref<5x384xf32, #tpu.memory_space<vmem>>, vector<16xf32>,
      %get3A_499 = arith.constant 1 : i32
      %get3A_500 = arith.index_cast %get3A_499 : i32 to index
      %get3A_501 = arith.constant 16 : index
      %get3A_502 = tpu.vector_load %arg14[%get3A_500, %get3A_501] {strides = array<i32>} : memref<5x384xf32, #tpu.memory_space<vmem>>, vector<16xf32>,
      %get3A_503 = arith.constant 1 : i32
      %get3A_504 = arith.index_cast %get3A_503 : i32 to index
      %get3A_505 = arith.constant 32 : index
      %get3A_506 = tpu.vector_load %arg14[%get3A_504, %get3A_505] {strides = array<i32>} : memref<5x384xf32, #tpu.memory_space<vmem>>, vector<16xf32>,
      %get3A_507 = arith.constant 1 : i32
      %get3A_508 = arith.index_cast %get3A_507 : i32 to index
      %get3A_509 = arith.constant 48 : index
      %get3A_510 = tpu.vector_load %arg14[%get3A_508, %get3A_509] {strides = array<i32>} : memref<5x384xf32, #tpu.memory_space<vmem>>, vector<16xf32>,
      %get3A_511 = arith.constant 1 : i32
      %get3A_512 = arith.index_cast %get3A_511 : i32 to index
      %get3A_513 = arith.constant 64 : index
      %get3A_514 = tpu.vector_load %arg14[%get3A_512, %get3A_513] {strides = array<i32>} : memref<5x384xf32, #tpu.memory_space<vmem>>, vector<16xf32>,
      %get3A_515 = arith.constant 1 : i32
      %get3A_516 = arith.index_cast %get3A_515 : i32 to index
      %get3A_517 = arith.constant 80 : index
      %get3A_518 = tpu.vector_load %arg14[%get3A_516, %get3A_517] {strides = array<i32>} : memref<5x384xf32, #tpu.memory_space<vmem>>, vector<16xf32>,
      %get3A_519 = arith.constant 1 : i32
      %get3A_520 = arith.index_cast %get3A_519 : i32 to index
      %get3A_521 = arith.constant 96 : index
      %get3A_522 = tpu.vector_load %arg14[%get3A_520, %get3A_521] {strides = array<i32>} : memref<5x384xf32, #tpu.memory_space<vmem>>, vector<16xf32>,
      %sub3A_523 = arith.constant -5.120000e+01 : f32
      %sub3A_524 = vector.broadcast %sub3A_523 : f32 to vector<16xf32>
      %sub3A_525 = arith.subf %get3A_498, %sub3A_524 : vector<16xf32>
      %swap3A_526 = arith.constant 1 : i32
      %swap3A_527 = arith.index_cast %swap3A_526 : i32 to index
      %swap3A_528 = arith.constant 0 : index
      %swap3A_529 = tpu.vector_load %arg10[%swap3A_527, %swap3A_528] {strides = array<i32>} : memref<3x3840xf32, #tpu.memory_space<vmem>>, vector<16xf32>,
      tpu.vector_store %arg10[%swap3A_527, %swap3A_528], %sub3A_525 {strides = array<i32>} : memref<3x3840xf32, #tpu.memory_space<vmem>>, vector<16xf32>,
      %sub3A_530 = arith.constant -5.120000e+01 : f32
      %sub3A_531 = vector.broadcast %sub3A_530 : f32 to vector<16xf32>
      %sub3A_532 = arith.subf %get3A_502, %sub3A_531 : vector<16xf32>
      %swap3A_533 = arith.constant 1 : i32
      %swap3A_534 = arith.index_cast %swap3A_533 : i32 to index
      %swap3A_535 = arith.constant 16 : index
      %swap3A_536 = tpu.vector_load %arg10[%swap3A_534, %swap3A_535] {strides = array<i32>} : memref<3x3840xf32, #tpu.memory_space<vmem>>, vector<16xf32>,
      tpu.vector_store %arg10[%swap3A_534, %swap3A_535], %sub3A_532 {strides = array<i32>} : memref<3x3840xf32, #tpu.memory_space<vmem>>, vector<16xf32>,
      %sub3A_537 = arith.constant -5.120000e+01 : f32
      %sub3A_538 = vector.broadcast %sub3A_537 : f32 to vector<16xf32>
      %sub3A_539 = arith.subf %get3A_506, %sub3A_538 : vector<16xf32>
      %swap3A_540 = arith.constant 1 : i32
      %swap3A_541 = arith.index_cast %swap3A_540 : i32 to index
      %swap3A_542 = arith.constant 32 : index
      %swap3A_543 = tpu.vector_load %arg10[%swap3A_541, %swap3A_542] {strides = array<i32>} : memref<3x3840xf32, #tpu.memory_space<vmem>>, vector<16xf32>,
      tpu.vector_store %arg10[%swap3A_541, %swap3A_542], %sub3A_539 {strides = array<i32>} : memref<3x3840xf32, #tpu.memory_space<vmem>>, vector<16xf32>,
      %sub3A_544 = arith.constant -5.120000e+01 : f32
      %sub3A_545 = vector.broadcast %sub3A_544 : f32 to vector<16xf32>
      %sub3A_546 = arith.subf %get3A_510, %sub3A_545 : vector<16xf32>
      %swap3A_547 = arith.constant 1 : i32
      %swap3A_548 = arith.index_cast %swap3A_547 : i32 to index
      %swap3A_549 = arith.constant 48 : index
      %swap3A_550 = tpu.vector_load %arg10[%swap3A_548, %swap3A_549] {strides = array<i32>} : memref<3x3840xf32, #tpu.memory_space<vmem>>, vector<16xf32>,
      tpu.vector_store %arg10[%swap3A_548, %swap3A_549], %sub3A_546 {strides = array<i32>} : memref<3x3840xf32, #tpu.memory_space<vmem>>, vector<16xf32>,
      %sub3A_551 = arith.constant -5.120000e+01 : f32
      %sub3A_552 = vector.broadcast %sub3A_551 : f32 to vector<16xf32>
      %sub3A_553 = arith.subf %get3A_514, %sub3A_552 : vector<16xf32>
      %swap3A_554 = arith.constant 1 : i32
      %swap3A_555 = arith.index_cast %swap3A_554 : i32 to index
      %swap3A_556 = arith.constant 64 : index
      %swap3A_557 = tpu.vector_load %arg10[%swap3A_555, %swap3A_556] {strides = array<i32>} : memref<3x3840xf32, #tpu.memory_space<vmem>>, vector<16xf32>,
      tpu.vector_store %arg10[%swap3A_555, %swap3A_556], %sub3A_553 {strides = array<i32>} : memref<3x3840xf32, #tpu.memory_space<vmem>>, vector<16xf32>,
      %sub3A_558 = arith.constant -5.120000e+01 : f32
      %sub3A_559 = vector.broadcast %sub3A_558 : f32 to vector<16xf32>
      %sub3A_560 = arith.subf %get3A_518, %sub3A_559 : vector<16xf32>
      %swap3A_561 = arith.constant 1 : i32
      %swap3A_562 = arith.index_cast %swap3A_561 : i32 to index
      %swap3A_563 = arith.constant 80 : index
      %swap3A_564 = tpu.vector_load %arg10[%swap3A_562, %swap3A_563] {strides = array<i32>} : memref<3x3840xf32, #tpu.memory_space<vmem>>, vector<16xf32>,
      tpu.vector_store %arg10[%swap3A_562, %swap3A_563], %sub3A_560 {strides = array<i32>} : memref<3x3840xf32, #tpu.memory_space<vmem>>, vector<16xf32>,
      %sub3A_565 = arith.constant -5.120000e+01 : f32
      %sub3A_566 = vector.broadcast %sub3A_565 : f32 to vector<16xf32>
      %sub3A_567 = arith.subf %get3A_522, %sub3A_566 : vector<16xf32>
      %swap3A_568 = arith.constant 1 : i32
      %swap3A_569 = arith.index_cast %swap3A_568 : i32 to index
      %swap3A_570 = arith.constant 96 : index
      %swap3A_571 = tpu.vector_load %arg10[%swap3A_569, %swap3A_570] {strides = array<i32>} : memref<3x3840xf32, #tpu.memory_space<vmem>>, vector<16xf32>,
      tpu.vector_store %arg10[%swap3A_569, %swap3A_570], %sub3A_567 {strides = array<i32>} : memref<3x3840xf32, #tpu.memory_space<vmem>>, vector<16xf32>,
      %get3A_572 = arith.constant 2 : i32
      %get3A_573 = arith.index_cast %get3A_572 : i32 to index
      %get3A_574 = arith.constant 0 : index
      %get3A_575 = tpu.vector_load %arg14[%get3A_573, %get3A_574] {strides = array<i32>} : memref<5x384xf32, #tpu.memory_space<vmem>>, vector<16xf32>,
      %get3A_576 = arith.constant 2 : i32
      %get3A_577 = arith.index_cast %get3A_576 : i32 to index
      %get3A_578 = arith.constant 16 : index
      %get3A_579 = tpu.vector_load %arg14[%get3A_577, %get3A_578] {strides = array<i32>} : memref<5x384xf32, #tpu.memory_space<vmem>>, vector<16xf32>,
      %get3A_580 = arith.constant 2 : i32
      %get3A_581 = arith.index_cast %get3A_580 : i32 to index
      %get3A_582 = arith.constant 32 : index
      %get3A_583 = tpu.vector_load %arg14[%get3A_581, %get3A_582] {strides = array<i32>} : memref<5x384xf32, #tpu.memory_space<vmem>>, vector<16xf32>,
      %get3A_584 = arith.constant 2 : i32
      %get3A_585 = arith.index_cast %get3A_584 : i32 to index
      %get3A_586 = arith.constant 48 : index
      %get3A_587 = tpu.vector_load %arg14[%get3A_585, %get3A_586] {strides = array<i32>} : memref<5x384xf32, #tpu.memory_space<vmem>>, vector<16xf32>,
      %get3A_588 = arith.constant 2 : i32
      %get3A_589 = arith.index_cast %get3A_588 : i32 to index
      %get3A_590 = arith.constant 64 : index
      %get3A_591 = tpu.vector_load %arg14[%get3A_589, %get3A_590] {strides = array<i32>} : memref<5x384xf32, #tpu.memory_space<vmem>>, vector<16xf32>,
      %get3A_592 = arith.constant 2 : i32
      %get3A_593 = arith.index_cast %get3A_592 : i32 to index
      %get3A_594 = arith.constant 80 : index
      %get3A_595 = tpu.vector_load %arg14[%get3A_593, %get3A_594] {strides = array<i32>} : memref<5x384xf32, #tpu.memory_space<vmem>>, vector<16xf32>,
      %get3A_596 = arith.constant 2 : i32
      %get3A_597 = arith.index_cast %get3A_596 : i32 to index
      %get3A_598 = arith.constant 96 : index
      %get3A_599 = tpu.vector_load %arg14[%get3A_597, %get3A_598] {strides = array<i32>} : memref<5x384xf32, #tpu.memory_space<vmem>>, vector<16xf32>,
      %sub3A_600 = arith.constant -5.000000e+00 : f32
      %sub3A_601 = vector.broadcast %sub3A_600 : f32 to vector<16xf32>
      %sub3A_602 = arith.subf %get3A_575, %sub3A_601 : vector<16xf32>
      %swap3A_603 = arith.constant 2 : i32
      %swap3A_604 = arith.index_cast %swap3A_603 : i32 to index
      %swap3A_605 = arith.constant 0 : index
      %swap3A_606 = tpu.vector_load %arg10[%swap3A_604, %swap3A_605] {strides = array<i32>} : memref<3x3840xf32, #tpu.memory_space<vmem>>, vector<16xf32>,
      tpu.vector_store %arg10[%swap3A_604, %swap3A_605], %sub3A_602 {strides = array<i32>} : memref<3x3840xf32, #tpu.memory_space<vmem>>, vector<16xf32>,
      %sub3A_607 = arith.constant -5.000000e+00 : f32
      %sub3A_608 = vector.broadcast %sub3A_607 : f32 to vector<16xf32>
      %sub3A_609 = arith.subf %get3A_579, %sub3A_608 : vector<16xf32>
      %swap3A_610 = arith.constant 2 : i32
      %swap3A_611 = arith.index_cast %swap3A_610 : i32 to index
      %swap3A_612 = arith.constant 16 : index
      %swap3A_613 = tpu.vector_load %arg10[%swap3A_611, %swap3A_612] {strides = array<i32>} : memref<3x3840xf32, #tpu.memory_space<vmem>>, vector<16xf32>,
      tpu.vector_store %arg10[%swap3A_611, %swap3A_612], %sub3A_609 {strides = array<i32>} : memref<3x3840xf32, #tpu.memory_space<vmem>>, vector<16xf32>,
      %sub3A_614 = arith.constant -5.000000e+00 : f32
      %sub3A_615 = vector.broadcast %sub3A_614 : f32 to vector<16xf32>
      %sub3A_616 = arith.subf %get3A_583, %sub3A_615 : vector<16xf32>
      %swap3A_617 = arith.constant 2 : i32
      %swap3A_618 = arith.index_cast %swap3A_617 : i32 to index
      %swap3A_619 = arith.constant 32 : index
      %swap3A_620 = tpu.vector_load %arg10[%swap3A_618, %swap3A_619] {strides = array<i32>} : memref<3x3840xf32, #tpu.memory_space<vmem>>, vector<16xf32>,
      tpu.vector_store %arg10[%swap3A_618, %swap3A_619], %sub3A_616 {strides = array<i32>} : memref<3x3840xf32, #tpu.memory_space<vmem>>, vector<16xf32>,
      %sub3A_621 = arith.constant -5.000000e+00 : f32
      %sub3A_622 = vector.broadcast %sub3A_621 : f32 to vector<16xf32>
      %sub3A_623 = arith.subf %get3A_587, %sub3A_622 : vector<16xf32>
      %swap3A_624 = arith.constant 2 : i32
      %swap3A_625 = arith.index_cast %swap3A_624 : i32 to index
      %swap3A_626 = arith.constant 48 : index
      %swap3A_627 = tpu.vector_load %arg10[%swap3A_625, %swap3A_626] {strides = array<i32>} : memref<3x3840xf32, #tpu.memory_space<vmem>>, vector<16xf32>,
      tpu.vector_store %arg10[%swap3A_625, %swap3A_626], %sub3A_623 {strides = array<i32>} : memref<3x3840xf32, #tpu.memory_space<vmem>>, vector<16xf32>,
      %sub3A_628 = arith.constant -5.000000e+00 : f32
      %sub3A_629 = vector.broadcast %sub3A_628 : f32 to vector<16xf32>
      %sub3A_630 = arith.subf %get3A_591, %sub3A_629 : vector<16xf32>
      %swap3A_631 = arith.constant 2 : i32
      %swap3A_632 = arith.index_cast %swap3A_631 : i32 to index
      %swap3A_633 = arith.constant 64 : index
      %swap3A_634 = tpu.vector_load %arg10[%swap3A_632, %swap3A_633] {strides = array<i32>} : memref<3x3840xf32, #tpu.memory_space<vmem>>, vector<16xf32>,
      tpu.vector_store %arg10[%swap3A_632, %swap3A_633], %sub3A_630 {strides = array<i32>} : memref<3x3840xf32, #tpu.memory_space<vmem>>, vector<16xf32>,
      %sub3A_635 = arith.constant -5.000000e+00 : f32
      %sub3A_636 = vector.broadcast %sub3A_635 : f32 to vector<16xf32>
      %sub3A_637 = arith.subf %get3A_595, %sub3A_636 : vector<16xf32>
      %swap3A_638 = arith.constant 2 : i32
      %swap3A_639 = arith.index_cast %swap3A_638 : i32 to index
      %swap3A_640 = arith.constant 80 : index
      %swap3A_641 = tpu.vector_load %arg10[%swap3A_639, %swap3A_640] {strides = array<i32>} : memref<3x3840xf32, #tpu.memory_space<vmem>>, vector<16xf32>,
      tpu.vector_store %arg10[%swap3A_639, %swap3A_640], %sub3A_637 {strides = array<i32>} : memref<3x3840xf32, #tpu.memory_space<vmem>>, vector<16xf32>,
      %sub3A_642 = arith.constant -5.000000e+00 : f32
      %sub3A_643 = vector.broadcast %sub3A_642 : f32 to vector<16xf32>
      %sub3A_644 = arith.subf %get3A_599, %sub3A_643 : vector<16xf32>
      %swap3A_645 = arith.constant 2 : i32
      %swap3A_646 = arith.index_cast %swap3A_645 : i32 to index
      %swap3A_647 = arith.constant 96 : index
      %swap3A_648 = tpu.vector_load %arg10[%swap3A_646, %swap3A_647] {strides = array<i32>} : memref<3x3840xf32, #tpu.memory_space<vmem>>, vector<16xf32>,
      tpu.vector_store %arg10[%swap3A_646, %swap3A_647], %sub3A_644 {strides = array<i32>} : memref<3x3840xf32, #tpu.memory_space<vmem>>, vector<16xf32>,
      %get3A_649 = arith.constant 3 : i32
      %get3A_650 = arith.index_cast %get3A_649 : i32 to index
      %get3A_651 = arith.constant 0 : index
      %get3A_652 = tpu.vector_load %arg14[%get3A_650, %get3A_651] {strides = array<i32>} : memref<5x384xf32, #tpu.memory_space<vmem>>, vector<16xf32>,
      %get3A_653 = arith.constant 3 : i32
      %get3A_654 = arith.index_cast %get3A_653 : i32 to index
      %get3A_655 = arith.constant 16 : index
      %get3A_656 = tpu.vector_load %arg14[%get3A_654, %get3A_655] {strides = array<i32>} : memref<5x384xf32, #tpu.memory_space<vmem>>, vector<16xf32>,
      %get3A_657 = arith.constant 3 : i32
      %get3A_658 = arith.index_cast %get3A_657 : i32 to index
      %get3A_659 = arith.constant 32 : index
      %get3A_660 = tpu.vector_load %arg14[%get3A_658, %get3A_659] {strides = array<i32>} : memref<5x384xf32, #tpu.memory_space<vmem>>, vector<16xf32>,
      %get3A_661 = arith.constant 3 : i32
      %get3A_662 = arith.index_cast %get3A_661 : i32 to index
      %get3A_663 = arith.constant 48 : index
      %get3A_664 = tpu.vector_load %arg14[%get3A_662, %get3A_663] {strides = array<i32>} : memref<5x384xf32, #tpu.memory_space<vmem>>, vector<16xf32>,
      %get3A_665 = arith.constant 3 : i32
      %get3A_666 = arith.index_cast %get3A_665 : i32 to index
      %get3A_667 = arith.constant 64 : index
      %get3A_668 = tpu.vector_load %arg14[%get3A_666, %get3A_667] {strides = array<i32>} : memref<5x384xf32, #tpu.memory_space<vmem>>, vector<16xf32>,
      %get3A_669 = arith.constant 3 : i32
      %get3A_670 = arith.index_cast %get3A_669 : i32 to index
      %get3A_671 = arith.constant 80 : index
      %get3A_672 = tpu.vector_load %arg14[%get3A_670, %get3A_671] {strides = array<i32>} : memref<5x384xf32, #tpu.memory_space<vmem>>, vector<16xf32>,
      %get3A_673 = arith.constant 3 : i32
      %get3A_674 = arith.index_cast %get3A_673 : i32 to index
      %get3A_675 = arith.constant 96 : index
      %get3A_676 = tpu.vector_load %arg14[%get3A_674, %get3A_675] {strides = array<i32>} : memref<5x384xf32, #tpu.memory_space<vmem>>, vector<16xf32>,
      %swap3A_677 = arith.constant 0 : i32
      %swap3A_678 = arith.index_cast %swap3A_677 : i32 to index
      %swap3A_679 = arith.constant 0 : index
      %swap3A_680 = tpu.vector_load %arg12[%swap3A_678, %swap3A_679] {strides = array<i32>} : memref<2x3840xf32, #tpu.memory_space<vmem>>, vector<16xf32>,
      tpu.vector_store %arg12[%swap3A_678, %swap3A_679], %get3A_652 {strides = array<i32>} : memref<2x3840xf32, #tpu.memory_space<vmem>>, vector<16xf32>,
      %swap3A_681 = arith.constant 0 : i32
      %swap3A_682 = arith.index_cast %swap3A_681 : i32 to index
      %swap3A_683 = arith.constant 16 : index
      %swap3A_684 = tpu.vector_load %arg12[%swap3A_682, %swap3A_683] {strides = array<i32>} : memref<2x3840xf32, #tpu.memory_space<vmem>>, vector<16xf32>,
      tpu.vector_store %arg12[%swap3A_682, %swap3A_683], %get3A_656 {strides = array<i32>} : memref<2x3840xf32, #tpu.memory_space<vmem>>, vector<16xf32>,
      %swap3A_685 = arith.constant 0 : i32
      %swap3A_686 = arith.index_cast %swap3A_685 : i32 to index
      %swap3A_687 = arith.constant 32 : index
      %swap3A_688 = tpu.vector_load %arg12[%swap3A_686, %swap3A_687] {strides = array<i32>} : memref<2x3840xf32, #tpu.memory_space<vmem>>, vector<16xf32>,
      tpu.vector_store %arg12[%swap3A_686, %swap3A_687], %get3A_660 {strides = array<i32>} : memref<2x3840xf32, #tpu.memory_space<vmem>>, vector<16xf32>,
      %swap3A_689 = arith.constant 0 : i32
      %swap3A_690 = arith.index_cast %swap3A_689 : i32 to index
      %swap3A_691 = arith.constant 48 : index
      %swap3A_692 = tpu.vector_load %arg12[%swap3A_690, %swap3A_691] {strides = array<i32>} : memref<2x3840xf32, #tpu.memory_space<vmem>>, vector<16xf32>,
      tpu.vector_store %arg12[%swap3A_690, %swap3A_691], %get3A_664 {strides = array<i32>} : memref<2x3840xf32, #tpu.memory_space<vmem>>, vector<16xf32>,
      %swap3A_693 = arith.constant 0 : i32
      %swap3A_694 = arith.index_cast %swap3A_693 : i32 to index
      %swap3A_695 = arith.constant 64 : index
      %swap3A_696 = tpu.vector_load %arg12[%swap3A_694, %swap3A_695] {strides = array<i32>} : memref<2x3840xf32, #tpu.memory_space<vmem>>, vector<16xf32>,
      tpu.vector_store %arg12[%swap3A_694, %swap3A_695], %get3A_668 {strides = array<i32>} : memref<2x3840xf32, #tpu.memory_space<vmem>>, vector<16xf32>,
      %swap3A_697 = arith.constant 0 : i32
      %swap3A_698 = arith.index_cast %swap3A_697 : i32 to index
      %swap3A_699 = arith.constant 80 : index
      %swap3A_700 = tpu.vector_load %arg12[%swap3A_698, %swap3A_699] {strides = array<i32>} : memref<2x3840xf32, #tpu.memory_space<vmem>>, vector<16xf32>,
      tpu.vector_store %arg12[%swap3A_698, %swap3A_699], %get3A_672 {strides = array<i32>} : memref<2x3840xf32, #tpu.memory_space<vmem>>, vector<16xf32>,
      %swap3A_701 = arith.constant 0 : i32
      %swap3A_702 = arith.index_cast %swap3A_701 : i32 to index
      %swap3A_703 = arith.constant 96 : index
      %swap3A_704 = tpu.vector_load %arg12[%swap3A_702, %swap3A_703] {strides = array<i32>} : memref<2x3840xf32, #tpu.memory_space<vmem>>, vector<16xf32>,
      tpu.vector_store %arg12[%swap3A_702, %swap3A_703], %get3A_676 {strides = array<i32>} : memref<2x3840xf32, #tpu.memory_space<vmem>>, vector<16xf32>,
      %get3A_705 = arith.constant 4 : i32
      %get3A_706 = arith.index_cast %get3A_705 : i32 to index
      %get3A_707 = arith.constant 0 : index
      %get3A_708 = tpu.vector_load %arg14[%get3A_706, %get3A_707] {strides = array<i32>} : memref<5x384xf32, #tpu.memory_space<vmem>>, vector<16xf32>,
      %get3A_709 = arith.constant 4 : i32
      %get3A_710 = arith.index_cast %get3A_709 : i32 to index
      %get3A_711 = arith.constant 16 : index
      %get3A_712 = tpu.vector_load %arg14[%get3A_710, %get3A_711] {strides = array<i32>} : memref<5x384xf32, #tpu.memory_space<vmem>>, vector<16xf32>,
      %get3A_713 = arith.constant 4 : i32
      %get3A_714 = arith.index_cast %get3A_713 : i32 to index
      %get3A_715 = arith.constant 32 : index
      %get3A_716 = tpu.vector_load %arg14[%get3A_714, %get3A_715] {strides = array<i32>} : memref<5x384xf32, #tpu.memory_space<vmem>>, vector<16xf32>,
      %get3A_717 = arith.constant 4 : i32
      %get3A_718 = arith.index_cast %get3A_717 : i32 to index
      %get3A_719 = arith.constant 48 : index
      %get3A_720 = tpu.vector_load %arg14[%get3A_718, %get3A_719] {strides = array<i32>} : memref<5x384xf32, #tpu.memory_space<vmem>>, vector<16xf32>,
      %get3A_721 = arith.constant 4 : i32
      %get3A_722 = arith.index_cast %get3A_721 : i32 to index
      %get3A_723 = arith.constant 64 : index
      %get3A_724 = tpu.vector_load %arg14[%get3A_722, %get3A_723] {strides = array<i32>} : memref<5x384xf32, #tpu.memory_space<vmem>>, vector<16xf32>,
      %get3A_725 = arith.constant 4 : i32
      %get3A_726 = arith.index_cast %get3A_725 : i32 to index
      %get3A_727 = arith.constant 80 : index
      %get3A_728 = tpu.vector_load %arg14[%get3A_726, %get3A_727] {strides = array<i32>} : memref<5x384xf32, #tpu.memory_space<vmem>>, vector<16xf32>,
      %get3A_729 = arith.constant 4 : i32
      %get3A_730 = arith.index_cast %get3A_729 : i32 to index
      %get3A_731 = arith.constant 96 : index
      %get3A_732 = tpu.vector_load %arg14[%get3A_730, %get3A_731] {strides = array<i32>} : memref<5x384xf32, #tpu.memory_space<vmem>>, vector<16xf32>,
      %swap3A_733 = arith.constant 1 : i32
      %swap3A_734 = arith.index_cast %swap3A_733 : i32 to index
      %swap3A_735 = arith.constant 0 : index
      %swap3A_736 = tpu.vector_load %arg12[%swap3A_734, %swap3A_735] {strides = array<i32>} : memref<2x3840xf32, #tpu.memory_space<vmem>>, vector<16xf32>,
      tpu.vector_store %arg12[%swap3A_734, %swap3A_735], %get3A_708 {strides = array<i32>} : memref<2x3840xf32, #tpu.memory_space<vmem>>, vector<16xf32>,
      %swap3A_737 = arith.constant 1 : i32
      %swap3A_738 = arith.index_cast %swap3A_737 : i32 to index
      %swap3A_739 = arith.constant 16 : index
      %swap3A_740 = tpu.vector_load %arg12[%swap3A_738, %swap3A_739] {strides = array<i32>} : memref<2x3840xf32, #tpu.memory_space<vmem>>, vector<16xf32>,
      tpu.vector_store %arg12[%swap3A_738, %swap3A_739], %get3A_712 {strides = array<i32>} : memref<2x3840xf32, #tpu.memory_space<vmem>>, vector<16xf32>,
      %swap3A_741 = arith.constant 1 : i32
      %swap3A_742 = arith.index_cast %swap3A_741 : i32 to index
      %swap3A_743 = arith.constant 32 : index
      %swap3A_744 = tpu.vector_load %arg12[%swap3A_742, %swap3A_743] {strides = array<i32>} : memref<2x3840xf32, #tpu.memory_space<vmem>>, vector<16xf32>,
      tpu.vector_store %arg12[%swap3A_742, %swap3A_743], %get3A_716 {strides = array<i32>} : memref<2x3840xf32, #tpu.memory_space<vmem>>, vector<16xf32>,
      %swap3A_745 = arith.constant 1 : i32
      %swap3A_746 = arith.index_cast %swap3A_745 : i32 to index
      %swap3A_747 = arith.constant 48 : index
      %swap3A_748 = tpu.vector_load %arg12[%swap3A_746, %swap3A_747] {strides = array<i32>} : memref<2x3840xf32, #tpu.memory_space<vmem>>, vector<16xf32>,
      tpu.vector_store %arg12[%swap3A_746, %swap3A_747], %get3A_720 {strides = array<i32>} : memref<2x3840xf32, #tpu.memory_space<vmem>>, vector<16xf32>,
      %swap3A_749 = arith.constant 1 : i32
      %swap3A_750 = arith.index_cast %swap3A_749 : i32 to index
      %swap3A_751 = arith.constant 64 : index
      %swap3A_752 = tpu.vector_load %arg12[%swap3A_750, %swap3A_751] {strides = array<i32>} : memref<2x3840xf32, #tpu.memory_space<vmem>>, vector<16xf32>,
      tpu.vector_store %arg12[%swap3A_750, %swap3A_751], %get3A_724 {strides = array<i32>} : memref<2x3840xf32, #tpu.memory_space<vmem>>, vector<16xf32>,
      %swap3A_753 = arith.constant 1 : i32
      %swap3A_754 = arith.index_cast %swap3A_753 : i32 to index
      %swap3A_755 = arith.constant 80 : index
      %swap3A_756 = tpu.vector_load %arg12[%swap3A_754, %swap3A_755] {strides = array<i32>} : memref<2x3840xf32, #tpu.memory_space<vmem>>, vector<16xf32>,
      tpu.vector_store %arg12[%swap3A_754, %swap3A_755], %get3A_728 {strides = array<i32>} : memref<2x3840xf32, #tpu.memory_space<vmem>>, vector<16xf32>,
      %swap3A_757 = arith.constant 1 : i32
      %swap3A_758 = arith.index_cast %swap3A_757 : i32 to index
      %swap3A_759 = arith.constant 96 : index
      %swap3A_760 = tpu.vector_load %arg12[%swap3A_758, %swap3A_759] {strides = array<i32>} : memref<2x3840xf32, #tpu.memory_space<vmem>>, vector<16xf32>,
      tpu.vector_store %arg12[%swap3A_758, %swap3A_759], %get3A_732 {strides = array<i32>} : memref<2x3840xf32, #tpu.memory_space<vmem>>, vector<16xf32>,
      %get3A_761 = arith.constant 0 : i32
      %get3A_762 = arith.index_cast %get3A_761 : i32 to index
      %get3A_763 = arith.constant 128 : index
      %get3A_764 = tpu.vector_load %arg14[%get3A_762, %get3A_763] {strides = array<i32>} : memref<5x384xf32, #tpu.memory_space<vmem>>, vector<16xf32>,
      %sub3A_765 = arith.constant -5.120000e+01 : f32
      %sub3A_766 = vector.broadcast %sub3A_765 : f32 to vector<16xf32>
      %sub3A_767 = arith.subf %get3A_764, %sub3A_766 : vector<16xf32>
      %swap3A_768 = arith.constant 0 : i32
      %swap3A_769 = arith.index_cast %swap3A_768 : i32 to index
      %swap3A_770 = arith.constant 112 : index
      %swap3A_771 = tpu.vector_load %arg10[%swap3A_769, %swap3A_770] {strides = array<i32>} : memref<3x3840xf32, #tpu.memory_space<vmem>>, vector<16xf32>,
      tpu.vector_store %arg10[%swap3A_769, %swap3A_770], %sub3A_767 {strides = array<i32>} : memref<3x3840xf32, #tpu.memory_space<vmem>>, vector<16xf32>,
      %get3A_772 = arith.constant 1 : i32
      %get3A_773 = arith.index_cast %get3A_772 : i32 to index
      %get3A_774 = arith.constant 128 : index
      %get3A_775 = tpu.vector_load %arg14[%get3A_773, %get3A_774] {strides = array<i32>} : memref<5x384xf32, #tpu.memory_space<vmem>>, vector<16xf32>,
      %sub3A_776 = arith.constant -5.120000e+01 : f32
      %sub3A_777 = vector.broadcast %sub3A_776 : f32 to vector<16xf32>
      %sub3A_778 = arith.subf %get3A_775, %sub3A_777 : vector<16xf32>
      %swap3A_779 = arith.constant 1 : i32
      %swap3A_780 = arith.index_cast %swap3A_779 : i32 to index
      %swap3A_781 = arith.constant 112 : index
      %swap3A_782 = tpu.vector_load %arg10[%swap3A_780, %swap3A_781] {strides = array<i32>} : memref<3x3840xf32, #tpu.memory_space<vmem>>, vector<16xf32>,
      tpu.vector_store %arg10[%swap3A_780, %swap3A_781], %sub3A_778 {strides = array<i32>} : memref<3x3840xf32, #tpu.memory_space<vmem>>, vector<16xf32>,
      %get3A_783 = arith.constant 2 : i32
      %get3A_784 = arith.index_cast %get3A_783 : i32 to index
      %get3A_785 = arith.constant 128 : index
      %get3A_786 = tpu.vector_load %arg14[%get3A_784, %get3A_785] {strides = array<i32>} : memref<5x384xf32, #tpu.memory_space<vmem>>, vector<16xf32>,
      %sub3A_787 = arith.constant -5.000000e+00 : f32
      %sub3A_788 = vector.broadcast %sub3A_787 : f32 to vector<16xf32>
      %sub3A_789 = arith.subf %get3A_786, %sub3A_788 : vector<16xf32>
      %swap3A_790 = arith.constant 2 : i32
      %swap3A_791 = arith.index_cast %swap3A_790 : i32 to index
      %swap3A_792 = arith.constant 112 : index
      %swap3A_793 = tpu.vector_load %arg10[%swap3A_791, %swap3A_792] {strides = array<i32>} : memref<3x3840xf32, #tpu.memory_space<vmem>>, vector<16xf32>,
      tpu.vector_store %arg10[%swap3A_791, %swap3A_792], %sub3A_789 {strides = array<i32>} : memref<3x3840xf32, #tpu.memory_space<vmem>>, vector<16xf32>,
      %get3A_794 = arith.constant 3 : i32
      %get3A_795 = arith.index_cast %get3A_794 : i32 to index
      %get3A_796 = arith.constant 128 : index
      %get3A_797 = tpu.vector_load %arg14[%get3A_795, %get3A_796] {strides = array<i32>} : memref<5x384xf32, #tpu.memory_space<vmem>>, vector<16xf32>,
      %swap3A_798 = arith.constant 0 : i32
      %swap3A_799 = arith.index_cast %swap3A_798 : i32 to index
      %swap3A_800 = arith.constant 112 : index
      %swap3A_801 = tpu.vector_load %arg12[%swap3A_799, %swap3A_800] {strides = array<i32>} : memref<2x3840xf32, #tpu.memory_space<vmem>>, vector<16xf32>,
      tpu.vector_store %arg12[%swap3A_799, %swap3A_800], %get3A_797 {strides = array<i32>} : memref<2x3840xf32, #tpu.memory_space<vmem>>, vector<16xf32>,
      %get3A_802 = arith.constant 4 : i32
      %get3A_803 = arith.index_cast %get3A_802 : i32 to index
      %get3A_804 = arith.constant 128 : index
      %get3A_805 = tpu.vector_load %arg14[%get3A_803, %get3A_804] {strides = array<i32>} : memref<5x384xf32, #tpu.memory_space<vmem>>, vector<16xf32>,
      %swap3A_806 = arith.constant 1 : i32
      %swap3A_807 = arith.index_cast %swap3A_806 : i32 to index
      %swap3A_808 = arith.constant 112 : index
      %swap3A_809 = tpu.vector_load %arg12[%swap3A_807, %swap3A_808] {strides = array<i32>} : memref<2x3840xf32, #tpu.memory_space<vmem>>, vector<16xf32>,
      tpu.vector_store %arg12[%swap3A_807, %swap3A_808], %get3A_805 {strides = array<i32>} : memref<2x3840xf32, #tpu.memory_space<vmem>>, vector<16xf32>,
      "tpu.region"() ({
        %run_scoped3A = tpu.sem_alloc : memref<!tpu.dma_semaphore, #tpu.memory_space<semaphore_mem>>
        %dma_start3A_810 = arith.constant 0 : i32
        %dma_start3A_811 = arith.constant 0 : i32
        %dma_start3A_812 = tpu.memref_slice %arg10[%dma_start3A_810, %dma_start3A_811] : memref<3x3840xf32, #tpu.memory_space<vmem>> -> memref<3x128xf32, #tpu.memory_space<vmem>>
        %dma_start3A_813 = arith.constant 0 : i32
        %dma_start3A_814 = arith.constant 149888 : i32
        %dma_start3A_815 = tpu.memref_slice %arg6[%dma_start3A_813, %dma_start3A_814] : memref<3x450000xf32, #tpu.memory_space<hbm>> -> memref<3x128xf32, #tpu.memory_space<hbm>>
        %dma_start3A_816 = arith.constant 0 : i32
        %dma_start3A_817 = arith.constant 149888 : i32
        %dma_start3A_818 = tpu.memref_slice %arg6[%dma_start3A_816, %dma_start3A_817] : memref<3x450000xf32, #tpu.memory_space<hbm>> -> memref<3x128xf32, #tpu.memory_space<hbm>>
        %dma_start3A_819 = arith.constant 0 : i32
        %dma_start3A_820 = arith.constant 0 : i32
        %dma_start3A_821 = tpu.memref_slice %arg10[%dma_start3A_819, %dma_start3A_820] : memref<3x3840xf32, #tpu.memory_space<vmem>> -> memref<3x128xf32, #tpu.memory_space<vmem>>
        tpu.enqueue_dma source(%dma_start3A_821 : memref<3x128xf32, #tpu.memory_space<vmem>>) target(%dma_start3A_818 : memref<3x128xf32, #tpu.memory_space<hbm>>) target_semaphore(%run_scoped3A : memref<!tpu.dma_semaphore, #tpu.memory_space<semaphore_mem>>)
        %dma_wait3A_822 = arith.constant 0 : i32
        %dma_wait3A_823 = arith.constant 0 : i32
        %dma_wait3A_824 = tpu.memref_slice %arg10[%dma_wait3A_822, %dma_wait3A_823] : memref<3x3840xf32, #tpu.memory_space<vmem>> -> memref<3x128xf32, #tpu.memory_space<vmem>>
        %dma_wait3A_825 = arith.constant 0 : i32
        %dma_wait3A_826 = arith.constant 149888 : i32
        %dma_wait3A_827 = tpu.memref_slice %arg6[%dma_wait3A_825, %dma_wait3A_826] : memref<3x450000xf32, #tpu.memory_space<hbm>> -> memref<3x128xf32, #tpu.memory_space<hbm>>
        %dma_wait3A_828 = arith.constant 0 : i32
        %dma_wait3A_829 = arith.constant 149888 : i32
        %dma_wait3A_830 = tpu.memref_slice %arg6[%dma_wait3A_828, %dma_wait3A_829] : memref<3x450000xf32, #tpu.memory_space<hbm>> -> memref<3x128xf32, #tpu.memory_space<hbm>>
        %dma_wait3A_831 = arith.constant 0 : i32
        %dma_wait3A_832 = arith.constant 0 : i32
        %dma_wait3A_833 = tpu.memref_slice %arg10[%dma_wait3A_831, %dma_wait3A_832] : memref<3x3840xf32, #tpu.memory_space<vmem>> -> memref<3x128xf32, #tpu.memory_space<vmem>>
        tpu.wait_dma2 semaphore(%run_scoped3A : memref<!tpu.dma_semaphore, #tpu.memory_space<semaphore_mem>>) src(%dma_wait3A_833 : memref<3x128xf32, #tpu.memory_space<vmem>>) dst(%dma_wait3A_830 : memref<3x128xf32, #tpu.memory_space<hbm>>)
        tpu.yield
      }) : () -> ()
      "tpu.region"() ({
        %run_scoped3A = tpu.sem_alloc : memref<!tpu.dma_semaphore, #tpu.memory_space<semaphore_mem>>
        %dma_start3A_810 = arith.constant 0 : i32
        %dma_start3A_811 = arith.constant 0 : i32
        %dma_start3A_812 = tpu.memref_slice %arg12[%dma_start3A_810, %dma_start3A_811] : memref<2x3840xf32, #tpu.memory_space<vmem>> -> memref<2x128xf32, #tpu.memory_space<vmem>>
        %dma_start3A_813 = arith.constant 0 : i32
        %dma_start3A_814 = arith.constant 149888 : i32
        %dma_start3A_815 = tpu.memref_slice %arg7[%dma_start3A_813, %dma_start3A_814] : memref<2x450000xf32, #tpu.memory_space<hbm>> -> memref<2x128xf32, #tpu.memory_space<hbm>>
        %dma_start3A_816 = arith.constant 0 : i32
        %dma_start3A_817 = arith.constant 149888 : i32
        %dma_start3A_818 = tpu.memref_slice %arg7[%dma_start3A_816, %dma_start3A_817] : memref<2x450000xf32, #tpu.memory_space<hbm>> -> memref<2x128xf32, #tpu.memory_space<hbm>>
        %dma_start3A_819 = arith.constant 0 : i32
        %dma_start3A_820 = arith.constant 0 : i32
        %dma_start3A_821 = tpu.memref_slice %arg12[%dma_start3A_819, %dma_start3A_820] : memref<2x3840xf32, #tpu.memory_space<vmem>> -> memref<2x128xf32, #tpu.memory_space<vmem>>
        tpu.enqueue_dma source(%dma_start3A_821 : memref<2x128xf32, #tpu.memory_space<vmem>>) target(%dma_start3A_818 : memref<2x128xf32, #tpu.memory_space<hbm>>) target_semaphore(%run_scoped3A : memref<!tpu.dma_semaphore, #tpu.memory_space<semaphore_mem>>)
        %dma_wait3A_822 = arith.constant 0 : i32
        %dma_wait3A_823 = arith.constant 0 : i32
        %dma_wait3A_824 = tpu.memref_slice %arg12[%dma_wait3A_822, %dma_wait3A_823] : memref<2x3840xf32, #tpu.memory_space<vmem>> -> memref<2x128xf32, #tpu.memory_space<vmem>>
        %dma_wait3A_825 = arith.constant 0 : i32
        %dma_wait3A_826 = arith.constant 149888 : i32
        %dma_wait3A_827 = tpu.memref_slice %arg7[%dma_wait3A_825, %dma_wait3A_826] : memref<2x450000xf32, #tpu.memory_space<hbm>> -> memref<2x128xf32, #tpu.memory_space<hbm>>
        %dma_wait3A_828 = arith.constant 0 : i32
        %dma_wait3A_829 = arith.constant 149888 : i32
        %dma_wait3A_830 = tpu.memref_slice %arg7[%dma_wait3A_828, %dma_wait3A_829] : memref<2x450000xf32, #tpu.memory_space<hbm>> -> memref<2x128xf32, #tpu.memory_space<hbm>>
        %dma_wait3A_831 = arith.constant 0 : i32
        %dma_wait3A_832 = arith.constant 0 : i32
        %dma_wait3A_833 = tpu.memref_slice %arg12[%dma_wait3A_831, %dma_wait3A_832] : memref<2x3840xf32, #tpu.memory_space<vmem>> -> memref<2x128xf32, #tpu.memory_space<vmem>>
        tpu.wait_dma2 semaphore(%run_scoped3A : memref<!tpu.dma_semaphore, #tpu.memory_space<semaphore_mem>>) src(%dma_wait3A_833 : memref<2x128xf32, #tpu.memory_space<vmem>>) dst(%dma_wait3A_830 : memref<2x128xf32, #tpu.memory_space<hbm>>)
        tpu.yield
      }) : () -> ()
    } else {
    }
    %eq3A_400 = arith.constant 29 : i32
    %eq3A_401 = arith.cmpi eq, %add3A, %eq3A_400 : i32
    %convert_element_type3A_402 = arith.extui %eq3A_401 : i1 to i32
    %cond3A_403 = arith.constant 0 : i32
    %cond3A_404 = arith.cmpi ne, %convert_element_type3A_402, %cond3A_403 : i32
    scf.if %cond3A_404 {
      %mul3A_415 = arith.constant 0 : i32
      %mul3A_416 = arith.muli %mul3A_415, %add3A : i32
      %add3A_417 = arith.constant 119936 : i32
      %add3A_418 = arith.addi %add3A_417, %mul3A_416 : i32
      %multiple_of3A_419 = tpu.assume_multiple %add3A_418, 128 : i32
      "tpu.region"() ({
        %run_scoped3A = tpu.sem_alloc : memref<!tpu.dma_semaphore, #tpu.memory_space<semaphore_mem>>
        %dma_start3A_810 = arith.constant 0 : i32
        %dma_start3A_811 = arith.constant 0 : i32
        %dma_start3A_812 = tpu.memref_slice %arg14[%dma_start3A_810, %dma_start3A_811] : memref<5x384xf32, #tpu.memory_space<vmem>> -> memref<5x128xf32, #tpu.memory_space<vmem>>
        %dma_start3A_813 = arith.constant 0 : i32
        %dma_start3A_814 = tpu.memref_slice %arg3[%dma_start3A_813, %multiple_of3A_419] : memref<5x120000xf32, #tpu.memory_space<hbm>> -> memref<5x128xf32, #tpu.memory_space<hbm>>
        %dma_start3A_815 = arith.constant 0 : i32
        %dma_start3A_816 = arith.constant 0 : i32
        %dma_start3A_817 = tpu.memref_slice %arg14[%dma_start3A_815, %dma_start3A_816] : memref<5x384xf32, #tpu.memory_space<vmem>> -> memref<5x128xf32, #tpu.memory_space<vmem>>
        %dma_start3A_818 = arith.constant 0 : i32
        %dma_start3A_819 = tpu.memref_slice %arg3[%dma_start3A_818, %multiple_of3A_419] : memref<5x120000xf32, #tpu.memory_space<hbm>> -> memref<5x128xf32, #tpu.memory_space<hbm>>
        tpu.enqueue_dma source(%dma_start3A_819 : memref<5x128xf32, #tpu.memory_space<hbm>>) target(%dma_start3A_817 : memref<5x128xf32, #tpu.memory_space<vmem>>) target_semaphore(%run_scoped3A : memref<!tpu.dma_semaphore, #tpu.memory_space<semaphore_mem>>)
        %dma_wait3A_820 = arith.constant 0 : i32
        %dma_wait3A_821 = arith.constant 0 : i32
        %dma_wait3A_822 = tpu.memref_slice %arg14[%dma_wait3A_820, %dma_wait3A_821] : memref<5x384xf32, #tpu.memory_space<vmem>> -> memref<5x128xf32, #tpu.memory_space<vmem>>
        %dma_wait3A_823 = arith.constant 0 : i32
        %dma_wait3A_824 = tpu.memref_slice %arg3[%dma_wait3A_823, %multiple_of3A_419] : memref<5x120000xf32, #tpu.memory_space<hbm>> -> memref<5x128xf32, #tpu.memory_space<hbm>>
        %dma_wait3A_825 = arith.constant 0 : i32
        %dma_wait3A_826 = arith.constant 0 : i32
        %dma_wait3A_827 = tpu.memref_slice %arg14[%dma_wait3A_825, %dma_wait3A_826] : memref<5x384xf32, #tpu.memory_space<vmem>> -> memref<5x128xf32, #tpu.memory_space<vmem>>
        %dma_wait3A_828 = arith.constant 0 : i32
        %dma_wait3A_829 = tpu.memref_slice %arg3[%dma_wait3A_828, %multiple_of3A_419] : memref<5x120000xf32, #tpu.memory_space<hbm>> -> memref<5x128xf32, #tpu.memory_space<hbm>>
        tpu.wait_dma2 semaphore(%run_scoped3A : memref<!tpu.dma_semaphore, #tpu.memory_space<semaphore_mem>>) src(%dma_wait3A_829 : memref<5x128xf32, #tpu.memory_space<hbm>>) dst(%dma_wait3A_827 : memref<5x128xf32, #tpu.memory_space<vmem>>)
        tpu.yield
      }) : () -> ()
      "tpu.region"() ({
        %run_scoped3A = tpu.sem_alloc : memref<!tpu.dma_semaphore, #tpu.memory_space<semaphore_mem>>
        %dma_start3A_810 = arith.constant 0 : i32
        %dma_start3A_811 = arith.constant 128 : i32
        %dma_start3A_812 = tpu.memref_slice %arg14[%dma_start3A_810, %dma_start3A_811] : memref<5x384xf32, #tpu.memory_space<vmem>> -> memref<5x128xf32, #tpu.memory_space<vmem>>
        %dma_start3A_813 = arith.constant 0 : i32
        %dma_start3A_814 = arith.constant 0 : i32
        %dma_start3A_815 = tpu.memref_slice %arg4[%dma_start3A_813, %dma_start3A_814] : memref<5x100000xf32, #tpu.memory_space<hbm>> -> memref<5x128xf32, #tpu.memory_space<hbm>>
        %dma_start3A_816 = arith.constant 0 : i32
        %dma_start3A_817 = arith.constant 128 : i32
        %dma_start3A_818 = tpu.memref_slice %arg14[%dma_start3A_816, %dma_start3A_817] : memref<5x384xf32, #tpu.memory_space<vmem>> -> memref<5x128xf32, #tpu.memory_space<vmem>>
        %dma_start3A_819 = arith.constant 0 : i32
        %dma_start3A_820 = arith.constant 0 : i32
        %dma_start3A_821 = tpu.memref_slice %arg4[%dma_start3A_819, %dma_start3A_820] : memref<5x100000xf32, #tpu.memory_space<hbm>> -> memref<5x128xf32, #tpu.memory_space<hbm>>
        tpu.enqueue_dma source(%dma_start3A_821 : memref<5x128xf32, #tpu.memory_space<hbm>>) target(%dma_start3A_818 : memref<5x128xf32, #tpu.memory_space<vmem>>) target_semaphore(%run_scoped3A : memref<!tpu.dma_semaphore, #tpu.memory_space<semaphore_mem>>)
        %dma_wait3A_822 = arith.constant 0 : i32
        %dma_wait3A_823 = arith.constant 128 : i32
        %dma_wait3A_824 = tpu.memref_slice %arg14[%dma_wait3A_822, %dma_wait3A_823] : memref<5x384xf32, #tpu.memory_space<vmem>> -> memref<5x128xf32, #tpu.memory_space<vmem>>
        %dma_wait3A_825 = arith.constant 0 : i32
        %dma_wait3A_826 = arith.constant 0 : i32
        %dma_wait3A_827 = tpu.memref_slice %arg4[%dma_wait3A_825, %dma_wait3A_826] : memref<5x100000xf32, #tpu.memory_space<hbm>> -> memref<5x128xf32, #tpu.memory_space<hbm>>
        %dma_wait3A_828 = arith.constant 0 : i32
        %dma_wait3A_829 = arith.constant 128 : i32
        %dma_wait3A_830 = tpu.memref_slice %arg14[%dma_wait3A_828, %dma_wait3A_829] : memref<5x384xf32, #tpu.memory_space<vmem>> -> memref<5x128xf32, #tpu.memory_space<vmem>>
        %dma_wait3A_831 = arith.constant 0 : i32
        %dma_wait3A_832 = arith.constant 0 : i32
        %dma_wait3A_833 = tpu.memref_slice %arg4[%dma_wait3A_831, %dma_wait3A_832] : memref<5x100000xf32, #tpu.memory_space<hbm>> -> memref<5x128xf32, #tpu.memory_space<hbm>>
        tpu.wait_dma2 semaphore(%run_scoped3A : memref<!tpu.dma_semaphore, #tpu.memory_space<semaphore_mem>>) src(%dma_wait3A_833 : memref<5x128xf32, #tpu.memory_space<hbm>>) dst(%dma_wait3A_830 : memref<5x128xf32, #tpu.memory_space<vmem>>)
        tpu.yield
      }) : () -> ()
      %get3A = arith.constant 0 : i32
      %get3A_420 = arith.index_cast %get3A : i32 to index
      %get3A_421 = arith.constant 16 : index
      %get3A_422 = tpu.vector_load %arg14[%get3A_420, %get3A_421] {strides = array<i32>} : memref<5x384xf32, #tpu.memory_space<vmem>>, vector<16xf32>,
      %get3A_423 = arith.constant 0 : i32
      %get3A_424 = arith.index_cast %get3A_423 : i32 to index
      %get3A_425 = arith.constant 32 : index
      %get3A_426 = tpu.vector_load %arg14[%get3A_424, %get3A_425] {strides = array<i32>} : memref<5x384xf32, #tpu.memory_space<vmem>>, vector<16xf32>,
      %get3A_427 = arith.constant 0 : i32
      %get3A_428 = arith.index_cast %get3A_427 : i32 to index
      %get3A_429 = arith.constant 48 : index
      %get3A_430 = tpu.vector_load %arg14[%get3A_428, %get3A_429] {strides = array<i32>} : memref<5x384xf32, #tpu.memory_space<vmem>>, vector<16xf32>,
      %sub3A_431 = arith.constant -5.120000e+01 : f32
      %sub3A_432 = vector.broadcast %sub3A_431 : f32 to vector<16xf32>
      %sub3A_433 = arith.subf %get3A_422, %sub3A_432 : vector<16xf32>
      %swap3A = arith.constant 0 : i32
      %swap3A_434 = arith.index_cast %swap3A : i32 to index
      %swap3A_435 = arith.constant 0 : index
      %swap3A_436 = tpu.vector_load %arg10[%swap3A_434, %swap3A_435] {strides = array<i32>} : memref<3x3840xf32, #tpu.memory_space<vmem>>, vector<16xf32>,
      tpu.vector_store %arg10[%swap3A_434, %swap3A_435], %sub3A_433 {strides = array<i32>} : memref<3x3840xf32, #tpu.memory_space<vmem>>, vector<16xf32>,
      %sub3A_437 = arith.constant -5.120000e+01 : f32
      %sub3A_438 = vector.broadcast %sub3A_437 : f32 to vector<16xf32>
      %sub3A_439 = arith.subf %get3A_426, %sub3A_438 : vector<16xf32>
      %swap3A_440 = arith.constant 0 : i32
      %swap3A_441 = arith.index_cast %swap3A_440 : i32 to index
      %swap3A_442 = arith.constant 16 : index
      %swap3A_443 = tpu.vector_load %arg10[%swap3A_441, %swap3A_442] {strides = array<i32>} : memref<3x3840xf32, #tpu.memory_space<vmem>>, vector<16xf32>,
      tpu.vector_store %arg10[%swap3A_441, %swap3A_442], %sub3A_439 {strides = array<i32>} : memref<3x3840xf32, #tpu.memory_space<vmem>>, vector<16xf32>,
      %sub3A_444 = arith.constant -5.120000e+01 : f32
      %sub3A_445 = vector.broadcast %sub3A_444 : f32 to vector<16xf32>
      %sub3A_446 = arith.subf %get3A_430, %sub3A_445 : vector<16xf32>
      %swap3A_447 = arith.constant 0 : i32
      %swap3A_448 = arith.index_cast %swap3A_447 : i32 to index
      %swap3A_449 = arith.constant 32 : index
      %swap3A_450 = tpu.vector_load %arg10[%swap3A_448, %swap3A_449] {strides = array<i32>} : memref<3x3840xf32, #tpu.memory_space<vmem>>, vector<16xf32>,
      tpu.vector_store %arg10[%swap3A_448, %swap3A_449], %sub3A_446 {strides = array<i32>} : memref<3x3840xf32, #tpu.memory_space<vmem>>, vector<16xf32>,
      %get3A_451 = arith.constant 1 : i32
      %get3A_452 = arith.index_cast %get3A_451 : i32 to index
      %get3A_453 = arith.constant 16 : index
      %get3A_454 = tpu.vector_load %arg14[%get3A_452, %get3A_453] {strides = array<i32>} : memref<5x384xf32, #tpu.memory_space<vmem>>, vector<16xf32>,
      %get3A_455 = arith.constant 1 : i32
      %get3A_456 = arith.index_cast %get3A_455 : i32 to index
      %get3A_457 = arith.constant 32 : index
      %get3A_458 = tpu.vector_load %arg14[%get3A_456, %get3A_457] {strides = array<i32>} : memref<5x384xf32, #tpu.memory_space<vmem>>, vector<16xf32>,
      %get3A_459 = arith.constant 1 : i32
      %get3A_460 = arith.index_cast %get3A_459 : i32 to index
      %get3A_461 = arith.constant 48 : index
      %get3A_462 = tpu.vector_load %arg14[%get3A_460, %get3A_461] {strides = array<i32>} : memref<5x384xf32, #tpu.memory_space<vmem>>, vector<16xf32>,
      %sub3A_463 = arith.constant -5.120000e+01 : f32
      %sub3A_464 = vector.broadcast %sub3A_463 : f32 to vector<16xf32>
      %sub3A_465 = arith.subf %get3A_454, %sub3A_464 : vector<16xf32>
      %swap3A_466 = arith.constant 1 : i32
      %swap3A_467 = arith.index_cast %swap3A_466 : i32 to index
      %swap3A_468 = arith.constant 0 : index
      %swap3A_469 = tpu.vector_load %arg10[%swap3A_467, %swap3A_468] {strides = array<i32>} : memref<3x3840xf32, #tpu.memory_space<vmem>>, vector<16xf32>,
      tpu.vector_store %arg10[%swap3A_467, %swap3A_468], %sub3A_465 {strides = array<i32>} : memref<3x3840xf32, #tpu.memory_space<vmem>>, vector<16xf32>,
      %sub3A_470 = arith.constant -5.120000e+01 : f32
      %sub3A_471 = vector.broadcast %sub3A_470 : f32 to vector<16xf32>
      %sub3A_472 = arith.subf %get3A_458, %sub3A_471 : vector<16xf32>
      %swap3A_473 = arith.constant 1 : i32
      %swap3A_474 = arith.index_cast %swap3A_473 : i32 to index
      %swap3A_475 = arith.constant 16 : index
      %swap3A_476 = tpu.vector_load %arg10[%swap3A_474, %swap3A_475] {strides = array<i32>} : memref<3x3840xf32, #tpu.memory_space<vmem>>, vector<16xf32>,
      tpu.vector_store %arg10[%swap3A_474, %swap3A_475], %sub3A_472 {strides = array<i32>} : memref<3x3840xf32, #tpu.memory_space<vmem>>, vector<16xf32>,
      %sub3A_477 = arith.constant -5.120000e+01 : f32
      %sub3A_478 = vector.broadcast %sub3A_477 : f32 to vector<16xf32>
      %sub3A_479 = arith.subf %get3A_462, %sub3A_478 : vector<16xf32>
      %swap3A_480 = arith.constant 1 : i32
      %swap3A_481 = arith.index_cast %swap3A_480 : i32 to index
      %swap3A_482 = arith.constant 32 : index
      %swap3A_483 = tpu.vector_load %arg10[%swap3A_481, %swap3A_482] {strides = array<i32>} : memref<3x3840xf32, #tpu.memory_space<vmem>>, vector<16xf32>,
      tpu.vector_store %arg10[%swap3A_481, %swap3A_482], %sub3A_479 {strides = array<i32>} : memref<3x3840xf32, #tpu.memory_space<vmem>>, vector<16xf32>,
      %get3A_484 = arith.constant 2 : i32
      %get3A_485 = arith.index_cast %get3A_484 : i32 to index
      %get3A_486 = arith.constant 16 : index
      %get3A_487 = tpu.vector_load %arg14[%get3A_485, %get3A_486] {strides = array<i32>} : memref<5x384xf32, #tpu.memory_space<vmem>>, vector<16xf32>,
      %get3A_488 = arith.constant 2 : i32
      %get3A_489 = arith.index_cast %get3A_488 : i32 to index
      %get3A_490 = arith.constant 32 : index
      %get3A_491 = tpu.vector_load %arg14[%get3A_489, %get3A_490] {strides = array<i32>} : memref<5x384xf32, #tpu.memory_space<vmem>>, vector<16xf32>,
      %get3A_492 = arith.constant 2 : i32
      %get3A_493 = arith.index_cast %get3A_492 : i32 to index
      %get3A_494 = arith.constant 48 : index
      %get3A_495 = tpu.vector_load %arg14[%get3A_493, %get3A_494] {strides = array<i32>} : memref<5x384xf32, #tpu.memory_space<vmem>>, vector<16xf32>,
      %sub3A_496 = arith.constant -5.000000e+00 : f32
      %sub3A_497 = vector.broadcast %sub3A_496 : f32 to vector<16xf32>
      %sub3A_498 = arith.subf %get3A_487, %sub3A_497 : vector<16xf32>
      %swap3A_499 = arith.constant 2 : i32
      %swap3A_500 = arith.index_cast %swap3A_499 : i32 to index
      %swap3A_501 = arith.constant 0 : index
      %swap3A_502 = tpu.vector_load %arg10[%swap3A_500, %swap3A_501] {strides = array<i32>} : memref<3x3840xf32, #tpu.memory_space<vmem>>, vector<16xf32>,
      tpu.vector_store %arg10[%swap3A_500, %swap3A_501], %sub3A_498 {strides = array<i32>} : memref<3x3840xf32, #tpu.memory_space<vmem>>, vector<16xf32>,
      %sub3A_503 = arith.constant -5.000000e+00 : f32
      %sub3A_504 = vector.broadcast %sub3A_503 : f32 to vector<16xf32>
      %sub3A_505 = arith.subf %get3A_491, %sub3A_504 : vector<16xf32>
      %swap3A_506 = arith.constant 2 : i32
      %swap3A_507 = arith.index_cast %swap3A_506 : i32 to index
      %swap3A_508 = arith.constant 16 : index
      %swap3A_509 = tpu.vector_load %arg10[%swap3A_507, %swap3A_508] {strides = array<i32>} : memref<3x3840xf32, #tpu.memory_space<vmem>>, vector<16xf32>,
      tpu.vector_store %arg10[%swap3A_507, %swap3A_508], %sub3A_505 {strides = array<i32>} : memref<3x3840xf32, #tpu.memory_space<vmem>>, vector<16xf32>,
      %sub3A_510 = arith.constant -5.000000e+00 : f32
      %sub3A_511 = vector.broadcast %sub3A_510 : f32 to vector<16xf32>
      %sub3A_512 = arith.subf %get3A_495, %sub3A_511 : vector<16xf32>
      %swap3A_513 = arith.constant 2 : i32
      %swap3A_514 = arith.index_cast %swap3A_513 : i32 to index
      %swap3A_515 = arith.constant 32 : index
      %swap3A_516 = tpu.vector_load %arg10[%swap3A_514, %swap3A_515] {strides = array<i32>} : memref<3x3840xf32, #tpu.memory_space<vmem>>, vector<16xf32>,
      tpu.vector_store %arg10[%swap3A_514, %swap3A_515], %sub3A_512 {strides = array<i32>} : memref<3x3840xf32, #tpu.memory_space<vmem>>, vector<16xf32>,
      %get3A_517 = arith.constant 3 : i32
      %get3A_518 = arith.index_cast %get3A_517 : i32 to index
      %get3A_519 = arith.constant 16 : index
      %get3A_520 = tpu.vector_load %arg14[%get3A_518, %get3A_519] {strides = array<i32>} : memref<5x384xf32, #tpu.memory_space<vmem>>, vector<16xf32>,
      %get3A_521 = arith.constant 3 : i32
      %get3A_522 = arith.index_cast %get3A_521 : i32 to index
      %get3A_523 = arith.constant 32 : index
      %get3A_524 = tpu.vector_load %arg14[%get3A_522, %get3A_523] {strides = array<i32>} : memref<5x384xf32, #tpu.memory_space<vmem>>, vector<16xf32>,
      %get3A_525 = arith.constant 3 : i32
      %get3A_526 = arith.index_cast %get3A_525 : i32 to index
      %get3A_527 = arith.constant 48 : index
      %get3A_528 = tpu.vector_load %arg14[%get3A_526, %get3A_527] {strides = array<i32>} : memref<5x384xf32, #tpu.memory_space<vmem>>, vector<16xf32>,
      %swap3A_529 = arith.constant 0 : i32
      %swap3A_530 = arith.index_cast %swap3A_529 : i32 to index
      %swap3A_531 = arith.constant 0 : index
      %swap3A_532 = tpu.vector_load %arg12[%swap3A_530, %swap3A_531] {strides = array<i32>} : memref<2x3840xf32, #tpu.memory_space<vmem>>, vector<16xf32>,
      tpu.vector_store %arg12[%swap3A_530, %swap3A_531], %get3A_520 {strides = array<i32>} : memref<2x3840xf32, #tpu.memory_space<vmem>>, vector<16xf32>,
      %swap3A_533 = arith.constant 0 : i32
      %swap3A_534 = arith.index_cast %swap3A_533 : i32 to index
      %swap3A_535 = arith.constant 16 : index
      %swap3A_536 = tpu.vector_load %arg12[%swap3A_534, %swap3A_535] {strides = array<i32>} : memref<2x3840xf32, #tpu.memory_space<vmem>>, vector<16xf32>,
      tpu.vector_store %arg12[%swap3A_534, %swap3A_535], %get3A_524 {strides = array<i32>} : memref<2x3840xf32, #tpu.memory_space<vmem>>, vector<16xf32>,
      %swap3A_537 = arith.constant 0 : i32
      %swap3A_538 = arith.index_cast %swap3A_537 : i32 to index
      %swap3A_539 = arith.constant 32 : index
      %swap3A_540 = tpu.vector_load %arg12[%swap3A_538, %swap3A_539] {strides = array<i32>} : memref<2x3840xf32, #tpu.memory_space<vmem>>, vector<16xf32>,
      tpu.vector_store %arg12[%swap3A_538, %swap3A_539], %get3A_528 {strides = array<i32>} : memref<2x3840xf32, #tpu.memory_space<vmem>>, vector<16xf32>,
      %get3A_541 = arith.constant 4 : i32
      %get3A_542 = arith.index_cast %get3A_541 : i32 to index
      %get3A_543 = arith.constant 16 : index
      %get3A_544 = tpu.vector_load %arg14[%get3A_542, %get3A_543] {strides = array<i32>} : memref<5x384xf32, #tpu.memory_space<vmem>>, vector<16xf32>,
      %get3A_545 = arith.constant 4 : i32
      %get3A_546 = arith.index_cast %get3A_545 : i32 to index
      %get3A_547 = arith.constant 32 : index
      %get3A_548 = tpu.vector_load %arg14[%get3A_546, %get3A_547] {strides = array<i32>} : memref<5x384xf32, #tpu.memory_space<vmem>>, vector<16xf32>,
      %get3A_549 = arith.constant 4 : i32
      %get3A_550 = arith.index_cast %get3A_549 : i32 to index
      %get3A_551 = arith.constant 48 : index
      %get3A_552 = tpu.vector_load %arg14[%get3A_550, %get3A_551] {strides = array<i32>} : memref<5x384xf32, #tpu.memory_space<vmem>>, vector<16xf32>,
      %swap3A_553 = arith.constant 1 : i32
      %swap3A_554 = arith.index_cast %swap3A_553 : i32 to index
      %swap3A_555 = arith.constant 0 : index
      %swap3A_556 = tpu.vector_load %arg12[%swap3A_554, %swap3A_555] {strides = array<i32>} : memref<2x3840xf32, #tpu.memory_space<vmem>>, vector<16xf32>,
      tpu.vector_store %arg12[%swap3A_554, %swap3A_555], %get3A_544 {strides = array<i32>} : memref<2x3840xf32, #tpu.memory_space<vmem>>, vector<16xf32>,
      %swap3A_557 = arith.constant 1 : i32
      %swap3A_558 = arith.index_cast %swap3A_557 : i32 to index
      %swap3A_559 = arith.constant 16 : index
      %swap3A_560 = tpu.vector_load %arg12[%swap3A_558, %swap3A_559] {strides = array<i32>} : memref<2x3840xf32, #tpu.memory_space<vmem>>, vector<16xf32>,
      tpu.vector_store %arg12[%swap3A_558, %swap3A_559], %get3A_548 {strides = array<i32>} : memref<2x3840xf32, #tpu.memory_space<vmem>>, vector<16xf32>,
      %swap3A_561 = arith.constant 1 : i32
      %swap3A_562 = arith.index_cast %swap3A_561 : i32 to index
      %swap3A_563 = arith.constant 32 : index
      %swap3A_564 = tpu.vector_load %arg12[%swap3A_562, %swap3A_563] {strides = array<i32>} : memref<2x3840xf32, #tpu.memory_space<vmem>>, vector<16xf32>,
      tpu.vector_store %arg12[%swap3A_562, %swap3A_563], %get3A_552 {strides = array<i32>} : memref<2x3840xf32, #tpu.memory_space<vmem>>, vector<16xf32>,
      %get3A_565 = arith.constant 0 : i32
      %get3A_566 = arith.index_cast %get3A_565 : i32 to index
      %get3A_567 = arith.constant 128 : index
      %get3A_568 = tpu.vector_load %arg14[%get3A_566, %get3A_567] {strides = array<i32>} : memref<5x384xf32, #tpu.memory_space<vmem>>, vector<16xf32>,
      %get3A_569 = arith.constant 0 : i32
      %get3A_570 = arith.index_cast %get3A_569 : i32 to index
      %get3A_571 = arith.constant 144 : index
      %get3A_572 = tpu.vector_load %arg14[%get3A_570, %get3A_571] {strides = array<i32>} : memref<5x384xf32, #tpu.memory_space<vmem>>, vector<16xf32>,
      %get3A_573 = arith.constant 0 : i32
      %get3A_574 = arith.index_cast %get3A_573 : i32 to index
      %get3A_575 = arith.constant 160 : index
      %get3A_576 = tpu.vector_load %arg14[%get3A_574, %get3A_575] {strides = array<i32>} : memref<5x384xf32, #tpu.memory_space<vmem>>, vector<16xf32>,
      %get3A_577 = arith.constant 0 : i32
      %get3A_578 = arith.index_cast %get3A_577 : i32 to index
      %get3A_579 = arith.constant 176 : index
      %get3A_580 = tpu.vector_load %arg14[%get3A_578, %get3A_579] {strides = array<i32>} : memref<5x384xf32, #tpu.memory_space<vmem>>, vector<16xf32>,
      %get3A_581 = arith.constant 0 : i32
      %get3A_582 = arith.index_cast %get3A_581 : i32 to index
      %get3A_583 = arith.constant 192 : index
      %get3A_584 = tpu.vector_load %arg14[%get3A_582, %get3A_583] {strides = array<i32>} : memref<5x384xf32, #tpu.memory_space<vmem>>, vector<16xf32>,
      %sub3A_585 = arith.constant -5.120000e+01 : f32
      %sub3A_586 = vector.broadcast %sub3A_585 : f32 to vector<16xf32>
      %sub3A_587 = arith.subf %get3A_568, %sub3A_586 : vector<16xf32>
      %swap3A_588 = arith.constant 0 : i32
      %swap3A_589 = arith.index_cast %swap3A_588 : i32 to index
      %swap3A_590 = arith.constant 48 : index
      %swap3A_591 = tpu.vector_load %arg10[%swap3A_589, %swap3A_590] {strides = array<i32>} : memref<3x3840xf32, #tpu.memory_space<vmem>>, vector<16xf32>,
      tpu.vector_store %arg10[%swap3A_589, %swap3A_590], %sub3A_587 {strides = array<i32>} : memref<3x3840xf32, #tpu.memory_space<vmem>>, vector<16xf32>,
      %sub3A_592 = arith.constant -5.120000e+01 : f32
      %sub3A_593 = vector.broadcast %sub3A_592 : f32 to vector<16xf32>
      %sub3A_594 = arith.subf %get3A_572, %sub3A_593 : vector<16xf32>
      %swap3A_595 = arith.constant 0 : i32
      %swap3A_596 = arith.index_cast %swap3A_595 : i32 to index
      %swap3A_597 = arith.constant 64 : index
      %swap3A_598 = tpu.vector_load %arg10[%swap3A_596, %swap3A_597] {strides = array<i32>} : memref<3x3840xf32, #tpu.memory_space<vmem>>, vector<16xf32>,
      tpu.vector_store %arg10[%swap3A_596, %swap3A_597], %sub3A_594 {strides = array<i32>} : memref<3x3840xf32, #tpu.memory_space<vmem>>, vector<16xf32>,
      %sub3A_599 = arith.constant -5.120000e+01 : f32
      %sub3A_600 = vector.broadcast %sub3A_599 : f32 to vector<16xf32>
      %sub3A_601 = arith.subf %get3A_576, %sub3A_600 : vector<16xf32>
      %swap3A_602 = arith.constant 0 : i32
      %swap3A_603 = arith.index_cast %swap3A_602 : i32 to index
      %swap3A_604 = arith.constant 80 : index
      %swap3A_605 = tpu.vector_load %arg10[%swap3A_603, %swap3A_604] {strides = array<i32>} : memref<3x3840xf32, #tpu.memory_space<vmem>>, vector<16xf32>,
      tpu.vector_store %arg10[%swap3A_603, %swap3A_604], %sub3A_601 {strides = array<i32>} : memref<3x3840xf32, #tpu.memory_space<vmem>>, vector<16xf32>,
      %sub3A_606 = arith.constant -5.120000e+01 : f32
      %sub3A_607 = vector.broadcast %sub3A_606 : f32 to vector<16xf32>
      %sub3A_608 = arith.subf %get3A_580, %sub3A_607 : vector<16xf32>
      %swap3A_609 = arith.constant 0 : i32
      %swap3A_610 = arith.index_cast %swap3A_609 : i32 to index
      %swap3A_611 = arith.constant 96 : index
      %swap3A_612 = tpu.vector_load %arg10[%swap3A_610, %swap3A_611] {strides = array<i32>} : memref<3x3840xf32, #tpu.memory_space<vmem>>, vector<16xf32>,
      tpu.vector_store %arg10[%swap3A_610, %swap3A_611], %sub3A_608 {strides = array<i32>} : memref<3x3840xf32, #tpu.memory_space<vmem>>, vector<16xf32>,
      %sub3A_613 = arith.constant -5.120000e+01 : f32
      %sub3A_614 = vector.broadcast %sub3A_613 : f32 to vector<16xf32>
      %sub3A_615 = arith.subf %get3A_584, %sub3A_614 : vector<16xf32>
      %swap3A_616 = arith.constant 0 : i32
      %swap3A_617 = arith.index_cast %swap3A_616 : i32 to index
      %swap3A_618 = arith.constant 112 : index
      %swap3A_619 = tpu.vector_load %arg10[%swap3A_617, %swap3A_618] {strides = array<i32>} : memref<3x3840xf32, #tpu.memory_space<vmem>>, vector<16xf32>,
      tpu.vector_store %arg10[%swap3A_617, %swap3A_618], %sub3A_615 {strides = array<i32>} : memref<3x3840xf32, #tpu.memory_space<vmem>>, vector<16xf32>,
      %get3A_620 = arith.constant 1 : i32
      %get3A_621 = arith.index_cast %get3A_620 : i32 to index
      %get3A_622 = arith.constant 128 : index
      %get3A_623 = tpu.vector_load %arg14[%get3A_621, %get3A_622] {strides = array<i32>} : memref<5x384xf32, #tpu.memory_space<vmem>>, vector<16xf32>,
      %get3A_624 = arith.constant 1 : i32
      %get3A_625 = arith.index_cast %get3A_624 : i32 to index
      %get3A_626 = arith.constant 144 : index
      %get3A_627 = tpu.vector_load %arg14[%get3A_625, %get3A_626] {strides = array<i32>} : memref<5x384xf32, #tpu.memory_space<vmem>>, vector<16xf32>,
      %get3A_628 = arith.constant 1 : i32
      %get3A_629 = arith.index_cast %get3A_628 : i32 to index
      %get3A_630 = arith.constant 160 : index
      %get3A_631 = tpu.vector_load %arg14[%get3A_629, %get3A_630] {strides = array<i32>} : memref<5x384xf32, #tpu.memory_space<vmem>>, vector<16xf32>,
      %get3A_632 = arith.constant 1 : i32
      %get3A_633 = arith.index_cast %get3A_632 : i32 to index
      %get3A_634 = arith.constant 176 : index
      %get3A_635 = tpu.vector_load %arg14[%get3A_633, %get3A_634] {strides = array<i32>} : memref<5x384xf32, #tpu.memory_space<vmem>>, vector<16xf32>,
      %get3A_636 = arith.constant 1 : i32
      %get3A_637 = arith.index_cast %get3A_636 : i32 to index
      %get3A_638 = arith.constant 192 : index
      %get3A_639 = tpu.vector_load %arg14[%get3A_637, %get3A_638] {strides = array<i32>} : memref<5x384xf32, #tpu.memory_space<vmem>>, vector<16xf32>,
      %sub3A_640 = arith.constant -5.120000e+01 : f32
      %sub3A_641 = vector.broadcast %sub3A_640 : f32 to vector<16xf32>
      %sub3A_642 = arith.subf %get3A_623, %sub3A_641 : vector<16xf32>
      %swap3A_643 = arith.constant 1 : i32
      %swap3A_644 = arith.index_cast %swap3A_643 : i32 to index
      %swap3A_645 = arith.constant 48 : index
      %swap3A_646 = tpu.vector_load %arg10[%swap3A_644, %swap3A_645] {strides = array<i32>} : memref<3x3840xf32, #tpu.memory_space<vmem>>, vector<16xf32>,
      tpu.vector_store %arg10[%swap3A_644, %swap3A_645], %sub3A_642 {strides = array<i32>} : memref<3x3840xf32, #tpu.memory_space<vmem>>, vector<16xf32>,
      %sub3A_647 = arith.constant -5.120000e+01 : f32
      %sub3A_648 = vector.broadcast %sub3A_647 : f32 to vector<16xf32>
      %sub3A_649 = arith.subf %get3A_627, %sub3A_648 : vector<16xf32>
      %swap3A_650 = arith.constant 1 : i32
      %swap3A_651 = arith.index_cast %swap3A_650 : i32 to index
      %swap3A_652 = arith.constant 64 : index
      %swap3A_653 = tpu.vector_load %arg10[%swap3A_651, %swap3A_652] {strides = array<i32>} : memref<3x3840xf32, #tpu.memory_space<vmem>>, vector<16xf32>,
      tpu.vector_store %arg10[%swap3A_651, %swap3A_652], %sub3A_649 {strides = array<i32>} : memref<3x3840xf32, #tpu.memory_space<vmem>>, vector<16xf32>,
      %sub3A_654 = arith.constant -5.120000e+01 : f32
      %sub3A_655 = vector.broadcast %sub3A_654 : f32 to vector<16xf32>
      %sub3A_656 = arith.subf %get3A_631, %sub3A_655 : vector<16xf32>
      %swap3A_657 = arith.constant 1 : i32
      %swap3A_658 = arith.index_cast %swap3A_657 : i32 to index
      %swap3A_659 = arith.constant 80 : index
      %swap3A_660 = tpu.vector_load %arg10[%swap3A_658, %swap3A_659] {strides = array<i32>} : memref<3x3840xf32, #tpu.memory_space<vmem>>, vector<16xf32>,
      tpu.vector_store %arg10[%swap3A_658, %swap3A_659], %sub3A_656 {strides = array<i32>} : memref<3x3840xf32, #tpu.memory_space<vmem>>, vector<16xf32>,
      %sub3A_661 = arith.constant -5.120000e+01 : f32
      %sub3A_662 = vector.broadcast %sub3A_661 : f32 to vector<16xf32>
      %sub3A_663 = arith.subf %get3A_635, %sub3A_662 : vector<16xf32>
      %swap3A_664 = arith.constant 1 : i32
      %swap3A_665 = arith.index_cast %swap3A_664 : i32 to index
      %swap3A_666 = arith.constant 96 : index
      %swap3A_667 = tpu.vector_load %arg10[%swap3A_665, %swap3A_666] {strides = array<i32>} : memref<3x3840xf32, #tpu.memory_space<vmem>>, vector<16xf32>,
      tpu.vector_store %arg10[%swap3A_665, %swap3A_666], %sub3A_663 {strides = array<i32>} : memref<3x3840xf32, #tpu.memory_space<vmem>>, vector<16xf32>,
      %sub3A_668 = arith.constant -5.120000e+01 : f32
      %sub3A_669 = vector.broadcast %sub3A_668 : f32 to vector<16xf32>
      %sub3A_670 = arith.subf %get3A_639, %sub3A_669 : vector<16xf32>
      %swap3A_671 = arith.constant 1 : i32
      %swap3A_672 = arith.index_cast %swap3A_671 : i32 to index
      %swap3A_673 = arith.constant 112 : index
      %swap3A_674 = tpu.vector_load %arg10[%swap3A_672, %swap3A_673] {strides = array<i32>} : memref<3x3840xf32, #tpu.memory_space<vmem>>, vector<16xf32>,
      tpu.vector_store %arg10[%swap3A_672, %swap3A_673], %sub3A_670 {strides = array<i32>} : memref<3x3840xf32, #tpu.memory_space<vmem>>, vector<16xf32>,
      %get3A_675 = arith.constant 2 : i32
      %get3A_676 = arith.index_cast %get3A_675 : i32 to index
      %get3A_677 = arith.constant 128 : index
      %get3A_678 = tpu.vector_load %arg14[%get3A_676, %get3A_677] {strides = array<i32>} : memref<5x384xf32, #tpu.memory_space<vmem>>, vector<16xf32>,
      %get3A_679 = arith.constant 2 : i32
      %get3A_680 = arith.index_cast %get3A_679 : i32 to index
      %get3A_681 = arith.constant 144 : index
      %get3A_682 = tpu.vector_load %arg14[%get3A_680, %get3A_681] {strides = array<i32>} : memref<5x384xf32, #tpu.memory_space<vmem>>, vector<16xf32>,
      %get3A_683 = arith.constant 2 : i32
      %get3A_684 = arith.index_cast %get3A_683 : i32 to index
      %get3A_685 = arith.constant 160 : index
      %get3A_686 = tpu.vector_load %arg14[%get3A_684, %get3A_685] {strides = array<i32>} : memref<5x384xf32, #tpu.memory_space<vmem>>, vector<16xf32>,
      %get3A_687 = arith.constant 2 : i32
      %get3A_688 = arith.index_cast %get3A_687 : i32 to index
      %get3A_689 = arith.constant 176 : index
      %get3A_690 = tpu.vector_load %arg14[%get3A_688, %get3A_689] {strides = array<i32>} : memref<5x384xf32, #tpu.memory_space<vmem>>, vector<16xf32>,
      %get3A_691 = arith.constant 2 : i32
      %get3A_692 = arith.index_cast %get3A_691 : i32 to index
      %get3A_693 = arith.constant 192 : index
      %get3A_694 = tpu.vector_load %arg14[%get3A_692, %get3A_693] {strides = array<i32>} : memref<5x384xf32, #tpu.memory_space<vmem>>, vector<16xf32>,
      %sub3A_695 = arith.constant -5.000000e+00 : f32
      %sub3A_696 = vector.broadcast %sub3A_695 : f32 to vector<16xf32>
      %sub3A_697 = arith.subf %get3A_678, %sub3A_696 : vector<16xf32>
      %swap3A_698 = arith.constant 2 : i32
      %swap3A_699 = arith.index_cast %swap3A_698 : i32 to index
      %swap3A_700 = arith.constant 48 : index
      %swap3A_701 = tpu.vector_load %arg10[%swap3A_699, %swap3A_700] {strides = array<i32>} : memref<3x3840xf32, #tpu.memory_space<vmem>>, vector<16xf32>,
      tpu.vector_store %arg10[%swap3A_699, %swap3A_700], %sub3A_697 {strides = array<i32>} : memref<3x3840xf32, #tpu.memory_space<vmem>>, vector<16xf32>,
      %sub3A_702 = arith.constant -5.000000e+00 : f32
      %sub3A_703 = vector.broadcast %sub3A_702 : f32 to vector<16xf32>
      %sub3A_704 = arith.subf %get3A_682, %sub3A_703 : vector<16xf32>
      %swap3A_705 = arith.constant 2 : i32
      %swap3A_706 = arith.index_cast %swap3A_705 : i32 to index
      %swap3A_707 = arith.constant 64 : index
      %swap3A_708 = tpu.vector_load %arg10[%swap3A_706, %swap3A_707] {strides = array<i32>} : memref<3x3840xf32, #tpu.memory_space<vmem>>, vector<16xf32>,
      tpu.vector_store %arg10[%swap3A_706, %swap3A_707], %sub3A_704 {strides = array<i32>} : memref<3x3840xf32, #tpu.memory_space<vmem>>, vector<16xf32>,
      %sub3A_709 = arith.constant -5.000000e+00 : f32
      %sub3A_710 = vector.broadcast %sub3A_709 : f32 to vector<16xf32>
      %sub3A_711 = arith.subf %get3A_686, %sub3A_710 : vector<16xf32>
      %swap3A_712 = arith.constant 2 : i32
      %swap3A_713 = arith.index_cast %swap3A_712 : i32 to index
      %swap3A_714 = arith.constant 80 : index
      %swap3A_715 = tpu.vector_load %arg10[%swap3A_713, %swap3A_714] {strides = array<i32>} : memref<3x3840xf32, #tpu.memory_space<vmem>>, vector<16xf32>,
      tpu.vector_store %arg10[%swap3A_713, %swap3A_714], %sub3A_711 {strides = array<i32>} : memref<3x3840xf32, #tpu.memory_space<vmem>>, vector<16xf32>,
      %sub3A_716 = arith.constant -5.000000e+00 : f32
      %sub3A_717 = vector.broadcast %sub3A_716 : f32 to vector<16xf32>
      %sub3A_718 = arith.subf %get3A_690, %sub3A_717 : vector<16xf32>
      %swap3A_719 = arith.constant 2 : i32
      %swap3A_720 = arith.index_cast %swap3A_719 : i32 to index
      %swap3A_721 = arith.constant 96 : index
      %swap3A_722 = tpu.vector_load %arg10[%swap3A_720, %swap3A_721] {strides = array<i32>} : memref<3x3840xf32, #tpu.memory_space<vmem>>, vector<16xf32>,
      tpu.vector_store %arg10[%swap3A_720, %swap3A_721], %sub3A_718 {strides = array<i32>} : memref<3x3840xf32, #tpu.memory_space<vmem>>, vector<16xf32>,
      %sub3A_723 = arith.constant -5.000000e+00 : f32
      %sub3A_724 = vector.broadcast %sub3A_723 : f32 to vector<16xf32>
      %sub3A_725 = arith.subf %get3A_694, %sub3A_724 : vector<16xf32>
      %swap3A_726 = arith.constant 2 : i32
      %swap3A_727 = arith.index_cast %swap3A_726 : i32 to index
      %swap3A_728 = arith.constant 112 : index
      %swap3A_729 = tpu.vector_load %arg10[%swap3A_727, %swap3A_728] {strides = array<i32>} : memref<3x3840xf32, #tpu.memory_space<vmem>>, vector<16xf32>,
      tpu.vector_store %arg10[%swap3A_727, %swap3A_728], %sub3A_725 {strides = array<i32>} : memref<3x3840xf32, #tpu.memory_space<vmem>>, vector<16xf32>,
      %get3A_730 = arith.constant 3 : i32
      %get3A_731 = arith.index_cast %get3A_730 : i32 to index
      %get3A_732 = arith.constant 128 : index
      %get3A_733 = tpu.vector_load %arg14[%get3A_731, %get3A_732] {strides = array<i32>} : memref<5x384xf32, #tpu.memory_space<vmem>>, vector<16xf32>,
      %get3A_734 = arith.constant 3 : i32
      %get3A_735 = arith.index_cast %get3A_734 : i32 to index
      %get3A_736 = arith.constant 144 : index
      %get3A_737 = tpu.vector_load %arg14[%get3A_735, %get3A_736] {strides = array<i32>} : memref<5x384xf32, #tpu.memory_space<vmem>>, vector<16xf32>,
      %get3A_738 = arith.constant 3 : i32
      %get3A_739 = arith.index_cast %get3A_738 : i32 to index
      %get3A_740 = arith.constant 160 : index
      %get3A_741 = tpu.vector_load %arg14[%get3A_739, %get3A_740] {strides = array<i32>} : memref<5x384xf32, #tpu.memory_space<vmem>>, vector<16xf32>,
      %get3A_742 = arith.constant 3 : i32
      %get3A_743 = arith.index_cast %get3A_742 : i32 to index
      %get3A_744 = arith.constant 176 : index
      %get3A_745 = tpu.vector_load %arg14[%get3A_743, %get3A_744] {strides = array<i32>} : memref<5x384xf32, #tpu.memory_space<vmem>>, vector<16xf32>,
      %get3A_746 = arith.constant 3 : i32
      %get3A_747 = arith.index_cast %get3A_746 : i32 to index
      %get3A_748 = arith.constant 192 : index
      %get3A_749 = tpu.vector_load %arg14[%get3A_747, %get3A_748] {strides = array<i32>} : memref<5x384xf32, #tpu.memory_space<vmem>>, vector<16xf32>,
      %swap3A_750 = arith.constant 0 : i32
      %swap3A_751 = arith.index_cast %swap3A_750 : i32 to index
      %swap3A_752 = arith.constant 48 : index
      %swap3A_753 = tpu.vector_load %arg12[%swap3A_751, %swap3A_752] {strides = array<i32>} : memref<2x3840xf32, #tpu.memory_space<vmem>>, vector<16xf32>,
      tpu.vector_store %arg12[%swap3A_751, %swap3A_752], %get3A_733 {strides = array<i32>} : memref<2x3840xf32, #tpu.memory_space<vmem>>, vector<16xf32>,
      %swap3A_754 = arith.constant 0 : i32
      %swap3A_755 = arith.index_cast %swap3A_754 : i32 to index
      %swap3A_756 = arith.constant 64 : index
      %swap3A_757 = tpu.vector_load %arg12[%swap3A_755, %swap3A_756] {strides = array<i32>} : memref<2x3840xf32, #tpu.memory_space<vmem>>, vector<16xf32>,
      tpu.vector_store %arg12[%swap3A_755, %swap3A_756], %get3A_737 {strides = array<i32>} : memref<2x3840xf32, #tpu.memory_space<vmem>>, vector<16xf32>,
      %swap3A_758 = arith.constant 0 : i32
      %swap3A_759 = arith.index_cast %swap3A_758 : i32 to index
      %swap3A_760 = arith.constant 80 : index
      %swap3A_761 = tpu.vector_load %arg12[%swap3A_759, %swap3A_760] {strides = array<i32>} : memref<2x3840xf32, #tpu.memory_space<vmem>>, vector<16xf32>,
      tpu.vector_store %arg12[%swap3A_759, %swap3A_760], %get3A_741 {strides = array<i32>} : memref<2x3840xf32, #tpu.memory_space<vmem>>, vector<16xf32>,
      %swap3A_762 = arith.constant 0 : i32
      %swap3A_763 = arith.index_cast %swap3A_762 : i32 to index
      %swap3A_764 = arith.constant 96 : index
      %swap3A_765 = tpu.vector_load %arg12[%swap3A_763, %swap3A_764] {strides = array<i32>} : memref<2x3840xf32, #tpu.memory_space<vmem>>, vector<16xf32>,
      tpu.vector_store %arg12[%swap3A_763, %swap3A_764], %get3A_745 {strides = array<i32>} : memref<2x3840xf32, #tpu.memory_space<vmem>>, vector<16xf32>,
      %swap3A_766 = arith.constant 0 : i32
      %swap3A_767 = arith.index_cast %swap3A_766 : i32 to index
      %swap3A_768 = arith.constant 112 : index
      %swap3A_769 = tpu.vector_load %arg12[%swap3A_767, %swap3A_768] {strides = array<i32>} : memref<2x3840xf32, #tpu.memory_space<vmem>>, vector<16xf32>,
      tpu.vector_store %arg12[%swap3A_767, %swap3A_768], %get3A_749 {strides = array<i32>} : memref<2x3840xf32, #tpu.memory_space<vmem>>, vector<16xf32>,
      %get3A_770 = arith.constant 4 : i32
      %get3A_771 = arith.index_cast %get3A_770 : i32 to index
      %get3A_772 = arith.constant 128 : index
      %get3A_773 = tpu.vector_load %arg14[%get3A_771, %get3A_772] {strides = array<i32>} : memref<5x384xf32, #tpu.memory_space<vmem>>, vector<16xf32>,
      %get3A_774 = arith.constant 4 : i32
      %get3A_775 = arith.index_cast %get3A_774 : i32 to index
      %get3A_776 = arith.constant 144 : index
      %get3A_777 = tpu.vector_load %arg14[%get3A_775, %get3A_776] {strides = array<i32>} : memref<5x384xf32, #tpu.memory_space<vmem>>, vector<16xf32>,
      %get3A_778 = arith.constant 4 : i32
      %get3A_779 = arith.index_cast %get3A_778 : i32 to index
      %get3A_780 = arith.constant 160 : index
      %get3A_781 = tpu.vector_load %arg14[%get3A_779, %get3A_780] {strides = array<i32>} : memref<5x384xf32, #tpu.memory_space<vmem>>, vector<16xf32>,
      %get3A_782 = arith.constant 4 : i32
      %get3A_783 = arith.index_cast %get3A_782 : i32 to index
      %get3A_784 = arith.constant 176 : index
      %get3A_785 = tpu.vector_load %arg14[%get3A_783, %get3A_784] {strides = array<i32>} : memref<5x384xf32, #tpu.memory_space<vmem>>, vector<16xf32>,
      %get3A_786 = arith.constant 4 : i32
      %get3A_787 = arith.index_cast %get3A_786 : i32 to index
      %get3A_788 = arith.constant 192 : index
      %get3A_789 = tpu.vector_load %arg14[%get3A_787, %get3A_788] {strides = array<i32>} : memref<5x384xf32, #tpu.memory_space<vmem>>, vector<16xf32>,
      %swap3A_790 = arith.constant 1 : i32
      %swap3A_791 = arith.index_cast %swap3A_790 : i32 to index
      %swap3A_792 = arith.constant 48 : index
      %swap3A_793 = tpu.vector_load %arg12[%swap3A_791, %swap3A_792] {strides = array<i32>} : memref<2x3840xf32, #tpu.memory_space<vmem>>, vector<16xf32>,
      tpu.vector_store %arg12[%swap3A_791, %swap3A_792], %get3A_773 {strides = array<i32>} : memref<2x3840xf32, #tpu.memory_space<vmem>>, vector<16xf32>,
      %swap3A_794 = arith.constant 1 : i32
      %swap3A_795 = arith.index_cast %swap3A_794 : i32 to index
      %swap3A_796 = arith.constant 64 : index
      %swap3A_797 = tpu.vector_load %arg12[%swap3A_795, %swap3A_796] {strides = array<i32>} : memref<2x3840xf32, #tpu.memory_space<vmem>>, vector<16xf32>,
      tpu.vector_store %arg12[%swap3A_795, %swap3A_796], %get3A_777 {strides = array<i32>} : memref<2x3840xf32, #tpu.memory_space<vmem>>, vector<16xf32>,
      %swap3A_798 = arith.constant 1 : i32
      %swap3A_799 = arith.index_cast %swap3A_798 : i32 to index
      %swap3A_800 = arith.constant 80 : index
      %swap3A_801 = tpu.vector_load %arg12[%swap3A_799, %swap3A_800] {strides = array<i32>} : memref<2x3840xf32, #tpu.memory_space<vmem>>, vector<16xf32>,
      tpu.vector_store %arg12[%swap3A_799, %swap3A_800], %get3A_781 {strides = array<i32>} : memref<2x3840xf32, #tpu.memory_space<vmem>>, vector<16xf32>,
      %swap3A_802 = arith.constant 1 : i32
      %swap3A_803 = arith.index_cast %swap3A_802 : i32 to index
      %swap3A_804 = arith.constant 96 : index
      %swap3A_805 = tpu.vector_load %arg12[%swap3A_803, %swap3A_804] {strides = array<i32>} : memref<2x3840xf32, #tpu.memory_space<vmem>>, vector<16xf32>,
      tpu.vector_store %arg12[%swap3A_803, %swap3A_804], %get3A_785 {strides = array<i32>} : memref<2x3840xf32, #tpu.memory_space<vmem>>, vector<16xf32>,
      %swap3A_806 = arith.constant 1 : i32
      %swap3A_807 = arith.index_cast %swap3A_806 : i32 to index
      %swap3A_808 = arith.constant 112 : index
      %swap3A_809 = tpu.vector_load %arg12[%swap3A_807, %swap3A_808] {strides = array<i32>} : memref<2x3840xf32, #tpu.memory_space<vmem>>, vector<16xf32>,
      tpu.vector_store %arg12[%swap3A_807, %swap3A_808], %get3A_789 {strides = array<i32>} : memref<2x3840xf32, #tpu.memory_space<vmem>>, vector<16xf32>,
      "tpu.region"() ({
        %run_scoped3A = tpu.sem_alloc : memref<!tpu.dma_semaphore, #tpu.memory_space<semaphore_mem>>
        %dma_start3A_810 = arith.constant 0 : i32
        %dma_start3A_811 = arith.constant 0 : i32
        %dma_start3A_812 = tpu.memref_slice %arg10[%dma_start3A_810, %dma_start3A_811] : memref<3x3840xf32, #tpu.memory_space<vmem>> -> memref<3x128xf32, #tpu.memory_space<vmem>>
        %dma_start3A_813 = arith.constant 0 : i32
        %dma_start3A_814 = arith.constant 269952 : i32
        %dma_start3A_815 = tpu.memref_slice %arg6[%dma_start3A_813, %dma_start3A_814] : memref<3x450000xf32, #tpu.memory_space<hbm>> -> memref<3x128xf32, #tpu.memory_space<hbm>>
        %dma_start3A_816 = arith.constant 0 : i32
        %dma_start3A_817 = arith.constant 269952 : i32
        %dma_start3A_818 = tpu.memref_slice %arg6[%dma_start3A_816, %dma_start3A_817] : memref<3x450000xf32, #tpu.memory_space<hbm>> -> memref<3x128xf32, #tpu.memory_space<hbm>>
        %dma_start3A_819 = arith.constant 0 : i32
        %dma_start3A_820 = arith.constant 0 : i32
        %dma_start3A_821 = tpu.memref_slice %arg10[%dma_start3A_819, %dma_start3A_820] : memref<3x3840xf32, #tpu.memory_space<vmem>> -> memref<3x128xf32, #tpu.memory_space<vmem>>
        tpu.enqueue_dma source(%dma_start3A_821 : memref<3x128xf32, #tpu.memory_space<vmem>>) target(%dma_start3A_818 : memref<3x128xf32, #tpu.memory_space<hbm>>) target_semaphore(%run_scoped3A : memref<!tpu.dma_semaphore, #tpu.memory_space<semaphore_mem>>)
        %dma_wait3A_822 = arith.constant 0 : i32
        %dma_wait3A_823 = arith.constant 0 : i32
        %dma_wait3A_824 = tpu.memref_slice %arg10[%dma_wait3A_822, %dma_wait3A_823] : memref<3x3840xf32, #tpu.memory_space<vmem>> -> memref<3x128xf32, #tpu.memory_space<vmem>>
        %dma_wait3A_825 = arith.constant 0 : i32
        %dma_wait3A_826 = arith.constant 269952 : i32
        %dma_wait3A_827 = tpu.memref_slice %arg6[%dma_wait3A_825, %dma_wait3A_826] : memref<3x450000xf32, #tpu.memory_space<hbm>> -> memref<3x128xf32, #tpu.memory_space<hbm>>
        %dma_wait3A_828 = arith.constant 0 : i32
        %dma_wait3A_829 = arith.constant 269952 : i32
        %dma_wait3A_830 = tpu.memref_slice %arg6[%dma_wait3A_828, %dma_wait3A_829] : memref<3x450000xf32, #tpu.memory_space<hbm>> -> memref<3x128xf32, #tpu.memory_space<hbm>>
        %dma_wait3A_831 = arith.constant 0 : i32
        %dma_wait3A_832 = arith.constant 0 : i32
        %dma_wait3A_833 = tpu.memref_slice %arg10[%dma_wait3A_831, %dma_wait3A_832] : memref<3x3840xf32, #tpu.memory_space<vmem>> -> memref<3x128xf32, #tpu.memory_space<vmem>>
        tpu.wait_dma2 semaphore(%run_scoped3A : memref<!tpu.dma_semaphore, #tpu.memory_space<semaphore_mem>>) src(%dma_wait3A_833 : memref<3x128xf32, #tpu.memory_space<vmem>>) dst(%dma_wait3A_830 : memref<3x128xf32, #tpu.memory_space<hbm>>)
        tpu.yield
      }) : () -> ()
      "tpu.region"() ({
        %run_scoped3A = tpu.sem_alloc : memref<!tpu.dma_semaphore, #tpu.memory_space<semaphore_mem>>
        %dma_start3A_810 = arith.constant 0 : i32
        %dma_start3A_811 = arith.constant 0 : i32
        %dma_start3A_812 = tpu.memref_slice %arg12[%dma_start3A_810, %dma_start3A_811] : memref<2x3840xf32, #tpu.memory_space<vmem>> -> memref<2x128xf32, #tpu.memory_space<vmem>>
        %dma_start3A_813 = arith.constant 0 : i32
        %dma_start3A_814 = arith.constant 269952 : i32
        %dma_start3A_815 = tpu.memref_slice %arg7[%dma_start3A_813, %dma_start3A_814] : memref<2x450000xf32, #tpu.memory_space<hbm>> -> memref<2x128xf32, #tpu.memory_space<hbm>>
        %dma_start3A_816 = arith.constant 0 : i32
        %dma_start3A_817 = arith.constant 269952 : i32
        %dma_start3A_818 = tpu.memref_slice %arg7[%dma_start3A_816, %dma_start3A_817] : memref<2x450000xf32, #tpu.memory_space<hbm>> -> memref<2x128xf32, #tpu.memory_space<hbm>>
        %dma_start3A_819 = arith.constant 0 : i32
        %dma_start3A_820 = arith.constant 0 : i32
        %dma_start3A_821 = tpu.memref_slice %arg12[%dma_start3A_819, %dma_start3A_820] : memref<2x3840xf32, #tpu.memory_space<vmem>> -> memref<2x128xf32, #tpu.memory_space<vmem>>
        tpu.enqueue_dma source(%dma_start3A_821 : memref<2x128xf32, #tpu.memory_space<vmem>>) target(%dma_start3A_818 : memref<2x128xf32, #tpu.memory_space<hbm>>) target_semaphore(%run_scoped3A : memref<!tpu.dma_semaphore, #tpu.memory_space<semaphore_mem>>)
        %dma_wait3A_822 = arith.constant 0 : i32
        %dma_wait3A_823 = arith.constant 0 : i32
        %dma_wait3A_824 = tpu.memref_slice %arg12[%dma_wait3A_822, %dma_wait3A_823] : memref<2x3840xf32, #tpu.memory_space<vmem>> -> memref<2x128xf32, #tpu.memory_space<vmem>>
        %dma_wait3A_825 = arith.constant 0 : i32
        %dma_wait3A_826 = arith.constant 269952 : i32
        %dma_wait3A_827 = tpu.memref_slice %arg7[%dma_wait3A_825, %dma_wait3A_826] : memref<2x450000xf32, #tpu.memory_space<hbm>> -> memref<2x128xf32, #tpu.memory_space<hbm>>
        %dma_wait3A_828 = arith.constant 0 : i32
        %dma_wait3A_829 = arith.constant 269952 : i32
        %dma_wait3A_830 = tpu.memref_slice %arg7[%dma_wait3A_828, %dma_wait3A_829] : memref<2x450000xf32, #tpu.memory_space<hbm>> -> memref<2x128xf32, #tpu.memory_space<hbm>>
        %dma_wait3A_831 = arith.constant 0 : i32
        %dma_wait3A_832 = arith.constant 0 : i32
        %dma_wait3A_833 = tpu.memref_slice %arg12[%dma_wait3A_831, %dma_wait3A_832] : memref<2x3840xf32, #tpu.memory_space<vmem>> -> memref<2x128xf32, #tpu.memory_space<vmem>>
        tpu.wait_dma2 semaphore(%run_scoped3A : memref<!tpu.dma_semaphore, #tpu.memory_space<semaphore_mem>>) src(%dma_wait3A_833 : memref<2x128xf32, #tpu.memory_space<vmem>>) dst(%dma_wait3A_830 : memref<2x128xf32, #tpu.memory_space<hbm>>)
        tpu.yield
      }) : () -> ()
    } else {
    }
    %eq3A_405 = arith.constant 30 : i32
    %eq3A_406 = arith.cmpi eq, %add3A, %eq3A_405 : i32
    %convert_element_type3A_407 = arith.extui %eq3A_406 : i1 to i32
    %cond3A_408 = arith.constant 0 : i32
    %cond3A_409 = arith.cmpi ne, %convert_element_type3A_407, %cond3A_408 : i32
    scf.if %cond3A_409 {
      %mul3A_415 = arith.constant 0 : i32
      %mul3A_416 = arith.muli %mul3A_415, %add3A : i32
      %add3A_417 = arith.constant 99840 : i32
      %add3A_418 = arith.addi %add3A_417, %mul3A_416 : i32
      %multiple_of3A_419 = tpu.assume_multiple %add3A_418, 128 : i32
      "tpu.region"() ({
        %run_scoped3A = tpu.sem_alloc : memref<!tpu.dma_semaphore, #tpu.memory_space<semaphore_mem>>
        %dma_start3A_810 = arith.constant 0 : i32
        %dma_start3A_811 = arith.constant 0 : i32
        %dma_start3A_812 = tpu.memref_slice %arg14[%dma_start3A_810, %dma_start3A_811] : memref<5x384xf32, #tpu.memory_space<vmem>> -> memref<5x256xf32, #tpu.memory_space<vmem>>
        %dma_start3A_813 = arith.constant 0 : i32
        %dma_start3A_814 = tpu.memref_slice %arg4[%dma_start3A_813, %multiple_of3A_419] : memref<5x100000xf32, #tpu.memory_space<hbm>> -> memref<5x256xf32, #tpu.memory_space<hbm>>
        %dma_start3A_815 = arith.constant 0 : i32
        %dma_start3A_816 = arith.constant 0 : i32
        %dma_start3A_817 = tpu.memref_slice %arg14[%dma_start3A_815, %dma_start3A_816] : memref<5x384xf32, #tpu.memory_space<vmem>> -> memref<5x256xf32, #tpu.memory_space<vmem>>
        %dma_start3A_818 = arith.constant 0 : i32
        %dma_start3A_819 = tpu.memref_slice %arg4[%dma_start3A_818, %multiple_of3A_419] : memref<5x100000xf32, #tpu.memory_space<hbm>> -> memref<5x256xf32, #tpu.memory_space<hbm>>
        tpu.enqueue_dma source(%dma_start3A_819 : memref<5x256xf32, #tpu.memory_space<hbm>>) target(%dma_start3A_817 : memref<5x256xf32, #tpu.memory_space<vmem>>) target_semaphore(%run_scoped3A : memref<!tpu.dma_semaphore, #tpu.memory_space<semaphore_mem>>)
        %dma_wait3A_820 = arith.constant 0 : i32
        %dma_wait3A_821 = arith.constant 0 : i32
        %dma_wait3A_822 = tpu.memref_slice %arg14[%dma_wait3A_820, %dma_wait3A_821] : memref<5x384xf32, #tpu.memory_space<vmem>> -> memref<5x256xf32, #tpu.memory_space<vmem>>
        %dma_wait3A_823 = arith.constant 0 : i32
        %dma_wait3A_824 = tpu.memref_slice %arg4[%dma_wait3A_823, %multiple_of3A_419] : memref<5x100000xf32, #tpu.memory_space<hbm>> -> memref<5x256xf32, #tpu.memory_space<hbm>>
        %dma_wait3A_825 = arith.constant 0 : i32
        %dma_wait3A_826 = arith.constant 0 : i32
        %dma_wait3A_827 = tpu.memref_slice %arg14[%dma_wait3A_825, %dma_wait3A_826] : memref<5x384xf32, #tpu.memory_space<vmem>> -> memref<5x256xf32, #tpu.memory_space<vmem>>
        %dma_wait3A_828 = arith.constant 0 : i32
        %dma_wait3A_829 = tpu.memref_slice %arg4[%dma_wait3A_828, %multiple_of3A_419] : memref<5x100000xf32, #tpu.memory_space<hbm>> -> memref<5x256xf32, #tpu.memory_space<hbm>>
        tpu.wait_dma2 semaphore(%run_scoped3A : memref<!tpu.dma_semaphore, #tpu.memory_space<semaphore_mem>>) src(%dma_wait3A_829 : memref<5x256xf32, #tpu.memory_space<hbm>>) dst(%dma_wait3A_827 : memref<5x256xf32, #tpu.memory_space<vmem>>)
        tpu.yield
      }) : () -> ()
      "tpu.region"() ({
        %run_scoped3A = tpu.sem_alloc : memref<!tpu.dma_semaphore, #tpu.memory_space<semaphore_mem>>
        %dma_start3A_810 = arith.constant 0 : i32
        %dma_start3A_811 = arith.constant 256 : i32
        %dma_start3A_812 = tpu.memref_slice %arg14[%dma_start3A_810, %dma_start3A_811] : memref<5x384xf32, #tpu.memory_space<vmem>> -> memref<5x128xf32, #tpu.memory_space<vmem>>
        %dma_start3A_813 = arith.constant 0 : i32
        %dma_start3A_814 = arith.constant 0 : i32
        %dma_start3A_815 = tpu.memref_slice %arg5[%dma_start3A_813, %dma_start3A_814] : memref<5x80000xf32, #tpu.memory_space<hbm>> -> memref<5x128xf32, #tpu.memory_space<hbm>>
        %dma_start3A_816 = arith.constant 0 : i32
        %dma_start3A_817 = arith.constant 256 : i32
        %dma_start3A_818 = tpu.memref_slice %arg14[%dma_start3A_816, %dma_start3A_817] : memref<5x384xf32, #tpu.memory_space<vmem>> -> memref<5x128xf32, #tpu.memory_space<vmem>>
        %dma_start3A_819 = arith.constant 0 : i32
        %dma_start3A_820 = arith.constant 0 : i32
        %dma_start3A_821 = tpu.memref_slice %arg5[%dma_start3A_819, %dma_start3A_820] : memref<5x80000xf32, #tpu.memory_space<hbm>> -> memref<5x128xf32, #tpu.memory_space<hbm>>
        tpu.enqueue_dma source(%dma_start3A_821 : memref<5x128xf32, #tpu.memory_space<hbm>>) target(%dma_start3A_818 : memref<5x128xf32, #tpu.memory_space<vmem>>) target_semaphore(%run_scoped3A : memref<!tpu.dma_semaphore, #tpu.memory_space<semaphore_mem>>)
        %dma_wait3A_822 = arith.constant 0 : i32
        %dma_wait3A_823 = arith.constant 256 : i32
        %dma_wait3A_824 = tpu.memref_slice %arg14[%dma_wait3A_822, %dma_wait3A_823] : memref<5x384xf32, #tpu.memory_space<vmem>> -> memref<5x128xf32, #tpu.memory_space<vmem>>
        %dma_wait3A_825 = arith.constant 0 : i32
        %dma_wait3A_826 = arith.constant 0 : i32
        %dma_wait3A_827 = tpu.memref_slice %arg5[%dma_wait3A_825, %dma_wait3A_826] : memref<5x80000xf32, #tpu.memory_space<hbm>> -> memref<5x128xf32, #tpu.memory_space<hbm>>
        %dma_wait3A_828 = arith.constant 0 : i32
        %dma_wait3A_829 = arith.constant 256 : i32
        %dma_wait3A_830 = tpu.memref_slice %arg14[%dma_wait3A_828, %dma_wait3A_829] : memref<5x384xf32, #tpu.memory_space<vmem>> -> memref<5x128xf32, #tpu.memory_space<vmem>>
        %dma_wait3A_831 = arith.constant 0 : i32
        %dma_wait3A_832 = arith.constant 0 : i32
        %dma_wait3A_833 = tpu.memref_slice %arg5[%dma_wait3A_831, %dma_wait3A_832] : memref<5x80000xf32, #tpu.memory_space<hbm>> -> memref<5x128xf32, #tpu.memory_space<hbm>>
        tpu.wait_dma2 semaphore(%run_scoped3A : memref<!tpu.dma_semaphore, #tpu.memory_space<semaphore_mem>>) src(%dma_wait3A_833 : memref<5x128xf32, #tpu.memory_space<hbm>>) dst(%dma_wait3A_830 : memref<5x128xf32, #tpu.memory_space<vmem>>)
        tpu.yield
      }) : () -> ()
      %get3A = arith.constant 0 : i32
      %get3A_420 = arith.index_cast %get3A : i32 to index
      %get3A_421 = arith.constant 80 : index
      %get3A_422 = tpu.vector_load %arg14[%get3A_420, %get3A_421] {strides = array<i32>} : memref<5x384xf32, #tpu.memory_space<vmem>>, vector<16xf32>,
      %get3A_423 = arith.constant 0 : i32
      %get3A_424 = arith.index_cast %get3A_423 : i32 to index
      %get3A_425 = arith.constant 96 : index
      %get3A_426 = tpu.vector_load %arg14[%get3A_424, %get3A_425] {strides = array<i32>} : memref<5x384xf32, #tpu.memory_space<vmem>>, vector<16xf32>,
      %get3A_427 = arith.constant 0 : i32
      %get3A_428 = arith.index_cast %get3A_427 : i32 to index
      %get3A_429 = arith.constant 112 : index
      %get3A_430 = tpu.vector_load %arg14[%get3A_428, %get3A_429] {strides = array<i32>} : memref<5x384xf32, #tpu.memory_space<vmem>>, vector<16xf32>,
      %get3A_431 = arith.constant 0 : i32
      %get3A_432 = arith.index_cast %get3A_431 : i32 to index
      %get3A_433 = arith.constant 128 : index
      %get3A_434 = tpu.vector_load %arg14[%get3A_432, %get3A_433] {strides = array<i32>} : memref<5x384xf32, #tpu.memory_space<vmem>>, vector<16xf32>,
      %get3A_435 = arith.constant 0 : i32
      %get3A_436 = arith.index_cast %get3A_435 : i32 to index
      %get3A_437 = arith.constant 144 : index
      %get3A_438 = tpu.vector_load %arg14[%get3A_436, %get3A_437] {strides = array<i32>} : memref<5x384xf32, #tpu.memory_space<vmem>>, vector<16xf32>,
      %sub3A_439 = arith.constant -5.120000e+01 : f32
      %sub3A_440 = vector.broadcast %sub3A_439 : f32 to vector<16xf32>
      %sub3A_441 = arith.subf %get3A_422, %sub3A_440 : vector<16xf32>
      %swap3A = arith.constant 0 : i32
      %swap3A_442 = arith.index_cast %swap3A : i32 to index
      %swap3A_443 = arith.constant 0 : index
      %swap3A_444 = tpu.vector_load %arg10[%swap3A_442, %swap3A_443] {strides = array<i32>} : memref<3x3840xf32, #tpu.memory_space<vmem>>, vector<16xf32>,
      tpu.vector_store %arg10[%swap3A_442, %swap3A_443], %sub3A_441 {strides = array<i32>} : memref<3x3840xf32, #tpu.memory_space<vmem>>, vector<16xf32>,
      %sub3A_445 = arith.constant -5.120000e+01 : f32
      %sub3A_446 = vector.broadcast %sub3A_445 : f32 to vector<16xf32>
      %sub3A_447 = arith.subf %get3A_426, %sub3A_446 : vector<16xf32>
      %swap3A_448 = arith.constant 0 : i32
      %swap3A_449 = arith.index_cast %swap3A_448 : i32 to index
      %swap3A_450 = arith.constant 16 : index
      %swap3A_451 = tpu.vector_load %arg10[%swap3A_449, %swap3A_450] {strides = array<i32>} : memref<3x3840xf32, #tpu.memory_space<vmem>>, vector<16xf32>,
      tpu.vector_store %arg10[%swap3A_449, %swap3A_450], %sub3A_447 {strides = array<i32>} : memref<3x3840xf32, #tpu.memory_space<vmem>>, vector<16xf32>,
      %sub3A_452 = arith.constant -5.120000e+01 : f32
      %sub3A_453 = vector.broadcast %sub3A_452 : f32 to vector<16xf32>
      %sub3A_454 = arith.subf %get3A_430, %sub3A_453 : vector<16xf32>
      %swap3A_455 = arith.constant 0 : i32
      %swap3A_456 = arith.index_cast %swap3A_455 : i32 to index
      %swap3A_457 = arith.constant 32 : index
      %swap3A_458 = tpu.vector_load %arg10[%swap3A_456, %swap3A_457] {strides = array<i32>} : memref<3x3840xf32, #tpu.memory_space<vmem>>, vector<16xf32>,
      tpu.vector_store %arg10[%swap3A_456, %swap3A_457], %sub3A_454 {strides = array<i32>} : memref<3x3840xf32, #tpu.memory_space<vmem>>, vector<16xf32>,
      %sub3A_459 = arith.constant -5.120000e+01 : f32
      %sub3A_460 = vector.broadcast %sub3A_459 : f32 to vector<16xf32>
      %sub3A_461 = arith.subf %get3A_434, %sub3A_460 : vector<16xf32>
      %swap3A_462 = arith.constant 0 : i32
      %swap3A_463 = arith.index_cast %swap3A_462 : i32 to index
      %swap3A_464 = arith.constant 48 : index
      %swap3A_465 = tpu.vector_load %arg10[%swap3A_463, %swap3A_464] {strides = array<i32>} : memref<3x3840xf32, #tpu.memory_space<vmem>>, vector<16xf32>,
      tpu.vector_store %arg10[%swap3A_463, %swap3A_464], %sub3A_461 {strides = array<i32>} : memref<3x3840xf32, #tpu.memory_space<vmem>>, vector<16xf32>,
      %sub3A_466 = arith.constant -5.120000e+01 : f32
      %sub3A_467 = vector.broadcast %sub3A_466 : f32 to vector<16xf32>
      %sub3A_468 = arith.subf %get3A_438, %sub3A_467 : vector<16xf32>
      %swap3A_469 = arith.constant 0 : i32
      %swap3A_470 = arith.index_cast %swap3A_469 : i32 to index
      %swap3A_471 = arith.constant 64 : index
      %swap3A_472 = tpu.vector_load %arg10[%swap3A_470, %swap3A_471] {strides = array<i32>} : memref<3x3840xf32, #tpu.memory_space<vmem>>, vector<16xf32>,
      tpu.vector_store %arg10[%swap3A_470, %swap3A_471], %sub3A_468 {strides = array<i32>} : memref<3x3840xf32, #tpu.memory_space<vmem>>, vector<16xf32>,
      %get3A_473 = arith.constant 1 : i32
      %get3A_474 = arith.index_cast %get3A_473 : i32 to index
      %get3A_475 = arith.constant 80 : index
      %get3A_476 = tpu.vector_load %arg14[%get3A_474, %get3A_475] {strides = array<i32>} : memref<5x384xf32, #tpu.memory_space<vmem>>, vector<16xf32>,
      %get3A_477 = arith.constant 1 : i32
      %get3A_478 = arith.index_cast %get3A_477 : i32 to index
      %get3A_479 = arith.constant 96 : index
      %get3A_480 = tpu.vector_load %arg14[%get3A_478, %get3A_479] {strides = array<i32>} : memref<5x384xf32, #tpu.memory_space<vmem>>, vector<16xf32>,
      %get3A_481 = arith.constant 1 : i32
      %get3A_482 = arith.index_cast %get3A_481 : i32 to index
      %get3A_483 = arith.constant 112 : index
      %get3A_484 = tpu.vector_load %arg14[%get3A_482, %get3A_483] {strides = array<i32>} : memref<5x384xf32, #tpu.memory_space<vmem>>, vector<16xf32>,
      %get3A_485 = arith.constant 1 : i32
      %get3A_486 = arith.index_cast %get3A_485 : i32 to index
      %get3A_487 = arith.constant 128 : index
      %get3A_488 = tpu.vector_load %arg14[%get3A_486, %get3A_487] {strides = array<i32>} : memref<5x384xf32, #tpu.memory_space<vmem>>, vector<16xf32>,
      %get3A_489 = arith.constant 1 : i32
      %get3A_490 = arith.index_cast %get3A_489 : i32 to index
      %get3A_491 = arith.constant 144 : index
      %get3A_492 = tpu.vector_load %arg14[%get3A_490, %get3A_491] {strides = array<i32>} : memref<5x384xf32, #tpu.memory_space<vmem>>, vector<16xf32>,
      %sub3A_493 = arith.constant -5.120000e+01 : f32
      %sub3A_494 = vector.broadcast %sub3A_493 : f32 to vector<16xf32>
      %sub3A_495 = arith.subf %get3A_476, %sub3A_494 : vector<16xf32>
      %swap3A_496 = arith.constant 1 : i32
      %swap3A_497 = arith.index_cast %swap3A_496 : i32 to index
      %swap3A_498 = arith.constant 0 : index
      %swap3A_499 = tpu.vector_load %arg10[%swap3A_497, %swap3A_498] {strides = array<i32>} : memref<3x3840xf32, #tpu.memory_space<vmem>>, vector<16xf32>,
      tpu.vector_store %arg10[%swap3A_497, %swap3A_498], %sub3A_495 {strides = array<i32>} : memref<3x3840xf32, #tpu.memory_space<vmem>>, vector<16xf32>,
      %sub3A_500 = arith.constant -5.120000e+01 : f32
      %sub3A_501 = vector.broadcast %sub3A_500 : f32 to vector<16xf32>
      %sub3A_502 = arith.subf %get3A_480, %sub3A_501 : vector<16xf32>
      %swap3A_503 = arith.constant 1 : i32
      %swap3A_504 = arith.index_cast %swap3A_503 : i32 to index
      %swap3A_505 = arith.constant 16 : index
      %swap3A_506 = tpu.vector_load %arg10[%swap3A_504, %swap3A_505] {strides = array<i32>} : memref<3x3840xf32, #tpu.memory_space<vmem>>, vector<16xf32>,
      tpu.vector_store %arg10[%swap3A_504, %swap3A_505], %sub3A_502 {strides = array<i32>} : memref<3x3840xf32, #tpu.memory_space<vmem>>, vector<16xf32>,
      %sub3A_507 = arith.constant -5.120000e+01 : f32
      %sub3A_508 = vector.broadcast %sub3A_507 : f32 to vector<16xf32>
      %sub3A_509 = arith.subf %get3A_484, %sub3A_508 : vector<16xf32>
      %swap3A_510 = arith.constant 1 : i32
      %swap3A_511 = arith.index_cast %swap3A_510 : i32 to index
      %swap3A_512 = arith.constant 32 : index
      %swap3A_513 = tpu.vector_load %arg10[%swap3A_511, %swap3A_512] {strides = array<i32>} : memref<3x3840xf32, #tpu.memory_space<vmem>>, vector<16xf32>,
      tpu.vector_store %arg10[%swap3A_511, %swap3A_512], %sub3A_509 {strides = array<i32>} : memref<3x3840xf32, #tpu.memory_space<vmem>>, vector<16xf32>,
      %sub3A_514 = arith.constant -5.120000e+01 : f32
      %sub3A_515 = vector.broadcast %sub3A_514 : f32 to vector<16xf32>
      %sub3A_516 = arith.subf %get3A_488, %sub3A_515 : vector<16xf32>
      %swap3A_517 = arith.constant 1 : i32
      %swap3A_518 = arith.index_cast %swap3A_517 : i32 to index
      %swap3A_519 = arith.constant 48 : index
      %swap3A_520 = tpu.vector_load %arg10[%swap3A_518, %swap3A_519] {strides = array<i32>} : memref<3x3840xf32, #tpu.memory_space<vmem>>, vector<16xf32>,
      tpu.vector_store %arg10[%swap3A_518, %swap3A_519], %sub3A_516 {strides = array<i32>} : memref<3x3840xf32, #tpu.memory_space<vmem>>, vector<16xf32>,
      %sub3A_521 = arith.constant -5.120000e+01 : f32
      %sub3A_522 = vector.broadcast %sub3A_521 : f32 to vector<16xf32>
      %sub3A_523 = arith.subf %get3A_492, %sub3A_522 : vector<16xf32>
      %swap3A_524 = arith.constant 1 : i32
      %swap3A_525 = arith.index_cast %swap3A_524 : i32 to index
      %swap3A_526 = arith.constant 64 : index
      %swap3A_527 = tpu.vector_load %arg10[%swap3A_525, %swap3A_526] {strides = array<i32>} : memref<3x3840xf32, #tpu.memory_space<vmem>>, vector<16xf32>,
      tpu.vector_store %arg10[%swap3A_525, %swap3A_526], %sub3A_523 {strides = array<i32>} : memref<3x3840xf32, #tpu.memory_space<vmem>>, vector<16xf32>,
      %get3A_528 = arith.constant 2 : i32
      %get3A_529 = arith.index_cast %get3A_528 : i32 to index
      %get3A_530 = arith.constant 80 : index
      %get3A_531 = tpu.vector_load %arg14[%get3A_529, %get3A_530] {strides = array<i32>} : memref<5x384xf32, #tpu.memory_space<vmem>>, vector<16xf32>,
      %get3A_532 = arith.constant 2 : i32
      %get3A_533 = arith.index_cast %get3A_532 : i32 to index
      %get3A_534 = arith.constant 96 : index
      %get3A_535 = tpu.vector_load %arg14[%get3A_533, %get3A_534] {strides = array<i32>} : memref<5x384xf32, #tpu.memory_space<vmem>>, vector<16xf32>,
      %get3A_536 = arith.constant 2 : i32
      %get3A_537 = arith.index_cast %get3A_536 : i32 to index
      %get3A_538 = arith.constant 112 : index
      %get3A_539 = tpu.vector_load %arg14[%get3A_537, %get3A_538] {strides = array<i32>} : memref<5x384xf32, #tpu.memory_space<vmem>>, vector<16xf32>,
      %get3A_540 = arith.constant 2 : i32
      %get3A_541 = arith.index_cast %get3A_540 : i32 to index
      %get3A_542 = arith.constant 128 : index
      %get3A_543 = tpu.vector_load %arg14[%get3A_541, %get3A_542] {strides = array<i32>} : memref<5x384xf32, #tpu.memory_space<vmem>>, vector<16xf32>,
      %get3A_544 = arith.constant 2 : i32
      %get3A_545 = arith.index_cast %get3A_544 : i32 to index
      %get3A_546 = arith.constant 144 : index
      %get3A_547 = tpu.vector_load %arg14[%get3A_545, %get3A_546] {strides = array<i32>} : memref<5x384xf32, #tpu.memory_space<vmem>>, vector<16xf32>,
      %sub3A_548 = arith.constant -5.000000e+00 : f32
      %sub3A_549 = vector.broadcast %sub3A_548 : f32 to vector<16xf32>
      %sub3A_550 = arith.subf %get3A_531, %sub3A_549 : vector<16xf32>
      %swap3A_551 = arith.constant 2 : i32
      %swap3A_552 = arith.index_cast %swap3A_551 : i32 to index
      %swap3A_553 = arith.constant 0 : index
      %swap3A_554 = tpu.vector_load %arg10[%swap3A_552, %swap3A_553] {strides = array<i32>} : memref<3x3840xf32, #tpu.memory_space<vmem>>, vector<16xf32>,
      tpu.vector_store %arg10[%swap3A_552, %swap3A_553], %sub3A_550 {strides = array<i32>} : memref<3x3840xf32, #tpu.memory_space<vmem>>, vector<16xf32>,
      %sub3A_555 = arith.constant -5.000000e+00 : f32
      %sub3A_556 = vector.broadcast %sub3A_555 : f32 to vector<16xf32>
      %sub3A_557 = arith.subf %get3A_535, %sub3A_556 : vector<16xf32>
      %swap3A_558 = arith.constant 2 : i32
      %swap3A_559 = arith.index_cast %swap3A_558 : i32 to index
      %swap3A_560 = arith.constant 16 : index
      %swap3A_561 = tpu.vector_load %arg10[%swap3A_559, %swap3A_560] {strides = array<i32>} : memref<3x3840xf32, #tpu.memory_space<vmem>>, vector<16xf32>,
      tpu.vector_store %arg10[%swap3A_559, %swap3A_560], %sub3A_557 {strides = array<i32>} : memref<3x3840xf32, #tpu.memory_space<vmem>>, vector<16xf32>,
      %sub3A_562 = arith.constant -5.000000e+00 : f32
      %sub3A_563 = vector.broadcast %sub3A_562 : f32 to vector<16xf32>
      %sub3A_564 = arith.subf %get3A_539, %sub3A_563 : vector<16xf32>
      %swap3A_565 = arith.constant 2 : i32
      %swap3A_566 = arith.index_cast %swap3A_565 : i32 to index
      %swap3A_567 = arith.constant 32 : index
      %swap3A_568 = tpu.vector_load %arg10[%swap3A_566, %swap3A_567] {strides = array<i32>} : memref<3x3840xf32, #tpu.memory_space<vmem>>, vector<16xf32>,
      tpu.vector_store %arg10[%swap3A_566, %swap3A_567], %sub3A_564 {strides = array<i32>} : memref<3x3840xf32, #tpu.memory_space<vmem>>, vector<16xf32>,
      %sub3A_569 = arith.constant -5.000000e+00 : f32
      %sub3A_570 = vector.broadcast %sub3A_569 : f32 to vector<16xf32>
      %sub3A_571 = arith.subf %get3A_543, %sub3A_570 : vector<16xf32>
      %swap3A_572 = arith.constant 2 : i32
      %swap3A_573 = arith.index_cast %swap3A_572 : i32 to index
      %swap3A_574 = arith.constant 48 : index
      %swap3A_575 = tpu.vector_load %arg10[%swap3A_573, %swap3A_574] {strides = array<i32>} : memref<3x3840xf32, #tpu.memory_space<vmem>>, vector<16xf32>,
      tpu.vector_store %arg10[%swap3A_573, %swap3A_574], %sub3A_571 {strides = array<i32>} : memref<3x3840xf32, #tpu.memory_space<vmem>>, vector<16xf32>,
      %sub3A_576 = arith.constant -5.000000e+00 : f32
      %sub3A_577 = vector.broadcast %sub3A_576 : f32 to vector<16xf32>
      %sub3A_578 = arith.subf %get3A_547, %sub3A_577 : vector<16xf32>
      %swap3A_579 = arith.constant 2 : i32
      %swap3A_580 = arith.index_cast %swap3A_579 : i32 to index
      %swap3A_581 = arith.constant 64 : index
      %swap3A_582 = tpu.vector_load %arg10[%swap3A_580, %swap3A_581] {strides = array<i32>} : memref<3x3840xf32, #tpu.memory_space<vmem>>, vector<16xf32>,
      tpu.vector_store %arg10[%swap3A_580, %swap3A_581], %sub3A_578 {strides = array<i32>} : memref<3x3840xf32, #tpu.memory_space<vmem>>, vector<16xf32>,
      %get3A_583 = arith.constant 3 : i32
      %get3A_584 = arith.index_cast %get3A_583 : i32 to index
      %get3A_585 = arith.constant 80 : index
      %get3A_586 = tpu.vector_load %arg14[%get3A_584, %get3A_585] {strides = array<i32>} : memref<5x384xf32, #tpu.memory_space<vmem>>, vector<16xf32>,
      %get3A_587 = arith.constant 3 : i32
      %get3A_588 = arith.index_cast %get3A_587 : i32 to index
      %get3A_589 = arith.constant 96 : index
      %get3A_590 = tpu.vector_load %arg14[%get3A_588, %get3A_589] {strides = array<i32>} : memref<5x384xf32, #tpu.memory_space<vmem>>, vector<16xf32>,
      %get3A_591 = arith.constant 3 : i32
      %get3A_592 = arith.index_cast %get3A_591 : i32 to index
      %get3A_593 = arith.constant 112 : index
      %get3A_594 = tpu.vector_load %arg14[%get3A_592, %get3A_593] {strides = array<i32>} : memref<5x384xf32, #tpu.memory_space<vmem>>, vector<16xf32>,
      %get3A_595 = arith.constant 3 : i32
      %get3A_596 = arith.index_cast %get3A_595 : i32 to index
      %get3A_597 = arith.constant 128 : index
      %get3A_598 = tpu.vector_load %arg14[%get3A_596, %get3A_597] {strides = array<i32>} : memref<5x384xf32, #tpu.memory_space<vmem>>, vector<16xf32>,
      %get3A_599 = arith.constant 3 : i32
      %get3A_600 = arith.index_cast %get3A_599 : i32 to index
      %get3A_601 = arith.constant 144 : index
      %get3A_602 = tpu.vector_load %arg14[%get3A_600, %get3A_601] {strides = array<i32>} : memref<5x384xf32, #tpu.memory_space<vmem>>, vector<16xf32>,
      %swap3A_603 = arith.constant 0 : i32
      %swap3A_604 = arith.index_cast %swap3A_603 : i32 to index
      %swap3A_605 = arith.constant 0 : index
      %swap3A_606 = tpu.vector_load %arg12[%swap3A_604, %swap3A_605] {strides = array<i32>} : memref<2x3840xf32, #tpu.memory_space<vmem>>, vector<16xf32>,
      tpu.vector_store %arg12[%swap3A_604, %swap3A_605], %get3A_586 {strides = array<i32>} : memref<2x3840xf32, #tpu.memory_space<vmem>>, vector<16xf32>,
      %swap3A_607 = arith.constant 0 : i32
      %swap3A_608 = arith.index_cast %swap3A_607 : i32 to index
      %swap3A_609 = arith.constant 16 : index
      %swap3A_610 = tpu.vector_load %arg12[%swap3A_608, %swap3A_609] {strides = array<i32>} : memref<2x3840xf32, #tpu.memory_space<vmem>>, vector<16xf32>,
      tpu.vector_store %arg12[%swap3A_608, %swap3A_609], %get3A_590 {strides = array<i32>} : memref<2x3840xf32, #tpu.memory_space<vmem>>, vector<16xf32>,
      %swap3A_611 = arith.constant 0 : i32
      %swap3A_612 = arith.index_cast %swap3A_611 : i32 to index
      %swap3A_613 = arith.constant 32 : index
      %swap3A_614 = tpu.vector_load %arg12[%swap3A_612, %swap3A_613] {strides = array<i32>} : memref<2x3840xf32, #tpu.memory_space<vmem>>, vector<16xf32>,
      tpu.vector_store %arg12[%swap3A_612, %swap3A_613], %get3A_594 {strides = array<i32>} : memref<2x3840xf32, #tpu.memory_space<vmem>>, vector<16xf32>,
      %swap3A_615 = arith.constant 0 : i32
      %swap3A_616 = arith.index_cast %swap3A_615 : i32 to index
      %swap3A_617 = arith.constant 48 : index
      %swap3A_618 = tpu.vector_load %arg12[%swap3A_616, %swap3A_617] {strides = array<i32>} : memref<2x3840xf32, #tpu.memory_space<vmem>>, vector<16xf32>,
      tpu.vector_store %arg12[%swap3A_616, %swap3A_617], %get3A_598 {strides = array<i32>} : memref<2x3840xf32, #tpu.memory_space<vmem>>, vector<16xf32>,
      %swap3A_619 = arith.constant 0 : i32
      %swap3A_620 = arith.index_cast %swap3A_619 : i32 to index
      %swap3A_621 = arith.constant 64 : index
      %swap3A_622 = tpu.vector_load %arg12[%swap3A_620, %swap3A_621] {strides = array<i32>} : memref<2x3840xf32, #tpu.memory_space<vmem>>, vector<16xf32>,
      tpu.vector_store %arg12[%swap3A_620, %swap3A_621], %get3A_602 {strides = array<i32>} : memref<2x3840xf32, #tpu.memory_space<vmem>>, vector<16xf32>,
      %get3A_623 = arith.constant 4 : i32
      %get3A_624 = arith.index_cast %get3A_623 : i32 to index
      %get3A_625 = arith.constant 80 : index
      %get3A_626 = tpu.vector_load %arg14[%get3A_624, %get3A_625] {strides = array<i32>} : memref<5x384xf32, #tpu.memory_space<vmem>>, vector<16xf32>,
      %get3A_627 = arith.constant 4 : i32
      %get3A_628 = arith.index_cast %get3A_627 : i32 to index
      %get3A_629 = arith.constant 96 : index
      %get3A_630 = tpu.vector_load %arg14[%get3A_628, %get3A_629] {strides = array<i32>} : memref<5x384xf32, #tpu.memory_space<vmem>>, vector<16xf32>,
      %get3A_631 = arith.constant 4 : i32
      %get3A_632 = arith.index_cast %get3A_631 : i32 to index
      %get3A_633 = arith.constant 112 : index
      %get3A_634 = tpu.vector_load %arg14[%get3A_632, %get3A_633] {strides = array<i32>} : memref<5x384xf32, #tpu.memory_space<vmem>>, vector<16xf32>,
      %get3A_635 = arith.constant 4 : i32
      %get3A_636 = arith.index_cast %get3A_635 : i32 to index
      %get3A_637 = arith.constant 128 : index
      %get3A_638 = tpu.vector_load %arg14[%get3A_636, %get3A_637] {strides = array<i32>} : memref<5x384xf32, #tpu.memory_space<vmem>>, vector<16xf32>,
      %get3A_639 = arith.constant 4 : i32
      %get3A_640 = arith.index_cast %get3A_639 : i32 to index
      %get3A_641 = arith.constant 144 : index
      %get3A_642 = tpu.vector_load %arg14[%get3A_640, %get3A_641] {strides = array<i32>} : memref<5x384xf32, #tpu.memory_space<vmem>>, vector<16xf32>,
      %swap3A_643 = arith.constant 1 : i32
      %swap3A_644 = arith.index_cast %swap3A_643 : i32 to index
      %swap3A_645 = arith.constant 0 : index
      %swap3A_646 = tpu.vector_load %arg12[%swap3A_644, %swap3A_645] {strides = array<i32>} : memref<2x3840xf32, #tpu.memory_space<vmem>>, vector<16xf32>,
      tpu.vector_store %arg12[%swap3A_644, %swap3A_645], %get3A_626 {strides = array<i32>} : memref<2x3840xf32, #tpu.memory_space<vmem>>, vector<16xf32>,
      %swap3A_647 = arith.constant 1 : i32
      %swap3A_648 = arith.index_cast %swap3A_647 : i32 to index
      %swap3A_649 = arith.constant 16 : index
      %swap3A_650 = tpu.vector_load %arg12[%swap3A_648, %swap3A_649] {strides = array<i32>} : memref<2x3840xf32, #tpu.memory_space<vmem>>, vector<16xf32>,
      tpu.vector_store %arg12[%swap3A_648, %swap3A_649], %get3A_630 {strides = array<i32>} : memref<2x3840xf32, #tpu.memory_space<vmem>>, vector<16xf32>,
      %swap3A_651 = arith.constant 1 : i32
      %swap3A_652 = arith.index_cast %swap3A_651 : i32 to index
      %swap3A_653 = arith.constant 32 : index
      %swap3A_654 = tpu.vector_load %arg12[%swap3A_652, %swap3A_653] {strides = array<i32>} : memref<2x3840xf32, #tpu.memory_space<vmem>>, vector<16xf32>,
      tpu.vector_store %arg12[%swap3A_652, %swap3A_653], %get3A_634 {strides = array<i32>} : memref<2x3840xf32, #tpu.memory_space<vmem>>, vector<16xf32>,
      %swap3A_655 = arith.constant 1 : i32
      %swap3A_656 = arith.index_cast %swap3A_655 : i32 to index
      %swap3A_657 = arith.constant 48 : index
      %swap3A_658 = tpu.vector_load %arg12[%swap3A_656, %swap3A_657] {strides = array<i32>} : memref<2x3840xf32, #tpu.memory_space<vmem>>, vector<16xf32>,
      tpu.vector_store %arg12[%swap3A_656, %swap3A_657], %get3A_638 {strides = array<i32>} : memref<2x3840xf32, #tpu.memory_space<vmem>>, vector<16xf32>,
      %swap3A_659 = arith.constant 1 : i32
      %swap3A_660 = arith.index_cast %swap3A_659 : i32 to index
      %swap3A_661 = arith.constant 64 : index
      %swap3A_662 = tpu.vector_load %arg12[%swap3A_660, %swap3A_661] {strides = array<i32>} : memref<2x3840xf32, #tpu.memory_space<vmem>>, vector<16xf32>,
      tpu.vector_store %arg12[%swap3A_660, %swap3A_661], %get3A_642 {strides = array<i32>} : memref<2x3840xf32, #tpu.memory_space<vmem>>, vector<16xf32>,
      %get3A_663 = arith.constant 0 : i32
      %get3A_664 = arith.index_cast %get3A_663 : i32 to index
      %get3A_665 = arith.constant 256 : index
      %get3A_666 = tpu.vector_load %arg14[%get3A_664, %get3A_665] {strides = array<i32>} : memref<5x384xf32, #tpu.memory_space<vmem>>, vector<16xf32>,
      %get3A_667 = arith.constant 0 : i32
      %get3A_668 = arith.index_cast %get3A_667 : i32 to index
      %get3A_669 = arith.constant 272 : index
      %get3A_670 = tpu.vector_load %arg14[%get3A_668, %get3A_669] {strides = array<i32>} : memref<5x384xf32, #tpu.memory_space<vmem>>, vector<16xf32>,
      %get3A_671 = arith.constant 0 : i32
      %get3A_672 = arith.index_cast %get3A_671 : i32 to index
      %get3A_673 = arith.constant 288 : index
      %get3A_674 = tpu.vector_load %arg14[%get3A_672, %get3A_673] {strides = array<i32>} : memref<5x384xf32, #tpu.memory_space<vmem>>, vector<16xf32>,
      %sub3A_675 = arith.constant -5.120000e+01 : f32
      %sub3A_676 = vector.broadcast %sub3A_675 : f32 to vector<16xf32>
      %sub3A_677 = arith.subf %get3A_666, %sub3A_676 : vector<16xf32>
      %swap3A_678 = arith.constant 0 : i32
      %swap3A_679 = arith.index_cast %swap3A_678 : i32 to index
      %swap3A_680 = arith.constant 80 : index
      %swap3A_681 = tpu.vector_load %arg10[%swap3A_679, %swap3A_680] {strides = array<i32>} : memref<3x3840xf32, #tpu.memory_space<vmem>>, vector<16xf32>,
      tpu.vector_store %arg10[%swap3A_679, %swap3A_680], %sub3A_677 {strides = array<i32>} : memref<3x3840xf32, #tpu.memory_space<vmem>>, vector<16xf32>,
      %sub3A_682 = arith.constant -5.120000e+01 : f32
      %sub3A_683 = vector.broadcast %sub3A_682 : f32 to vector<16xf32>
      %sub3A_684 = arith.subf %get3A_670, %sub3A_683 : vector<16xf32>
      %swap3A_685 = arith.constant 0 : i32
      %swap3A_686 = arith.index_cast %swap3A_685 : i32 to index
      %swap3A_687 = arith.constant 96 : index
      %swap3A_688 = tpu.vector_load %arg10[%swap3A_686, %swap3A_687] {strides = array<i32>} : memref<3x3840xf32, #tpu.memory_space<vmem>>, vector<16xf32>,
      tpu.vector_store %arg10[%swap3A_686, %swap3A_687], %sub3A_684 {strides = array<i32>} : memref<3x3840xf32, #tpu.memory_space<vmem>>, vector<16xf32>,
      %sub3A_689 = arith.constant -5.120000e+01 : f32
      %sub3A_690 = vector.broadcast %sub3A_689 : f32 to vector<16xf32>
      %sub3A_691 = arith.subf %get3A_674, %sub3A_690 : vector<16xf32>
      %swap3A_692 = arith.constant 0 : i32
      %swap3A_693 = arith.index_cast %swap3A_692 : i32 to index
      %swap3A_694 = arith.constant 112 : index
      %swap3A_695 = tpu.vector_load %arg10[%swap3A_693, %swap3A_694] {strides = array<i32>} : memref<3x3840xf32, #tpu.memory_space<vmem>>, vector<16xf32>,
      tpu.vector_store %arg10[%swap3A_693, %swap3A_694], %sub3A_691 {strides = array<i32>} : memref<3x3840xf32, #tpu.memory_space<vmem>>, vector<16xf32>,
      %get3A_696 = arith.constant 1 : i32
      %get3A_697 = arith.index_cast %get3A_696 : i32 to index
      %get3A_698 = arith.constant 256 : index
      %get3A_699 = tpu.vector_load %arg14[%get3A_697, %get3A_698] {strides = array<i32>} : memref<5x384xf32, #tpu.memory_space<vmem>>, vector<16xf32>,
      %get3A_700 = arith.constant 1 : i32
      %get3A_701 = arith.index_cast %get3A_700 : i32 to index
      %get3A_702 = arith.constant 272 : index
      %get3A_703 = tpu.vector_load %arg14[%get3A_701, %get3A_702] {strides = array<i32>} : memref<5x384xf32, #tpu.memory_space<vmem>>, vector<16xf32>,
      %get3A_704 = arith.constant 1 : i32
      %get3A_705 = arith.index_cast %get3A_704 : i32 to index
      %get3A_706 = arith.constant 288 : index
      %get3A_707 = tpu.vector_load %arg14[%get3A_705, %get3A_706] {strides = array<i32>} : memref<5x384xf32, #tpu.memory_space<vmem>>, vector<16xf32>,
      %sub3A_708 = arith.constant -5.120000e+01 : f32
      %sub3A_709 = vector.broadcast %sub3A_708 : f32 to vector<16xf32>
      %sub3A_710 = arith.subf %get3A_699, %sub3A_709 : vector<16xf32>
      %swap3A_711 = arith.constant 1 : i32
      %swap3A_712 = arith.index_cast %swap3A_711 : i32 to index
      %swap3A_713 = arith.constant 80 : index
      %swap3A_714 = tpu.vector_load %arg10[%swap3A_712, %swap3A_713] {strides = array<i32>} : memref<3x3840xf32, #tpu.memory_space<vmem>>, vector<16xf32>,
      tpu.vector_store %arg10[%swap3A_712, %swap3A_713], %sub3A_710 {strides = array<i32>} : memref<3x3840xf32, #tpu.memory_space<vmem>>, vector<16xf32>,
      %sub3A_715 = arith.constant -5.120000e+01 : f32
      %sub3A_716 = vector.broadcast %sub3A_715 : f32 to vector<16xf32>
      %sub3A_717 = arith.subf %get3A_703, %sub3A_716 : vector<16xf32>
      %swap3A_718 = arith.constant 1 : i32
      %swap3A_719 = arith.index_cast %swap3A_718 : i32 to index
      %swap3A_720 = arith.constant 96 : index
      %swap3A_721 = tpu.vector_load %arg10[%swap3A_719, %swap3A_720] {strides = array<i32>} : memref<3x3840xf32, #tpu.memory_space<vmem>>, vector<16xf32>,
      tpu.vector_store %arg10[%swap3A_719, %swap3A_720], %sub3A_717 {strides = array<i32>} : memref<3x3840xf32, #tpu.memory_space<vmem>>, vector<16xf32>,
      %sub3A_722 = arith.constant -5.120000e+01 : f32
      %sub3A_723 = vector.broadcast %sub3A_722 : f32 to vector<16xf32>
      %sub3A_724 = arith.subf %get3A_707, %sub3A_723 : vector<16xf32>
      %swap3A_725 = arith.constant 1 : i32
      %swap3A_726 = arith.index_cast %swap3A_725 : i32 to index
      %swap3A_727 = arith.constant 112 : index
      %swap3A_728 = tpu.vector_load %arg10[%swap3A_726, %swap3A_727] {strides = array<i32>} : memref<3x3840xf32, #tpu.memory_space<vmem>>, vector<16xf32>,
      tpu.vector_store %arg10[%swap3A_726, %swap3A_727], %sub3A_724 {strides = array<i32>} : memref<3x3840xf32, #tpu.memory_space<vmem>>, vector<16xf32>,
      %get3A_729 = arith.constant 2 : i32
      %get3A_730 = arith.index_cast %get3A_729 : i32 to index
      %get3A_731 = arith.constant 256 : index
      %get3A_732 = tpu.vector_load %arg14[%get3A_730, %get3A_731] {strides = array<i32>} : memref<5x384xf32, #tpu.memory_space<vmem>>, vector<16xf32>,
      %get3A_733 = arith.constant 2 : i32
      %get3A_734 = arith.index_cast %get3A_733 : i32 to index
      %get3A_735 = arith.constant 272 : index
      %get3A_736 = tpu.vector_load %arg14[%get3A_734, %get3A_735] {strides = array<i32>} : memref<5x384xf32, #tpu.memory_space<vmem>>, vector<16xf32>,
      %get3A_737 = arith.constant 2 : i32
      %get3A_738 = arith.index_cast %get3A_737 : i32 to index
      %get3A_739 = arith.constant 288 : index
      %get3A_740 = tpu.vector_load %arg14[%get3A_738, %get3A_739] {strides = array<i32>} : memref<5x384xf32, #tpu.memory_space<vmem>>, vector<16xf32>,
      %sub3A_741 = arith.constant -5.000000e+00 : f32
      %sub3A_742 = vector.broadcast %sub3A_741 : f32 to vector<16xf32>
      %sub3A_743 = arith.subf %get3A_732, %sub3A_742 : vector<16xf32>
      %swap3A_744 = arith.constant 2 : i32
      %swap3A_745 = arith.index_cast %swap3A_744 : i32 to index
      %swap3A_746 = arith.constant 80 : index
      %swap3A_747 = tpu.vector_load %arg10[%swap3A_745, %swap3A_746] {strides = array<i32>} : memref<3x3840xf32, #tpu.memory_space<vmem>>, vector<16xf32>,
      tpu.vector_store %arg10[%swap3A_745, %swap3A_746], %sub3A_743 {strides = array<i32>} : memref<3x3840xf32, #tpu.memory_space<vmem>>, vector<16xf32>,
      %sub3A_748 = arith.constant -5.000000e+00 : f32
      %sub3A_749 = vector.broadcast %sub3A_748 : f32 to vector<16xf32>
      %sub3A_750 = arith.subf %get3A_736, %sub3A_749 : vector<16xf32>
      %swap3A_751 = arith.constant 2 : i32
      %swap3A_752 = arith.index_cast %swap3A_751 : i32 to index
      %swap3A_753 = arith.constant 96 : index
      %swap3A_754 = tpu.vector_load %arg10[%swap3A_752, %swap3A_753] {strides = array<i32>} : memref<3x3840xf32, #tpu.memory_space<vmem>>, vector<16xf32>,
      tpu.vector_store %arg10[%swap3A_752, %swap3A_753], %sub3A_750 {strides = array<i32>} : memref<3x3840xf32, #tpu.memory_space<vmem>>, vector<16xf32>,
      %sub3A_755 = arith.constant -5.000000e+00 : f32
      %sub3A_756 = vector.broadcast %sub3A_755 : f32 to vector<16xf32>
      %sub3A_757 = arith.subf %get3A_740, %sub3A_756 : vector<16xf32>
      %swap3A_758 = arith.constant 2 : i32
      %swap3A_759 = arith.index_cast %swap3A_758 : i32 to index
      %swap3A_760 = arith.constant 112 : index
      %swap3A_761 = tpu.vector_load %arg10[%swap3A_759, %swap3A_760] {strides = array<i32>} : memref<3x3840xf32, #tpu.memory_space<vmem>>, vector<16xf32>,
      tpu.vector_store %arg10[%swap3A_759, %swap3A_760], %sub3A_757 {strides = array<i32>} : memref<3x3840xf32, #tpu.memory_space<vmem>>, vector<16xf32>,
      %get3A_762 = arith.constant 3 : i32
      %get3A_763 = arith.index_cast %get3A_762 : i32 to index
      %get3A_764 = arith.constant 256 : index
      %get3A_765 = tpu.vector_load %arg14[%get3A_763, %get3A_764] {strides = array<i32>} : memref<5x384xf32, #tpu.memory_space<vmem>>, vector<16xf32>,
      %get3A_766 = arith.constant 3 : i32
      %get3A_767 = arith.index_cast %get3A_766 : i32 to index
      %get3A_768 = arith.constant 272 : index
      %get3A_769 = tpu.vector_load %arg14[%get3A_767, %get3A_768] {strides = array<i32>} : memref<5x384xf32, #tpu.memory_space<vmem>>, vector<16xf32>,
      %get3A_770 = arith.constant 3 : i32
      %get3A_771 = arith.index_cast %get3A_770 : i32 to index
      %get3A_772 = arith.constant 288 : index
      %get3A_773 = tpu.vector_load %arg14[%get3A_771, %get3A_772] {strides = array<i32>} : memref<5x384xf32, #tpu.memory_space<vmem>>, vector<16xf32>,
      %swap3A_774 = arith.constant 0 : i32
      %swap3A_775 = arith.index_cast %swap3A_774 : i32 to index
      %swap3A_776 = arith.constant 80 : index
      %swap3A_777 = tpu.vector_load %arg12[%swap3A_775, %swap3A_776] {strides = array<i32>} : memref<2x3840xf32, #tpu.memory_space<vmem>>, vector<16xf32>,
      tpu.vector_store %arg12[%swap3A_775, %swap3A_776], %get3A_765 {strides = array<i32>} : memref<2x3840xf32, #tpu.memory_space<vmem>>, vector<16xf32>,
      %swap3A_778 = arith.constant 0 : i32
      %swap3A_779 = arith.index_cast %swap3A_778 : i32 to index
      %swap3A_780 = arith.constant 96 : index
      %swap3A_781 = tpu.vector_load %arg12[%swap3A_779, %swap3A_780] {strides = array<i32>} : memref<2x3840xf32, #tpu.memory_space<vmem>>, vector<16xf32>,
      tpu.vector_store %arg12[%swap3A_779, %swap3A_780], %get3A_769 {strides = array<i32>} : memref<2x3840xf32, #tpu.memory_space<vmem>>, vector<16xf32>,
      %swap3A_782 = arith.constant 0 : i32
      %swap3A_783 = arith.index_cast %swap3A_782 : i32 to index
      %swap3A_784 = arith.constant 112 : index
      %swap3A_785 = tpu.vector_load %arg12[%swap3A_783, %swap3A_784] {strides = array<i32>} : memref<2x3840xf32, #tpu.memory_space<vmem>>, vector<16xf32>,
      tpu.vector_store %arg12[%swap3A_783, %swap3A_784], %get3A_773 {strides = array<i32>} : memref<2x3840xf32, #tpu.memory_space<vmem>>, vector<16xf32>,
      %get3A_786 = arith.constant 4 : i32
      %get3A_787 = arith.index_cast %get3A_786 : i32 to index
      %get3A_788 = arith.constant 256 : index
      %get3A_789 = tpu.vector_load %arg14[%get3A_787, %get3A_788] {strides = array<i32>} : memref<5x384xf32, #tpu.memory_space<vmem>>, vector<16xf32>,
      %get3A_790 = arith.constant 4 : i32
      %get3A_791 = arith.index_cast %get3A_790 : i32 to index
      %get3A_792 = arith.constant 272 : index
      %get3A_793 = tpu.vector_load %arg14[%get3A_791, %get3A_792] {strides = array<i32>} : memref<5x384xf32, #tpu.memory_space<vmem>>, vector<16xf32>,
      %get3A_794 = arith.constant 4 : i32
      %get3A_795 = arith.index_cast %get3A_794 : i32 to index
      %get3A_796 = arith.constant 288 : index
      %get3A_797 = tpu.vector_load %arg14[%get3A_795, %get3A_796] {strides = array<i32>} : memref<5x384xf32, #tpu.memory_space<vmem>>, vector<16xf32>,
      %swap3A_798 = arith.constant 1 : i32
      %swap3A_799 = arith.index_cast %swap3A_798 : i32 to index
      %swap3A_800 = arith.constant 80 : index
      %swap3A_801 = tpu.vector_load %arg12[%swap3A_799, %swap3A_800] {strides = array<i32>} : memref<2x3840xf32, #tpu.memory_space<vmem>>, vector<16xf32>,
      tpu.vector_store %arg12[%swap3A_799, %swap3A_800], %get3A_789 {strides = array<i32>} : memref<2x3840xf32, #tpu.memory_space<vmem>>, vector<16xf32>,
      %swap3A_802 = arith.constant 1 : i32
      %swap3A_803 = arith.index_cast %swap3A_802 : i32 to index
      %swap3A_804 = arith.constant 96 : index
      %swap3A_805 = tpu.vector_load %arg12[%swap3A_803, %swap3A_804] {strides = array<i32>} : memref<2x3840xf32, #tpu.memory_space<vmem>>, vector<16xf32>,
      tpu.vector_store %arg12[%swap3A_803, %swap3A_804], %get3A_793 {strides = array<i32>} : memref<2x3840xf32, #tpu.memory_space<vmem>>, vector<16xf32>,
      %swap3A_806 = arith.constant 1 : i32
      %swap3A_807 = arith.index_cast %swap3A_806 : i32 to index
      %swap3A_808 = arith.constant 112 : index
      %swap3A_809 = tpu.vector_load %arg12[%swap3A_807, %swap3A_808] {strides = array<i32>} : memref<2x3840xf32, #tpu.memory_space<vmem>>, vector<16xf32>,
      tpu.vector_store %arg12[%swap3A_807, %swap3A_808], %get3A_797 {strides = array<i32>} : memref<2x3840xf32, #tpu.memory_space<vmem>>, vector<16xf32>,
      "tpu.region"() ({
        %run_scoped3A = tpu.sem_alloc : memref<!tpu.dma_semaphore, #tpu.memory_space<semaphore_mem>>
        %dma_start3A_810 = arith.constant 0 : i32
        %dma_start3A_811 = arith.constant 0 : i32
        %dma_start3A_812 = tpu.memref_slice %arg10[%dma_start3A_810, %dma_start3A_811] : memref<3x3840xf32, #tpu.memory_space<vmem>> -> memref<3x128xf32, #tpu.memory_space<vmem>>
        %dma_start3A_813 = arith.constant 0 : i32
        %dma_start3A_814 = arith.constant 369920 : i32
        %dma_start3A_815 = tpu.memref_slice %arg6[%dma_start3A_813, %dma_start3A_814] : memref<3x450000xf32, #tpu.memory_space<hbm>> -> memref<3x128xf32, #tpu.memory_space<hbm>>
        %dma_start3A_816 = arith.constant 0 : i32
        %dma_start3A_817 = arith.constant 369920 : i32
        %dma_start3A_818 = tpu.memref_slice %arg6[%dma_start3A_816, %dma_start3A_817] : memref<3x450000xf32, #tpu.memory_space<hbm>> -> memref<3x128xf32, #tpu.memory_space<hbm>>
        %dma_start3A_819 = arith.constant 0 : i32
        %dma_start3A_820 = arith.constant 0 : i32
        %dma_start3A_821 = tpu.memref_slice %arg10[%dma_start3A_819, %dma_start3A_820] : memref<3x3840xf32, #tpu.memory_space<vmem>> -> memref<3x128xf32, #tpu.memory_space<vmem>>
        tpu.enqueue_dma source(%dma_start3A_821 : memref<3x128xf32, #tpu.memory_space<vmem>>) target(%dma_start3A_818 : memref<3x128xf32, #tpu.memory_space<hbm>>) target_semaphore(%run_scoped3A : memref<!tpu.dma_semaphore, #tpu.memory_space<semaphore_mem>>)
        %dma_wait3A_822 = arith.constant 0 : i32
        %dma_wait3A_823 = arith.constant 0 : i32
        %dma_wait3A_824 = tpu.memref_slice %arg10[%dma_wait3A_822, %dma_wait3A_823] : memref<3x3840xf32, #tpu.memory_space<vmem>> -> memref<3x128xf32, #tpu.memory_space<vmem>>
        %dma_wait3A_825 = arith.constant 0 : i32
        %dma_wait3A_826 = arith.constant 369920 : i32
        %dma_wait3A_827 = tpu.memref_slice %arg6[%dma_wait3A_825, %dma_wait3A_826] : memref<3x450000xf32, #tpu.memory_space<hbm>> -> memref<3x128xf32, #tpu.memory_space<hbm>>
        %dma_wait3A_828 = arith.constant 0 : i32
        %dma_wait3A_829 = arith.constant 369920 : i32
        %dma_wait3A_830 = tpu.memref_slice %arg6[%dma_wait3A_828, %dma_wait3A_829] : memref<3x450000xf32, #tpu.memory_space<hbm>> -> memref<3x128xf32, #tpu.memory_space<hbm>>
        %dma_wait3A_831 = arith.constant 0 : i32
        %dma_wait3A_832 = arith.constant 0 : i32
        %dma_wait3A_833 = tpu.memref_slice %arg10[%dma_wait3A_831, %dma_wait3A_832] : memref<3x3840xf32, #tpu.memory_space<vmem>> -> memref<3x128xf32, #tpu.memory_space<vmem>>
        tpu.wait_dma2 semaphore(%run_scoped3A : memref<!tpu.dma_semaphore, #tpu.memory_space<semaphore_mem>>) src(%dma_wait3A_833 : memref<3x128xf32, #tpu.memory_space<vmem>>) dst(%dma_wait3A_830 : memref<3x128xf32, #tpu.memory_space<hbm>>)
        tpu.yield
      }) : () -> ()
      "tpu.region"() ({
        %run_scoped3A = tpu.sem_alloc : memref<!tpu.dma_semaphore, #tpu.memory_space<semaphore_mem>>
        %dma_start3A_810 = arith.constant 0 : i32
        %dma_start3A_811 = arith.constant 0 : i32
        %dma_start3A_812 = tpu.memref_slice %arg12[%dma_start3A_810, %dma_start3A_811] : memref<2x3840xf32, #tpu.memory_space<vmem>> -> memref<2x128xf32, #tpu.memory_space<vmem>>
        %dma_start3A_813 = arith.constant 0 : i32
        %dma_start3A_814 = arith.constant 369920 : i32
        %dma_start3A_815 = tpu.memref_slice %arg7[%dma_start3A_813, %dma_start3A_814] : memref<2x450000xf32, #tpu.memory_space<hbm>> -> memref<2x128xf32, #tpu.memory_space<hbm>>
        %dma_start3A_816 = arith.constant 0 : i32
        %dma_start3A_817 = arith.constant 369920 : i32
        %dma_start3A_818 = tpu.memref_slice %arg7[%dma_start3A_816, %dma_start3A_817] : memref<2x450000xf32, #tpu.memory_space<hbm>> -> memref<2x128xf32, #tpu.memory_space<hbm>>
        %dma_start3A_819 = arith.constant 0 : i32
        %dma_start3A_820 = arith.constant 0 : i32
        %dma_start3A_821 = tpu.memref_slice %arg12[%dma_start3A_819, %dma_start3A_820] : memref<2x3840xf32, #tpu.memory_space<vmem>> -> memref<2x128xf32, #tpu.memory_space<vmem>>
        tpu.enqueue_dma source(%dma_start3A_821 : memref<2x128xf32, #tpu.memory_space<vmem>>) target(%dma_start3A_818 : memref<2x128xf32, #tpu.memory_space<hbm>>) target_semaphore(%run_scoped3A : memref<!tpu.dma_semaphore, #tpu.memory_space<semaphore_mem>>)
        %dma_wait3A_822 = arith.constant 0 : i32
        %dma_wait3A_823 = arith.constant 0 : i32
        %dma_wait3A_824 = tpu.memref_slice %arg12[%dma_wait3A_822, %dma_wait3A_823] : memref<2x3840xf32, #tpu.memory_space<vmem>> -> memref<2x128xf32, #tpu.memory_space<vmem>>
        %dma_wait3A_825 = arith.constant 0 : i32
        %dma_wait3A_826 = arith.constant 369920 : i32
        %dma_wait3A_827 = tpu.memref_slice %arg7[%dma_wait3A_825, %dma_wait3A_826] : memref<2x450000xf32, #tpu.memory_space<hbm>> -> memref<2x128xf32, #tpu.memory_space<hbm>>
        %dma_wait3A_828 = arith.constant 0 : i32
        %dma_wait3A_829 = arith.constant 369920 : i32
        %dma_wait3A_830 = tpu.memref_slice %arg7[%dma_wait3A_828, %dma_wait3A_829] : memref<2x450000xf32, #tpu.memory_space<hbm>> -> memref<2x128xf32, #tpu.memory_space<hbm>>
        %dma_wait3A_831 = arith.constant 0 : i32
        %dma_wait3A_832 = arith.constant 0 : i32
        %dma_wait3A_833 = tpu.memref_slice %arg12[%dma_wait3A_831, %dma_wait3A_832] : memref<2x3840xf32, #tpu.memory_space<vmem>> -> memref<2x128xf32, #tpu.memory_space<vmem>>
        tpu.wait_dma2 semaphore(%run_scoped3A : memref<!tpu.dma_semaphore, #tpu.memory_space<semaphore_mem>>) src(%dma_wait3A_833 : memref<2x128xf32, #tpu.memory_space<vmem>>) dst(%dma_wait3A_830 : memref<2x128xf32, #tpu.memory_space<hbm>>)
        tpu.yield
      }) : () -> ()
    } else {
    }
    %eq3A_410 = arith.constant 31 : i32
    %eq3A_411 = arith.cmpi eq, %add3A, %eq3A_410 : i32
    %convert_element_type3A_412 = arith.extui %eq3A_411 : i1 to i32
    %cond3A_413 = arith.constant 0 : i32
    %cond3A_414 = arith.cmpi ne, %convert_element_type3A_412, %cond3A_413 : i32
    scf.if %cond3A_414 {
      "tpu.region"() ({
        %run_scoped3A = tpu.sem_alloc : memref<!tpu.dma_semaphore, #tpu.memory_space<semaphore_mem>>
        %dma_start3A_663 = arith.constant 0 : i32
        %dma_start3A_664 = arith.constant 0 : i32
        %dma_start3A_665 = tpu.memref_slice %arg14[%dma_start3A_663, %dma_start3A_664] : memref<5x384xf32, #tpu.memory_space<vmem>> -> memref<5x128xf32, #tpu.memory_space<vmem>>
        %dma_start3A_666 = arith.constant 0 : i32
        %dma_start3A_667 = arith.constant 79872 : i32
        %dma_start3A_668 = tpu.memref_slice %arg5[%dma_start3A_666, %dma_start3A_667] : memref<5x80000xf32, #tpu.memory_space<hbm>> -> memref<5x128xf32, #tpu.memory_space<hbm>>
        %dma_start3A_669 = arith.constant 0 : i32
        %dma_start3A_670 = arith.constant 0 : i32
        %dma_start3A_671 = tpu.memref_slice %arg14[%dma_start3A_669, %dma_start3A_670] : memref<5x384xf32, #tpu.memory_space<vmem>> -> memref<5x128xf32, #tpu.memory_space<vmem>>
        %dma_start3A_672 = arith.constant 0 : i32
        %dma_start3A_673 = arith.constant 79872 : i32
        %dma_start3A_674 = tpu.memref_slice %arg5[%dma_start3A_672, %dma_start3A_673] : memref<5x80000xf32, #tpu.memory_space<hbm>> -> memref<5x128xf32, #tpu.memory_space<hbm>>
        tpu.enqueue_dma source(%dma_start3A_674 : memref<5x128xf32, #tpu.memory_space<hbm>>) target(%dma_start3A_671 : memref<5x128xf32, #tpu.memory_space<vmem>>) target_semaphore(%run_scoped3A : memref<!tpu.dma_semaphore, #tpu.memory_space<semaphore_mem>>)
        %dma_wait3A_675 = arith.constant 0 : i32
        %dma_wait3A_676 = arith.constant 0 : i32
        %dma_wait3A_677 = tpu.memref_slice %arg14[%dma_wait3A_675, %dma_wait3A_676] : memref<5x384xf32, #tpu.memory_space<vmem>> -> memref<5x128xf32, #tpu.memory_space<vmem>>
        %dma_wait3A_678 = arith.constant 0 : i32
        %dma_wait3A_679 = arith.constant 79872 : i32
        %dma_wait3A_680 = tpu.memref_slice %arg5[%dma_wait3A_678, %dma_wait3A_679] : memref<5x80000xf32, #tpu.memory_space<hbm>> -> memref<5x128xf32, #tpu.memory_space<hbm>>
        %dma_wait3A_681 = arith.constant 0 : i32
        %dma_wait3A_682 = arith.constant 0 : i32
        %dma_wait3A_683 = tpu.memref_slice %arg14[%dma_wait3A_681, %dma_wait3A_682] : memref<5x384xf32, #tpu.memory_space<vmem>> -> memref<5x128xf32, #tpu.memory_space<vmem>>
        %dma_wait3A_684 = arith.constant 0 : i32
        %dma_wait3A_685 = arith.constant 79872 : i32
        %dma_wait3A_686 = tpu.memref_slice %arg5[%dma_wait3A_684, %dma_wait3A_685] : memref<5x80000xf32, #tpu.memory_space<hbm>> -> memref<5x128xf32, #tpu.memory_space<hbm>>
        tpu.wait_dma2 semaphore(%run_scoped3A : memref<!tpu.dma_semaphore, #tpu.memory_space<semaphore_mem>>) src(%dma_wait3A_686 : memref<5x128xf32, #tpu.memory_space<hbm>>) dst(%dma_wait3A_683 : memref<5x128xf32, #tpu.memory_space<vmem>>)
        tpu.yield
      }) : () -> ()
      %get3A = arith.constant 0 : i32
      %get3A_415 = arith.index_cast %get3A : i32 to index
      %get3A_416 = arith.constant 48 : index
      %get3A_417 = tpu.vector_load %arg14[%get3A_415, %get3A_416] {strides = array<i32>} : memref<5x384xf32, #tpu.memory_space<vmem>>, vector<16xf32>,
      %get3A_418 = arith.constant 0 : i32
      %get3A_419 = arith.index_cast %get3A_418 : i32 to index
      %get3A_420 = arith.constant 64 : index
      %get3A_421 = tpu.vector_load %arg14[%get3A_419, %get3A_420] {strides = array<i32>} : memref<5x384xf32, #tpu.memory_space<vmem>>, vector<16xf32>,
      %get3A_422 = arith.constant 0 : i32
      %get3A_423 = arith.index_cast %get3A_422 : i32 to index
      %get3A_424 = arith.constant 80 : index
      %get3A_425 = tpu.vector_load %arg14[%get3A_423, %get3A_424] {strides = array<i32>} : memref<5x384xf32, #tpu.memory_space<vmem>>, vector<16xf32>,
      %get3A_426 = arith.constant 0 : i32
      %get3A_427 = arith.index_cast %get3A_426 : i32 to index
      %get3A_428 = arith.constant 96 : index
      %get3A_429 = tpu.vector_load %arg14[%get3A_427, %get3A_428] {strides = array<i32>} : memref<5x384xf32, #tpu.memory_space<vmem>>, vector<16xf32>,
      %get3A_430 = arith.constant 0 : i32
      %get3A_431 = arith.index_cast %get3A_430 : i32 to index
      %get3A_432 = arith.constant 112 : index
      %get3A_433 = tpu.vector_load %arg14[%get3A_431, %get3A_432] {strides = array<i32>} : memref<5x384xf32, #tpu.memory_space<vmem>>, vector<16xf32>,
      %sub3A_434 = arith.constant -5.120000e+01 : f32
      %sub3A_435 = vector.broadcast %sub3A_434 : f32 to vector<16xf32>
      %sub3A_436 = arith.subf %get3A_417, %sub3A_435 : vector<16xf32>
      %swap3A = arith.constant 0 : i32
      %swap3A_437 = arith.index_cast %swap3A : i32 to index
      %swap3A_438 = arith.constant 0 : index
      %swap3A_439 = tpu.vector_load %arg10[%swap3A_437, %swap3A_438] {strides = array<i32>} : memref<3x3840xf32, #tpu.memory_space<vmem>>, vector<16xf32>,
      tpu.vector_store %arg10[%swap3A_437, %swap3A_438], %sub3A_436 {strides = array<i32>} : memref<3x3840xf32, #tpu.memory_space<vmem>>, vector<16xf32>,
      %sub3A_440 = arith.constant -5.120000e+01 : f32
      %sub3A_441 = vector.broadcast %sub3A_440 : f32 to vector<16xf32>
      %sub3A_442 = arith.subf %get3A_421, %sub3A_441 : vector<16xf32>
      %swap3A_443 = arith.constant 0 : i32
      %swap3A_444 = arith.index_cast %swap3A_443 : i32 to index
      %swap3A_445 = arith.constant 16 : index
      %swap3A_446 = tpu.vector_load %arg10[%swap3A_444, %swap3A_445] {strides = array<i32>} : memref<3x3840xf32, #tpu.memory_space<vmem>>, vector<16xf32>,
      tpu.vector_store %arg10[%swap3A_444, %swap3A_445], %sub3A_442 {strides = array<i32>} : memref<3x3840xf32, #tpu.memory_space<vmem>>, vector<16xf32>,
      %sub3A_447 = arith.constant -5.120000e+01 : f32
      %sub3A_448 = vector.broadcast %sub3A_447 : f32 to vector<16xf32>
      %sub3A_449 = arith.subf %get3A_425, %sub3A_448 : vector<16xf32>
      %swap3A_450 = arith.constant 0 : i32
      %swap3A_451 = arith.index_cast %swap3A_450 : i32 to index
      %swap3A_452 = arith.constant 32 : index
      %swap3A_453 = tpu.vector_load %arg10[%swap3A_451, %swap3A_452] {strides = array<i32>} : memref<3x3840xf32, #tpu.memory_space<vmem>>, vector<16xf32>,
      tpu.vector_store %arg10[%swap3A_451, %swap3A_452], %sub3A_449 {strides = array<i32>} : memref<3x3840xf32, #tpu.memory_space<vmem>>, vector<16xf32>,
      %sub3A_454 = arith.constant -5.120000e+01 : f32
      %sub3A_455 = vector.broadcast %sub3A_454 : f32 to vector<16xf32>
      %sub3A_456 = arith.subf %get3A_429, %sub3A_455 : vector<16xf32>
      %swap3A_457 = arith.constant 0 : i32
      %swap3A_458 = arith.index_cast %swap3A_457 : i32 to index
      %swap3A_459 = arith.constant 48 : index
      %swap3A_460 = tpu.vector_load %arg10[%swap3A_458, %swap3A_459] {strides = array<i32>} : memref<3x3840xf32, #tpu.memory_space<vmem>>, vector<16xf32>,
      tpu.vector_store %arg10[%swap3A_458, %swap3A_459], %sub3A_456 {strides = array<i32>} : memref<3x3840xf32, #tpu.memory_space<vmem>>, vector<16xf32>,
      %sub3A_461 = arith.constant -5.120000e+01 : f32
      %sub3A_462 = vector.broadcast %sub3A_461 : f32 to vector<16xf32>
      %sub3A_463 = arith.subf %get3A_433, %sub3A_462 : vector<16xf32>
      %swap3A_464 = arith.constant 0 : i32
      %swap3A_465 = arith.index_cast %swap3A_464 : i32 to index
      %swap3A_466 = arith.constant 64 : index
      %swap3A_467 = tpu.vector_load %arg10[%swap3A_465, %swap3A_466] {strides = array<i32>} : memref<3x3840xf32, #tpu.memory_space<vmem>>, vector<16xf32>,
      tpu.vector_store %arg10[%swap3A_465, %swap3A_466], %sub3A_463 {strides = array<i32>} : memref<3x3840xf32, #tpu.memory_space<vmem>>, vector<16xf32>,
      %get3A_468 = arith.constant 1 : i32
      %get3A_469 = arith.index_cast %get3A_468 : i32 to index
      %get3A_470 = arith.constant 48 : index
      %get3A_471 = tpu.vector_load %arg14[%get3A_469, %get3A_470] {strides = array<i32>} : memref<5x384xf32, #tpu.memory_space<vmem>>, vector<16xf32>,
      %get3A_472 = arith.constant 1 : i32
      %get3A_473 = arith.index_cast %get3A_472 : i32 to index
      %get3A_474 = arith.constant 64 : index
      %get3A_475 = tpu.vector_load %arg14[%get3A_473, %get3A_474] {strides = array<i32>} : memref<5x384xf32, #tpu.memory_space<vmem>>, vector<16xf32>,
      %get3A_476 = arith.constant 1 : i32
      %get3A_477 = arith.index_cast %get3A_476 : i32 to index
      %get3A_478 = arith.constant 80 : index
      %get3A_479 = tpu.vector_load %arg14[%get3A_477, %get3A_478] {strides = array<i32>} : memref<5x384xf32, #tpu.memory_space<vmem>>, vector<16xf32>,
      %get3A_480 = arith.constant 1 : i32
      %get3A_481 = arith.index_cast %get3A_480 : i32 to index
      %get3A_482 = arith.constant 96 : index
      %get3A_483 = tpu.vector_load %arg14[%get3A_481, %get3A_482] {strides = array<i32>} : memref<5x384xf32, #tpu.memory_space<vmem>>, vector<16xf32>,
      %get3A_484 = arith.constant 1 : i32
      %get3A_485 = arith.index_cast %get3A_484 : i32 to index
      %get3A_486 = arith.constant 112 : index
      %get3A_487 = tpu.vector_load %arg14[%get3A_485, %get3A_486] {strides = array<i32>} : memref<5x384xf32, #tpu.memory_space<vmem>>, vector<16xf32>,
      %sub3A_488 = arith.constant -5.120000e+01 : f32
      %sub3A_489 = vector.broadcast %sub3A_488 : f32 to vector<16xf32>
      %sub3A_490 = arith.subf %get3A_471, %sub3A_489 : vector<16xf32>
      %swap3A_491 = arith.constant 1 : i32
      %swap3A_492 = arith.index_cast %swap3A_491 : i32 to index
      %swap3A_493 = arith.constant 0 : index
      %swap3A_494 = tpu.vector_load %arg10[%swap3A_492, %swap3A_493] {strides = array<i32>} : memref<3x3840xf32, #tpu.memory_space<vmem>>, vector<16xf32>,
      tpu.vector_store %arg10[%swap3A_492, %swap3A_493], %sub3A_490 {strides = array<i32>} : memref<3x3840xf32, #tpu.memory_space<vmem>>, vector<16xf32>,
      %sub3A_495 = arith.constant -5.120000e+01 : f32
      %sub3A_496 = vector.broadcast %sub3A_495 : f32 to vector<16xf32>
      %sub3A_497 = arith.subf %get3A_475, %sub3A_496 : vector<16xf32>
      %swap3A_498 = arith.constant 1 : i32
      %swap3A_499 = arith.index_cast %swap3A_498 : i32 to index
      %swap3A_500 = arith.constant 16 : index
      %swap3A_501 = tpu.vector_load %arg10[%swap3A_499, %swap3A_500] {strides = array<i32>} : memref<3x3840xf32, #tpu.memory_space<vmem>>, vector<16xf32>,
      tpu.vector_store %arg10[%swap3A_499, %swap3A_500], %sub3A_497 {strides = array<i32>} : memref<3x3840xf32, #tpu.memory_space<vmem>>, vector<16xf32>,
      %sub3A_502 = arith.constant -5.120000e+01 : f32
      %sub3A_503 = vector.broadcast %sub3A_502 : f32 to vector<16xf32>
      %sub3A_504 = arith.subf %get3A_479, %sub3A_503 : vector<16xf32>
      %swap3A_505 = arith.constant 1 : i32
      %swap3A_506 = arith.index_cast %swap3A_505 : i32 to index
      %swap3A_507 = arith.constant 32 : index
      %swap3A_508 = tpu.vector_load %arg10[%swap3A_506, %swap3A_507] {strides = array<i32>} : memref<3x3840xf32, #tpu.memory_space<vmem>>, vector<16xf32>,
      tpu.vector_store %arg10[%swap3A_506, %swap3A_507], %sub3A_504 {strides = array<i32>} : memref<3x3840xf32, #tpu.memory_space<vmem>>, vector<16xf32>,
      %sub3A_509 = arith.constant -5.120000e+01 : f32
      %sub3A_510 = vector.broadcast %sub3A_509 : f32 to vector<16xf32>
      %sub3A_511 = arith.subf %get3A_483, %sub3A_510 : vector<16xf32>
      %swap3A_512 = arith.constant 1 : i32
      %swap3A_513 = arith.index_cast %swap3A_512 : i32 to index
      %swap3A_514 = arith.constant 48 : index
      %swap3A_515 = tpu.vector_load %arg10[%swap3A_513, %swap3A_514] {strides = array<i32>} : memref<3x3840xf32, #tpu.memory_space<vmem>>, vector<16xf32>,
      tpu.vector_store %arg10[%swap3A_513, %swap3A_514], %sub3A_511 {strides = array<i32>} : memref<3x3840xf32, #tpu.memory_space<vmem>>, vector<16xf32>,
      %sub3A_516 = arith.constant -5.120000e+01 : f32
      %sub3A_517 = vector.broadcast %sub3A_516 : f32 to vector<16xf32>
      %sub3A_518 = arith.subf %get3A_487, %sub3A_517 : vector<16xf32>
      %swap3A_519 = arith.constant 1 : i32
      %swap3A_520 = arith.index_cast %swap3A_519 : i32 to index
      %swap3A_521 = arith.constant 64 : index
      %swap3A_522 = tpu.vector_load %arg10[%swap3A_520, %swap3A_521] {strides = array<i32>} : memref<3x3840xf32, #tpu.memory_space<vmem>>, vector<16xf32>,
      tpu.vector_store %arg10[%swap3A_520, %swap3A_521], %sub3A_518 {strides = array<i32>} : memref<3x3840xf32, #tpu.memory_space<vmem>>, vector<16xf32>,
      %get3A_523 = arith.constant 2 : i32
      %get3A_524 = arith.index_cast %get3A_523 : i32 to index
      %get3A_525 = arith.constant 48 : index
      %get3A_526 = tpu.vector_load %arg14[%get3A_524, %get3A_525] {strides = array<i32>} : memref<5x384xf32, #tpu.memory_space<vmem>>, vector<16xf32>,
      %get3A_527 = arith.constant 2 : i32
      %get3A_528 = arith.index_cast %get3A_527 : i32 to index
      %get3A_529 = arith.constant 64 : index
      %get3A_530 = tpu.vector_load %arg14[%get3A_528, %get3A_529] {strides = array<i32>} : memref<5x384xf32, #tpu.memory_space<vmem>>, vector<16xf32>,
      %get3A_531 = arith.constant 2 : i32
      %get3A_532 = arith.index_cast %get3A_531 : i32 to index
      %get3A_533 = arith.constant 80 : index
      %get3A_534 = tpu.vector_load %arg14[%get3A_532, %get3A_533] {strides = array<i32>} : memref<5x384xf32, #tpu.memory_space<vmem>>, vector<16xf32>,
      %get3A_535 = arith.constant 2 : i32
      %get3A_536 = arith.index_cast %get3A_535 : i32 to index
      %get3A_537 = arith.constant 96 : index
      %get3A_538 = tpu.vector_load %arg14[%get3A_536, %get3A_537] {strides = array<i32>} : memref<5x384xf32, #tpu.memory_space<vmem>>, vector<16xf32>,
      %get3A_539 = arith.constant 2 : i32
      %get3A_540 = arith.index_cast %get3A_539 : i32 to index
      %get3A_541 = arith.constant 112 : index
      %get3A_542 = tpu.vector_load %arg14[%get3A_540, %get3A_541] {strides = array<i32>} : memref<5x384xf32, #tpu.memory_space<vmem>>, vector<16xf32>,
      %sub3A_543 = arith.constant -5.000000e+00 : f32
      %sub3A_544 = vector.broadcast %sub3A_543 : f32 to vector<16xf32>
      %sub3A_545 = arith.subf %get3A_526, %sub3A_544 : vector<16xf32>
      %swap3A_546 = arith.constant 2 : i32
      %swap3A_547 = arith.index_cast %swap3A_546 : i32 to index
      %swap3A_548 = arith.constant 0 : index
      %swap3A_549 = tpu.vector_load %arg10[%swap3A_547, %swap3A_548] {strides = array<i32>} : memref<3x3840xf32, #tpu.memory_space<vmem>>, vector<16xf32>,
      tpu.vector_store %arg10[%swap3A_547, %swap3A_548], %sub3A_545 {strides = array<i32>} : memref<3x3840xf32, #tpu.memory_space<vmem>>, vector<16xf32>,
      %sub3A_550 = arith.constant -5.000000e+00 : f32
      %sub3A_551 = vector.broadcast %sub3A_550 : f32 to vector<16xf32>
      %sub3A_552 = arith.subf %get3A_530, %sub3A_551 : vector<16xf32>
      %swap3A_553 = arith.constant 2 : i32
      %swap3A_554 = arith.index_cast %swap3A_553 : i32 to index
      %swap3A_555 = arith.constant 16 : index
      %swap3A_556 = tpu.vector_load %arg10[%swap3A_554, %swap3A_555] {strides = array<i32>} : memref<3x3840xf32, #tpu.memory_space<vmem>>, vector<16xf32>,
      tpu.vector_store %arg10[%swap3A_554, %swap3A_555], %sub3A_552 {strides = array<i32>} : memref<3x3840xf32, #tpu.memory_space<vmem>>, vector<16xf32>,
      %sub3A_557 = arith.constant -5.000000e+00 : f32
      %sub3A_558 = vector.broadcast %sub3A_557 : f32 to vector<16xf32>
      %sub3A_559 = arith.subf %get3A_534, %sub3A_558 : vector<16xf32>
      %swap3A_560 = arith.constant 2 : i32
      %swap3A_561 = arith.index_cast %swap3A_560 : i32 to index
      %swap3A_562 = arith.constant 32 : index
      %swap3A_563 = tpu.vector_load %arg10[%swap3A_561, %swap3A_562] {strides = array<i32>} : memref<3x3840xf32, #tpu.memory_space<vmem>>, vector<16xf32>,
      tpu.vector_store %arg10[%swap3A_561, %swap3A_562], %sub3A_559 {strides = array<i32>} : memref<3x3840xf32, #tpu.memory_space<vmem>>, vector<16xf32>,
      %sub3A_564 = arith.constant -5.000000e+00 : f32
      %sub3A_565 = vector.broadcast %sub3A_564 : f32 to vector<16xf32>
      %sub3A_566 = arith.subf %get3A_538, %sub3A_565 : vector<16xf32>
      %swap3A_567 = arith.constant 2 : i32
      %swap3A_568 = arith.index_cast %swap3A_567 : i32 to index
      %swap3A_569 = arith.constant 48 : index
      %swap3A_570 = tpu.vector_load %arg10[%swap3A_568, %swap3A_569] {strides = array<i32>} : memref<3x3840xf32, #tpu.memory_space<vmem>>, vector<16xf32>,
      tpu.vector_store %arg10[%swap3A_568, %swap3A_569], %sub3A_566 {strides = array<i32>} : memref<3x3840xf32, #tpu.memory_space<vmem>>, vector<16xf32>,
      %sub3A_571 = arith.constant -5.000000e+00 : f32
      %sub3A_572 = vector.broadcast %sub3A_571 : f32 to vector<16xf32>
      %sub3A_573 = arith.subf %get3A_542, %sub3A_572 : vector<16xf32>
      %swap3A_574 = arith.constant 2 : i32
      %swap3A_575 = arith.index_cast %swap3A_574 : i32 to index
      %swap3A_576 = arith.constant 64 : index
      %swap3A_577 = tpu.vector_load %arg10[%swap3A_575, %swap3A_576] {strides = array<i32>} : memref<3x3840xf32, #tpu.memory_space<vmem>>, vector<16xf32>,
      tpu.vector_store %arg10[%swap3A_575, %swap3A_576], %sub3A_573 {strides = array<i32>} : memref<3x3840xf32, #tpu.memory_space<vmem>>, vector<16xf32>,
      %get3A_578 = arith.constant 3 : i32
      %get3A_579 = arith.index_cast %get3A_578 : i32 to index
      %get3A_580 = arith.constant 48 : index
      %get3A_581 = tpu.vector_load %arg14[%get3A_579, %get3A_580] {strides = array<i32>} : memref<5x384xf32, #tpu.memory_space<vmem>>, vector<16xf32>,
      %get3A_582 = arith.constant 3 : i32
      %get3A_583 = arith.index_cast %get3A_582 : i32 to index
      %get3A_584 = arith.constant 64 : index
      %get3A_585 = tpu.vector_load %arg14[%get3A_583, %get3A_584] {strides = array<i32>} : memref<5x384xf32, #tpu.memory_space<vmem>>, vector<16xf32>,
      %get3A_586 = arith.constant 3 : i32
      %get3A_587 = arith.index_cast %get3A_586 : i32 to index
      %get3A_588 = arith.constant 80 : index
      %get3A_589 = tpu.vector_load %arg14[%get3A_587, %get3A_588] {strides = array<i32>} : memref<5x384xf32, #tpu.memory_space<vmem>>, vector<16xf32>,
      %get3A_590 = arith.constant 3 : i32
      %get3A_591 = arith.index_cast %get3A_590 : i32 to index
      %get3A_592 = arith.constant 96 : index
      %get3A_593 = tpu.vector_load %arg14[%get3A_591, %get3A_592] {strides = array<i32>} : memref<5x384xf32, #tpu.memory_space<vmem>>, vector<16xf32>,
      %get3A_594 = arith.constant 3 : i32
      %get3A_595 = arith.index_cast %get3A_594 : i32 to index
      %get3A_596 = arith.constant 112 : index
      %get3A_597 = tpu.vector_load %arg14[%get3A_595, %get3A_596] {strides = array<i32>} : memref<5x384xf32, #tpu.memory_space<vmem>>, vector<16xf32>,
      %swap3A_598 = arith.constant 0 : i32
      %swap3A_599 = arith.index_cast %swap3A_598 : i32 to index
      %swap3A_600 = arith.constant 0 : index
      %swap3A_601 = tpu.vector_load %arg12[%swap3A_599, %swap3A_600] {strides = array<i32>} : memref<2x3840xf32, #tpu.memory_space<vmem>>, vector<16xf32>,
      tpu.vector_store %arg12[%swap3A_599, %swap3A_600], %get3A_581 {strides = array<i32>} : memref<2x3840xf32, #tpu.memory_space<vmem>>, vector<16xf32>,
      %swap3A_602 = arith.constant 0 : i32
      %swap3A_603 = arith.index_cast %swap3A_602 : i32 to index
      %swap3A_604 = arith.constant 16 : index
      %swap3A_605 = tpu.vector_load %arg12[%swap3A_603, %swap3A_604] {strides = array<i32>} : memref<2x3840xf32, #tpu.memory_space<vmem>>, vector<16xf32>,
      tpu.vector_store %arg12[%swap3A_603, %swap3A_604], %get3A_585 {strides = array<i32>} : memref<2x3840xf32, #tpu.memory_space<vmem>>, vector<16xf32>,
      %swap3A_606 = arith.constant 0 : i32
      %swap3A_607 = arith.index_cast %swap3A_606 : i32 to index
      %swap3A_608 = arith.constant 32 : index
      %swap3A_609 = tpu.vector_load %arg12[%swap3A_607, %swap3A_608] {strides = array<i32>} : memref<2x3840xf32, #tpu.memory_space<vmem>>, vector<16xf32>,
      tpu.vector_store %arg12[%swap3A_607, %swap3A_608], %get3A_589 {strides = array<i32>} : memref<2x3840xf32, #tpu.memory_space<vmem>>, vector<16xf32>,
      %swap3A_610 = arith.constant 0 : i32
      %swap3A_611 = arith.index_cast %swap3A_610 : i32 to index
      %swap3A_612 = arith.constant 48 : index
      %swap3A_613 = tpu.vector_load %arg12[%swap3A_611, %swap3A_612] {strides = array<i32>} : memref<2x3840xf32, #tpu.memory_space<vmem>>, vector<16xf32>,
      tpu.vector_store %arg12[%swap3A_611, %swap3A_612], %get3A_593 {strides = array<i32>} : memref<2x3840xf32, #tpu.memory_space<vmem>>, vector<16xf32>,
      %swap3A_614 = arith.constant 0 : i32
      %swap3A_615 = arith.index_cast %swap3A_614 : i32 to index
      %swap3A_616 = arith.constant 64 : index
      %swap3A_617 = tpu.vector_load %arg12[%swap3A_615, %swap3A_616] {strides = array<i32>} : memref<2x3840xf32, #tpu.memory_space<vmem>>, vector<16xf32>,
      tpu.vector_store %arg12[%swap3A_615, %swap3A_616], %get3A_597 {strides = array<i32>} : memref<2x3840xf32, #tpu.memory_space<vmem>>, vector<16xf32>,
      %get3A_618 = arith.constant 4 : i32
      %get3A_619 = arith.index_cast %get3A_618 : i32 to index
      %get3A_620 = arith.constant 48 : index
      %get3A_621 = tpu.vector_load %arg14[%get3A_619, %get3A_620] {strides = array<i32>} : memref<5x384xf32, #tpu.memory_space<vmem>>, vector<16xf32>,
      %get3A_622 = arith.constant 4 : i32
      %get3A_623 = arith.index_cast %get3A_622 : i32 to index
      %get3A_624 = arith.constant 64 : index
      %get3A_625 = tpu.vector_load %arg14[%get3A_623, %get3A_624] {strides = array<i32>} : memref<5x384xf32, #tpu.memory_space<vmem>>, vector<16xf32>,
      %get3A_626 = arith.constant 4 : i32
      %get3A_627 = arith.index_cast %get3A_626 : i32 to index
      %get3A_628 = arith.constant 80 : index
      %get3A_629 = tpu.vector_load %arg14[%get3A_627, %get3A_628] {strides = array<i32>} : memref<5x384xf32, #tpu.memory_space<vmem>>, vector<16xf32>,
      %get3A_630 = arith.constant 4 : i32
      %get3A_631 = arith.index_cast %get3A_630 : i32 to index
      %get3A_632 = arith.constant 96 : index
      %get3A_633 = tpu.vector_load %arg14[%get3A_631, %get3A_632] {strides = array<i32>} : memref<5x384xf32, #tpu.memory_space<vmem>>, vector<16xf32>,
      %get3A_634 = arith.constant 4 : i32
      %get3A_635 = arith.index_cast %get3A_634 : i32 to index
      %get3A_636 = arith.constant 112 : index
      %get3A_637 = tpu.vector_load %arg14[%get3A_635, %get3A_636] {strides = array<i32>} : memref<5x384xf32, #tpu.memory_space<vmem>>, vector<16xf32>,
      %swap3A_638 = arith.constant 1 : i32
      %swap3A_639 = arith.index_cast %swap3A_638 : i32 to index
      %swap3A_640 = arith.constant 0 : index
      %swap3A_641 = tpu.vector_load %arg12[%swap3A_639, %swap3A_640] {strides = array<i32>} : memref<2x3840xf32, #tpu.memory_space<vmem>>, vector<16xf32>,
      tpu.vector_store %arg12[%swap3A_639, %swap3A_640], %get3A_621 {strides = array<i32>} : memref<2x3840xf32, #tpu.memory_space<vmem>>, vector<16xf32>,
      %swap3A_642 = arith.constant 1 : i32
      %swap3A_643 = arith.index_cast %swap3A_642 : i32 to index
      %swap3A_644 = arith.constant 16 : index
      %swap3A_645 = tpu.vector_load %arg12[%swap3A_643, %swap3A_644] {strides = array<i32>} : memref<2x3840xf32, #tpu.memory_space<vmem>>, vector<16xf32>,
      tpu.vector_store %arg12[%swap3A_643, %swap3A_644], %get3A_625 {strides = array<i32>} : memref<2x3840xf32, #tpu.memory_space<vmem>>, vector<16xf32>,
      %swap3A_646 = arith.constant 1 : i32
      %swap3A_647 = arith.index_cast %swap3A_646 : i32 to index
      %swap3A_648 = arith.constant 32 : index
      %swap3A_649 = tpu.vector_load %arg12[%swap3A_647, %swap3A_648] {strides = array<i32>} : memref<2x3840xf32, #tpu.memory_space<vmem>>, vector<16xf32>,
      tpu.vector_store %arg12[%swap3A_647, %swap3A_648], %get3A_629 {strides = array<i32>} : memref<2x3840xf32, #tpu.memory_space<vmem>>, vector<16xf32>,
      %swap3A_650 = arith.constant 1 : i32
      %swap3A_651 = arith.index_cast %swap3A_650 : i32 to index
      %swap3A_652 = arith.constant 48 : index
      %swap3A_653 = tpu.vector_load %arg12[%swap3A_651, %swap3A_652] {strides = array<i32>} : memref<2x3840xf32, #tpu.memory_space<vmem>>, vector<16xf32>,
      tpu.vector_store %arg12[%swap3A_651, %swap3A_652], %get3A_633 {strides = array<i32>} : memref<2x3840xf32, #tpu.memory_space<vmem>>, vector<16xf32>,
      %swap3A_654 = arith.constant 1 : i32
      %swap3A_655 = arith.index_cast %swap3A_654 : i32 to index
      %swap3A_656 = arith.constant 64 : index
      %swap3A_657 = tpu.vector_load %arg12[%swap3A_655, %swap3A_656] {strides = array<i32>} : memref<2x3840xf32, #tpu.memory_space<vmem>>, vector<16xf32>,
      tpu.vector_store %arg12[%swap3A_655, %swap3A_656], %get3A_637 {strides = array<i32>} : memref<2x3840xf32, #tpu.memory_space<vmem>>, vector<16xf32>,
      %mul3A_658 = arith.constant 0 : i32
      %mul3A_659 = arith.muli %mul3A_658, %add3A : i32
      %add3A_660 = arith.constant 449920 : i32
      %add3A_661 = arith.addi %add3A_660, %mul3A_659 : i32
      %multiple_of3A_662 = tpu.assume_multiple %add3A_661, 128 : i32
      "tpu.region"() ({
        %run_scoped3A = tpu.sem_alloc : memref<!tpu.dma_semaphore, #tpu.memory_space<semaphore_mem>>
        %dma_start3A_663 = arith.constant 0 : i32
        %dma_start3A_664 = arith.constant 0 : i32
        %dma_start3A_665 = tpu.memref_slice %arg10[%dma_start3A_663, %dma_start3A_664] : memref<3x3840xf32, #tpu.memory_space<vmem>> -> memref<3x128xf32, #tpu.memory_space<vmem>>
        %dma_start3A_666 = arith.constant 0 : i32
        %dma_start3A_667 = tpu.memref_slice %arg6[%dma_start3A_666, %multiple_of3A_662] : memref<3x450000xf32, #tpu.memory_space<hbm>> -> memref<3x128xf32, #tpu.memory_space<hbm>>
        %dma_start3A_668 = arith.constant 0 : i32
        %dma_start3A_669 = tpu.memref_slice %arg6[%dma_start3A_668, %multiple_of3A_662] : memref<3x450000xf32, #tpu.memory_space<hbm>> -> memref<3x128xf32, #tpu.memory_space<hbm>>
        %dma_start3A_670 = arith.constant 0 : i32
        %dma_start3A_671 = arith.constant 0 : i32
        %dma_start3A_672 = tpu.memref_slice %arg10[%dma_start3A_670, %dma_start3A_671] : memref<3x3840xf32, #tpu.memory_space<vmem>> -> memref<3x128xf32, #tpu.memory_space<vmem>>
        tpu.enqueue_dma source(%dma_start3A_672 : memref<3x128xf32, #tpu.memory_space<vmem>>) target(%dma_start3A_669 : memref<3x128xf32, #tpu.memory_space<hbm>>) target_semaphore(%run_scoped3A : memref<!tpu.dma_semaphore, #tpu.memory_space<semaphore_mem>>)
        %dma_wait3A_673 = arith.constant 0 : i32
        %dma_wait3A_674 = arith.constant 0 : i32
        %dma_wait3A_675 = tpu.memref_slice %arg10[%dma_wait3A_673, %dma_wait3A_674] : memref<3x3840xf32, #tpu.memory_space<vmem>> -> memref<3x128xf32, #tpu.memory_space<vmem>>
        %dma_wait3A_676 = arith.constant 0 : i32
        %dma_wait3A_677 = tpu.memref_slice %arg6[%dma_wait3A_676, %multiple_of3A_662] : memref<3x450000xf32, #tpu.memory_space<hbm>> -> memref<3x128xf32, #tpu.memory_space<hbm>>
        %dma_wait3A_678 = arith.constant 0 : i32
        %dma_wait3A_679 = tpu.memref_slice %arg6[%dma_wait3A_678, %multiple_of3A_662] : memref<3x450000xf32, #tpu.memory_space<hbm>> -> memref<3x128xf32, #tpu.memory_space<hbm>>
        %dma_wait3A_680 = arith.constant 0 : i32
        %dma_wait3A_681 = arith.constant 0 : i32
        %dma_wait3A_682 = tpu.memref_slice %arg10[%dma_wait3A_680, %dma_wait3A_681] : memref<3x3840xf32, #tpu.memory_space<vmem>> -> memref<3x128xf32, #tpu.memory_space<vmem>>
        tpu.wait_dma2 semaphore(%run_scoped3A : memref<!tpu.dma_semaphore, #tpu.memory_space<semaphore_mem>>) src(%dma_wait3A_682 : memref<3x128xf32, #tpu.memory_space<vmem>>) dst(%dma_wait3A_679 : memref<3x128xf32, #tpu.memory_space<hbm>>)
        tpu.yield
      }) : () -> ()
      "tpu.region"() ({
        %run_scoped3A = tpu.sem_alloc : memref<!tpu.dma_semaphore, #tpu.memory_space<semaphore_mem>>
        %dma_start3A_663 = arith.constant 0 : i32
        %dma_start3A_664 = arith.constant 0 : i32
        %dma_start3A_665 = tpu.memref_slice %arg12[%dma_start3A_663, %dma_start3A_664] : memref<2x3840xf32, #tpu.memory_space<vmem>> -> memref<2x128xf32, #tpu.memory_space<vmem>>
        %dma_start3A_666 = arith.constant 0 : i32
        %dma_start3A_667 = tpu.memref_slice %arg7[%dma_start3A_666, %multiple_of3A_662] : memref<2x450000xf32, #tpu.memory_space<hbm>> -> memref<2x128xf32, #tpu.memory_space<hbm>>
        %dma_start3A_668 = arith.constant 0 : i32
        %dma_start3A_669 = tpu.memref_slice %arg7[%dma_start3A_668, %multiple_of3A_662] : memref<2x450000xf32, #tpu.memory_space<hbm>> -> memref<2x128xf32, #tpu.memory_space<hbm>>
        %dma_start3A_670 = arith.constant 0 : i32
        %dma_start3A_671 = arith.constant 0 : i32
        %dma_start3A_672 = tpu.memref_slice %arg12[%dma_start3A_670, %dma_start3A_671] : memref<2x3840xf32, #tpu.memory_space<vmem>> -> memref<2x128xf32, #tpu.memory_space<vmem>>
        tpu.enqueue_dma source(%dma_start3A_672 : memref<2x128xf32, #tpu.memory_space<vmem>>) target(%dma_start3A_669 : memref<2x128xf32, #tpu.memory_space<hbm>>) target_semaphore(%run_scoped3A : memref<!tpu.dma_semaphore, #tpu.memory_space<semaphore_mem>>)
        %dma_wait3A_673 = arith.constant 0 : i32
        %dma_wait3A_674 = arith.constant 0 : i32
        %dma_wait3A_675 = tpu.memref_slice %arg12[%dma_wait3A_673, %dma_wait3A_674] : memref<2x3840xf32, #tpu.memory_space<vmem>> -> memref<2x128xf32, #tpu.memory_space<vmem>>
        %dma_wait3A_676 = arith.constant 0 : i32
        %dma_wait3A_677 = tpu.memref_slice %arg7[%dma_wait3A_676, %multiple_of3A_662] : memref<2x450000xf32, #tpu.memory_space<hbm>> -> memref<2x128xf32, #tpu.memory_space<hbm>>
        %dma_wait3A_678 = arith.constant 0 : i32
        %dma_wait3A_679 = tpu.memref_slice %arg7[%dma_wait3A_678, %multiple_of3A_662] : memref<2x450000xf32, #tpu.memory_space<hbm>> -> memref<2x128xf32, #tpu.memory_space<hbm>>
        %dma_wait3A_680 = arith.constant 0 : i32
        %dma_wait3A_681 = arith.constant 0 : i32
        %dma_wait3A_682 = tpu.memref_slice %arg12[%dma_wait3A_680, %dma_wait3A_681] : memref<2x3840xf32, #tpu.memory_space<vmem>> -> memref<2x128xf32, #tpu.memory_space<vmem>>
        tpu.wait_dma2 semaphore(%run_scoped3A : memref<!tpu.dma_semaphore, #tpu.memory_space<semaphore_mem>>) src(%dma_wait3A_682 : memref<2x128xf32, #tpu.memory_space<vmem>>) dst(%dma_wait3A_679 : memref<2x128xf32, #tpu.memory_space<hbm>>)
        tpu.yield
      }) : () -> ()
    } else {
    }
    return
  }
}

</mosaic_0001>

<sc_bundles>
// kernel: _downsample.3.cloned.1.call-start
scs
__scs_entry_jumppad:
0x0: {  	(pc) =	sbr.rel $0x88, $3  }
0x1: {  	(tag) =	ssettag $0x0;
	lr =	simm.s32 $0x1  }
0x2: {  	[smem:$0x3F9D] =	sst lr;
	_ =	strace $0xD0000000  }
0x3: {  	_ = 	snop  }
0x4: {  	_ = 	snop  }
0x5: {  	_ = 	snop  }
0x6: {  	_ = 	snop  }
0x7: {  	_ = 	snop  }
__scs_overlays_trampoline_lowered:
0x8: {  	[smem:$0x3FAC] =	sst s0  }
0x9: {  	[smem:$0x3FAD] =	sst s1  }
0xa: {  	[smem:$0x3FAE] =	sst s2  }
0xb: {  	[smem:$0x3FAF] =	sst s3  }
0xc: {  	[smem:$0x3FB0] =	sst s4  }
0xd: {  	[smem:$0x3FB1] =	sst s5  }
0xe: {  	[smem:$0x3FB2] =	sst s6  }
0xf: {  	[smem:$0x3FB3] =	sst s7  }
0x10: {  	[smem:$0x3FB4] =	sst s8  }
0x11: {  	[smem:$0x3FB5] =	sst s9;
	s0 =	simm.s32 @!p0 $0x0  }
0x12: {  	s1 =	sld [smem:$0x3F9B];
	s0 =	simm.s32 @p0 $0x1  }
0x13: {  	[smem:$0x3FB6] =	sst s0;
	s0 =	simm.s32 @!p1 $0x0  }
0x14: {  	s2 =	sld [smem:$0x3F9A];
	s0 =	simm.s32 @p1 $0x1  }
0x15: {  	[smem:$0x3FB7] =	sst s0;
	s0 =	simm.s32 @!p2 $0x0  }
0x16: {  	s3 =	sld [smem:$0x3FDB];
	s0 =	simm.s32 @p2 $0x1  }
0x17: {  	s4 =	simm.s32 $0x1BF5;
	[smem:$0x3FB9] =	sst s0  }
0x18: {  	s0 =	sld [smem:$0x3F9C];
	_ =	swait.ge [sflag:s4], $0x0  }
0x19: {  	s7 =	sld [smem:$0x3F9D]  }
0x1a: {  	s8 =	sadd.s32 $0xFFFFE003, lr  }
0x1b: {  	s9 =	sadd.s32 $0xFFFFFEF7, lr;
	s5 =	simm.s32 $0xFFFFFFFF;
	p2 =	slt.u32 s8, $0xFFFFF086  }
0x1c: {  	p1 =	slt.u32 s9, $0xF7A;
	s5 =	simm.s32 @!p2 $0x0  }
0x1d: {  	s5 =	simm.s32 @p1 $0x1;
	p0 =	seq.s32 s7, s2  }
0x1e: {  	s7 =	smul.u32 @!p0 $0xF7A, s2;
	p2 =	seq.s32 @!p0 s5, $0x0  }
0x1f: {  	s9 =	smul.u32 $0xF7A, s1;
	s8 =	simm.s32 @!p0 $0x1BF5;
	p2 =	por !p2, p0  }
0x20: {  	[sflag:s8] =	ssyncset.s32 @!p0 $0xFFFFF086;
	s6 =	sadd.s32 @!p0 s3, s7;
	s7 =	simm.s32 @!p0 $0x108  }
0x21: {  	s3 =	sadd.s32 s3, s9;
	s6 =	sadd.s32 @!p0 $0x88, s6;
	s7 =	simm.s32 @p2 $0x1082  }
0x22: {  	[simem:s7], [sflag:s8] =	dma.local @!p0 [hbm:s6], $0xF7A  }
0x23: {  	s9 =	sor.u32 $0xD0000000, s2;
	s6 =	simm.s32 $0x108;
	_ =	swait.ge @!p0 [sflag:s8], $0x0  }
0x24: {  	s3 =	sadd.s32 $0x88, s3;
	s6 =	simm.s32 @!p1 $0x1082;
	[sflag:s4] =	ssyncset.s32 $0xFFFFF086  }
0x25: {  	[simem:s6], [sflag:s4] =	dma.local [hbm:s3], $0xF7A  }
0x26: {  	[smem:$0x3F9D] =	sst s1;
	(tag) =	ssettag s2;
	_ =	strace s9  }
0x27: {  	s1 =	sld [smem:$0x3FAD]  }
0x28: {  	s2 =	sld [smem:$0x3FAE]  }
0x29: {  	s4 =	sld [smem:$0x3FB0]  }
0x2a: {  	p0 =	seq.s32 s5, $0x0;
	s5 =	sld [smem:$0x3FB1]  }
0x2b: {  	s6 =	sld [smem:$0x3FB2]  }
0x2c: {  	s7 =	sld [smem:$0x3FB3]  }
0x2d: {  	s3 =	simm.s32 $0x108;
	s8 =	sld [smem:$0x3FB4]  }
0x2e: {  	s3 =	simm.s32 @!p0 $0x1082;
	s9 =	sld [smem:$0x3FB5]  }
0x2f: {  	lr =	sadd.s32 s0, s3;
	s0 =	sld [smem:$0x3FAC]  }
0x30: {  	s3 =	sld [smem:$0x3FAF]  }
0x31: {  	[smem:$0x3FB8] =	sst s10  }
0x32: {  	s10 =	sld [smem:$0x3FB6];
	_ =	sdelay $0x3  }
0x33: {  	p0 =	seq.s32 s10, $0x1;
	s10 =	sld [smem:$0x3FB8];
	_ =	sdelay $0x3  }
0x34: {  	[smem:$0x3FB8] =	sst s10  }
0x35: {  	s10 =	sld [smem:$0x3FB7];
	_ =	sdelay $0x3  }
0x36: {  	p1 =	seq.s32 s10, $0x1;
	s10 =	sld [smem:$0x3FB8];
	_ =	sdelay $0x3  }
0x37: {  	[smem:$0x3FB8] =	sst s10  }
0x38: {  	s10 =	sld [smem:$0x3FB9]  }
0x39: {  	_ = 	snop;
	(pc) =	sbr.ind lr, $3  }
0x3a: {  	_ = 	snop  }
0x3b: {  	_ = 	snop  }
0x3c: {  	p2 =	seq.s32 s10, $0x1;
	s10 =	sld [smem:$0x3FB8]  }
0x3d: {  	_ =	shalt  }
0x3e: {  	_ =	shalt  }
0x3f: {  	_ =	shalt  }
0x40: {  	_ =	shalt  }
0x41: {  	_ =	shalt  }
0x42: {  	_ =	shalt  }
0x43: {  	_ =	shalt  }
0x44: {  	_ =	shalt  }
0x45: {  	_ =	shalt  }
0x46: {  	_ =	shalt  }
0x47: {  	_ =	shalt  }
0x48: {  	_ =	shalt  }
0x49: {  	_ =	shalt  }
0x4a: {  	_ =	shalt  }
0x4b: {  	_ =	shalt  }
0x4c: {  	_ =	shalt  }
0x4d: {  	_ =	shalt  }
0x4e: {  	_ =	shalt  }
0x4f: {  	_ =	shalt  }
0x50: {  	_ =	shalt  }
0x51: {  	_ =	shalt  }
0x52: {  	_ =	shalt  }
0x53: {  	_ =	shalt  }
0x54: {  	_ =	shalt  }
0x55: {  	_ =	shalt  }
0x56: {  	_ =	shalt  }
0x57: {  	_ =	shalt  }
0x58: {  	_ =	shalt  }
0x59: {  	_ =	shalt  }
0x5a: {  	_ =	shalt  }
0x5b: {  	_ =	shalt  }
0x5c: {  	_ =	shalt  }
0x5d: {  	_ =	shalt  }
0x5e: {  	_ =	shalt  }
0x5f: {  	_ =	shalt  }
0x60: {  	_ =	shalt  }
0x61: {  	_ =	shalt  }
0x62: {  	_ =	shalt  }
0x63: {  	_ =	shalt  }
0x64: {  	_ =	shalt  }
0x65: {  	_ =	shalt  }
0x66: {  	_ =	shalt  }
0x67: {  	_ =	shalt  }
0x68: {  	_ =	shalt  }
0x69: {  	_ =	shalt  }
0x6a: {  	_ =	shalt  }
0x6b: {  	_ =	shalt  }
0x6c: {  	_ =	shalt  }
0x6d: {  	_ =	shalt  }
0x6e: {  	_ =	shalt  }
0x6f: {  	_ =	shalt  }
0x70: {  	_ =	shalt  }
0x71: {  	_ =	shalt  }
0x72: {  	_ =	shalt  }
0x73: {  	_ =	shalt  }
0x74: {  	_ =	shalt  }
0x75: {  	_ =	shalt  }
0x76: {  	_ =	shalt  }
0x77: {  	_ =	shalt  }
0x78: {  	_ =	shalt  }
0x79: {  	_ =	shalt  }
0x7a: {  	_ =	shalt  }
0x7b: {  	_ =	shalt  }
0x7c: {  	_ =	shalt  }
0x7d: {  	_ =	shalt  }
0x7e: {  	_ =	shalt  }
0x7f: {  	_ =	shalt  }
0x80: {  	_ =	shalt  }
0x81: {  	_ =	shalt  }
0x82: {  	_ =	shalt  }
0x83: {  	_ =	shalt  }
0x84: {  	_ =	shalt  }
0x85: {  	_ =	shalt  }
0x86: {  	_ =	shalt  }
0x87: {  	_ =	shalt  }
.Lfunc_end0:
.L_simem_size_0:
called_computation_lowered:
.L_overlay_start_0:
0x88: {  	s2 =	sld [smem:$0x3FD9]  }
0x89: {  	s3 =	sld [smem:$0x3FFE];
	_ =	sdelay $0x1  }
0x8a: {  	s1 =	srdreg.scid  }
0x8b: {  	s0 =	sand.u32 $0x1, s1  }
0x8c: {  	s15 =	sshll.u32 s0, $0xA;
	s2 =	sadd.s32 s3, s2  }
0x8d: {  	s2 =	sadd.s32 s2, s15  }
0x8e: {  	[smem:$0x3FC4] =	sst s2  }
0x8f: {  	_ = 	snop  }
0x90: {  	s2 =	sld [smem:$0x3FC9]  }
0x91: {  	s16 =	sld [smem:$0x3FD0]  }
0x92: {  	s4 =	sld [smem:$0x3FC8]  }
0x93: {  	s5 =	sld [smem:$0x3FC7]  }
0x94: {  	s7 =	simm.s32 $0xA;
	s8 =	simm.s32 $0x10;
	s6 =	sld [smem:$0x3FC6]  }
0x95: {  	[smem:s8], [sflag:s7] =	dma.local [hbm:s16], $0x1  }
0x96: {  	_ =	swait.eq [sflag:s7], $0x1  }
0x97: {  	[sflag:s7] =	ssyncset.done $0x0  }
0x98: {  	s17 =	sld [smem:$0x10];
	[sflag:s7] =	ssyncadd.s32 $0xFFFFFFFF  }
0x99: {  	s18 =	sld [smem:$0x11];
	(tm) =	ssettm $0x1  }
0x9a: {  	s19 =	sld [smem:$0x3FFB];
	_ =	sdelay $0x3  }
0x9b: {  	_ =	strace s19  }
0x9c: {  	s8 =	sld [smem:$0x3FFC];
	_ =	sdelay $0x3  }
0x9d: {  	_ =	strace s8  }
0x9e: {  	s8 =	sld [smem:$0x3FFD];
	_ =	sdelay $0x3  }
0x9f: {  	_ =	strace s8  }
0xa0: {  	_ =	strace $0x8FFFFFFF  }
0xa1: {  	s20 =	sld [smem:$0x3FDB];
	_ =	sdelay $0x1  }
0xa2: {  	s9 =	simm.s32 $_scs_section_size  }
0xa3: {  	s10 =	simm.s32 $_size__tile_overlayer_lowered;
	s11 =	simm.s32 $_tile_overlayer_lowered  }
0xa4: {  	s23 =	simm.s32 $0x1BFF;
	s22 =	sshll.u32 s11, $0x1;
	s8 =	sadd.s32 s9, s20  }
0xa5: {  	s12 =	simm.s32 $0x0;
	s21 =	sshll.u32 s10, $0x1;
	s10 =	sadd.s32 s22, s8  }
0xa6: {  	[timem:s12], [sflag:s23] =	dma.local [hbm:s10], s21  }
0xa7: {  	_ =	swait.ge [sflag:s23], s21  }
0xa8: {  	s9 =	ssub.s32 $0x0, s21;
	[sflag:s23] =	ssyncset.done $0x0  }
0xa9: {  	[sflag:s23] =	ssyncadd.s32 s9;
	_ =	sdelay $0x1  }
0xaa: {  	s24 =	simm.s32 $0x1B8B  }
0xab: {  	_ =	swait.ge [sflag:s24], $0x1  }
0xac: {  	[sflag:s24] =	ssyncset.done $0x0  }
0xad: {  	s25 =	simm.s32 $0x1B8E;
	[sflag:s24] =	ssyncadd.s32 $0xFFFFFFFF  }
0xae: {  	s26 =	simm.s32 $execute0_lowered;
	[smem:$0x3FD2] =	sst s25  }
0xaf: {  	s9 =	sshll.u32 s26, $0x1;
	_ =	strace $0x80000046;
	[dreg:$0x1] =	wrdreg $0xFFFFFFFF  }
0xb0: {  	s28 =	simm.s32 $_size_execute0_lowered;
	s8 =	sadd.s32 s8, s9;
	[dreg:$0x0] =	wrdreg $0x0  }
0xb1: {  	s9 =	sshll.u32 s28, $0x1;
	[dreg:$0x2] =	wrdreg s8  }
0xb2: {  	[dreg:$0x3] =	wrdreg s9  }
0xb3: {  	[dreg:$0x4] =	wrdreg $0xC0  }
0xb4: {  	_ =	task [dreg:s12], $0x5FFFF  }
0xb5: {  	[dreg:$0x1] =	wrdreg $0xFFFFFFFF  }
0xb6: {  	[dreg:$0x0] =	wrdreg $0x60  }
0xb7: {  	[dreg:$0x2] =	wrdreg s2  }
0xb8: {  	[dreg:$0x3] =	wrdreg s4  }
0xb9: {  	[dreg:$0x4] =	wrdreg s5  }
0xba: {  	[dreg:$0x5] =	wrdreg s6  }
0xbb: {  	[dreg:$0x6] =	wrdreg s17  }
0xbc: {  	[dreg:$0x7] =	wrdreg s18  }
0xbd: {  	[dreg:$0x8] =	wrdreg $0x9  }
0xbe: {  	_ =	task.clear_ibuf [dreg:s12], $0x9FFFF;
	_ =	strace $0x90000046  }
0xbf: {  	s29 =	simm.s32 $0x9;
	_ =	strace $0x80000048  }
0xc0: {  	_ =	swait.ge [sflag:s29], $0x1  }
0xc1: {  	[sflag:s29] =	ssyncadd.s32 $0xFFFFFFFF  }
0xc2: {  	_ =	strace $0x90000048  }
0xc3: {  	_ =	sfence  }
0xc4: {  	s30 =	sld [smem:$0x0];
	_ =	sdelay $0x2  }
0xc5: {  	s31 =	sshll.u32 s1, $0xD;
	s1 =	sshrl.u32 s1, $0x2  }
0xc6: {  	s3 =	sand.u32 $0x4000, s31;
	s1 =	sadd.s32 s1, s30  }
0xc7: {  	s0 =	sor.u32 s3, s0;
	s1 =	sshll.u32 s1, $0x11  }
0xc8: {  	s0 =	sor.u32 s1, s0  }
0xc9: {  	s0 =	sadd.s32 $0x8F2B, s0  }
0xca: {  	[sflag:s0] =	ssyncadd.remote.s32 $0x1  }
0xcb: {  	_ =	sfence.sel $0xFFFF  }
0xcc: {  	[dreg:$0x0] =	wrdreg $0xFFFFFFFF;
	(pc) =	sbr.abs _section_cstart, $3  }
0xcd: {  	[dreg:$0x1] =	wrdreg $0xFFFFFFFF  }
0xce: {  	_ =	task.clear_ibuf [dreg:s12], $0x2FFFF;
	_ =	strace $0x9FFFFFFF  }
0xcf: {  	(tm) =	ssettm $0x7FFFFFFF  }
tec
execute0_lowered:
.L_overlay_start_1:
0x0: {  	(tag) =	ssettag $0x1  }
0x1: {  	s0 =	rddreg [dreg:$0x0]  }
0x2: {  	s20 =	rddreg [dreg:$0x1]  }
0x3: {  	s21 =	rddreg [dreg:$0x2]  }
0x4: {  	s22 =	rddreg [dreg:$0x3]  }
0x5: {  	s2 =	rddreg [dreg:$0x4];
	s3 =	srdreg.scid  }
0x6: {  	s4 =	stileid.u32;
	s1 =	rddreg [dreg:$0x5];
	s5 =	simm.s32 $0x0  }
0x7: {  	s31 =	simm.s32 $0x14C00;
	s3 =	sand.u32 $0x1, s3;
	s4 =	sshll.u32 s4, $0x1  }
0x8: {  	s28 =	simm.s32 $0x9;
	s29 =	simm.s32 $0x0;
	s4 =	sor.u32 s3, s4  }
0x9: {  	[smem:$0x7FF] =	sst s5;
	s3 =	ssub.s32 $0x2, s3;
	s6 =	smul.u32 $0x24, s4  }
0xa: {  	_ =	strace $0x80000047;
	s7 =	sshrl.u32 s3, $0x1;
	s24 =	smul.u32 $0x1D, s4  }
0xb: {  	s8 =	smax.u32 s4, $0xD;
	s9 =	smax.u32 s4, $0x17;
	s10 =	smul.u32 $0x13, s4  }
0xc: {  	s25 =	smul.u32 $0x18, s4;
	s11 =	smax.u32 s4, $0x10;
	s13 =	smax.u32 s4, $0x14  }
0xd: {  	p0 =	sgt.s32 s4, $0x1D;
	p1 =	seq.s32 s4, $0x1C;
	p2 =	seq.s32 s4, $0x1D  }
0xe: {  	p3 =	seq.s32 s4, $0x1E;
	p4 =	seq.s32 s4, $0x1F;
	s4 =	simm.s32 $0x1B400  }
0xf: {  	s3 =	ssub.s32 s3, s7;
	s6 =	sadd.s32 s6, s8;
	s7 =	sadd.s32 s24, s9  }
0x10: {  	s10 =	sadd.s32 s10, s11;
	s9 =	sadd.s32 s25, s13;
	s30 =	smax.u32 s3, $0x1  }
0x11: {  	s3 =	simm.s32 $0x11000;
	s8 =	sadd.s32 $0xFFFFFFF3, s6;
	s12 =	sadd.s32 $0xFFFFFFE9, s7  }
0x12: {  	s7 =	sadd.s32 $0x47D, s7;
	s11 =	sadd.s32 $0xFFFFFFF0, s10;
	s13 =	sadd.s32 $0xFFFFFFEC, s9  }
0x13: {  	s9 =	sadd.s32 $0x82A, s9;
	s10 =	sadd.s32 $0xB3B, s10;
	s6 =	sadd.s32 $0x5, s6  }
0x14: {  	s11 =	sshll.u32 s11, $0x7;
	s26 =	sshll.u32 s13, $0x7;
	s13 =	sshll.u32 s12, $0x7  }
0x15: {  	s14 =	sshll.u32 s10, $0x6;
	s10 =	sshll.u32 s10, $0x5;
	s16 =	sshll.u32 s8, $0x7  }
0x16: {  	s18 =	sshll.u32 s9, $0x6;
	s9 =	sshll.u32 s9, $0x5;
	s19 =	sshll.u32 s7, $0x6  }
0x17: {  	s7 =	sshll.u32 s7, $0x5;
	s24 =	sshll.u32 s8, $0x6;
	s25 =	sshll.u32 s6, $0x6  }
0x18: {  	s8 =	sshll.u32 s8, $0x5;
	s6 =	sshll.u32 s6, $0x5;
	s12 =	sadd.s32 $0x107A0, s1  }
0x19: {  	s11 =	sadd.s32 s22, s11;
	s15 =	sand.u32 $0x1FFFFFC0, s14;
	s10 =	sand.u32 $0x1FFFFFE0, s10  }
0x1a: {  	s17 =	sadd.s32 s0, s16;
	s9 =	sand.u32 $0x1FFFFFE0, s9;
	s23 =	sand.u32 $0x1FFFFFC0, s19  }
0x1b: {  	s7 =	sand.u32 $0x1FFFFFE0, s7;
	s16 =	sadd.s32 s2, s24;
	[dreg:$0x15] =	wrdreg s12  }
0x1c: {  	s6 =	sand.u32 $0x1FFFFFE0, s6;
	s0 =	sadd.s32 $0x24980, s0;
	[dreg:$0x7] =	wrdreg s11  }
0x1d: {  	s24 =	sadd.s32 $0x13800, s22;
	s22 =	simm.s32 $0x19600;
	[dreg:$0xc] =	wrdreg s17  }
0x1e: {  	s11 =	sadd.s32 s21, s26;
	s10 =	sadd.s32 s1, s10;
	[dreg:$0x10] =	wrdreg s0  }
0x1f: {  	s14 =	sadd.s32 s2, s23;
	s17 =	sadd.s32 s1, s8;
	[dreg:$0x17] =	wrdreg s24  }
0x20: {  	s19 =	sadd.s32 s1, s6;
	s26 =	sadd.s32 $0x36EC0, s2;
	[dreg:$0x8] =	wrdreg s11  }
0x21: {  	s8 =	sadd.s32 $0x20F40, s2;
	s23 =	sadd.s32 $0x9260, s1;
	[dreg:$0xb] =	wrdreg s10  }
0x22: {  	s0 =	simm.s32 $0x7C00;
	s24 =	simm.s32 $0x4;
	[dreg:$0xe] =	wrdreg s26  }
0x23: {  	s11 =	sadd.s32 s20, s13;
	s10 =	sand.u32 $0x1FFFFFC0, s18;
	[dreg:$0x11] =	wrdreg s8  }
0x24: {  	s13 =	sadd.s32 s1, s9;
	s9 =	sadd.s32 $0x124C0, s2;
	[dreg:$0x16] =	wrdreg s23  }
0x25: {  	s26 =	sadd.s32 $0x1D480, s20;
	s20 =	simm.s32 $0x2;
	[dreg:$0x9] =	wrdreg s11  }
0x26: {  	s23 =	simm.s32 $0x7;
	s11 =	sadd.s32 s2, s15;
	[dreg:$0x12] =	wrdreg s9  }
0x27: {  	s10 =	sadd.s32 s2, s10;
	s15 =	sadd.s32 s1, s7;
	[dreg:$0x19] =	wrdreg s26  }
0x28: {  	s7 =	sand.u32 $0x1FFFFFC0, s25;
	s25 =	sadd.s32 $0x18600, s21;
	[dreg:$0xa] =	wrdreg s11  }
.Ltmp0:
0x29: {  	s21 =	simm.s32 $0x5;
	[dreg:$0xd] =	wrdreg s10;
	(pc) =	sbr.rel .LBB2_1-.Ltmp0, $4  }
0x2a: {  	s18 =	sadd.s32 s2, s7;
	s7 =	sadd.s32 $0x2D280, s2;
	[dreg:$0x18] =	wrdreg s25  }
0x2b: {  	s26 =	simm.s32 $0x8;
	s10 =	sadd.s32 $0x1B760, s1;
	[dreg:$0xf] =	wrdreg s7  }
0x2c: {  	s11 =	sadd.s32 $0x16940, s1;
	s2 =	simm.s32 $0x1;
	[dreg:$0x13] =	wrdreg s10  }
0x2d: {  	s1 =	simm.s32 $0x3;
	s25 =	simm.s32 $0x6;
	[dreg:$0x14] =	wrdreg s11  }
.LBB2_19:
0x2e: {  	s6 =	rddreg [dreg:$0x18];
	s7 =	simm.s32 $0x1D900  }
0x2f: {  	[tilespmem:s7], [sflag:$0x9] =	stream.linear.gather [hbm4b:s6+s5], $0x800, $0x38;
	[tilespmem:$0x1E500] =	vst v63  }
0x30: {  	_ =	swait.ge [sflag:s28], $0x800  }
0x31: {  	[sflag:s28] =	ssyncset.done $0x0  }
0x32: {  	[sflag:s28] =	ssyncadd.s32 $0xFFFFF800  }
0x33: {  	s12 =	simm.s32 $0x1E100;
	s11 =	rddreg [dreg:$0x3]  }
0x34: {  	[tilespmem:s12], [sflag:$0x9] =	stream.linear.gather [hbm4b:s11+s5], $0x400, $0x38;
	[tilespmem:$0x1E500] =	vst v63  }
0x35: {  	_ =	swait.ge [sflag:s28], $0x400  }
0x36: {  	[sflag:s28] =	ssyncset.done $0x0  }
0x37: {  	[sflag:s28] =	ssyncadd.s32 $0xFFFFFC00  }
0x38: {  	v0 =	vld [tilespmem:$0x1D950]  }
0x39: {  	v1 =	vld [tilespmem:$0x1D960]  }
0x3a: {  	v29 =	vld [tilespmem:$0x1DAD0]  }
0x3b: {  	v31 =	vld [tilespmem:$0x1DAE0]  }
0x3c: {  	v33 =	vld [tilespmem:$0x1DAF0]  }
0x3d: {  	v35 =	vld [tilespmem:$0x1DE80]  }
0x3e: {  	v37 =	vld [tilespmem:$0x1DE90]  }
0x3f: {  	v38 =	vld [tilespmem:$0x1DB50];
	[tilespmem:$0x19600] =	vst v29  }
0x40: {  	v39 =	vld [tilespmem:$0x1DB60];
	[tilespmem:$0x19610] =	vst v31  }
0x41: {  	v40 =	vld [tilespmem:$0x1DB70];
	[tilespmem:$0x19620] =	vst v33  }
0x42: {  	v41 =	vld [tilespmem:$0x1DF00];
	[tilespmem:$0x19630] =	vst v35  }
0x43: {  	v42 =	vld [tilespmem:$0x1DF10];
	[tilespmem:$0x19640] =	vst v37  }
0x44: {  	v56 =	vld [tilespmem:$0x1E280];
	[tilespmem:$0x19680] =	vst v38  }
0x45: {  	v58 =	vld [tilespmem:$0x1E290];
	[tilespmem:$0x19690] =	vst v39  }
0x46: {  	v60 =	vld [tilespmem:$0x1E2A0];
	[tilespmem:$0x196A0] =	vst v40  }
0x47: {  	v61 =	vld [tilespmem:$0x1E300];
	[tilespmem:$0x196B0] =	vst v41  }
0x48: {  	v62 =	vld [tilespmem:$0x1E310];
	[tilespmem:$0x196C0] =	vst v42  }
0x49: {  	v63 =	vld [tilespmem:$0x1E320];
	[tilespmem:$0x19650] =	vst v56  }
0x4a: {  	v2 =	vld [tilespmem:$0x1D970];
	[tilespmem:$0x19660] =	vst v58  }
0x4b: {  	v3 =	vld [tilespmem:$0x1DD00];
	[tilespmem:$0x19670] =	vst v60  }
0x4c: {  	v4 =	vld [tilespmem:$0x1DD10];
	[tilespmem:$0x196D0] =	vst v61  }
0x4d: {  	v5 =	vld [tilespmem:$0x1D9D0];
	v0 =	vadd.f32 $5.120000080e+01, v0;
	[tilespmem:$0x196E0] =	vst v62  }
0x4e: {  	v6 =	vld [tilespmem:$0x1D9E0];
	v1 =	vadd.f32 $5.120000080e+01, v1;
	[tilespmem:$0x196F0] =	vst v63  }
0x4f: {  	v13 =	vld [tilespmem:$0x1D9F0];
	v12 =	vadd.f32 $5.120000080e+01, v2;
	[tilespmem:$0x11000] =	vst v0  }
0x50: {  	v15 =	vld [tilespmem:$0x1DD80];
	v14 =	vadd.f32 $5.120000080e+01, v3;
	[tilespmem:$0x11010] =	vst v1  }
0x51: {  	v17 =	vld [tilespmem:$0x1DD90];
	v16 =	vadd.f32 $5.120000080e+01, v4;
	[tilespmem:$0x11020] =	vst v12  }
0x52: {  	v19 =	vld [tilespmem:$0x1DA50];
	v18 =	vadd.f32 $5.120000080e+01, v5;
	[tilespmem:$0x11030] =	vst v14  }
0x53: {  	v21 =	vld [tilespmem:$0x1DA60];
	v20 =	vadd.f32 $5.120000080e+01, v6;
	[tilespmem:$0x11040] =	vst v16  }
0x54: {  	v23 =	vld [tilespmem:$0x1DA70];
	v22 =	vadd.f32 $5.120000080e+01, v13;
	[tilespmem:$0x11080] =	vst v18  }
0x55: {  	v25 =	vld [tilespmem:$0x1DE00];
	v24 =	vadd.f32 $5.120000080e+01, v15;
	[tilespmem:$0x11090] =	vst v20  }
0x56: {  	v27 =	vld [tilespmem:$0x1DE10];
	v26 =	vadd.f32 $5.120000080e+01, v17;
	[tilespmem:$0x110A0] =	vst v22  }
0x57: {  	v43 =	vld [tilespmem:$0x1E100];
	v28 =	vadd.f32 $5.000000000e+00, v19;
	[tilespmem:$0x110B0] =	vst v24  }
0x58: {  	v44 =	vld [tilespmem:$0x1E110];
	v30 =	vadd.f32 $5.000000000e+00, v21;
	[tilespmem:$0x110C0] =	vst v26  }
0x59: {  	v47 =	vld [tilespmem:$0x1E190];
	v32 =	vadd.f32 $5.000000000e+00, v23;
	[tilespmem:$0x11100] =	vst v28  }
0x5a: {  	v48 =	vld [tilespmem:$0x1E1A0];
	v34 =	vadd.f32 $5.000000000e+00, v25;
	[tilespmem:$0x11110] =	vst v30  }
0x5b: {  	v50 =	vld [tilespmem:$0x1E200];
	v36 =	vadd.f32 $5.000000000e+00, v27;
	[tilespmem:$0x11120] =	vst v32  }
0x5c: {  	v51 =	vld [tilespmem:$0x1E210];
	v3 =	vadd.f32 $5.120000080e+01, v43;
	[tilespmem:$0x11130] =	vst v34  }
0x5d: {  	v52 =	vld [tilespmem:$0x1E220];
	v49 =	vadd.f32 $5.120000080e+01, v44;
	[tilespmem:$0x11140] =	vst v36  }
0x5e: {  	v45 =	vld [tilespmem:$0x1E120];
	v53 =	vadd.f32 $5.120000080e+01, v47;
	[tilespmem:$0x11050] =	vst v3  }
0x5f: {  	v46 =	vld [tilespmem:$0x1E180];
	v54 =	vadd.f32 $5.120000080e+01, v48;
	[tilespmem:$0x11060] =	vst v49  }
0x60: {  	v55 =	vadd.f32 $5.000000000e+00, v50;
	[tilespmem:$0x110E0] =	vst v53  }
0x61: {  	v57 =	vadd.f32 $5.000000000e+00, v51;
	[tilespmem:$0x110F0] =	vst v54  }
0x62: {  	v59 =	vadd.f32 $5.000000000e+00, v52;
	[tilespmem:$0x11150] =	vst v55  }
0x63: {  	v1 =	vadd.f32 $5.120000080e+01, v45;
	[tilespmem:$0x11160] =	vst v57  }
0x64: {  	v0 =	vadd.f32 $5.120000080e+01, v46;
	[tilespmem:$0x11170] =	vst v59  }
0x65: {  	s6 =	rddreg [dreg:$0xf];
	[tilespmem:$0x11070] =	vst v1  }
0x66: {  	s7 =	rddreg [dreg:$0x14];
	[tilespmem:$0x110D0] =	vst v0  }
.LBB2_20:
0x67: {  	[hbm4b:s6+s5] =	stream.linear.scatter [tilespmem:s3], [sflag:$0x9], $0x200, $0x38;
	[tilespmem:$0x1E500] =	vst v63  }
0x68: {  	_ =	swait.ge [sflag:s28], $0x200  }
0x69: {  	[sflag:s28] =	ssyncset.done $0x0  }
0x6a: {  	[sflag:s28] =	ssyncadd.s32 $0xFFFFFE00  }
0x6b: {  	[hbm4b:s7+s5] =	stream.linear.scatter [tilespmem:s22], [sflag:$0x9], $0x100, $0x38;
	[tilespmem:$0x1E500] =	vst v63  }
0x6c: {  	_ =	swait.ge [sflag:s28], $0x100  }
0x6d: {  	[sflag:s28] =	ssyncset.done $0x0  }
0x6e: {  	[sflag:s28] =	ssyncadd.s32 $0xFFFFFF00  }
.LBB2_21:
0x6f: {  	s29 =	sadd.s32 $0x1, s29  }
0x70: {  	p5 =	sne.s32 s29, s30  }
.Ltmp1:
0x71: {  	_ = 	snop;
	(pc) =	sbr.rel @!p5 .LBB2_22-.Ltmp1, $1  }
0x72: {  	_ =	sdelay $0x3  }
.LBB2_1:
0x73: {  	s6 =	rddreg [dreg:$0x7]  }
0x74: {  	[tilespmem:s5], [sflag:$0x1] =	stream.linear.gather [hbm4b:s6+s5], $0x5400, $0x38;
	[tilespmem:$0x1E500] =	vst v63  }
0x75: {  	s12 =	rddreg [dreg:$0x8]  }
0x76: {  	[tilespmem:s0], [sflag:$0x2] =	stream.linear.gather [hbm4b:s12+s5], $0x6800, $0x38;
	[tilespmem:$0x1E500] =	vst v63  }
0x77: {  	_ =	swait.ge [sflag:s2], $0x5400  }
0x78: {  	s7 =	simm.s32 $0x400;
	[sflag:s2] =	ssyncset.done $0x0  }
0x79: {  	s8 =	simm.s32 $0x0;
	s6 =	simm.s32 $0x110C0;
	[sflag:s2] =	ssyncadd.s32 $0xFFFFAC00  }
.LBB2_2:
0x7a: {  	v0 =	vld [tilespmem:s7+$0xFFFFFC30]  }
0x7b: {  	v1 =	vld [tilespmem:s7+$0xFFFFFC40]  }
0x7c: {  	v2 =	vld [tilespmem:s7+$0xFFFFFC50]  }
0x7d: {  	v3 =	vld [tilespmem:s7+$0xFFFFFC60]  }
0x7e: {  	v4 =	vld [tilespmem:s7+$0xFFFFFC70]  }
0x7f: {  	v5 =	vld [tilespmem:s7+$0x0];
	v0 =	vadd.f32 $5.120000080e+01, v0  }
0x80: {  	v6 =	vld [tilespmem:s7+$0x10];
	v1 =	vadd.f32 $5.120000080e+01, v1  }
0x81: {  	v7 =	vld [tilespmem:s7+$0x20];
	v28 =	vadd.f32 $5.120000080e+01, v2;
	[tilespmem:s6+$0xFFFFFF40] =	vst v0  }
0x82: {  	v29 =	vadd.f32 $5.120000080e+01, v3;
	[tilespmem:s6+$0xFFFFFF50] =	vst v1  }
0x83: {  	v30 =	vadd.f32 $5.120000080e+01, v4;
	[tilespmem:s6+$0xFFFFFF60] =	vst v28  }
0x84: {  	v31 =	vadd.f32 $5.120000080e+01, v5;
	[tilespmem:s6+$0xFFFFFF70] =	vst v29  }
0x85: {  	v32 =	vadd.f32 $5.120000080e+01, v6;
	[tilespmem:s6+$0xFFFFFF80] =	vst v30  }
0x86: {  	v33 =	vadd.f32 $5.120000080e+01, v7;
	[tilespmem:s6+$0xFFFFFF90] =	vst v31  }
0x87: {  	[tilespmem:s6+$0xFFFFFFA0] =	vst v32  }
0x88: {  	[tilespmem:s6+$0xFFFFFFB0] =	vst v33  }
0x89: {  	v0 =	vld [tilespmem:s7+$0xFFFFFCB0]  }
0x8a: {  	v1 =	vld [tilespmem:s7+$0xFFFFFCC0]  }
0x8b: {  	v34 =	vld [tilespmem:s7+$0xFFFFFCD0]  }
0x8c: {  	v35 =	vld [tilespmem:s7+$0xFFFFFCE0]  }
0x8d: {  	v36 =	vld [tilespmem:s7+$0xFFFFFCF0]  }
0x8e: {  	v37 =	vld [tilespmem:s7+$0x80];
	v0 =	vadd.f32 $5.120000080e+01, v0  }
0x8f: {  	v38 =	vld [tilespmem:s7+$0x90];
	v1 =	vadd.f32 $5.120000080e+01, v1  }
0x90: {  	v39 =	vld [tilespmem:s7+$0xA0];
	v40 =	vadd.f32 $5.120000080e+01, v34;
	[tilespmem:s6+$0xFFFFFFC0] =	vst v0  }
0x91: {  	v41 =	vadd.f32 $5.120000080e+01, v35;
	[tilespmem:s6+$0xFFFFFFD0] =	vst v1  }
0x92: {  	v42 =	vadd.f32 $5.120000080e+01, v36;
	[tilespmem:s6+$0xFFFFFFE0] =	vst v40  }
0x93: {  	v43 =	vadd.f32 $5.120000080e+01, v37;
	[tilespmem:s6+$0xFFFFFFF0] =	vst v41  }
0x94: {  	v44 =	vadd.f32 $5.120000080e+01, v38;
	[tilespmem:s6+$0x0] =	vst v42  }
0x95: {  	v45 =	vadd.f32 $5.120000080e+01, v39;
	[tilespmem:s6+$0x10] =	vst v43  }
0x96: {  	[tilespmem:s6+$0x20] =	vst v44  }
0x97: {  	[tilespmem:s6+$0x30] =	vst v45  }
0x98: {  	v0 =	vld [tilespmem:s7+$0xFFFFFD30]  }
0x99: {  	v1 =	vld [tilespmem:s7+$0xFFFFFD40]  }
0x9a: {  	v46 =	vld [tilespmem:s7+$0xFFFFFD50]  }
0x9b: {  	v47 =	vld [tilespmem:s7+$0xFFFFFD60]  }
0x9c: {  	v48 =	vld [tilespmem:s7+$0xFFFFFD70]  }
0x9d: {  	v49 =	vld [tilespmem:s7+$0x100];
	v0 =	vadd.f32 $5.000000000e+00, v0  }
0x9e: {  	v50 =	vld [tilespmem:s7+$0x110];
	v1 =	vadd.f32 $5.000000000e+00, v1  }
0x9f: {  	v51 =	vld [tilespmem:s7+$0x120];
	v52 =	vadd.f32 $5.000000000e+00, v46;
	[tilespmem:s6+$0x40] =	vst v0  }
0xa0: {  	v53 =	vadd.f32 $5.000000000e+00, v47;
	[tilespmem:s6+$0x50] =	vst v1  }
0xa1: {  	v54 =	vadd.f32 $5.000000000e+00, v48;
	[tilespmem:s6+$0x60] =	vst v52  }
0xa2: {  	v55 =	vadd.f32 $5.000000000e+00, v49;
	[tilespmem:s6+$0x70] =	vst v53  }
0xa3: {  	v56 =	vadd.f32 $5.000000000e+00, v50;
	[tilespmem:s6+$0x80] =	vst v54  }
0xa4: {  	v57 =	vadd.f32 $5.000000000e+00, v51;
	[tilespmem:s6+$0x90] =	vst v55  }
0xa5: {  	[tilespmem:s6+$0xA0] =	vst v56  }
0xa6: {  	[tilespmem:s6+$0xB0] =	vst v57  }
0xa7: {  	v0 =	vld [tilespmem:s7+$0xFFFFFDB0]  }
0xa8: {  	v1 =	vld [tilespmem:s7+$0xFFFFFDC0]  }
0xa9: {  	v58 =	vld [tilespmem:s7+$0xFFFFFDD0]  }
0xaa: {  	v59 =	vld [tilespmem:s7+$0xFFFFFDE0]  }
0xab: {  	v60 =	vld [tilespmem:s7+$0xFFFFFDF0]  }
0xac: {  	v61 =	vld [tilespmem:s7+$0x180]  }
0xad: {  	s9 =	sshra.s32 s8, $0x2;
	v62 =	vld [tilespmem:s7+$0x190]  }
0xae: {  	v63 =	vld [tilespmem:s7+$0x1A0];
	[tilespmem:s9+$0x19600] =	vst v0  }
0xaf: {  	[tilespmem:s9+$0x19610] =	vst v1  }
0xb0: {  	[tilespmem:s9+$0x19620] =	vst v58  }
0xb1: {  	[tilespmem:s9+$0x19630] =	vst v59  }
0xb2: {  	[tilespmem:s9+$0x19640] =	vst v60  }
0xb3: {  	[tilespmem:s9+$0x19650] =	vst v61  }
0xb4: {  	[tilespmem:s9+$0x19660] =	vst v62  }
0xb5: {  	[tilespmem:s9+$0x19670] =	vst v63  }
0xb6: {  	v0 =	vld [tilespmem:s7+$0xFFFFFE30]  }
0xb7: {  	v1 =	vld [tilespmem:s7+$0xFFFFFE40]  }
0xb8: {  	v2 =	vld [tilespmem:s7+$0xFFFFFE50]  }
0xb9: {  	v3 =	vld [tilespmem:s7+$0xFFFFFE60]  }
0xba: {  	v4 =	vld [tilespmem:s7+$0xFFFFFE70]  }
0xbb: {  	v5 =	vld [tilespmem:s7+$0x200]  }
0xbc: {  	v6 =	vld [tilespmem:s7+$0x210]  }
0xbd: {  	v7 =	vld [tilespmem:s7+$0x220];
	[tilespmem:s9+$0x19680] =	vst v0  }
0xbe: {  	[tilespmem:s9+$0x19690] =	vst v1  }
0xbf: {  	p5 =	sne.s32 s8, $0x4C00;
	[tilespmem:s9+$0x196A0] =	vst v2  }
.Ltmp2:
0xc0: {  	[tilespmem:s9+$0x196B0] =	vst v3;
	(pc) =	sbr.rel @p5 .LBB2_2-.Ltmp2, $4  }
0xc1: {  	[tilespmem:s9+$0x196C0] =	vst v4  }
0xc2: {  	[tilespmem:s9+$0x196D0] =	vst v5  }
0xc3: {  	[tilespmem:s9+$0x196E0] =	vst v6  }
0xc4: {  	s8 =	sadd.s32 $0x400, s8;
	s6 =	sadd.s32 $0x200, s6;
	s7 =	sadd.s32 $0x400, s7;
	[tilespmem:s9+$0x196F0] =	vst v7  }
0xc5: {  	s6 =	simm.s32 $0x0;
	s7 =	rddreg [dreg:$0x9]  }
0xc6: {  	[tilespmem:s6], [sflag:$0x3] =	stream.linear.gather [hbm4b:s7+s6], $0x7C00, $0x38;
	[tilespmem:$0x1E500] =	vst v63  }
0xc7: {  	s11 =	rddreg [dreg:$0xa]  }
0xc8: {  	[hbm4b:s11+s6] =	stream.linear.scatter [tilespmem:s3], [sflag:$0x5], $0x2800, $0x38;
	[tilespmem:$0x1E500] =	vst v63  }
0xc9: {  	s12 =	rddreg [dreg:$0xb]  }
0xca: {  	[hbm4b:s12+s6] =	stream.linear.scatter [tilespmem:s22], [sflag:$0x7], $0x1400, $0x38;
	[tilespmem:$0x1E500] =	vst v63  }
0xcb: {  	_ =	swait.ge [sflag:s20], $0x6800  }
0xcc: {  	[sflag:s20] =	ssyncset.done $0x0  }
0xcd: {  	s8 =	simm.s32 $0x8000;
	s7 =	simm.s32 $0x14CC0;
	[sflag:s20] =	ssyncadd.s32 $0xFFFF9800  }
.LBB2_4:
0xce: {  	v0 =	vld [tilespmem:s8+$0xFFFFFC50]  }
0xcf: {  	v1 =	vld [tilespmem:s8+$0xFFFFFC60]  }
0xd0: {  	v2 =	vld [tilespmem:s8+$0xFFFFFC70]  }
0xd1: {  	v3 =	vld [tilespmem:s8+$0x0]  }
0xd2: {  	v4 =	vld [tilespmem:s8+$0x10]  }
0xd3: {  	v5 =	vld [tilespmem:s8+$0x20];
	v0 =	vadd.f32 $5.120000080e+01, v0  }
0xd4: {  	v6 =	vld [tilespmem:s8+$0x30];
	v1 =	vadd.f32 $5.120000080e+01, v1  }
0xd5: {  	v7 =	vld [tilespmem:s8+$0x40];
	v28 =	vadd.f32 $5.120000080e+01, v2;
	[tilespmem:s7+$0xFFFFFF40] =	vst v0  }
0xd6: {  	v29 =	vadd.f32 $5.120000080e+01, v3;
	[tilespmem:s7+$0xFFFFFF50] =	vst v1  }
0xd7: {  	v30 =	vadd.f32 $5.120000080e+01, v4;
	[tilespmem:s7+$0xFFFFFF60] =	vst v28  }
0xd8: {  	v31 =	vadd.f32 $5.120000080e+01, v5;
	[tilespmem:s7+$0xFFFFFF70] =	vst v29  }
0xd9: {  	v32 =	vadd.f32 $5.120000080e+01, v6;
	[tilespmem:s7+$0xFFFFFF80] =	vst v30  }
0xda: {  	v33 =	vadd.f32 $5.120000080e+01, v7;
	[tilespmem:s7+$0xFFFFFF90] =	vst v31  }
0xdb: {  	[tilespmem:s7+$0xFFFFFFA0] =	vst v32  }
0xdc: {  	[tilespmem:s7+$0xFFFFFFB0] =	vst v33  }
0xdd: {  	v0 =	vld [tilespmem:s8+$0xFFFFFCD0]  }
0xde: {  	v1 =	vld [tilespmem:s8+$0xFFFFFCE0]  }
0xdf: {  	v34 =	vld [tilespmem:s8+$0xFFFFFCF0]  }
0xe0: {  	v35 =	vld [tilespmem:s8+$0x80]  }
0xe1: {  	v36 =	vld [tilespmem:s8+$0x90]  }
0xe2: {  	v37 =	vld [tilespmem:s8+$0xA0];
	v0 =	vadd.f32 $5.120000080e+01, v0  }
0xe3: {  	v38 =	vld [tilespmem:s8+$0xB0];
	v1 =	vadd.f32 $5.120000080e+01, v1  }
0xe4: {  	v39 =	vld [tilespmem:s8+$0xC0];
	v40 =	vadd.f32 $5.120000080e+01, v34;
	[tilespmem:s7+$0xFFFFFFC0] =	vst v0  }
0xe5: {  	v41 =	vadd.f32 $5.120000080e+01, v35;
	[tilespmem:s7+$0xFFFFFFD0] =	vst v1  }
0xe6: {  	v42 =	vadd.f32 $5.120000080e+01, v36;
	[tilespmem:s7+$0xFFFFFFE0] =	vst v40  }
0xe7: {  	v43 =	vadd.f32 $5.120000080e+01, v37;
	[tilespmem:s7+$0xFFFFFFF0] =	vst v41  }
0xe8: {  	v44 =	vadd.f32 $5.120000080e+01, v38;
	[tilespmem:s7+$0x0] =	vst v42  }
0xe9: {  	v45 =	vadd.f32 $5.120000080e+01, v39;
	[tilespmem:s7+$0x10] =	vst v43  }
0xea: {  	[tilespmem:s7+$0x20] =	vst v44  }
0xeb: {  	[tilespmem:s7+$0x30] =	vst v45  }
0xec: {  	v0 =	vld [tilespmem:s8+$0xFFFFFD50]  }
0xed: {  	v1 =	vld [tilespmem:s8+$0xFFFFFD60]  }
0xee: {  	v46 =	vld [tilespmem:s8+$0xFFFFFD70]  }
0xef: {  	v47 =	vld [tilespmem:s8+$0x100]  }
0xf0: {  	v48 =	vld [tilespmem:s8+$0x110]  }
0xf1: {  	v49 =	vld [tilespmem:s8+$0x120];
	v0 =	vadd.f32 $5.000000000e+00, v0  }
0xf2: {  	v50 =	vld [tilespmem:s8+$0x130];
	v1 =	vadd.f32 $5.000000000e+00, v1  }
0xf3: {  	v51 =	vld [tilespmem:s8+$0x140];
	v52 =	vadd.f32 $5.000000000e+00, v46;
	[tilespmem:s7+$0x40] =	vst v0  }
0xf4: {  	v53 =	vadd.f32 $5.000000000e+00, v47;
	[tilespmem:s7+$0x50] =	vst v1  }
0xf5: {  	v54 =	vadd.f32 $5.000000000e+00, v48;
	[tilespmem:s7+$0x60] =	vst v52  }
0xf6: {  	v55 =	vadd.f32 $5.000000000e+00, v49;
	[tilespmem:s7+$0x70] =	vst v53  }
0xf7: {  	v56 =	vadd.f32 $5.000000000e+00, v50;
	[tilespmem:s7+$0x80] =	vst v54  }
0xf8: {  	v57 =	vadd.f32 $5.000000000e+00, v51;
	[tilespmem:s7+$0x90] =	vst v55  }
0xf9: {  	[tilespmem:s7+$0xA0] =	vst v56  }
0xfa: {  	[tilespmem:s7+$0xB0] =	vst v57  }
0xfb: {  	v0 =	vld [tilespmem:s8+$0xFFFFFDD0]  }
0xfc: {  	v1 =	vld [tilespmem:s8+$0xFFFFFDE0]  }
0xfd: {  	v58 =	vld [tilespmem:s8+$0xFFFFFDF0]  }
0xfe: {  	v59 =	vld [tilespmem:s8+$0x180]  }
0xff: {  	v60 =	vld [tilespmem:s8+$0x190]  }
0x100: {  	v61 =	vld [tilespmem:s8+$0x1A0]  }
0x101: {  	s9 =	sshra.s32 s6, $0x2;
	v62 =	vld [tilespmem:s8+$0x1B0]  }
0x102: {  	v63 =	vld [tilespmem:s8+$0x1C0];
	[tilespmem:s9+$0x1B400] =	vst v0  }
0x103: {  	[tilespmem:s9+$0x1B410] =	vst v1  }
0x104: {  	[tilespmem:s9+$0x1B420] =	vst v58  }
0x105: {  	[tilespmem:s9+$0x1B430] =	vst v59  }
0x106: {  	[tilespmem:s9+$0x1B440] =	vst v60  }
0x107: {  	[tilespmem:s9+$0x1B450] =	vst v61  }
0x108: {  	[tilespmem:s9+$0x1B460] =	vst v62  }
0x109: {  	[tilespmem:s9+$0x1B470] =	vst v63  }
0x10a: {  	v0 =	vld [tilespmem:s8+$0xFFFFFE50]  }
0x10b: {  	v1 =	vld [tilespmem:s8+$0xFFFFFE60]  }
0x10c: {  	v2 =	vld [tilespmem:s8+$0xFFFFFE70]  }
0x10d: {  	v3 =	vld [tilespmem:s8+$0x200]  }
0x10e: {  	v4 =	vld [tilespmem:s8+$0x210]  }
0x10f: {  	v5 =	vld [tilespmem:s8+$0x220]  }
0x110: {  	v6 =	vld [tilespmem:s8+$0x230]  }
0x111: {  	v7 =	vld [tilespmem:s8+$0x240];
	[tilespmem:s9+$0x1B480] =	vst v0  }
0x112: {  	[tilespmem:s9+$0x1B490] =	vst v1  }
0x113: {  	p5 =	sne.s32 s6, $0x6000;
	[tilespmem:s9+$0x1B4A0] =	vst v2  }
.Ltmp3:
0x114: {  	[tilespmem:s9+$0x1B4B0] =	vst v3;
	(pc) =	sbr.rel @p5 .LBB2_4-.Ltmp3, $4  }
0x115: {  	[tilespmem:s9+$0x1B4C0] =	vst v4  }
0x116: {  	[tilespmem:s9+$0x1B4D0] =	vst v5  }
0x117: {  	[tilespmem:s9+$0x1B4E0] =	vst v6  }
0x118: {  	s6 =	sadd.s32 $0x400, s6;
	s7 =	sadd.s32 $0x200, s7;
	s8 =	sadd.s32 $0x400, s8;
	[tilespmem:s9+$0x1B4F0] =	vst v7  }
0x119: {  	s6 =	simm.s32 $0x0;
	s7 =	rddreg [dreg:$0xc]  }
0x11a: {  	[tilespmem:s0], [sflag:$0x4] =	stream.linear.gather [hbm4b:s7+s6], $0x9400, $0x38;
	[tilespmem:$0x1E500] =	vst v63  }
0x11b: {  	s12 =	rddreg [dreg:$0xd]  }
0x11c: {  	[hbm4b:s12+s6] =	stream.linear.scatter [tilespmem:s31], [sflag:$0x6], $0x3200, $0x38;
	[tilespmem:$0x1E500] =	vst v63  }
0x11d: {  	_ = 	snop  }
0x11e: {  	[hbm4b:s13+s6] =	stream.linear.scatter [tilespmem:s4], [sflag:$0x8], $0x1900, $0x38;
	[tilespmem:$0x1E500] =	vst v63  }
0x11f: {  	_ =	swait.ge [sflag:s1], $0x7C00  }
0x120: {  	[sflag:s1] =	ssyncset.done $0x0  }
0x121: {  	[sflag:s1] =	ssyncadd.s32 $0xFFFF8400  }
0x122: {  	_ =	swait.ge [sflag:s21], $0x2800  }
0x123: {  	[sflag:s21] =	ssyncset.done $0x0  }
0x124: {  	[sflag:s21] =	ssyncadd.s32 $0xFFFFD800  }
0x125: {  	_ =	swait.ge [sflag:s23], $0x1400  }
0x126: {  	[sflag:s23] =	ssyncset.done $0x0  }
0x127: {  	s8 =	simm.s32 $0x0;
	s7 =	simm.s32 $0x110C0;
	[sflag:s23] =	ssyncadd.s32 $0xFFFFEC00  }
.LBB2_6:
0x128: {  	v0 =	vld [tilespmem:s6+$0x10]  }
0x129: {  	v1 =	vld [tilespmem:s6+$0x20]  }
0x12a: {  	v2 =	vld [tilespmem:s6+$0x30]  }
0x12b: {  	v3 =	vld [tilespmem:s6+$0x40]  }
0x12c: {  	v4 =	vld [tilespmem:s6+$0x50]  }
0x12d: {  	v5 =	vld [tilespmem:s6+$0x60];
	v0 =	vadd.f32 $5.120000080e+01, v0  }
0x12e: {  	v6 =	vld [tilespmem:s6+$0x70];
	v1 =	vadd.f32 $5.120000080e+01, v1  }
0x12f: {  	v7 =	vld [tilespmem:s6+$0x400];
	v28 =	vadd.f32 $5.120000080e+01, v2;
	[tilespmem:s7+$0xFFFFFF40] =	vst v0  }
0x130: {  	v29 =	vadd.f32 $5.120000080e+01, v3;
	[tilespmem:s7+$0xFFFFFF50] =	vst v1  }
0x131: {  	v30 =	vadd.f32 $5.120000080e+01, v4;
	[tilespmem:s7+$0xFFFFFF60] =	vst v28  }
0x132: {  	v31 =	vadd.f32 $5.120000080e+01, v5;
	[tilespmem:s7+$0xFFFFFF70] =	vst v29  }
0x133: {  	v32 =	vadd.f32 $5.120000080e+01, v6;
	[tilespmem:s7+$0xFFFFFF80] =	vst v30  }
0x134: {  	v33 =	vadd.f32 $5.120000080e+01, v7;
	[tilespmem:s7+$0xFFFFFF90] =	vst v31  }
0x135: {  	[tilespmem:s7+$0xFFFFFFA0] =	vst v32  }
0x136: {  	[tilespmem:s7+$0xFFFFFFB0] =	vst v33  }
0x137: {  	v0 =	vld [tilespmem:s6+$0x90]  }
0x138: {  	v1 =	vld [tilespmem:s6+$0xA0]  }
0x139: {  	v34 =	vld [tilespmem:s6+$0xB0]  }
0x13a: {  	v35 =	vld [tilespmem:s6+$0xC0]  }
0x13b: {  	v36 =	vld [tilespmem:s6+$0xD0]  }
0x13c: {  	v37 =	vld [tilespmem:s6+$0xE0];
	v0 =	vadd.f32 $5.120000080e+01, v0  }
0x13d: {  	v38 =	vld [tilespmem:s6+$0xF0];
	v1 =	vadd.f32 $5.120000080e+01, v1  }
0x13e: {  	v39 =	vld [tilespmem:s6+$0x480];
	v40 =	vadd.f32 $5.120000080e+01, v34;
	[tilespmem:s7+$0xFFFFFFC0] =	vst v0  }
0x13f: {  	v41 =	vadd.f32 $5.120000080e+01, v35;
	[tilespmem:s7+$0xFFFFFFD0] =	vst v1  }
0x140: {  	v42 =	vadd.f32 $5.120000080e+01, v36;
	[tilespmem:s7+$0xFFFFFFE0] =	vst v40  }
0x141: {  	v43 =	vadd.f32 $5.120000080e+01, v37;
	[tilespmem:s7+$0xFFFFFFF0] =	vst v41  }
0x142: {  	v44 =	vadd.f32 $5.120000080e+01, v38;
	[tilespmem:s7+$0x0] =	vst v42  }
0x143: {  	v45 =	vadd.f32 $5.120000080e+01, v39;
	[tilespmem:s7+$0x10] =	vst v43  }
0x144: {  	[tilespmem:s7+$0x20] =	vst v44  }
0x145: {  	[tilespmem:s7+$0x30] =	vst v45  }
0x146: {  	v0 =	vld [tilespmem:s6+$0x110]  }
0x147: {  	v1 =	vld [tilespmem:s6+$0x120]  }
0x148: {  	v46 =	vld [tilespmem:s6+$0x130]  }
0x149: {  	v47 =	vld [tilespmem:s6+$0x140]  }
0x14a: {  	v48 =	vld [tilespmem:s6+$0x150]  }
0x14b: {  	v49 =	vld [tilespmem:s6+$0x160];
	v0 =	vadd.f32 $5.000000000e+00, v0  }
0x14c: {  	v50 =	vld [tilespmem:s6+$0x170];
	v1 =	vadd.f32 $5.000000000e+00, v1  }
0x14d: {  	v51 =	vld [tilespmem:s6+$0x500];
	v52 =	vadd.f32 $5.000000000e+00, v46;
	[tilespmem:s7+$0x40] =	vst v0  }
0x14e: {  	v53 =	vadd.f32 $5.000000000e+00, v47;
	[tilespmem:s7+$0x50] =	vst v1  }
0x14f: {  	v54 =	vadd.f32 $5.000000000e+00, v48;
	[tilespmem:s7+$0x60] =	vst v52  }
0x150: {  	v55 =	vadd.f32 $5.000000000e+00, v49;
	[tilespmem:s7+$0x70] =	vst v53  }
0x151: {  	v56 =	vadd.f32 $5.000000000e+00, v50;
	[tilespmem:s7+$0x80] =	vst v54  }
0x152: {  	v57 =	vadd.f32 $5.000000000e+00, v51;
	[tilespmem:s7+$0x90] =	vst v55  }
0x153: {  	[tilespmem:s7+$0xA0] =	vst v56  }
0x154: {  	[tilespmem:s7+$0xB0] =	vst v57  }
0x155: {  	v0 =	vld [tilespmem:s6+$0x190]  }
0x156: {  	v1 =	vld [tilespmem:s6+$0x1A0]  }
0x157: {  	v58 =	vld [tilespmem:s6+$0x1B0]  }
0x158: {  	v59 =	vld [tilespmem:s6+$0x1C0]  }
0x159: {  	v60 =	vld [tilespmem:s6+$0x1D0]  }
0x15a: {  	v61 =	vld [tilespmem:s6+$0x1E0]  }
0x15b: {  	s9 =	sshra.s32 s8, $0x2;
	v62 =	vld [tilespmem:s6+$0x1F0]  }
0x15c: {  	v63 =	vld [tilespmem:s6+$0x580];
	[tilespmem:s9+$0x19600] =	vst v0  }
0x15d: {  	[tilespmem:s9+$0x19610] =	vst v1  }
0x15e: {  	[tilespmem:s9+$0x19620] =	vst v58  }
0x15f: {  	[tilespmem:s9+$0x19630] =	vst v59  }
0x160: {  	[tilespmem:s9+$0x19640] =	vst v60  }
0x161: {  	[tilespmem:s9+$0x19650] =	vst v61  }
0x162: {  	[tilespmem:s9+$0x19660] =	vst v62  }
0x163: {  	[tilespmem:s9+$0x19670] =	vst v63  }
0x164: {  	v0 =	vld [tilespmem:s6+$0x210]  }
0x165: {  	v1 =	vld [tilespmem:s6+$0x220]  }
0x166: {  	v2 =	vld [tilespmem:s6+$0x230]  }
0x167: {  	v3 =	vld [tilespmem:s6+$0x240]  }
0x168: {  	v4 =	vld [tilespmem:s6+$0x250]  }
0x169: {  	v5 =	vld [tilespmem:s6+$0x260]  }
0x16a: {  	v6 =	vld [tilespmem:s6+$0x270]  }
0x16b: {  	v7 =	vld [tilespmem:s6+$0x600];
	[tilespmem:s9+$0x19680] =	vst v0  }
0x16c: {  	[tilespmem:s9+$0x19690] =	vst v1  }
0x16d: {  	p5 =	sne.s32 s8, $0x7400;
	[tilespmem:s9+$0x196A0] =	vst v2  }
.Ltmp4:
0x16e: {  	[tilespmem:s9+$0x196B0] =	vst v3;
	(pc) =	sbr.rel @p5 .LBB2_6-.Ltmp4, $4  }
0x16f: {  	[tilespmem:s9+$0x196C0] =	vst v4  }
0x170: {  	[tilespmem:s9+$0x196D0] =	vst v5  }
0x171: {  	[tilespmem:s9+$0x196E0] =	vst v6  }
0x172: {  	s8 =	sadd.s32 $0x400, s8;
	s7 =	sadd.s32 $0x200, s7;
	s6 =	sadd.s32 $0x400, s6;
	[tilespmem:s9+$0x196F0] =	vst v7  }
0x173: {  	s6 =	simm.s32 $0x0  }
0x174: {  	[hbm4b:s14+s6] =	stream.linear.scatter [tilespmem:s3], [sflag:$0x5], $0x3C00, $0x38;
	[tilespmem:$0x1E500] =	vst v63  }
0x175: {  	_ = 	snop  }
0x176: {  	[hbm4b:s15+s6] =	stream.linear.scatter [tilespmem:s22], [sflag:$0x7], $0x1E00, $0x38;
	[tilespmem:$0x1E500] =	vst v63  }
0x177: {  	_ =	swait.ge [sflag:s24], $0x9400  }
0x178: {  	[sflag:s24] =	ssyncset.done $0x0  }
0x179: {  	[sflag:s24] =	ssyncadd.s32 $0xFFFF6C00  }
0x17a: {  	_ =	swait.ge [sflag:s25], $0x3200  }
0x17b: {  	[sflag:s25] =	ssyncset.done $0x0  }
0x17c: {  	[sflag:s25] =	ssyncadd.s32 $0xFFFFCE00  }
0x17d: {  	_ =	swait.ge [sflag:s26], $0x1900  }
0x17e: {  	[sflag:s26] =	ssyncset.done $0x0  }
0x17f: {  	s7 =	simm.s32 $0x14CC0;
	s8 =	simm.s32 $0x7D40;
	[sflag:s26] =	ssyncadd.s32 $0xFFFFE700  }
.LBB2_8:
0x180: {  	v0 =	vld [tilespmem:s8+$0xFFFFFEC0]  }
0x181: {  	v1 =	vld [tilespmem:s8+$0xFFFFFED0]  }
0x182: {  	v2 =	vld [tilespmem:s8+$0xFFFFFEE0]  }
0x183: {  	v3 =	vld [tilespmem:s8+$0xFFFFFEF0]  }
0x184: {  	v4 =	vld [tilespmem:s8+$0xFFFFFF00]  }
0x185: {  	v5 =	vld [tilespmem:s8+$0xFFFFFF10];
	v0 =	vadd.f32 $5.120000080e+01, v0  }
0x186: {  	v6 =	vld [tilespmem:s8+$0xFFFFFF20];
	v1 =	vadd.f32 $5.120000080e+01, v1  }
0x187: {  	v7 =	vld [tilespmem:s8+$0xFFFFFF30];
	v28 =	vadd.f32 $5.120000080e+01, v2;
	[tilespmem:s7+$0xFFFFFF40] =	vst v0  }
0x188: {  	v29 =	vadd.f32 $5.120000080e+01, v3;
	[tilespmem:s7+$0xFFFFFF50] =	vst v1  }
0x189: {  	v30 =	vadd.f32 $5.120000080e+01, v4;
	[tilespmem:s7+$0xFFFFFF60] =	vst v28  }
0x18a: {  	v31 =	vadd.f32 $5.120000080e+01, v5;
	[tilespmem:s7+$0xFFFFFF70] =	vst v29  }
0x18b: {  	v32 =	vadd.f32 $5.120000080e+01, v6;
	[tilespmem:s7+$0xFFFFFF80] =	vst v30  }
0x18c: {  	v33 =	vadd.f32 $5.120000080e+01, v7;
	[tilespmem:s7+$0xFFFFFF90] =	vst v31  }
0x18d: {  	[tilespmem:s7+$0xFFFFFFA0] =	vst v32  }
0x18e: {  	[tilespmem:s7+$0xFFFFFFB0] =	vst v33  }
0x18f: {  	v0 =	vld [tilespmem:s8+$0xFFFFFF40]  }
0x190: {  	v1 =	vld [tilespmem:s8+$0xFFFFFF50]  }
0x191: {  	v34 =	vld [tilespmem:s8+$0xFFFFFF60]  }
0x192: {  	v35 =	vld [tilespmem:s8+$0xFFFFFF70]  }
0x193: {  	v36 =	vld [tilespmem:s8+$0xFFFFFF80]  }
0x194: {  	v37 =	vld [tilespmem:s8+$0xFFFFFF90];
	v0 =	vadd.f32 $5.120000080e+01, v0  }
0x195: {  	v38 =	vld [tilespmem:s8+$0xFFFFFFA0];
	v1 =	vadd.f32 $5.120000080e+01, v1  }
0x196: {  	v39 =	vld [tilespmem:s8+$0xFFFFFFB0];
	v40 =	vadd.f32 $5.120000080e+01, v34;
	[tilespmem:s7+$0xFFFFFFC0] =	vst v0  }
0x197: {  	v41 =	vadd.f32 $5.120000080e+01, v35;
	[tilespmem:s7+$0xFFFFFFD0] =	vst v1  }
0x198: {  	v42 =	vadd.f32 $5.120000080e+01, v36;
	[tilespmem:s7+$0xFFFFFFE0] =	vst v40  }
0x199: {  	v43 =	vadd.f32 $5.120000080e+01, v37;
	[tilespmem:s7+$0xFFFFFFF0] =	vst v41  }
0x19a: {  	v44 =	vadd.f32 $5.120000080e+01, v38;
	[tilespmem:s7+$0x0] =	vst v42  }
0x19b: {  	v45 =	vadd.f32 $5.120000080e+01, v39;
	[tilespmem:s7+$0x10] =	vst v43  }
0x19c: {  	[tilespmem:s7+$0x20] =	vst v44  }
0x19d: {  	[tilespmem:s7+$0x30] =	vst v45  }
0x19e: {  	v0 =	vld [tilespmem:s8+$0xFFFFFFC0]  }
0x19f: {  	v1 =	vld [tilespmem:s8+$0xFFFFFFD0]  }
0x1a0: {  	v46 =	vld [tilespmem:s8+$0xFFFFFFE0]  }
0x1a1: {  	v47 =	vld [tilespmem:s8+$0xFFFFFFF0]  }
0x1a2: {  	v48 =	vld [tilespmem:s8+$0x0]  }
0x1a3: {  	v49 =	vld [tilespmem:s8+$0x10];
	v0 =	vadd.f32 $5.000000000e+00, v0  }
0x1a4: {  	v50 =	vld [tilespmem:s8+$0x20];
	v1 =	vadd.f32 $5.000000000e+00, v1  }
0x1a5: {  	v51 =	vld [tilespmem:s8+$0x30];
	v52 =	vadd.f32 $5.000000000e+00, v46;
	[tilespmem:s7+$0x40] =	vst v0  }
0x1a6: {  	v53 =	vadd.f32 $5.000000000e+00, v47;
	[tilespmem:s7+$0x50] =	vst v1  }
0x1a7: {  	v54 =	vadd.f32 $5.000000000e+00, v48;
	[tilespmem:s7+$0x60] =	vst v52  }
0x1a8: {  	v55 =	vadd.f32 $5.000000000e+00, v49;
	[tilespmem:s7+$0x70] =	vst v53  }
0x1a9: {  	v56 =	vadd.f32 $5.000000000e+00, v50;
	[tilespmem:s7+$0x80] =	vst v54  }
0x1aa: {  	v57 =	vadd.f32 $5.000000000e+00, v51;
	[tilespmem:s7+$0x90] =	vst v55  }
0x1ab: {  	[tilespmem:s7+$0xA0] =	vst v56  }
0x1ac: {  	[tilespmem:s7+$0xB0] =	vst v57  }
0x1ad: {  	v0 =	vld [tilespmem:s8+$0x40]  }
0x1ae: {  	v1 =	vld [tilespmem:s8+$0x50]  }
0x1af: {  	v58 =	vld [tilespmem:s8+$0x60]  }
0x1b0: {  	v59 =	vld [tilespmem:s8+$0x70]  }
0x1b1: {  	v60 =	vld [tilespmem:s8+$0x80]  }
0x1b2: {  	v61 =	vld [tilespmem:s8+$0x90]  }
0x1b3: {  	s9 =	sshra.s32 s6, $0x2;
	v62 =	vld [tilespmem:s8+$0xA0]  }
0x1b4: {  	v63 =	vld [tilespmem:s8+$0xB0];
	[tilespmem:s9+$0x1B400] =	vst v0  }
0x1b5: {  	[tilespmem:s9+$0x1B410] =	vst v1  }
0x1b6: {  	[tilespmem:s9+$0x1B420] =	vst v58  }
0x1b7: {  	[tilespmem:s9+$0x1B430] =	vst v59  }
0x1b8: {  	[tilespmem:s9+$0x1B440] =	vst v60  }
0x1b9: {  	[tilespmem:s9+$0x1B450] =	vst v61  }
0x1ba: {  	[tilespmem:s9+$0x1B460] =	vst v62  }
0x1bb: {  	[tilespmem:s9+$0x1B470] =	vst v63  }
0x1bc: {  	v0 =	vld [tilespmem:s8+$0xC0]  }
0x1bd: {  	v1 =	vld [tilespmem:s8+$0xD0]  }
0x1be: {  	v2 =	vld [tilespmem:s8+$0xE0]  }
0x1bf: {  	v3 =	vld [tilespmem:s8+$0xF0]  }
0x1c0: {  	v4 =	vld [tilespmem:s8+$0x100]  }
0x1c1: {  	v5 =	vld [tilespmem:s8+$0x110]  }
0x1c2: {  	v6 =	vld [tilespmem:s8+$0x120]  }
0x1c3: {  	v7 =	vld [tilespmem:s8+$0x130];
	[tilespmem:s9+$0x1B480] =	vst v0  }
0x1c4: {  	[tilespmem:s9+$0x1B490] =	vst v1  }
0x1c5: {  	p5 =	sne.s32 s6, $0x4400;
	[tilespmem:s9+$0x1B4A0] =	vst v2  }
.Ltmp5:
0x1c6: {  	[tilespmem:s9+$0x1B4B0] =	vst v3;
	(pc) =	sbr.rel @p5 .LBB2_8-.Ltmp5, $4  }
0x1c7: {  	[tilespmem:s9+$0x1B4C0] =	vst v4  }
0x1c8: {  	[tilespmem:s9+$0x1B4D0] =	vst v5  }
0x1c9: {  	[tilespmem:s9+$0x1B4E0] =	vst v6  }
0x1ca: {  	s6 =	sadd.s32 $0x400, s6;
	s7 =	sadd.s32 $0x200, s7;
	s8 =	sadd.s32 $0x400, s8;
	[tilespmem:s9+$0x1B4F0] =	vst v7  }
0x1cb: {  	s6 =	simm.s32 $0x0  }
0x1cc: {  	[hbm4b:s16+s6] =	stream.linear.scatter [tilespmem:s31], [sflag:$0x6], $0x2400, $0x38;
	[tilespmem:$0x1E500] =	vst v63  }
0x1cd: {  	_ = 	snop  }
0x1ce: {  	[hbm4b:s17+s6] =	stream.linear.scatter [tilespmem:s4], [sflag:$0x8], $0x1200, $0x38;
	[tilespmem:$0x1E500] =	vst v63  }
0x1cf: {  	s6 =	simm.s32 $0x0  }
0x1d0: {  	v1 =	vld [tilespmem:s6+$0xC420]  }
0x1d1: {  	v2 =	vld [tilespmem:s6+$0xC440]  }
0x1d2: {  	v0 =	vld [tilespmem:s6+$0xC470]  }
0x1d3: {  	v3 =	vld [tilespmem:s6+$0xC450]  }
0x1d4: {  	v4 =	vld [tilespmem:s6+$0xC410]  }
0x1d5: {  	v5 =	vld [tilespmem:s6+$0xC400];
	v1 =	vadd.f32 $5.120000080e+01, v1  }
0x1d6: {  	s8 =	simm.s32 $0x17170;
	v6 =	vld [tilespmem:s6+$0xC430];
	v2 =	vadd.f32 $5.120000080e+01, v2  }
0x1d7: {  	v7 =	vld [tilespmem:s6+$0xC460];
	v0 =	vadd.f32 $5.120000080e+01, v0;
	[tilespmem:s8+$0xFFFFFEB0] =	vst v1  }
0x1d8: {  	v1 =	vadd.f32 $5.120000080e+01, v3;
	[tilespmem:s8+$0xFFFFFED0] =	vst v2  }
0x1d9: {  	v3 =	vadd.f32 $5.120000080e+01, v4;
	[tilespmem:s8+$0xFFFFFF00] =	vst v0  }
0x1da: {  	v2 =	vadd.f32 $5.120000080e+01, v5;
	[tilespmem:s8+$0xFFFFFEE0] =	vst v1  }
0x1db: {  	[tilespmem:s8+$0xFFFFFEA0] =	vst v3;
	v1 =	vadd.f32 $5.120000080e+01, v6  }
0x1dc: {  	[tilespmem:s8+$0xFFFFFE90] =	vst v2;
	v2 =	vadd.f32 $5.120000080e+01, v7  }
0x1dd: {  	[tilespmem:s8+$0xFFFFFEC0] =	vst v1  }
0x1de: {  	[tilespmem:s8+$0xFFFFFEF0] =	vst v2  }
0x1df: {  	v1 =	vld [tilespmem:s6+$0xC490]  }
0x1e0: {  	v0 =	vld [tilespmem:s6+$0xC4A0]  }
0x1e1: {  	v2 =	vld [tilespmem:s6+$0xC4F0]  }
0x1e2: {  	v3 =	vld [tilespmem:s6+$0xC4B0]  }
0x1e3: {  	v60 =	vld [tilespmem:s6+$0xC4C0]  }
0x1e4: {  	v63 =	vld [tilespmem:s6+$0xC480];
	v1 =	vadd.f32 $5.120000080e+01, v1  }
0x1e5: {  	v61 =	vld [tilespmem:s6+$0xC4D0];
	v0 =	vadd.f32 $5.120000080e+01, v0  }
0x1e6: {  	v62 =	vld [tilespmem:s6+$0xC4E0];
	v2 =	vadd.f32 $5.120000080e+01, v2;
	[tilespmem:s8+$0xFFFFFF20] =	vst v1  }
0x1e7: {  	v1 =	vadd.f32 $5.120000080e+01, v3;
	[tilespmem:s8+$0xFFFFFF30] =	vst v0  }
0x1e8: {  	v0 =	vadd.f32 $5.120000080e+01, v60;
	[tilespmem:s8+$0xFFFFFF80] =	vst v2  }
0x1e9: {  	v2 =	vadd.f32 $5.120000080e+01, v63;
	[tilespmem:s8+$0xFFFFFF40] =	vst v1  }
0x1ea: {  	v1 =	vadd.f32 $5.120000080e+01, v61;
	[tilespmem:s8+$0xFFFFFF50] =	vst v0  }
0x1eb: {  	v0 =	vadd.f32 $5.120000080e+01, v62;
	[tilespmem:s8+$0xFFFFFF10] =	vst v2  }
0x1ec: {  	[tilespmem:s8+$0xFFFFFF60] =	vst v1  }
0x1ed: {  	[tilespmem:s8+$0xFFFFFF70] =	vst v0  }
0x1ee: {  	v0 =	vld [tilespmem:s6+$0xC520]  }
0x1ef: {  	s10 =	simm.s32 $0x1C6F0;
	v2 =	vld [tilespmem:s6+$0xC510]  }
0x1f0: {  	s11 =	simm.s32 $0x1000;
	s9 =	simm.s32 $0x17170;
	s7 =	simm.s32 $0x1C6F0;
	v1 =	vld [tilespmem:s6+$0xC500]  }
.LBB2_10:
0x1f1: {  	p5 =	sne.s32 s11, $0x12000;
	v3 =	vld [tilespmem:s6+$0xC530];
	s10 =	sadd.s32 $0x100, s10;
	s8 =	sadd.s32 $0x200, s8  }
0x1f2: {  	s12 =	smov.u32 s11;
	s11 =	sadd.s32 $0x1000, s11;
	v4 =	vld [tilespmem:s6+$0xC540]  }
0x1f3: {  	v5 =	vld [tilespmem:s6+$0xC550]  }
0x1f4: {  	v6 =	vld [tilespmem:s6+$0xC560];
	v2 =	vadd.f32 $5.000000000e+00, v2  }
0x1f5: {  	v0 =	vadd.f32 $5.000000000e+00, v0;
	v7 =	vld [tilespmem:s6+$0xC570];
	v1 =	vadd.f32 $5.000000000e+00, v1  }
0x1f6: {  	[tilespmem:s9+$0xFFFFFFA0] =	vst v2;
	v2 =	vadd.f32 $5.000000000e+00, v3  }
0x1f7: {  	[tilespmem:s9+$0xFFFFFFB0] =	vst v0;
	v0 =	vadd.f32 $5.000000000e+00, v4  }
0x1f8: {  	[tilespmem:s9+$0xFFFFFFC0] =	vst v2;
	v2 =	vadd.f32 $5.000000000e+00, v5  }
0x1f9: {  	[tilespmem:s9+$0xFFFFFFD0] =	vst v0  }
0x1fa: {  	v0 =	vadd.f32 $5.000000000e+00, v6;
	[tilespmem:s9+$0xFFFFFFE0] =	vst v2;
	v2 =	vadd.f32 $5.000000000e+00, v7  }
0x1fb: {  	[tilespmem:s9+$0xFFFFFF90] =	vst v1  }
0x1fc: {  	[tilespmem:s9+$0xFFFFFFF0] =	vst v0  }
0x1fd: {  	[tilespmem:s9+$0x0] =	vst v2;
	s9 =	smov.u32 s8  }
0x1fe: {  	v0 =	vld [tilespmem:s6+$0xC5D0]  }
0x1ff: {  	v1 =	vld [tilespmem:s6+$0xC5F0]  }
0x200: {  	v2 =	vld [tilespmem:s6+$0xC5B0]  }
0x201: {  	v3 =	vld [tilespmem:s6+$0xC5C0]  }
0x202: {  	v4 =	vld [tilespmem:s6+$0xC5A0]  }
0x203: {  	v5 =	vld [tilespmem:s6+$0xC5E0]  }
0x204: {  	v6 =	vld [tilespmem:s6+$0xC590]  }
0x205: {  	v7 =	vld [tilespmem:s6+$0xC580]  }
0x206: {  	[tilespmem:s7+$0xFFFFFF40] =	vst v2  }
0x207: {  	[tilespmem:s7+$0xFFFFFF80] =	vst v1  }
0x208: {  	[tilespmem:s7+$0xFFFFFF70] =	vst v5  }
0x209: {  	[tilespmem:s7+$0xFFFFFF20] =	vst v6  }
0x20a: {  	[tilespmem:s7+$0xFFFFFF10] =	vst v7  }
0x20b: {  	[tilespmem:s7+$0xFFFFFF60] =	vst v0  }
0x20c: {  	[tilespmem:s7+$0xFFFFFF30] =	vst v4  }
0x20d: {  	[tilespmem:s7+$0xFFFFFF50] =	vst v3  }
0x20e: {  	v0 =	vld [tilespmem:s6+$0xC660]  }
0x20f: {  	v1 =	vld [tilespmem:s6+$0xC610]  }
0x210: {  	v2 =	vld [tilespmem:s6+$0xC620]  }
0x211: {  	v3 =	vld [tilespmem:s6+$0xC650]  }
0x212: {  	v4 =	vld [tilespmem:s6+$0xC640]  }
0x213: {  	v5 =	vld [tilespmem:s6+$0xC600]  }
0x214: {  	v6 =	vld [tilespmem:s6+$0xC670]  }
0x215: {  	v7 =	vld [tilespmem:s6+$0xC630]  }
0x216: {  	[tilespmem:s7+$0xFFFFFFB0] =	vst v2  }
0x217: {  	[tilespmem:s7+$0xFFFFFFD0] =	vst v4  }
0x218: {  	[tilespmem:s7+$0xFFFFFF90] =	vst v5  }
0x219: {  	[tilespmem:s7+$0xFFFFFFE0] =	vst v3  }
0x21a: {  	[tilespmem:s7+$0xFFFFFFC0] =	vst v7  }
0x21b: {  	[tilespmem:s7+$0xFFFFFFA0] =	vst v1  }
0x21c: {  	[tilespmem:s7+$0xFFFFFFF0] =	vst v0  }
0x21d: {  	s6 =	sshra.s32 s12, $0x2;
	[tilespmem:s7+$0x0] =	vst v6;
	s7 =	smov.u32 s10  }
0x21e: {  	v0 =	vld [tilespmem:s6+$0xC470]  }
0x21f: {  	v1 =	vld [tilespmem:s6+$0xC420]  }
0x220: {  	v2 =	vld [tilespmem:s6+$0xC440]  }
0x221: {  	v3 =	vld [tilespmem:s6+$0xC450]  }
0x222: {  	v4 =	vld [tilespmem:s6+$0xC410]  }
0x223: {  	v5 =	vld [tilespmem:s6+$0xC400];
	v0 =	vadd.f32 $5.120000080e+01, v0  }
0x224: {  	v6 =	vld [tilespmem:s6+$0xC430];
	v1 =	vadd.f32 $5.120000080e+01, v1  }
0x225: {  	v7 =	vld [tilespmem:s6+$0xC460];
	v2 =	vadd.f32 $5.120000080e+01, v2  }
0x226: {  	[tilespmem:s8+$0xFFFFFEB0] =	vst v1;
	v1 =	vadd.f32 $5.120000080e+01, v3  }
0x227: {  	v3 =	vadd.f32 $5.120000080e+01, v4;
	[tilespmem:s8+$0xFFFFFED0] =	vst v2  }
0x228: {  	v2 =	vadd.f32 $5.120000080e+01, v5;
	[tilespmem:s8+$0xFFFFFEE0] =	vst v1  }
0x229: {  	[tilespmem:s8+$0xFFFFFEA0] =	vst v3;
	v1 =	vadd.f32 $5.120000080e+01, v6  }
0x22a: {  	[tilespmem:s8+$0xFFFFFE90] =	vst v2;
	v2 =	vadd.f32 $5.120000080e+01, v7  }
0x22b: {  	[tilespmem:s8+$0xFFFFFEC0] =	vst v1  }
0x22c: {  	[tilespmem:s8+$0xFFFFFEF0] =	vst v2  }
0x22d: {  	[tilespmem:s8+$0xFFFFFF00] =	vst v0  }
0x22e: {  	v0 =	vld [tilespmem:s6+$0xC4A0]  }
0x22f: {  	v1 =	vld [tilespmem:s6+$0xC490]  }
0x230: {  	v2 =	vld [tilespmem:s6+$0xC4F0]  }
0x231: {  	v3 =	vld [tilespmem:s6+$0xC4B0]  }
0x232: {  	v4 =	vld [tilespmem:s6+$0xC4C0]  }
0x233: {  	v5 =	vld [tilespmem:s6+$0xC4D0]  }
0x234: {  	v6 =	vld [tilespmem:s6+$0xC4E0];
	v1 =	vadd.f32 $5.120000080e+01, v1  }
0x235: {  	v0 =	vadd.f32 $5.120000080e+01, v0;
	v7 =	vld [tilespmem:s6+$0xC480];
	v2 =	vadd.f32 $5.120000080e+01, v2  }
0x236: {  	[tilespmem:s8+$0xFFFFFF20] =	vst v1;
	v1 =	vadd.f32 $5.120000080e+01, v3  }
0x237: {  	[tilespmem:s8+$0xFFFFFF30] =	vst v0;
	v0 =	vadd.f32 $5.120000080e+01, v4  }
0x238: {  	[tilespmem:s8+$0xFFFFFF40] =	vst v1;
	v1 =	vadd.f32 $5.120000080e+01, v5  }
0x239: {  	v3 =	vadd.f32 $5.120000080e+01, v6;
	[tilespmem:s8+$0xFFFFFF80] =	vst v2  }
0x23a: {  	v2 =	vadd.f32 $5.120000080e+01, v7;
	[tilespmem:s8+$0xFFFFFF50] =	vst v0  }
0x23b: {  	[tilespmem:s8+$0xFFFFFF60] =	vst v1  }
.Ltmp6:
0x23c: {  	[tilespmem:s8+$0xFFFFFF10] =	vst v2;
	(pc) =	sbr.rel @p5 .LBB2_10-.Ltmp6, $4  }
0x23d: {  	[tilespmem:s8+$0xFFFFFF70] =	vst v3  }
0x23e: {  	v0 =	vld [tilespmem:s6+$0xC520]  }
0x23f: {  	v2 =	vld [tilespmem:s6+$0xC510]  }
0x240: {  	v1 =	vld [tilespmem:s6+$0xC500]  }
0x241: {  	v3 =	vld [tilespmem:s6+$0xC530]  }
0x242: {  	v4 =	vld [tilespmem:s6+$0xC540]  }
0x243: {  	v5 =	vld [tilespmem:s6+$0xC550];
	v0 =	vadd.f32 $5.000000000e+00, v0  }
0x244: {  	v6 =	vld [tilespmem:s6+$0xC560];
	v2 =	vadd.f32 $5.000000000e+00, v2  }
0x245: {  	v7 =	vld [tilespmem:s6+$0xC570];
	[tilespmem:s9+$0xFFFFFFB0] =	vst v0;
	v1 =	vadd.f32 $5.000000000e+00, v1  }
0x246: {  	[tilespmem:s9+$0xFFFFFFA0] =	vst v2;
	v54 =	vadd.f32 $5.000000000e+00, v3  }
0x247: {  	v55 =	vadd.f32 $5.000000000e+00, v4;
	[tilespmem:s9+$0xFFFFFF90] =	vst v1  }
0x248: {  	v56 =	vadd.f32 $5.000000000e+00, v5;
	[tilespmem:s9+$0xFFFFFFC0] =	vst v54  }
0x249: {  	v57 =	vadd.f32 $5.000000000e+00, v6;
	[tilespmem:s9+$0xFFFFFFD0] =	vst v55  }
0x24a: {  	v58 =	vadd.f32 $5.000000000e+00, v7;
	[tilespmem:s9+$0xFFFFFFE0] =	vst v56  }
0x24b: {  	[tilespmem:s9+$0xFFFFFFF0] =	vst v57  }
0x24c: {  	[tilespmem:s9+$0x0] =	vst v58  }
0x24d: {  	v0 =	vld [tilespmem:s6+$0xC5D0]  }
0x24e: {  	v1 =	vld [tilespmem:s6+$0xC5F0]  }
0x24f: {  	v2 =	vld [tilespmem:s6+$0xC5B0]  }
0x250: {  	v59 =	vld [tilespmem:s6+$0xC5C0]  }
0x251: {  	v61 =	vld [tilespmem:s6+$0xC5E0]  }
0x252: {  	v62 =	vld [tilespmem:s6+$0xC590]  }
0x253: {  	v63 =	vld [tilespmem:s6+$0xC580]  }
0x254: {  	v60 =	vld [tilespmem:s6+$0xC5A0];
	[tilespmem:s7+$0xFFFFFF40] =	vst v2  }
0x255: {  	[tilespmem:s7+$0xFFFFFF80] =	vst v1  }
0x256: {  	[tilespmem:s7+$0xFFFFFF70] =	vst v61  }
0x257: {  	[tilespmem:s7+$0xFFFFFF20] =	vst v62  }
0x258: {  	[tilespmem:s7+$0xFFFFFF10] =	vst v63  }
0x259: {  	[tilespmem:s7+$0xFFFFFF60] =	vst v0  }
0x25a: {  	[tilespmem:s7+$0xFFFFFF30] =	vst v60  }
0x25b: {  	[tilespmem:s7+$0xFFFFFF50] =	vst v59  }
0x25c: {  	v0 =	vld [tilespmem:s6+$0xC660]  }
0x25d: {  	v1 =	vld [tilespmem:s6+$0xC610]  }
0x25e: {  	v2 =	vld [tilespmem:s6+$0xC620]  }
0x25f: {  	v4 =	vld [tilespmem:s6+$0xC640]  }
0x260: {  	v5 =	vld [tilespmem:s6+$0xC600]  }
0x261: {  	v3 =	vld [tilespmem:s6+$0xC650]  }
0x262: {  	v7 =	vld [tilespmem:s6+$0xC630]  }
0x263: {  	v6 =	vld [tilespmem:s6+$0xC670];
	[tilespmem:s7+$0xFFFFFFB0] =	vst v2  }
0x264: {  	[tilespmem:s7+$0xFFFFFFD0] =	vst v4  }
0x265: {  	[tilespmem:s7+$0xFFFFFF90] =	vst v5  }
0x266: {  	[tilespmem:s7+$0xFFFFFFE0] =	vst v3  }
0x267: {  	[tilespmem:s7+$0xFFFFFFC0] =	vst v7  }
0x268: {  	[tilespmem:s7+$0xFFFFFFA0] =	vst v1  }
0x269: {  	[tilespmem:s7+$0xFFFFFFF0] =	vst v0  }
0x26a: {  	s11 =	simm.s32 $0x17000;
	[tilespmem:s7+$0x0] =	vst v6  }
0x26b: {  	[hbm4b:s18+s5] =	stream.linear.scatter [tilespmem:s11], [sflag:$0x6], $0x2600, $0x38;
	[tilespmem:$0x1E500] =	vst v63  }
0x26c: {  	s12 =	simm.s32 $0x1C600  }
0x26d: {  	[hbm4b:s19+s5] =	stream.linear.scatter [tilespmem:s12], [sflag:$0x8], $0x1300, $0x38;
	[tilespmem:$0x1E500] =	vst v63  }
0x26e: {  	_ =	swait.ge [sflag:s21], $0x3C00  }
0x26f: {  	[sflag:s21] =	ssyncset.done $0x0  }
0x270: {  	[sflag:s21] =	ssyncadd.s32 $0xFFFFC400  }
0x271: {  	_ =	swait.ge [sflag:s23], $0x1E00  }
0x272: {  	[sflag:s23] =	ssyncset.done $0x0  }
0x273: {  	[sflag:s23] =	ssyncadd.s32 $0xFFFFE200  }
0x274: {  	_ =	swait.ge [sflag:s25], $0x2400  }
0x275: {  	[sflag:s25] =	ssyncset.done $0x0  }
0x276: {  	[sflag:s25] =	ssyncadd.s32 $0xFFFFDC00  }
0x277: {  	_ =	swait.ge [sflag:s26], $0x1200  }
0x278: {  	[sflag:s26] =	ssyncset.done $0x0  }
0x279: {  	[sflag:s26] =	ssyncadd.s32 $0xFFFFEE00  }
0x27a: {  	_ =	swait.ge [sflag:s25], $0x2600  }
.Ltmp7:
0x27b: {  	[sflag:s25] =	ssyncset.done $0x0;
	(pc) =	sbr.rel @p0 .LBB2_15-.Ltmp7, $4  }
0x27c: {  	[sflag:s25] =	ssyncadd.s32 $0xFFFFDA00  }
0x27d: {  	_ =	swait.ge [sflag:s26], $0x1300  }
0x27e: {  	[sflag:s26] =	ssyncset.done $0x0  }
0x27f: {  	[sflag:s26] =	ssyncadd.s32 $0xFFFFED00  }
.Ltmp8:
0x280: {  	(pc) =	sbr.rel @p1 .LBB2_18-.Ltmp8, $1  }
0x281: {  	_ =	sdelay $0x3  }
.Ltmp9:
0x282: {  	(pc) =	sbr.rel @!p2 .LBB2_21-.Ltmp9, $1  }
0x283: {  	_ =	sdelay $0x3  }
0x284: {  	s6 =	rddreg [dreg:$0x19];
	s7 =	simm.s32 $0x1D900  }
0x285: {  	[tilespmem:s7], [sflag:$0x9] =	stream.linear.gather [hbm4b:s6+s5], $0x400, $0x38;
	[tilespmem:$0x1E500] =	vst v63  }
0x286: {  	_ =	swait.ge [sflag:s28], $0x400  }
0x287: {  	[sflag:s28] =	ssyncset.done $0x0  }
0x288: {  	[sflag:s28] =	ssyncadd.s32 $0xFFFFFC00  }
0x289: {  	s12 =	simm.s32 $0x1DD00;
	s11 =	rddreg [dreg:$0x2]  }
0x28a: {  	[tilespmem:s12], [sflag:$0x9] =	stream.linear.gather [hbm4b:s11+s5], $0x400, $0x38;
	[tilespmem:$0x1E500] =	vst v63  }
0x28b: {  	_ =	swait.ge [sflag:s28], $0x400  }
0x28c: {  	[sflag:s28] =	ssyncset.done $0x0  }
0x28d: {  	[sflag:s28] =	ssyncadd.s32 $0xFFFFFC00  }
0x28e: {  	v0 =	vld [tilespmem:$0x1D910]  }
0x28f: {  	v1 =	vld [tilespmem:$0x1D920]  }
0x290: {  	v15 =	vld [tilespmem:$0x1DA90]  }
0x291: {  	v17 =	vld [tilespmem:$0x1DAA0]  }
0x292: {  	v19 =	vld [tilespmem:$0x1DAB0]  }
0x293: {  	v21 =	vld [tilespmem:$0x1DB10]  }
0x294: {  	v23 =	vld [tilespmem:$0x1DB20]  }
0x295: {  	v24 =	vld [tilespmem:$0x1DB30];
	[tilespmem:$0x19600] =	vst v15  }
0x296: {  	v52 =	vld [tilespmem:$0x1DE80];
	[tilespmem:$0x19610] =	vst v17  }
0x297: {  	v54 =	vld [tilespmem:$0x1DE90];
	[tilespmem:$0x19620] =	vst v19  }
0x298: {  	v56 =	vld [tilespmem:$0x1DEA0];
	[tilespmem:$0x19680] =	vst v21  }
0x299: {  	v57 =	vld [tilespmem:$0x1DEB0];
	[tilespmem:$0x19690] =	vst v23  }
0x29a: {  	v58 =	vld [tilespmem:$0x1DEC0];
	[tilespmem:$0x196A0] =	vst v24  }
0x29b: {  	v59 =	vld [tilespmem:$0x1DF00];
	[tilespmem:$0x19630] =	vst v52  }
0x29c: {  	v60 =	vld [tilespmem:$0x1DF10];
	[tilespmem:$0x19640] =	vst v54  }
0x29d: {  	v61 =	vld [tilespmem:$0x1DF20];
	[tilespmem:$0x19650] =	vst v56  }
0x29e: {  	v62 =	vld [tilespmem:$0x1DF30];
	[tilespmem:$0x19660] =	vst v57  }
0x29f: {  	v63 =	vld [tilespmem:$0x1DF40];
	[tilespmem:$0x19670] =	vst v58  }
0x2a0: {  	v2 =	vld [tilespmem:$0x1D930];
	[tilespmem:$0x196B0] =	vst v59  }
0x2a1: {  	v3 =	vld [tilespmem:$0x1D990];
	[tilespmem:$0x196C0] =	vst v60  }
0x2a2: {  	v4 =	vld [tilespmem:$0x1D9A0];
	[tilespmem:$0x196D0] =	vst v61  }
0x2a3: {  	v5 =	vld [tilespmem:$0x1D9B0];
	v0 =	vadd.f32 $5.120000080e+01, v0;
	[tilespmem:$0x196E0] =	vst v62  }
0x2a4: {  	v6 =	vld [tilespmem:$0x1DA10];
	v1 =	vadd.f32 $5.120000080e+01, v1;
	[tilespmem:$0x196F0] =	vst v63  }
0x2a5: {  	v11 =	vld [tilespmem:$0x1DA20];
	v10 =	vadd.f32 $5.120000080e+01, v2;
	[tilespmem:$0x11000] =	vst v0  }
0x2a6: {  	v13 =	vld [tilespmem:$0x1DA30];
	v12 =	vadd.f32 $5.120000080e+01, v3;
	[tilespmem:$0x11010] =	vst v1  }
0x2a7: {  	v26 =	vld [tilespmem:$0x1DD10];
	v14 =	vadd.f32 $5.120000080e+01, v4;
	[tilespmem:$0x11020] =	vst v10  }
0x2a8: {  	v27 =	vld [tilespmem:$0x1DD20];
	v16 =	vadd.f32 $5.120000080e+01, v5;
	[tilespmem:$0x11080] =	vst v12  }
0x2a9: {  	v28 =	vld [tilespmem:$0x1DD30];
	v18 =	vadd.f32 $5.000000000e+00, v6;
	[tilespmem:$0x11090] =	vst v14  }
0x2aa: {  	v29 =	vld [tilespmem:$0x1DD40];
	v20 =	vadd.f32 $5.000000000e+00, v11;
	[tilespmem:$0x110A0] =	vst v16  }
0x2ab: {  	v30 =	vld [tilespmem:$0x1DD80];
	v22 =	vadd.f32 $5.000000000e+00, v13;
	[tilespmem:$0x11100] =	vst v18  }
0x2ac: {  	v32 =	vld [tilespmem:$0x1DD90];
	v31 =	vadd.f32 $5.120000080e+01, v26;
	[tilespmem:$0x11110] =	vst v20  }
0x2ad: {  	v34 =	vld [tilespmem:$0x1DDA0];
	v33 =	vadd.f32 $5.120000080e+01, v27;
	[tilespmem:$0x11120] =	vst v22  }
0x2ae: {  	v36 =	vld [tilespmem:$0x1DDB0];
	v35 =	vadd.f32 $5.120000080e+01, v28;
	[tilespmem:$0x11040] =	vst v31  }
0x2af: {  	v38 =	vld [tilespmem:$0x1DDC0];
	v37 =	vadd.f32 $5.120000080e+01, v29;
	[tilespmem:$0x11050] =	vst v33  }
0x2b0: {  	v40 =	vld [tilespmem:$0x1DE00];
	v39 =	vadd.f32 $5.120000080e+01, v30;
	[tilespmem:$0x11060] =	vst v35  }
0x2b1: {  	v42 =	vld [tilespmem:$0x1DE10];
	v41 =	vadd.f32 $5.120000080e+01, v32;
	[tilespmem:$0x11070] =	vst v37  }
0x2b2: {  	v44 =	vld [tilespmem:$0x1DE20];
	v43 =	vadd.f32 $5.120000080e+01, v34;
	[tilespmem:$0x110B0] =	vst v39  }
0x2b3: {  	v46 =	vld [tilespmem:$0x1DE30];
	v45 =	vadd.f32 $5.120000080e+01, v36;
	[tilespmem:$0x110C0] =	vst v41  }
0x2b4: {  	v48 =	vld [tilespmem:$0x1DE40];
	v47 =	vadd.f32 $5.120000080e+01, v38;
	[tilespmem:$0x110D0] =	vst v43  }
0x2b5: {  	v25 =	vld [tilespmem:$0x1DD00];
	v49 =	vadd.f32 $5.000000000e+00, v40;
	[tilespmem:$0x110E0] =	vst v45  }
0x2b6: {  	v50 =	vadd.f32 $5.000000000e+00, v42;
	[tilespmem:$0x110F0] =	vst v47  }
0x2b7: {  	v51 =	vadd.f32 $5.000000000e+00, v44;
	[tilespmem:$0x11130] =	vst v49  }
.Ltmp10:
0x2b8: {  	v53 =	vadd.f32 $5.000000000e+00, v46;
	[tilespmem:$0x11140] =	vst v50;
	(pc) =	sbr.rel .LBB2_20-.Ltmp10, $4  }
0x2b9: {  	v55 =	vadd.f32 $5.000000000e+00, v48;
	[tilespmem:$0x11150] =	vst v51  }
0x2ba: {  	v0 =	vadd.f32 $5.120000080e+01, v25;
	[tilespmem:$0x11160] =	vst v53  }
0x2bb: {  	s6 =	rddreg [dreg:$0x11];
	[tilespmem:$0x11170] =	vst v55  }
0x2bc: {  	s7 =	rddreg [dreg:$0x15];
	[tilespmem:$0x11030] =	vst v0  }
.LBB2_15:
.Ltmp11:
0x2bd: {  	(pc) =	sbr.rel @p3 .LBB2_19-.Ltmp11, $1  }
0x2be: {  	_ =	sdelay $0x3  }
.Ltmp12:
0x2bf: {  	(pc) =	sbr.rel @!p4 .LBB2_21-.Ltmp12, $1  }
0x2c0: {  	_ =	sdelay $0x3  }
0x2c1: {  	s6 =	rddreg [dreg:$0x17];
	s7 =	simm.s32 $0x1D900  }
0x2c2: {  	[tilespmem:s7], [sflag:$0x9] =	stream.linear.gather [hbm4b:s6+s5], $0x400, $0x38;
	[tilespmem:$0x1E500] =	vst v63  }
0x2c3: {  	_ =	swait.ge [sflag:s28], $0x400  }
0x2c4: {  	[sflag:s28] =	ssyncset.done $0x0  }
0x2c5: {  	[sflag:s28] =	ssyncadd.s32 $0xFFFFFC00  }
0x2c6: {  	v0 =	vld [tilespmem:$0x1D930]  }
0x2c7: {  	v1 =	vld [tilespmem:$0x1D940]  }
0x2c8: {  	v52 =	vld [tilespmem:$0x1DAB0]  }
0x2c9: {  	v54 =	vld [tilespmem:$0x1DAC0]  }
0x2ca: {  	v56 =	vld [tilespmem:$0x1DAD0]  }
0x2cb: {  	v57 =	vld [tilespmem:$0x1DAE0]  }
0x2cc: {  	v58 =	vld [tilespmem:$0x1DAF0]  }
0x2cd: {  	v59 =	vld [tilespmem:$0x1DB30];
	[tilespmem:$0x19600] =	vst v52  }
0x2ce: {  	v60 =	vld [tilespmem:$0x1DB40];
	[tilespmem:$0x19610] =	vst v54  }
0x2cf: {  	v61 =	vld [tilespmem:$0x1DB50];
	[tilespmem:$0x19620] =	vst v56  }
0x2d0: {  	v62 =	vld [tilespmem:$0x1DB60];
	[tilespmem:$0x19630] =	vst v57  }
0x2d1: {  	v63 =	vld [tilespmem:$0x1DB70];
	[tilespmem:$0x19640] =	vst v58  }
0x2d2: {  	v2 =	vld [tilespmem:$0x1D950];
	[tilespmem:$0x19680] =	vst v59  }
0x2d3: {  	v3 =	vld [tilespmem:$0x1D960];
	[tilespmem:$0x19690] =	vst v60  }
0x2d4: {  	v4 =	vld [tilespmem:$0x1D970];
	[tilespmem:$0x196A0] =	vst v61  }
0x2d5: {  	v5 =	vld [tilespmem:$0x1D9B0];
	v0 =	vadd.f32 $5.120000080e+01, v0;
	[tilespmem:$0x196B0] =	vst v62  }
0x2d6: {  	v6 =	vld [tilespmem:$0x1D9C0];
	v1 =	vadd.f32 $5.120000080e+01, v1;
	[tilespmem:$0x196C0] =	vst v63  }
0x2d7: {  	v34 =	vld [tilespmem:$0x1D9D0];
	v33 =	vadd.f32 $5.120000080e+01, v2;
	[tilespmem:$0x11000] =	vst v0  }
0x2d8: {  	v36 =	vld [tilespmem:$0x1D9E0];
	v35 =	vadd.f32 $5.120000080e+01, v3;
	[tilespmem:$0x11010] =	vst v1  }
0x2d9: {  	v38 =	vld [tilespmem:$0x1D9F0];
	v37 =	vadd.f32 $5.120000080e+01, v4;
	[tilespmem:$0x11020] =	vst v33  }
0x2da: {  	v40 =	vld [tilespmem:$0x1DA30];
	v39 =	vadd.f32 $5.120000080e+01, v5;
	[tilespmem:$0x11030] =	vst v35  }
0x2db: {  	v42 =	vld [tilespmem:$0x1DA40];
	v41 =	vadd.f32 $5.120000080e+01, v6;
	[tilespmem:$0x11040] =	vst v37  }
0x2dc: {  	v44 =	vld [tilespmem:$0x1DA50];
	v43 =	vadd.f32 $5.120000080e+01, v34;
	[tilespmem:$0x11080] =	vst v39  }
0x2dd: {  	v46 =	vld [tilespmem:$0x1DA60];
	v45 =	vadd.f32 $5.120000080e+01, v36;
	[tilespmem:$0x11090] =	vst v41  }
0x2de: {  	v48 =	vld [tilespmem:$0x1DA70];
	v47 =	vadd.f32 $5.120000080e+01, v38;
	[tilespmem:$0x110A0] =	vst v43  }
0x2df: {  	v49 =	vadd.f32 $5.000000000e+00, v40;
	[tilespmem:$0x110B0] =	vst v45  }
0x2e0: {  	v50 =	vadd.f32 $5.000000000e+00, v42;
	[tilespmem:$0x110C0] =	vst v47  }
.Ltmp13:
0x2e1: {  	v51 =	vadd.f32 $5.000000000e+00, v44;
	[tilespmem:$0x11100] =	vst v49;
	(pc) =	sbr.rel .LBB2_20-.Ltmp13, $4  }
0x2e2: {  	v53 =	vadd.f32 $5.000000000e+00, v46;
	[tilespmem:$0x11110] =	vst v50  }
0x2e3: {  	v55 =	vadd.f32 $5.000000000e+00, v48;
	[tilespmem:$0x11120] =	vst v51  }
0x2e4: {  	s6 =	rddreg [dreg:$0xe];
	[tilespmem:$0x11130] =	vst v53  }
0x2e5: {  	s7 =	rddreg [dreg:$0x13];
	[tilespmem:$0x11140] =	vst v55  }
.LBB2_18:
0x2e6: {  	s6 =	rddreg [dreg:$0x10];
	s7 =	simm.s32 $0x1D900  }
0x2e7: {  	[tilespmem:s7], [sflag:$0x9] =	stream.linear.gather [hbm4b:s6+s5], $0x400, $0x38;
	[tilespmem:$0x1E500] =	vst v63  }
0x2e8: {  	_ =	swait.ge [sflag:s28], $0x400  }
0x2e9: {  	[sflag:s28] =	ssyncset.done $0x0  }
0x2ea: {  	[sflag:s28] =	ssyncadd.s32 $0xFFFFFC00  }
0x2eb: {  	s12 =	simm.s32 $0x1DD00;
	s11 =	rddreg [dreg:$0x1]  }
0x2ec: {  	[tilespmem:s12], [sflag:$0x9] =	stream.linear.gather [hbm4b:s11+s5], $0x400, $0x38;
	[tilespmem:$0x1E500] =	vst v63  }
0x2ed: {  	_ =	swait.ge [sflag:s28], $0x400  }
0x2ee: {  	[sflag:s28] =	ssyncset.done $0x0  }
0x2ef: {  	[sflag:s28] =	ssyncadd.s32 $0xFFFFFC00  }
0x2f0: {  	v0 =	vld [tilespmem:$0x1D900]  }
0x2f1: {  	v1 =	vld [tilespmem:$0x1D910]  }
0x2f2: {  	v42 =	vld [tilespmem:$0x1DA80]  }
0x2f3: {  	v43 =	vld [tilespmem:$0x1DA90]  }
0x2f4: {  	v44 =	vld [tilespmem:$0x1DAA0]  }
0x2f5: {  	v45 =	vld [tilespmem:$0x1DAB0]  }
0x2f6: {  	v46 =	vld [tilespmem:$0x1DAC0]  }
0x2f7: {  	v47 =	vld [tilespmem:$0x1DAD0];
	[tilespmem:$0x19600] =	vst v42  }
0x2f8: {  	v48 =	vld [tilespmem:$0x1DAE0];
	[tilespmem:$0x19610] =	vst v43  }
0x2f9: {  	v49 =	vld [tilespmem:$0x1DB00];
	[tilespmem:$0x19620] =	vst v44  }
0x2fa: {  	v50 =	vld [tilespmem:$0x1DB10];
	[tilespmem:$0x19630] =	vst v45  }
0x2fb: {  	v51 =	vld [tilespmem:$0x1DB20];
	[tilespmem:$0x19640] =	vst v46  }
0x2fc: {  	v52 =	vld [tilespmem:$0x1DB30];
	[tilespmem:$0x19650] =	vst v47  }
0x2fd: {  	v53 =	vld [tilespmem:$0x1DB40];
	[tilespmem:$0x19660] =	vst v48  }
0x2fe: {  	v54 =	vld [tilespmem:$0x1DB50];
	[tilespmem:$0x19680] =	vst v49  }
0x2ff: {  	v55 =	vld [tilespmem:$0x1DB60];
	[tilespmem:$0x19690] =	vst v50  }
0x300: {  	v60 =	vld [tilespmem:$0x1DE80];
	[tilespmem:$0x196A0] =	vst v51  }
0x301: {  	v62 =	vld [tilespmem:$0x1DF00];
	[tilespmem:$0x196B0] =	vst v52  }
0x302: {  	v2 =	vld [tilespmem:$0x1D920];
	[tilespmem:$0x196C0] =	vst v53  }
0x303: {  	v3 =	vld [tilespmem:$0x1D930];
	[tilespmem:$0x196D0] =	vst v54  }
0x304: {  	v4 =	vld [tilespmem:$0x1D940];
	[tilespmem:$0x196E0] =	vst v55  }
0x305: {  	v5 =	vld [tilespmem:$0x1D950];
	v0 =	vadd.f32 $5.120000080e+01, v0;
	[tilespmem:$0x19670] =	vst v60  }
0x306: {  	v6 =	vld [tilespmem:$0x1D960];
	v1 =	vadd.f32 $5.120000080e+01, v1;
	[tilespmem:$0x196F0] =	vst v62  }
0x307: {  	v20 =	vld [tilespmem:$0x1D980];
	v19 =	vadd.f32 $5.120000080e+01, v2;
	[tilespmem:$0x11000] =	vst v0  }
0x308: {  	v22 =	vld [tilespmem:$0x1D990];
	v21 =	vadd.f32 $5.120000080e+01, v3;
	[tilespmem:$0x11010] =	vst v1  }
0x309: {  	v24 =	vld [tilespmem:$0x1D9A0];
	v23 =	vadd.f32 $5.120000080e+01, v4;
	[tilespmem:$0x11020] =	vst v19  }
0x30a: {  	v26 =	vld [tilespmem:$0x1D9B0];
	v25 =	vadd.f32 $5.120000080e+01, v5;
	[tilespmem:$0x11030] =	vst v21  }
0x30b: {  	v28 =	vld [tilespmem:$0x1D9C0];
	v27 =	vadd.f32 $5.120000080e+01, v6;
	[tilespmem:$0x11040] =	vst v23  }
0x30c: {  	v32 =	vld [tilespmem:$0x1DA00];
	v2 =	vadd.f32 $5.120000080e+01, v20;
	[tilespmem:$0x11050] =	vst v25  }
0x30d: {  	v34 =	vld [tilespmem:$0x1DA10];
	v3 =	vadd.f32 $5.120000080e+01, v22;
	[tilespmem:$0x11060] =	vst v27  }
0x30e: {  	v36 =	vld [tilespmem:$0x1DA20];
	v31 =	vadd.f32 $5.120000080e+01, v24;
	[tilespmem:$0x11080] =	vst v2  }
0x30f: {  	v56 =	vld [tilespmem:$0x1DD00];
	v33 =	vadd.f32 $5.120000080e+01, v26;
	[tilespmem:$0x11090] =	vst v3  }
0x310: {  	v57 =	vld [tilespmem:$0x1DD80];
	v35 =	vadd.f32 $5.120000080e+01, v28;
	[tilespmem:$0x110A0] =	vst v31  }
0x311: {  	v58 =	vld [tilespmem:$0x1DE00];
	v4 =	vadd.f32 $5.000000000e+00, v32;
	[tilespmem:$0x110B0] =	vst v33  }
0x312: {  	v29 =	vld [tilespmem:$0x1D9D0];
	v5 =	vadd.f32 $5.000000000e+00, v34;
	[tilespmem:$0x110C0] =	vst v35  }
0x313: {  	v30 =	vld [tilespmem:$0x1D9E0];
	v41 =	vadd.f32 $5.000000000e+00, v36;
	[tilespmem:$0x11100] =	vst v4  }
0x314: {  	v37 =	vld [tilespmem:$0x1DA30];
	v59 =	vadd.f32 $5.120000080e+01, v56;
	[tilespmem:$0x11110] =	vst v5  }
0x315: {  	v38 =	vld [tilespmem:$0x1DA40];
	v61 =	vadd.f32 $5.120000080e+01, v57;
	[tilespmem:$0x11120] =	vst v41  }
0x316: {  	v39 =	vld [tilespmem:$0x1DA50];
	v63 =	vadd.f32 $5.000000000e+00, v58;
	[tilespmem:$0x11070] =	vst v59  }
0x317: {  	v40 =	vld [tilespmem:$0x1DA60];
	v1 =	vadd.f32 $5.120000080e+01, v29;
	[tilespmem:$0x110F0] =	vst v61  }
0x318: {  	v0 =	vadd.f32 $5.120000080e+01, v30;
	[tilespmem:$0x11170] =	vst v63  }
0x319: {  	v3 =	vadd.f32 $5.000000000e+00, v37;
	[tilespmem:$0x110D0] =	vst v1  }
.Ltmp14:
0x31a: {  	v2 =	vadd.f32 $5.000000000e+00, v38;
	[tilespmem:$0x110E0] =	vst v0;
	(pc) =	sbr.rel .LBB2_20-.Ltmp14, $4  }
0x31b: {  	[tilespmem:$0x11130] =	vst v3;
	v1 =	vadd.f32 $5.000000000e+00, v39  }
0x31c: {  	[tilespmem:$0x11140] =	vst v2;
	v0 =	vadd.f32 $5.000000000e+00, v40  }
0x31d: {  	s6 =	rddreg [dreg:$0x12];
	[tilespmem:$0x11150] =	vst v1  }
0x31e: {  	s7 =	rddreg [dreg:$0x16];
	[tilespmem:$0x11160] =	vst v0  }
.LBB2_22:
0x31f: {  	_ =	sfence.sel $0x180000  }
0x320: {  	[bflag:$0x0] =	sbarrier.arrive $0xFFFF  }
0x321: {  	_ =	strace $0x90000047  }
0x322: {  	s0 =	stileid.u32;
	[bflag:$0x2] =	sbarrier.arrive $0xFFFF  }
0x323: {  	p0 =	sne.s32 s0, $0x0;
	s0 =	rddreg [dreg:$0x6]  }
0x324: {  	s0 =	sadd.s32 @!p0 $0x100000, s0  }
0x325: {  	[sflag:s0] =	ssyncadd.tile.s32 @!p0 $0x1;
	_ =	shalt  }
.Lfunc_end2:
_tile_overlayer_lowered:
.L_overlay_start_2:
0x326: {  	(tag) =	ssettag $0x2  }
0x327: {  	s0 =	rddreg [dreg:$0x0];
	s2 =	stileid.u32  }
0x328: {  	s1 =	rddreg [dreg:$0x1];
	p0 =	sne.s32 s2, $0x0  }
0x329: {  	s3 =	rddreg [dreg:$0x2];
	[bflag:$0x3] =	sbarrier.arrive $0xFFFF;
	s2 =	simm.s32 @!p0 $0x1C09  }
0x32a: {  	[timem:s3], [sflag:s2] =	dma.local @!p0 [hbm:s0], s1  }
0x32b: {  	s0 =	simm.s32 @!p0 $0x9  }
0x32c: {  	_ =	swait.ge @!p0 [sflag:s0], s1  }
0x32d: {  	s1 =	ssub.s32 @!p0 $0x0, s1;
	[sflag:s0] =	ssyncset.done @!p0 $0x0  }
0x32e: {  	[sflag:s0] =	ssyncadd.s32 @!p0 s1  }
0x32f: {  	[bflag:$0x3] =	sbarrier.arrive $0xFFFF  }
0x330: {  	_ =	shalt  }

</sc_bundles>
